<compile_context>
chip_gen: v7x
topology: tpu7x:2x2x1
jax: 0.10.2.dev20260603
libtpu: 0.0.44.dev20260713+nightly
codegen_flags: <defaults>
</compile_context>

<pallas_src>
import functools

import jax
import jax.numpy as jnp
from jax import lax
from jax.experimental import pallas as pl
from jax.experimental.pallas import tpu as pltpu
from jax.experimental.pallas import tpu_sc as plsc

N = 10000
E = 320000
D = 128
HID = 32
NCLS = 16

NC, NS, L = 2, 16, 16
NW = NC * NS
SB = 128
NPAD = 10240
EPAD = 327680
NSUB = EPAD // (NW * SB)
RPT = NPAD // NS
BLK = 2048
GRID = NPAD // BLK


def _fill(buf, rows, width, val):
    def body(i, carry):
        for c in range(width // L):
            buf[i, pl.ds(c * L, L)] = jnp.full((L,), val, jnp.float32)
        return carry
    lax.fori_loop(0, rows, body, 0)


def _sc_mesh():
    return plsc.VectorSubcoreMesh(core_axis_name="c", subcore_axis_name="s",
                                  num_cores=NC, num_subcores=NS)


_SC_PARAMS = pltpu.CompilerParams(use_tc_tiling_on_sc=False)


@functools.partial(
    pl.kernel,
    out_type=jax.ShapeDtypeStruct((NC, NPAD, L), jnp.float32),
    mesh=_sc_mesh(),
    compiler_params=_SC_PARAMS,
    scratch_types=[
        pltpu.VMEM((NSUB, SB), jnp.int32),
        pltpu.VMEM((SB, L), jnp.float32),
        pltpu.VMEM_SHARED((NPAD, L), jnp.float32),
        pltpu.SemaphoreType.DMA,
    ],
)
def _deg_kernel(e3, degp, rowv, onesb, acc, ssem):
    cid = lax.axis_index("c")
    sid = lax.axis_index("s")
    wid = sid * NC + cid
    pltpu.sync_copy(e3.at[0, pl.ds(wid * NSUB, NSUB)], rowv)
    _fill(onesb, SB, L, 0.0)
    for k in range(RPT // SB):
        pltpu.sync_copy(onesb, acc.at[pl.ds(sid * RPT + k * SB, SB)])
    _fill(onesb, SB, L, 1.0)
    plsc.subcore_barrier()

    def body(j, carry):
        pltpu.async_copy(onesb, acc.at[rowv.at[j]], ssem, add=True)
        return carry
    lax.fori_loop(0, NSUB, body, 0)

    def drain(j, carry):
        pltpu.make_async_copy(onesb, acc.at[rowv.at[0]], ssem).wait()
        return carry
    lax.fori_loop(0, NSUB, drain, 0)
    plsc.subcore_barrier()
    pltpu.sync_copy(acc.at[pl.ds(sid * RPT, RPT)],
                    degp.at[cid, pl.ds(sid * RPT, RPT)])


GK = 8
NGRP = NSUB // GK


def _make_gs(width):
    @functools.partial(
        pl.kernel,
        out_type=jax.ShapeDtypeStruct((NC, NPAD, width), jnp.float32),
        mesh=_sc_mesh(),
        compiler_params=_SC_PARAMS,
        scratch_types=[
            pltpu.VMEM((NSUB, SB), jnp.int32),
            pltpu.VMEM((NSUB, SB), jnp.int32),
            pltpu.VMEM((GK, SB, width), jnp.float32),
            pltpu.VMEM((GK, SB, width), jnp.float32),
            pltpu.VMEM_SHARED((NPAD, width), jnp.float32),
            pltpu.SemaphoreType.DMA,
            pltpu.SemaphoreType.DMA,
            pltpu.SemaphoreType.DMA,
            pltpu.SemaphoreType.DMA,
        ],
    )
    def gs(e3, y, accp, colv, rowv, bufa, bufb, acc,
           gsema, gsemb, ssema, ssemb):
        cid = lax.axis_index("c")
        sid = lax.axis_index("s")
        wid = sid * NC + cid
        pltpu.sync_copy(e3.at[1, pl.ds(wid * NSUB, NSUB)], colv)
        pltpu.sync_copy(e3.at[0, pl.ds(wid * NSUB, NSUB)], rowv)
        _fill(bufa.at[0], SB, width, 0.0)
        for k in range(RPT // SB):
            pltpu.sync_copy(bufa.at[0], acc.at[pl.ds(sid * RPT + k * SB, SB)])
        plsc.subcore_barrier()

        def fire_gather(base, buf, sem):
            for b in range(GK):
                pltpu.async_copy(y.at[colv.at[base + b]], buf.at[b], sem)

        def drain_gather(buf, sem):
            for b in range(GK):
                pltpu.make_async_copy(y.at[colv.at[0]], buf.at[b], sem).wait()

        def scatter(base, buf, sem):
            descs = [
                pltpu.async_copy(buf.at[b], acc.at[rowv.at[base + b]], sem,
                                 add=True)
                for b in range(GK)
            ]
            for d in descs:
                d.wait()

        fire_gather(0, bufa, gsema)

        def body(t, carry):
            base = 2 * t * GK
            drain_gather(bufa, gsema)
            fire_gather(base + GK, bufb, gsemb)
            scatter(base, bufa, ssema)

            @pl.when(t < NGRP // 2 - 1)
            def _():
                fire_gather(base + 2 * GK, bufa, gsema)
            drain_gather(bufb, gsemb)
            scatter(base + GK, bufb, ssemb)
            return carry
        lax.fori_loop(0, NGRP // 2, body, 0)
        plsc.subcore_barrier()
        pltpu.sync_copy(acc.at[pl.ds(sid * RPT, RPT)],
                        accp.at[cid, pl.ds(sid * RPT, RPT)])
    return gs


_gs32 = _make_gs(HID)
_gs16 = _make_gs(NCLS)


def _dinv_from(degv):
    deg = degv[0, :, 0:1] + degv[1, :, 0:1]
    return jnp.where(deg > 0, lax.rsqrt(jnp.maximum(deg, 1.0)), 0.0)


def _proj_body(x_ref, b1_ref, a1_ref, xb1_ref, xa1_ref):
    xv = x_ref[...]
    xb1_ref[...] = jnp.dot(xv, b1_ref[...], preferred_element_type=jnp.float32)
    xa1_ref[...] = jnp.dot(xv, a1_ref[...], preferred_element_type=jnp.float32)


def _t_proj(x_pad, B1, A1):
    return pl.pallas_call(
        _proj_body,
        grid=(GRID,),
        in_specs=[
            pl.BlockSpec((BLK, D), lambda i: (i, 0)),
            pl.BlockSpec((D, HID), lambda i: (0, 0)),
            pl.BlockSpec((D, HID), lambda i: (0, 0)),
        ],
        out_specs=[
            pl.BlockSpec((BLK, HID), lambda i: (i, 0)),
            pl.BlockSpec((BLK, HID), lambda i: (i, 0)),
        ],
        out_shape=[
            jax.ShapeDtypeStruct((NPAD, HID), jnp.float32),
            jax.ShapeDtypeStruct((NPAD, HID), jnp.float32),
        ],
    )(x_pad, B1, A1)


def _scale_body(deg_ref, xb1_ref, y1_ref):
    y1_ref[...] = _dinv_from(deg_ref[...]) * xb1_ref[...]


def _t_scale(degp, xb1):
    return pl.pallas_call(
        _scale_body,
        grid=(GRID,),
        in_specs=[
            pl.BlockSpec((NC, BLK, L), lambda i: (0, i, 0)),
            pl.BlockSpec((BLK, HID), lambda i: (i, 0)),
        ],
        out_specs=pl.BlockSpec((BLK, HID), lambda i: (i, 0)),
        out_shape=jax.ShapeDtypeStruct((NPAD, HID), jnp.float32),
    )(degp, xb1)


def _mid_body(deg_ref, xa1_ref, s1_ref, b2_ref, a2_ref, c1_ref, c2_ref,
              y2_ref, z0_ref):
    dinv = _dinv_from(deg_ref[...])
    s1 = s1_ref[0] + s1_ref[1]
    h = jnp.maximum(xa1_ref[...] - dinv * s1 + c1_ref[0:1, :], 0.0)
    y2_ref[...] = dinv * jnp.dot(h, b2_ref[...],
                                 preferred_element_type=jnp.float32)
    z0_ref[...] = jnp.dot(h, a2_ref[...],
                          preferred_element_type=jnp.float32) + c2_ref[0:1, :]


def _t_mid(degp, xa1, s1p, B2, A2, c1p, c2p):
    return pl.pallas_call(
        _mid_body,
        grid=(GRID,),
        in_specs=[
            pl.BlockSpec((NC, BLK, L), lambda i: (0, i, 0)),
            pl.BlockSpec((BLK, HID), lambda i: (i, 0)),
            pl.BlockSpec((NC, BLK, HID), lambda i: (0, i, 0)),
            pl.BlockSpec((HID, NCLS), lambda i: (0, 0)),
            pl.BlockSpec((HID, NCLS), lambda i: (0, 0)),
            pl.BlockSpec((8, HID), lambda i: (0, 0)),
            pl.BlockSpec((8, NCLS), lambda i: (0, 0)),
        ],
        out_specs=[
            pl.BlockSpec((BLK, NCLS), lambda i: (i, 0)),
            pl.BlockSpec((BLK, NCLS), lambda i: (i, 0)),
        ],
        out_shape=[
            jax.ShapeDtypeStruct((NPAD, NCLS), jnp.float32),
            jax.ShapeDtypeStruct((NPAD, NCLS), jnp.float32),
        ],
    )(degp, xa1, s1p, B2, A2, c1p, c2p)


def _out_body(deg_ref, z0_ref, s2_ref, out_ref):
    z = z0_ref[...] - _dinv_from(deg_ref[...]) * (s2_ref[0] + s2_ref[1])
    z = z - jnp.max(z, axis=1, keepdims=True)
    out_ref[...] = z - jnp.log(jnp.sum(jnp.exp(z), axis=1, keepdims=True))


def _t_out(degp, z0, s2p):
    return pl.pallas_call(
        _out_body,
        grid=(GRID,),
        in_specs=[
            pl.BlockSpec((NC, BLK, L), lambda i: (0, i, 0)),
            pl.BlockSpec((BLK, NCLS), lambda i: (i, 0)),
            pl.BlockSpec((NC, BLK, NCLS), lambda i: (0, i, 0)),
        ],
        out_specs=pl.BlockSpec((BLK, NCLS), lambda i: (i, 0)),
        out_shape=jax.ShapeDtypeStruct((N, NCLS), jnp.float32),
    )(degp, z0, s2p)


def kernel(x, edge_index, W1, b1, W2, b2):
    ei = edge_index.astype(jnp.int32)
    pad_idx = N + (jnp.arange(EPAD - E, dtype=jnp.int32) % (NPAD - N))
    e3 = jnp.concatenate(
        [ei, jnp.broadcast_to(pad_idx, (2, EPAD - E))], axis=1
    ).reshape(2, EPAD // SB, SB)
    x_pad = jnp.concatenate(
        [x, jnp.zeros((NPAD - N, D), jnp.float32)], axis=0)

    A1 = W1[:, 0].sum(0)
    B1 = W1[:, 1].sum(0)
    A2 = W2[:, 0].sum(0)
    B2 = W2[:, 1].sum(0)
    c1p = jnp.zeros((8, HID), jnp.float32).at[0].set(b1.sum(0))
    c2p = jnp.zeros((8, NCLS), jnp.float32).at[0].set(b2.sum(0))

    degp = _deg_kernel(e3)
    xb1, xa1 = _t_proj(x_pad, B1, A1)
    y1 = _t_scale(degp, xb1)
    s1p = _gs32(e3, y1)
    y2, z0 = _t_mid(degp, xa1, s1p, B2, A2, c1p, c2p)
    s2p = _gs16(e3, y2)
    return _t_out(degp, z0, s2p)

# --- scband reference (transcript-rebuilt; emitter-appended) ---
"""Pipeline reference for scband-afgcn1-4320737100470 (READ-ONLY COPY).

The authoritative reference and input builder live on the scoring server;
editing this copy changes nothing except your own understanding.
"""

import jax, jax.numpy as jnp
import numpy as np

N_NODES = 10000
N_EDGES = 320000
D_FEAT = 128
HIDDEN = 32
N_CLASSES = 16
K = 2


def setup_inputs(seed: int = 0) -> dict:
    key = jax.random.key(seed)
    ks = jax.random.split(key, 8)
    x = jax.random.normal(ks[0], (N_NODES, D_FEAT), dtype=jnp.float32)
    edge_index = jax.random.randint(ks[1], (2, N_EDGES), 0, N_NODES, dtype=jnp.int64)
    # 3 parallel ChebConv(128->32, K=2) branches, then 3 parallel ChebConv(32->16, K=2)
    s1 = 1.0 / np.sqrt(D_FEAT)
    s2 = 1.0 / np.sqrt(HIDDEN)
    W1 = jax.random.uniform(ks[2], (3, K, D_FEAT, HIDDEN), dtype=jnp.float32, minval=-s1, maxval=s1)
    b1 = jnp.zeros((3, HIDDEN), dtype=jnp.float32)
    W2 = jax.random.uniform(ks[3], (3, K, HIDDEN, N_CLASSES), dtype=jnp.float32, minval=-s2, maxval=s2)
    b2 = jnp.zeros((3, N_CLASSES), dtype=jnp.float32)
    return {"x": x, "edge_index": edge_index, "W1": W1, "b1": b1, "W2": W2, "b2": b2}


def _cheb_conv(x, edge_index, W, b):
    # ChebConv with K=2, sym normalization, lambda_max=2.0 (PyG default):
    # L_hat = -D^{-1/2} A D^{-1/2};  out = Tx0 @ W[0] + Tx1 @ W[1] + b
    row = edge_index[0]
    col = edge_index[1]
    n = x.shape[0]
    ones = jnp.ones(row.shape[0], dtype=x.dtype)
    deg = jnp.zeros(n, dtype=x.dtype).at[row].add(ones)
    dinv = jnp.where(deg > 0, 1.0 / jnp.sqrt(jnp.where(deg > 0, deg, 1.0)), 0.0)
    w = -dinv[row] * dinv[col]
    Tx0 = x
    msgs = w[:, None] * jnp.take(x, col, axis=0)
    Tx1 = jnp.zeros_like(x).at[row].add(msgs)
    return Tx0 @ W[0] + Tx1 @ W[1] + b


def reference(x, edge_index, W1, b1, W2, b2):
    h = _cheb_conv(x, edge_index, W1[0], b1[0])
    h = h + _cheb_conv(x, edge_index, W1[1], b1[1])
    h = h + _cheb_conv(x, edge_index, W1[2], b1[2])
    h = jax.nn.relu(h)
    # dropout inactive in eval mode
    out = _cheb_conv(h, edge_index, W2[0], b2[0])
    out = out + _cheb_conv(h, edge_index, W2[1], b2[1])
    out = out + _cheb_conv(h, edge_index, W2[2], b2[2])
    return jax.nn.log_softmax(out, axis=1)

if __name__ == "__main__":
    import jax
    _d = setup_inputs()
    print(jax.jit(kernel)(*tuple(_d.values())))

</pallas_src>

<mosaic_0001>
#map = affine_map<(d0, d1) -> (0, 0, 0)>
#map1 = affine_map<(d0, d1) -> (0, 0)>
module attributes {stable_mosaic.version = 14 : i64} {
  func.func @gs(%arg0: i32, %arg1: i32, %arg2: memref<2x2560x128xi32, #tpu.memory_space<hbm>>, %arg3: memref<10240x16xf32, #tpu.memory_space<hbm>>, %arg4: memref<2x10240x16xf32, #tpu.memory_space<hbm>>, %arg5: memref<80x128xi32, #tpu.memory_space<vmem>>, %arg6: memref<80x128xi32, #tpu.memory_space<vmem>>, %arg7: memref<8x128x16xf32, #tpu.memory_space<vmem>>, %arg8: memref<8x128x16xf32, #tpu.memory_space<vmem>>, %arg9: memref<10240x16xf32, #tpu.memory_space<vmem_shared>>, %arg10: memref<!tpu.dma_semaphore, #tpu.memory_space<semaphore_mem>>, %arg11: memref<!tpu.dma_semaphore, #tpu.memory_space<semaphore_mem>>, %arg12: memref<!tpu.dma_semaphore, #tpu.memory_space<semaphore_mem>>, %arg13: memref<!tpu.dma_semaphore, #tpu.memory_space<semaphore_mem>>) attributes {dimension_semantics = [#tpu.dimension_semantics<core_parallel>, #tpu.dimension_semantics<subcore_parallel>], iteration_bounds = array<i64: 2, 16>, scalar_prefetch = 0 : i64, scratch_operands = 9 : i64, tpu.core_type = #tpu.core_type<sc_vector_subcore>, window_params = [{transform_indices = #map}, {transform_indices = #map1}, {transform_indices = #map}]} {
    %mul3A = arith.constant 2 : i32
    %mul3A_0 = arith.muli %arg1, %mul3A : i32
    %add3A = arith.addi %mul3A_0, %arg0 : i32
    %mul3A_1 = arith.constant 80 : i32
    %mul3A_2 = arith.muli %add3A, %mul3A_1 : i32
    %run_scoped3A = arith.constant 1 : i32
    "tpu.region"() ({
      %run_scoped3A_143 = tpu.sem_alloc : memref<!tpu.dma_semaphore, #tpu.memory_space<semaphore_mem>>
      %dma_start3A_144 = arith.constant 0 : i32
      %dma_start3A_145 = tpu.memref_slice %arg2[%run_scoped3A, %mul3A_2, %dma_start3A_144] : memref<2x2560x128xi32, #tpu.memory_space<hbm>> -> memref<1x80x128xi32, #tpu.memory_space<hbm>>
      %dma_start3A_146 = tpu.memref_squeeze %dma_start3A_145 : memref<1x80x128xi32, #tpu.memory_space<hbm>> -> memref<80x128xi32, #tpu.memory_space<hbm>>
      %dma_start3A_147 = arith.constant 0 : i32
      %dma_start3A_148 = tpu.memref_slice %arg2[%run_scoped3A, %mul3A_2, %dma_start3A_147] : memref<2x2560x128xi32, #tpu.memory_space<hbm>> -> memref<1x80x128xi32, #tpu.memory_space<hbm>>
      %dma_start3A_149 = tpu.memref_squeeze %dma_start3A_148 : memref<1x80x128xi32, #tpu.memory_space<hbm>> -> memref<80x128xi32, #tpu.memory_space<hbm>>
      tpu.enqueue_dma source(%dma_start3A_149 : memref<80x128xi32, #tpu.memory_space<hbm>>) target(%arg5 : memref<80x128xi32, #tpu.memory_space<vmem>>) target_semaphore(%run_scoped3A_143 : memref<!tpu.dma_semaphore, #tpu.memory_space<semaphore_mem>>)
      %dma_wait3A = arith.constant 0 : i32
      %dma_wait3A_150 = tpu.memref_slice %arg2[%run_scoped3A, %mul3A_2, %dma_wait3A] : memref<2x2560x128xi32, #tpu.memory_space<hbm>> -> memref<1x80x128xi32, #tpu.memory_space<hbm>>
      %dma_wait3A_151 = tpu.memref_squeeze %dma_wait3A_150 : memref<1x80x128xi32, #tpu.memory_space<hbm>> -> memref<80x128xi32, #tpu.memory_space<hbm>>
      %dma_wait3A_152 = arith.constant 0 : i32
      %dma_wait3A_153 = tpu.memref_slice %arg2[%run_scoped3A, %mul3A_2, %dma_wait3A_152] : memref<2x2560x128xi32, #tpu.memory_space<hbm>> -> memref<1x80x128xi32, #tpu.memory_space<hbm>>
      %dma_wait3A_154 = tpu.memref_squeeze %dma_wait3A_153 : memref<1x80x128xi32, #tpu.memory_space<hbm>> -> memref<80x128xi32, #tpu.memory_space<hbm>>
      tpu.wait_dma2 semaphore(%run_scoped3A_143 : memref<!tpu.dma_semaphore, #tpu.memory_space<semaphore_mem>>) src(%dma_wait3A_154 : memref<80x128xi32, #tpu.memory_space<hbm>>) dst(%arg5 : memref<80x128xi32, #tpu.memory_space<vmem>>)
      tpu.yield
    }) : () -> ()
    %mul3A_3 = arith.constant 80 : i32
    %mul3A_4 = arith.muli %add3A, %mul3A_3 : i32
    %run_scoped3A_5 = arith.constant 0 : i32
    "tpu.region"() ({
      %run_scoped3A_143 = tpu.sem_alloc : memref<!tpu.dma_semaphore, #tpu.memory_space<semaphore_mem>>
      %dma_start3A_144 = arith.constant 0 : i32
      %dma_start3A_145 = tpu.memref_slice %arg2[%run_scoped3A_5, %mul3A_4, %dma_start3A_144] : memref<2x2560x128xi32, #tpu.memory_space<hbm>> -> memref<1x80x128xi32, #tpu.memory_space<hbm>>
      %dma_start3A_146 = tpu.memref_squeeze %dma_start3A_145 : memref<1x80x128xi32, #tpu.memory_space<hbm>> -> memref<80x128xi32, #tpu.memory_space<hbm>>
      %dma_start3A_147 = arith.constant 0 : i32
      %dma_start3A_148 = tpu.memref_slice %arg2[%run_scoped3A_5, %mul3A_4, %dma_start3A_147] : memref<2x2560x128xi32, #tpu.memory_space<hbm>> -> memref<1x80x128xi32, #tpu.memory_space<hbm>>
      %dma_start3A_149 = tpu.memref_squeeze %dma_start3A_148 : memref<1x80x128xi32, #tpu.memory_space<hbm>> -> memref<80x128xi32, #tpu.memory_space<hbm>>
      tpu.enqueue_dma source(%dma_start3A_149 : memref<80x128xi32, #tpu.memory_space<hbm>>) target(%arg6 : memref<80x128xi32, #tpu.memory_space<vmem>>) target_semaphore(%run_scoped3A_143 : memref<!tpu.dma_semaphore, #tpu.memory_space<semaphore_mem>>)
      %dma_wait3A = arith.constant 0 : i32
      %dma_wait3A_150 = tpu.memref_slice %arg2[%run_scoped3A_5, %mul3A_4, %dma_wait3A] : memref<2x2560x128xi32, #tpu.memory_space<hbm>> -> memref<1x80x128xi32, #tpu.memory_space<hbm>>
      %dma_wait3A_151 = tpu.memref_squeeze %dma_wait3A_150 : memref<1x80x128xi32, #tpu.memory_space<hbm>> -> memref<80x128xi32, #tpu.memory_space<hbm>>
      %dma_wait3A_152 = arith.constant 0 : i32
      %dma_wait3A_153 = tpu.memref_slice %arg2[%run_scoped3A_5, %mul3A_4, %dma_wait3A_152] : memref<2x2560x128xi32, #tpu.memory_space<hbm>> -> memref<1x80x128xi32, #tpu.memory_space<hbm>>
      %dma_wait3A_154 = tpu.memref_squeeze %dma_wait3A_153 : memref<1x80x128xi32, #tpu.memory_space<hbm>> -> memref<80x128xi32, #tpu.memory_space<hbm>>
      tpu.wait_dma2 semaphore(%run_scoped3A_143 : memref<!tpu.dma_semaphore, #tpu.memory_space<semaphore_mem>>) src(%dma_wait3A_154 : memref<80x128xi32, #tpu.memory_space<hbm>>) dst(%arg6 : memref<80x128xi32, #tpu.memory_space<vmem>>)
      tpu.yield
    }) : () -> ()
    %scan3A = arith.constant 0 : i32
    %scan3A_6 = arith.constant 0 : i32
    %scan3A_7 = arith.constant 0 : i32
    %scan3A_8 = arith.constant 128 : i32
    %scan3A_9 = arith.addi %scan3A_7, %scan3A_8 : i32
    %scan3A_10 = arith.constant 1 : i32
    scf.for %scan3A_143 = %scan3A_7 to %scan3A_9 step %scan3A_10  : i32 {
      %broadcast_in_dim3A = arith.constant 0.000000e+00 : f32
      %broadcast_in_dim3A_144 = vector.broadcast %broadcast_in_dim3A : f32 to vector<16xf32>
      %swap3A = arith.constant 0 : i32
      %swap3A_145 = arith.constant 0 : i32
      %swap3A_146 = tpu.memref_slice %arg7[%scan3A_6, %swap3A, %swap3A_145] : memref<8x128x16xf32, #tpu.memory_space<vmem>> -> memref<1x128x16xf32, #tpu.memory_space<vmem>>
      %swap3A_147 = tpu.memref_squeeze %swap3A_146 : memref<1x128x16xf32, #tpu.memory_space<vmem>> -> memref<128x16xf32, #tpu.memory_space<vmem>>
      %swap3A_148 = arith.index_cast %scan3A_143 : i32 to index
      %swap3A_149 = arith.constant 0 : index
      %swap3A_150 = tpu.vector_load %swap3A_147[%swap3A_148, %swap3A_149] {strides = array<i32>} : memref<128x16xf32, #tpu.memory_space<vmem>>, vector<1x16xf32>,
      %swap3A_151 = vector.shape_cast %swap3A_150 : vector<1x16xf32> to vector<16xf32>
      %swap3A_152 = vector.shape_cast %broadcast_in_dim3A_144 : vector<16xf32> to vector<1x16xf32>
      tpu.vector_store %swap3A_147[%swap3A_148, %swap3A_149], %swap3A_152 {strides = array<i32>} : memref<128x16xf32, #tpu.memory_space<vmem>>, vector<1x16xf32>,
    }
    %scan3A_11 = arith.constant 128 : i32
    %mul3A_12 = arith.constant 640 : i32
    %mul3A_13 = arith.muli %arg1, %mul3A_12 : i32
    %add3A_14 = arith.constant 0 : i32
    %add3A_15 = arith.addi %mul3A_13, %add3A_14 : i32
    %run_scoped3A_16 = arith.constant 0 : i32
    "tpu.region"() ({
      %run_scoped3A_143 = tpu.sem_alloc : memref<!tpu.dma_semaphore, #tpu.memory_space<semaphore_mem>>
      %dma_start3A_144 = arith.constant 0 : i32
      %dma_start3A_145 = arith.constant 0 : i32
      %dma_start3A_146 = tpu.memref_slice %arg7[%run_scoped3A_16, %dma_start3A_144, %dma_start3A_145] : memref<8x128x16xf32, #tpu.memory_space<vmem>> -> memref<1x128x16xf32, #tpu.memory_space<vmem>>
      %dma_start3A_147 = tpu.memref_squeeze %dma_start3A_146 : memref<1x128x16xf32, #tpu.memory_space<vmem>> -> memref<128x16xf32, #tpu.memory_space<vmem>>
      %dma_start3A_148 = arith.constant 0 : i32
      %dma_start3A_149 = tpu.memref_slice %arg9[%add3A_15, %dma_start3A_148] : memref<10240x16xf32, #tpu.memory_space<vmem_shared>> -> memref<128x16xf32, #tpu.memory_space<vmem_shared>>
      %dma_start3A_150 = arith.constant 0 : i32
      %dma_start3A_151 = tpu.memref_slice %arg9[%add3A_15, %dma_start3A_150] : memref<10240x16xf32, #tpu.memory_space<vmem_shared>> -> memref<128x16xf32, #tpu.memory_space<vmem_shared>>
      %dma_start3A_152 = arith.constant 0 : i32
      %dma_start3A_153 = arith.constant 0 : i32
      %dma_start3A_154 = tpu.memref_slice %arg7[%run_scoped3A_16, %dma_start3A_152, %dma_start3A_153] : memref<8x128x16xf32, #tpu.memory_space<vmem>> -> memref<1x128x16xf32, #tpu.memory_space<vmem>>
      %dma_start3A_155 = tpu.memref_squeeze %dma_start3A_154 : memref<1x128x16xf32, #tpu.memory_space<vmem>> -> memref<128x16xf32, #tpu.memory_space<vmem>>
      tpu.enqueue_dma source(%dma_start3A_155 : memref<128x16xf32, #tpu.memory_space<vmem>>) target(%dma_start3A_151 : memref<128x16xf32, #tpu.memory_space<vmem_shared>>) target_semaphore(%run_scoped3A_143 : memref<!tpu.dma_semaphore, #tpu.memory_space<semaphore_mem>>)
      %dma_wait3A = arith.constant 0 : i32
      %dma_wait3A_156 = arith.constant 0 : i32
      %dma_wait3A_157 = tpu.memref_slice %arg7[%run_scoped3A_16, %dma_wait3A, %dma_wait3A_156] : memref<8x128x16xf32, #tpu.memory_space<vmem>> -> memref<1x128x16xf32, #tpu.memory_space<vmem>>
      %dma_wait3A_158 = tpu.memref_squeeze %dma_wait3A_157 : memref<1x128x16xf32, #tpu.memory_space<vmem>> -> memref<128x16xf32, #tpu.memory_space<vmem>>
      %dma_wait3A_159 = arith.constant 0 : i32
      %dma_wait3A_160 = tpu.memref_slice %arg9[%add3A_15, %dma_wait3A_159] : memref<10240x16xf32, #tpu.memory_space<vmem_shared>> -> memref<128x16xf32, #tpu.memory_space<vmem_shared>>
      %dma_wait3A_161 = arith.constant 0 : i32
      %dma_wait3A_162 = tpu.memref_slice %arg9[%add3A_15, %dma_wait3A_161] : memref<10240x16xf32, #tpu.memory_space<vmem_shared>> -> memref<128x16xf32, #tpu.memory_space<vmem_shared>>
      %dma_wait3A_163 = arith.constant 0 : i32
      %dma_wait3A_164 = arith.constant 0 : i32
      %dma_wait3A_165 = tpu.memref_slice %arg7[%run_scoped3A_16, %dma_wait3A_163, %dma_wait3A_164] : memref<8x128x16xf32, #tpu.memory_space<vmem>> -> memref<1x128x16xf32, #tpu.memory_space<vmem>>
      %dma_wait3A_166 = tpu.memref_squeeze %dma_wait3A_165 : memref<1x128x16xf32, #tpu.memory_space<vmem>> -> memref<128x16xf32, #tpu.memory_space<vmem>>
      tpu.wait_dma2 semaphore(%run_scoped3A_143 : memref<!tpu.dma_semaphore, #tpu.memory_space<semaphore_mem>>) src(%dma_wait3A_166 : memref<128x16xf32, #tpu.memory_space<vmem>>) dst(%dma_wait3A_162 : memref<128x16xf32, #tpu.memory_space<vmem_shared>>)
      tpu.yield
    }) : () -> ()
    %mul3A_17 = arith.constant 640 : i32
    %mul3A_18 = arith.muli %arg1, %mul3A_17 : i32
    %add3A_19 = arith.constant 128 : i32
    %add3A_20 = arith.addi %mul3A_18, %add3A_19 : i32
    %run_scoped3A_21 = arith.constant 0 : i32
    "tpu.region"() ({
      %run_scoped3A_143 = tpu.sem_alloc : memref<!tpu.dma_semaphore, #tpu.memory_space<semaphore_mem>>
      %dma_start3A_144 = arith.constant 0 : i32
      %dma_start3A_145 = arith.constant 0 : i32
      %dma_start3A_146 = tpu.memref_slice %arg7[%run_scoped3A_21, %dma_start3A_144, %dma_start3A_145] : memref<8x128x16xf32, #tpu.memory_space<vmem>> -> memref<1x128x16xf32, #tpu.memory_space<vmem>>
      %dma_start3A_147 = tpu.memref_squeeze %dma_start3A_146 : memref<1x128x16xf32, #tpu.memory_space<vmem>> -> memref<128x16xf32, #tpu.memory_space<vmem>>
      %dma_start3A_148 = arith.constant 0 : i32
      %dma_start3A_149 = tpu.memref_slice %arg9[%add3A_20, %dma_start3A_148] : memref<10240x16xf32, #tpu.memory_space<vmem_shared>> -> memref<128x16xf32, #tpu.memory_space<vmem_shared>>
      %dma_start3A_150 = arith.constant 0 : i32
      %dma_start3A_151 = tpu.memref_slice %arg9[%add3A_20, %dma_start3A_150] : memref<10240x16xf32, #tpu.memory_space<vmem_shared>> -> memref<128x16xf32, #tpu.memory_space<vmem_shared>>
      %dma_start3A_152 = arith.constant 0 : i32
      %dma_start3A_153 = arith.constant 0 : i32
      %dma_start3A_154 = tpu.memref_slice %arg7[%run_scoped3A_21, %dma_start3A_152, %dma_start3A_153] : memref<8x128x16xf32, #tpu.memory_space<vmem>> -> memref<1x128x16xf32, #tpu.memory_space<vmem>>
      %dma_start3A_155 = tpu.memref_squeeze %dma_start3A_154 : memref<1x128x16xf32, #tpu.memory_space<vmem>> -> memref<128x16xf32, #tpu.memory_space<vmem>>
      tpu.enqueue_dma source(%dma_start3A_155 : memref<128x16xf32, #tpu.memory_space<vmem>>) target(%dma_start3A_151 : memref<128x16xf32, #tpu.memory_space<vmem_shared>>) target_semaphore(%run_scoped3A_143 : memref<!tpu.dma_semaphore, #tpu.memory_space<semaphore_mem>>)
      %dma_wait3A = arith.constant 0 : i32
      %dma_wait3A_156 = arith.constant 0 : i32
      %dma_wait3A_157 = tpu.memref_slice %arg7[%run_scoped3A_21, %dma_wait3A, %dma_wait3A_156] : memref<8x128x16xf32, #tpu.memory_space<vmem>> -> memref<1x128x16xf32, #tpu.memory_space<vmem>>
      %dma_wait3A_158 = tpu.memref_squeeze %dma_wait3A_157 : memref<1x128x16xf32, #tpu.memory_space<vmem>> -> memref<128x16xf32, #tpu.memory_space<vmem>>
      %dma_wait3A_159 = arith.constant 0 : i32
      %dma_wait3A_160 = tpu.memref_slice %arg9[%add3A_20, %dma_wait3A_159] : memref<10240x16xf32, #tpu.memory_space<vmem_shared>> -> memref<128x16xf32, #tpu.memory_space<vmem_shared>>
      %dma_wait3A_161 = arith.constant 0 : i32
      %dma_wait3A_162 = tpu.memref_slice %arg9[%add3A_20, %dma_wait3A_161] : memref<10240x16xf32, #tpu.memory_space<vmem_shared>> -> memref<128x16xf32, #tpu.memory_space<vmem_shared>>
      %dma_wait3A_163 = arith.constant 0 : i32
      %dma_wait3A_164 = arith.constant 0 : i32
      %dma_wait3A_165 = tpu.memref_slice %arg7[%run_scoped3A_21, %dma_wait3A_163, %dma_wait3A_164] : memref<8x128x16xf32, #tpu.memory_space<vmem>> -> memref<1x128x16xf32, #tpu.memory_space<vmem>>
      %dma_wait3A_166 = tpu.memref_squeeze %dma_wait3A_165 : memref<1x128x16xf32, #tpu.memory_space<vmem>> -> memref<128x16xf32, #tpu.memory_space<vmem>>
      tpu.wait_dma2 semaphore(%run_scoped3A_143 : memref<!tpu.dma_semaphore, #tpu.memory_space<semaphore_mem>>) src(%dma_wait3A_166 : memref<128x16xf32, #tpu.memory_space<vmem>>) dst(%dma_wait3A_162 : memref<128x16xf32, #tpu.memory_space<vmem_shared>>)
      tpu.yield
    }) : () -> ()
    %mul3A_22 = arith.constant 640 : i32
    %mul3A_23 = arith.muli %arg1, %mul3A_22 : i32
    %add3A_24 = arith.constant 256 : i32
    %add3A_25 = arith.addi %mul3A_23, %add3A_24 : i32
    %run_scoped3A_26 = arith.constant 0 : i32
    "tpu.region"() ({
      %run_scoped3A_143 = tpu.sem_alloc : memref<!tpu.dma_semaphore, #tpu.memory_space<semaphore_mem>>
      %dma_start3A_144 = arith.constant 0 : i32
      %dma_start3A_145 = arith.constant 0 : i32
      %dma_start3A_146 = tpu.memref_slice %arg7[%run_scoped3A_26, %dma_start3A_144, %dma_start3A_145] : memref<8x128x16xf32, #tpu.memory_space<vmem>> -> memref<1x128x16xf32, #tpu.memory_space<vmem>>
      %dma_start3A_147 = tpu.memref_squeeze %dma_start3A_146 : memref<1x128x16xf32, #tpu.memory_space<vmem>> -> memref<128x16xf32, #tpu.memory_space<vmem>>
      %dma_start3A_148 = arith.constant 0 : i32
      %dma_start3A_149 = tpu.memref_slice %arg9[%add3A_25, %dma_start3A_148] : memref<10240x16xf32, #tpu.memory_space<vmem_shared>> -> memref<128x16xf32, #tpu.memory_space<vmem_shared>>
      %dma_start3A_150 = arith.constant 0 : i32
      %dma_start3A_151 = tpu.memref_slice %arg9[%add3A_25, %dma_start3A_150] : memref<10240x16xf32, #tpu.memory_space<vmem_shared>> -> memref<128x16xf32, #tpu.memory_space<vmem_shared>>
      %dma_start3A_152 = arith.constant 0 : i32
      %dma_start3A_153 = arith.constant 0 : i32
      %dma_start3A_154 = tpu.memref_slice %arg7[%run_scoped3A_26, %dma_start3A_152, %dma_start3A_153] : memref<8x128x16xf32, #tpu.memory_space<vmem>> -> memref<1x128x16xf32, #tpu.memory_space<vmem>>
      %dma_start3A_155 = tpu.memref_squeeze %dma_start3A_154 : memref<1x128x16xf32, #tpu.memory_space<vmem>> -> memref<128x16xf32, #tpu.memory_space<vmem>>
      tpu.enqueue_dma source(%dma_start3A_155 : memref<128x16xf32, #tpu.memory_space<vmem>>) target(%dma_start3A_151 : memref<128x16xf32, #tpu.memory_space<vmem_shared>>) target_semaphore(%run_scoped3A_143 : memref<!tpu.dma_semaphore, #tpu.memory_space<semaphore_mem>>)
      %dma_wait3A = arith.constant 0 : i32
      %dma_wait3A_156 = arith.constant 0 : i32
      %dma_wait3A_157 = tpu.memref_slice %arg7[%run_scoped3A_26, %dma_wait3A, %dma_wait3A_156] : memref<8x128x16xf32, #tpu.memory_space<vmem>> -> memref<1x128x16xf32, #tpu.memory_space<vmem>>
      %dma_wait3A_158 = tpu.memref_squeeze %dma_wait3A_157 : memref<1x128x16xf32, #tpu.memory_space<vmem>> -> memref<128x16xf32, #tpu.memory_space<vmem>>
      %dma_wait3A_159 = arith.constant 0 : i32
      %dma_wait3A_160 = tpu.memref_slice %arg9[%add3A_25, %dma_wait3A_159] : memref<10240x16xf32, #tpu.memory_space<vmem_shared>> -> memref<128x16xf32, #tpu.memory_space<vmem_shared>>
      %dma_wait3A_161 = arith.constant 0 : i32
      %dma_wait3A_162 = tpu.memref_slice %arg9[%add3A_25, %dma_wait3A_161] : memref<10240x16xf32, #tpu.memory_space<vmem_shared>> -> memref<128x16xf32, #tpu.memory_space<vmem_shared>>
      %dma_wait3A_163 = arith.constant 0 : i32
      %dma_wait3A_164 = arith.constant 0 : i32
      %dma_wait3A_165 = tpu.memref_slice %arg7[%run_scoped3A_26, %dma_wait3A_163, %dma_wait3A_164] : memref<8x128x16xf32, #tpu.memory_space<vmem>> -> memref<1x128x16xf32, #tpu.memory_space<vmem>>
      %dma_wait3A_166 = tpu.memref_squeeze %dma_wait3A_165 : memref<1x128x16xf32, #tpu.memory_space<vmem>> -> memref<128x16xf32, #tpu.memory_space<vmem>>
      tpu.wait_dma2 semaphore(%run_scoped3A_143 : memref<!tpu.dma_semaphore, #tpu.memory_space<semaphore_mem>>) src(%dma_wait3A_166 : memref<128x16xf32, #tpu.memory_space<vmem>>) dst(%dma_wait3A_162 : memref<128x16xf32, #tpu.memory_space<vmem_shared>>)
      tpu.yield
    }) : () -> ()
    %mul3A_27 = arith.constant 640 : i32
    %mul3A_28 = arith.muli %arg1, %mul3A_27 : i32
    %add3A_29 = arith.constant 384 : i32
    %add3A_30 = arith.addi %mul3A_28, %add3A_29 : i32
    %run_scoped3A_31 = arith.constant 0 : i32
    "tpu.region"() ({
      %run_scoped3A_143 = tpu.sem_alloc : memref<!tpu.dma_semaphore, #tpu.memory_space<semaphore_mem>>
      %dma_start3A_144 = arith.constant 0 : i32
      %dma_start3A_145 = arith.constant 0 : i32
      %dma_start3A_146 = tpu.memref_slice %arg7[%run_scoped3A_31, %dma_start3A_144, %dma_start3A_145] : memref<8x128x16xf32, #tpu.memory_space<vmem>> -> memref<1x128x16xf32, #tpu.memory_space<vmem>>
      %dma_start3A_147 = tpu.memref_squeeze %dma_start3A_146 : memref<1x128x16xf32, #tpu.memory_space<vmem>> -> memref<128x16xf32, #tpu.memory_space<vmem>>
      %dma_start3A_148 = arith.constant 0 : i32
      %dma_start3A_149 = tpu.memref_slice %arg9[%add3A_30, %dma_start3A_148] : memref<10240x16xf32, #tpu.memory_space<vmem_shared>> -> memref<128x16xf32, #tpu.memory_space<vmem_shared>>
      %dma_start3A_150 = arith.constant 0 : i32
      %dma_start3A_151 = tpu.memref_slice %arg9[%add3A_30, %dma_start3A_150] : memref<10240x16xf32, #tpu.memory_space<vmem_shared>> -> memref<128x16xf32, #tpu.memory_space<vmem_shared>>
      %dma_start3A_152 = arith.constant 0 : i32
      %dma_start3A_153 = arith.constant 0 : i32
      %dma_start3A_154 = tpu.memref_slice %arg7[%run_scoped3A_31, %dma_start3A_152, %dma_start3A_153] : memref<8x128x16xf32, #tpu.memory_space<vmem>> -> memref<1x128x16xf32, #tpu.memory_space<vmem>>
      %dma_start3A_155 = tpu.memref_squeeze %dma_start3A_154 : memref<1x128x16xf32, #tpu.memory_space<vmem>> -> memref<128x16xf32, #tpu.memory_space<vmem>>
      tpu.enqueue_dma source(%dma_start3A_155 : memref<128x16xf32, #tpu.memory_space<vmem>>) target(%dma_start3A_151 : memref<128x16xf32, #tpu.memory_space<vmem_shared>>) target_semaphore(%run_scoped3A_143 : memref<!tpu.dma_semaphore, #tpu.memory_space<semaphore_mem>>)
      %dma_wait3A = arith.constant 0 : i32
      %dma_wait3A_156 = arith.constant 0 : i32
      %dma_wait3A_157 = tpu.memref_slice %arg7[%run_scoped3A_31, %dma_wait3A, %dma_wait3A_156] : memref<8x128x16xf32, #tpu.memory_space<vmem>> -> memref<1x128x16xf32, #tpu.memory_space<vmem>>
      %dma_wait3A_158 = tpu.memref_squeeze %dma_wait3A_157 : memref<1x128x16xf32, #tpu.memory_space<vmem>> -> memref<128x16xf32, #tpu.memory_space<vmem>>
      %dma_wait3A_159 = arith.constant 0 : i32
      %dma_wait3A_160 = tpu.memref_slice %arg9[%add3A_30, %dma_wait3A_159] : memref<10240x16xf32, #tpu.memory_space<vmem_shared>> -> memref<128x16xf32, #tpu.memory_space<vmem_shared>>
      %dma_wait3A_161 = arith.constant 0 : i32
      %dma_wait3A_162 = tpu.memref_slice %arg9[%add3A_30, %dma_wait3A_161] : memref<10240x16xf32, #tpu.memory_space<vmem_shared>> -> memref<128x16xf32, #tpu.memory_space<vmem_shared>>
      %dma_wait3A_163 = arith.constant 0 : i32
      %dma_wait3A_164 = arith.constant 0 : i32
      %dma_wait3A_165 = tpu.memref_slice %arg7[%run_scoped3A_31, %dma_wait3A_163, %dma_wait3A_164] : memref<8x128x16xf32, #tpu.memory_space<vmem>> -> memref<1x128x16xf32, #tpu.memory_space<vmem>>
      %dma_wait3A_166 = tpu.memref_squeeze %dma_wait3A_165 : memref<1x128x16xf32, #tpu.memory_space<vmem>> -> memref<128x16xf32, #tpu.memory_space<vmem>>
      tpu.wait_dma2 semaphore(%run_scoped3A_143 : memref<!tpu.dma_semaphore, #tpu.memory_space<semaphore_mem>>) src(%dma_wait3A_166 : memref<128x16xf32, #tpu.memory_space<vmem>>) dst(%dma_wait3A_162 : memref<128x16xf32, #tpu.memory_space<vmem_shared>>)
      tpu.yield
    }) : () -> ()
    %mul3A_32 = arith.constant 640 : i32
    %mul3A_33 = arith.muli %arg1, %mul3A_32 : i32
    %add3A_34 = arith.constant 512 : i32
    %add3A_35 = arith.addi %mul3A_33, %add3A_34 : i32
    %run_scoped3A_36 = arith.constant 0 : i32
    "tpu.region"() ({
      %run_scoped3A_143 = tpu.sem_alloc : memref<!tpu.dma_semaphore, #tpu.memory_space<semaphore_mem>>
      %dma_start3A_144 = arith.constant 0 : i32
      %dma_start3A_145 = arith.constant 0 : i32
      %dma_start3A_146 = tpu.memref_slice %arg7[%run_scoped3A_36, %dma_start3A_144, %dma_start3A_145] : memref<8x128x16xf32, #tpu.memory_space<vmem>> -> memref<1x128x16xf32, #tpu.memory_space<vmem>>
      %dma_start3A_147 = tpu.memref_squeeze %dma_start3A_146 : memref<1x128x16xf32, #tpu.memory_space<vmem>> -> memref<128x16xf32, #tpu.memory_space<vmem>>
      %dma_start3A_148 = arith.constant 0 : i32
      %dma_start3A_149 = tpu.memref_slice %arg9[%add3A_35, %dma_start3A_148] : memref<10240x16xf32, #tpu.memory_space<vmem_shared>> -> memref<128x16xf32, #tpu.memory_space<vmem_shared>>
      %dma_start3A_150 = arith.constant 0 : i32
      %dma_start3A_151 = tpu.memref_slice %arg9[%add3A_35, %dma_start3A_150] : memref<10240x16xf32, #tpu.memory_space<vmem_shared>> -> memref<128x16xf32, #tpu.memory_space<vmem_shared>>
      %dma_start3A_152 = arith.constant 0 : i32
      %dma_start3A_153 = arith.constant 0 : i32
      %dma_start3A_154 = tpu.memref_slice %arg7[%run_scoped3A_36, %dma_start3A_152, %dma_start3A_153] : memref<8x128x16xf32, #tpu.memory_space<vmem>> -> memref<1x128x16xf32, #tpu.memory_space<vmem>>
      %dma_start3A_155 = tpu.memref_squeeze %dma_start3A_154 : memref<1x128x16xf32, #tpu.memory_space<vmem>> -> memref<128x16xf32, #tpu.memory_space<vmem>>
      tpu.enqueue_dma source(%dma_start3A_155 : memref<128x16xf32, #tpu.memory_space<vmem>>) target(%dma_start3A_151 : memref<128x16xf32, #tpu.memory_space<vmem_shared>>) target_semaphore(%run_scoped3A_143 : memref<!tpu.dma_semaphore, #tpu.memory_space<semaphore_mem>>)
      %dma_wait3A = arith.constant 0 : i32
      %dma_wait3A_156 = arith.constant 0 : i32
      %dma_wait3A_157 = tpu.memref_slice %arg7[%run_scoped3A_36, %dma_wait3A, %dma_wait3A_156] : memref<8x128x16xf32, #tpu.memory_space<vmem>> -> memref<1x128x16xf32, #tpu.memory_space<vmem>>
      %dma_wait3A_158 = tpu.memref_squeeze %dma_wait3A_157 : memref<1x128x16xf32, #tpu.memory_space<vmem>> -> memref<128x16xf32, #tpu.memory_space<vmem>>
      %dma_wait3A_159 = arith.constant 0 : i32
      %dma_wait3A_160 = tpu.memref_slice %arg9[%add3A_35, %dma_wait3A_159] : memref<10240x16xf32, #tpu.memory_space<vmem_shared>> -> memref<128x16xf32, #tpu.memory_space<vmem_shared>>
      %dma_wait3A_161 = arith.constant 0 : i32
      %dma_wait3A_162 = tpu.memref_slice %arg9[%add3A_35, %dma_wait3A_161] : memref<10240x16xf32, #tpu.memory_space<vmem_shared>> -> memref<128x16xf32, #tpu.memory_space<vmem_shared>>
      %dma_wait3A_163 = arith.constant 0 : i32
      %dma_wait3A_164 = arith.constant 0 : i32
      %dma_wait3A_165 = tpu.memref_slice %arg7[%run_scoped3A_36, %dma_wait3A_163, %dma_wait3A_164] : memref<8x128x16xf32, #tpu.memory_space<vmem>> -> memref<1x128x16xf32, #tpu.memory_space<vmem>>
      %dma_wait3A_166 = tpu.memref_squeeze %dma_wait3A_165 : memref<1x128x16xf32, #tpu.memory_space<vmem>> -> memref<128x16xf32, #tpu.memory_space<vmem>>
      tpu.wait_dma2 semaphore(%run_scoped3A_143 : memref<!tpu.dma_semaphore, #tpu.memory_space<semaphore_mem>>) src(%dma_wait3A_166 : memref<128x16xf32, #tpu.memory_space<vmem>>) dst(%dma_wait3A_162 : memref<128x16xf32, #tpu.memory_space<vmem_shared>>)
      tpu.yield
    }) : () -> ()
    %barrier3A = arith.constant 0 : index
    tpu.barrier barrier_id(%barrier3A)
    %dma_start3A = arith.constant 0 : i32
    %dma_start3A_37 = arith.constant 0 : i32
    %dma_start3A_38 = arith.constant 0 : i32
    %dma_start3A_39 = arith.constant 0 : i32
    %dma_start3A_40 = tpu.memref_slice %arg7[%dma_start3A_37, %dma_start3A_38, %dma_start3A_39] : memref<8x128x16xf32, #tpu.memory_space<vmem>> -> memref<1x128x16xf32, #tpu.memory_space<vmem>>
    %dma_start3A_41 = tpu.memref_squeeze %dma_start3A_40 : memref<1x128x16xf32, #tpu.memory_space<vmem>> -> memref<128x16xf32, #tpu.memory_space<vmem>>
    %dma_start3A_42 = arith.constant 0 : i32
    %dma_start3A_43 = tpu.memref_slice %arg5[%dma_start3A, %dma_start3A_42] : memref<80x128xi32, #tpu.memory_space<vmem>> -> memref<1x128xi32, #tpu.memory_space<vmem>>
    %dma_start3A_44 = tpu.memref_squeeze %dma_start3A_43 : memref<1x128xi32, #tpu.memory_space<vmem>> -> memref<128xi32, #tpu.memory_space<vmem>>
    %dma_start3A_45 = arith.constant 0 : i32
    %dma_start3A_46 = arith.constant 0 : i32
    %dma_start3A_47 = tpu.memref_slice %arg3[%dma_start3A_45, %dma_start3A_46] : memref<10240x16xf32, #tpu.memory_space<hbm>> -> memref<10240x16xf32, #tpu.memory_space<hbm>>
    tpu.enqueue_indirect_dma source(%dma_start3A_47 : memref<10240x16xf32, #tpu.memory_space<hbm>>) target(%dma_start3A_41 : memref<128x16xf32, #tpu.memory_space<vmem>>) offsets(%dma_start3A_44 : memref<128xi32, #tpu.memory_space<vmem>>) semaphore(%arg10 : memref<!tpu.dma_semaphore, #tpu.memory_space<semaphore_mem>>)
    %dma_start3A_48 = arith.constant 1 : i32
    %dma_start3A_49 = arith.constant 1 : i32
    %dma_start3A_50 = arith.constant 0 : i32
    %dma_start3A_51 = arith.constant 0 : i32
    %dma_start3A_52 = tpu.memref_slice %arg7[%dma_start3A_49, %dma_start3A_50, %dma_start3A_51] : memref<8x128x16xf32, #tpu.memory_space<vmem>> -> memref<1x128x16xf32, #tpu.memory_space<vmem>>
    %dma_start3A_53 = tpu.memref_squeeze %dma_start3A_52 : memref<1x128x16xf32, #tpu.memory_space<vmem>> -> memref<128x16xf32, #tpu.memory_space<vmem>>
    %dma_start3A_54 = arith.constant 0 : i32
    %dma_start3A_55 = tpu.memref_slice %arg5[%dma_start3A_48, %dma_start3A_54] : memref<80x128xi32, #tpu.memory_space<vmem>> -> memref<1x128xi32, #tpu.memory_space<vmem>>
    %dma_start3A_56 = tpu.memref_squeeze %dma_start3A_55 : memref<1x128xi32, #tpu.memory_space<vmem>> -> memref<128xi32, #tpu.memory_space<vmem>>
    %dma_start3A_57 = arith.constant 0 : i32
    %dma_start3A_58 = arith.constant 0 : i32
    %dma_start3A_59 = tpu.memref_slice %arg3[%dma_start3A_57, %dma_start3A_58] : memref<10240x16xf32, #tpu.memory_space<hbm>> -> memref<10240x16xf32, #tpu.memory_space<hbm>>
    tpu.enqueue_indirect_dma source(%dma_start3A_59 : memref<10240x16xf32, #tpu.memory_space<hbm>>) target(%dma_start3A_53 : memref<128x16xf32, #tpu.memory_space<vmem>>) offsets(%dma_start3A_56 : memref<128xi32, #tpu.memory_space<vmem>>) semaphore(%arg10 : memref<!tpu.dma_semaphore, #tpu.memory_space<semaphore_mem>>)
    %dma_start3A_60 = arith.constant 2 : i32
    %dma_start3A_61 = arith.constant 2 : i32
    %dma_start3A_62 = arith.constant 0 : i32
    %dma_start3A_63 = arith.constant 0 : i32
    %dma_start3A_64 = tpu.memref_slice %arg7[%dma_start3A_61, %dma_start3A_62, %dma_start3A_63] : memref<8x128x16xf32, #tpu.memory_space<vmem>> -> memref<1x128x16xf32, #tpu.memory_space<vmem>>
    %dma_start3A_65 = tpu.memref_squeeze %dma_start3A_64 : memref<1x128x16xf32, #tpu.memory_space<vmem>> -> memref<128x16xf32, #tpu.memory_space<vmem>>
    %dma_start3A_66 = arith.constant 0 : i32
    %dma_start3A_67 = tpu.memref_slice %arg5[%dma_start3A_60, %dma_start3A_66] : memref<80x128xi32, #tpu.memory_space<vmem>> -> memref<1x128xi32, #tpu.memory_space<vmem>>
    %dma_start3A_68 = tpu.memref_squeeze %dma_start3A_67 : memref<1x128xi32, #tpu.memory_space<vmem>> -> memref<128xi32, #tpu.memory_space<vmem>>
    %dma_start3A_69 = arith.constant 0 : i32
    %dma_start3A_70 = arith.constant 0 : i32
    %dma_start3A_71 = tpu.memref_slice %arg3[%dma_start3A_69, %dma_start3A_70] : memref<10240x16xf32, #tpu.memory_space<hbm>> -> memref<10240x16xf32, #tpu.memory_space<hbm>>
    tpu.enqueue_indirect_dma source(%dma_start3A_71 : memref<10240x16xf32, #tpu.memory_space<hbm>>) target(%dma_start3A_65 : memref<128x16xf32, #tpu.memory_space<vmem>>) offsets(%dma_start3A_68 : memref<128xi32, #tpu.memory_space<vmem>>) semaphore(%arg10 : memref<!tpu.dma_semaphore, #tpu.memory_space<semaphore_mem>>)
    %dma_start3A_72 = arith.constant 3 : i32
    %dma_start3A_73 = arith.constant 3 : i32
    %dma_start3A_74 = arith.constant 0 : i32
    %dma_start3A_75 = arith.constant 0 : i32
    %dma_start3A_76 = tpu.memref_slice %arg7[%dma_start3A_73, %dma_start3A_74, %dma_start3A_75] : memref<8x128x16xf32, #tpu.memory_space<vmem>> -> memref<1x128x16xf32, #tpu.memory_space<vmem>>
    %dma_start3A_77 = tpu.memref_squeeze %dma_start3A_76 : memref<1x128x16xf32, #tpu.memory_space<vmem>> -> memref<128x16xf32, #tpu.memory_space<vmem>>
    %dma_start3A_78 = arith.constant 0 : i32
    %dma_start3A_79 = tpu.memref_slice %arg5[%dma_start3A_72, %dma_start3A_78] : memref<80x128xi32, #tpu.memory_space<vmem>> -> memref<1x128xi32, #tpu.memory_space<vmem>>
    %dma_start3A_80 = tpu.memref_squeeze %dma_start3A_79 : memref<1x128xi32, #tpu.memory_space<vmem>> -> memref<128xi32, #tpu.memory_space<vmem>>
    %dma_start3A_81 = arith.constant 0 : i32
    %dma_start3A_82 = arith.constant 0 : i32
    %dma_start3A_83 = tpu.memref_slice %arg3[%dma_start3A_81, %dma_start3A_82] : memref<10240x16xf32, #tpu.memory_space<hbm>> -> memref<10240x16xf32, #tpu.memory_space<hbm>>
    tpu.enqueue_indirect_dma source(%dma_start3A_83 : memref<10240x16xf32, #tpu.memory_space<hbm>>) target(%dma_start3A_77 : memref<128x16xf32, #tpu.memory_space<vmem>>) offsets(%dma_start3A_80 : memref<128xi32, #tpu.memory_space<vmem>>) semaphore(%arg10 : memref<!tpu.dma_semaphore, #tpu.memory_space<semaphore_mem>>)
    %dma_start3A_84 = arith.constant 4 : i32
    %dma_start3A_85 = arith.constant 4 : i32
    %dma_start3A_86 = arith.constant 0 : i32
    %dma_start3A_87 = arith.constant 0 : i32
    %dma_start3A_88 = tpu.memref_slice %arg7[%dma_start3A_85, %dma_start3A_86, %dma_start3A_87] : memref<8x128x16xf32, #tpu.memory_space<vmem>> -> memref<1x128x16xf32, #tpu.memory_space<vmem>>
    %dma_start3A_89 = tpu.memref_squeeze %dma_start3A_88 : memref<1x128x16xf32, #tpu.memory_space<vmem>> -> memref<128x16xf32, #tpu.memory_space<vmem>>
    %dma_start3A_90 = arith.constant 0 : i32
    %dma_start3A_91 = tpu.memref_slice %arg5[%dma_start3A_84, %dma_start3A_90] : memref<80x128xi32, #tpu.memory_space<vmem>> -> memref<1x128xi32, #tpu.memory_space<vmem>>
    %dma_start3A_92 = tpu.memref_squeeze %dma_start3A_91 : memref<1x128xi32, #tpu.memory_space<vmem>> -> memref<128xi32, #tpu.memory_space<vmem>>
    %dma_start3A_93 = arith.constant 0 : i32
    %dma_start3A_94 = arith.constant 0 : i32
    %dma_start3A_95 = tpu.memref_slice %arg3[%dma_start3A_93, %dma_start3A_94] : memref<10240x16xf32, #tpu.memory_space<hbm>> -> memref<10240x16xf32, #tpu.memory_space<hbm>>
    tpu.enqueue_indirect_dma source(%dma_start3A_95 : memref<10240x16xf32, #tpu.memory_space<hbm>>) target(%dma_start3A_89 : memref<128x16xf32, #tpu.memory_space<vmem>>) offsets(%dma_start3A_92 : memref<128xi32, #tpu.memory_space<vmem>>) semaphore(%arg10 : memref<!tpu.dma_semaphore, #tpu.memory_space<semaphore_mem>>)
    %dma_start3A_96 = arith.constant 5 : i32
    %dma_start3A_97 = arith.constant 5 : i32
    %dma_start3A_98 = arith.constant 0 : i32
    %dma_start3A_99 = arith.constant 0 : i32
    %dma_start3A_100 = tpu.memref_slice %arg7[%dma_start3A_97, %dma_start3A_98, %dma_start3A_99] : memref<8x128x16xf32, #tpu.memory_space<vmem>> -> memref<1x128x16xf32, #tpu.memory_space<vmem>>
    %dma_start3A_101 = tpu.memref_squeeze %dma_start3A_100 : memref<1x128x16xf32, #tpu.memory_space<vmem>> -> memref<128x16xf32, #tpu.memory_space<vmem>>
    %dma_start3A_102 = arith.constant 0 : i32
    %dma_start3A_103 = tpu.memref_slice %arg5[%dma_start3A_96, %dma_start3A_102] : memref<80x128xi32, #tpu.memory_space<vmem>> -> memref<1x128xi32, #tpu.memory_space<vmem>>
    %dma_start3A_104 = tpu.memref_squeeze %dma_start3A_103 : memref<1x128xi32, #tpu.memory_space<vmem>> -> memref<128xi32, #tpu.memory_space<vmem>>
    %dma_start3A_105 = arith.constant 0 : i32
    %dma_start3A_106 = arith.constant 0 : i32
    %dma_start3A_107 = tpu.memref_slice %arg3[%dma_start3A_105, %dma_start3A_106] : memref<10240x16xf32, #tpu.memory_space<hbm>> -> memref<10240x16xf32, #tpu.memory_space<hbm>>
    tpu.enqueue_indirect_dma source(%dma_start3A_107 : memref<10240x16xf32, #tpu.memory_space<hbm>>) target(%dma_start3A_101 : memref<128x16xf32, #tpu.memory_space<vmem>>) offsets(%dma_start3A_104 : memref<128xi32, #tpu.memory_space<vmem>>) semaphore(%arg10 : memref<!tpu.dma_semaphore, #tpu.memory_space<semaphore_mem>>)
    %dma_start3A_108 = arith.constant 6 : i32
    %dma_start3A_109 = arith.constant 6 : i32
    %dma_start3A_110 = arith.constant 0 : i32
    %dma_start3A_111 = arith.constant 0 : i32
    %dma_start3A_112 = tpu.memref_slice %arg7[%dma_start3A_109, %dma_start3A_110, %dma_start3A_111] : memref<8x128x16xf32, #tpu.memory_space<vmem>> -> memref<1x128x16xf32, #tpu.memory_space<vmem>>
    %dma_start3A_113 = tpu.memref_squeeze %dma_start3A_112 : memref<1x128x16xf32, #tpu.memory_space<vmem>> -> memref<128x16xf32, #tpu.memory_space<vmem>>
    %dma_start3A_114 = arith.constant 0 : i32
    %dma_start3A_115 = tpu.memref_slice %arg5[%dma_start3A_108, %dma_start3A_114] : memref<80x128xi32, #tpu.memory_space<vmem>> -> memref<1x128xi32, #tpu.memory_space<vmem>>
    %dma_start3A_116 = tpu.memref_squeeze %dma_start3A_115 : memref<1x128xi32, #tpu.memory_space<vmem>> -> memref<128xi32, #tpu.memory_space<vmem>>
    %dma_start3A_117 = arith.constant 0 : i32
    %dma_start3A_118 = arith.constant 0 : i32
    %dma_start3A_119 = tpu.memref_slice %arg3[%dma_start3A_117, %dma_start3A_118] : memref<10240x16xf32, #tpu.memory_space<hbm>> -> memref<10240x16xf32, #tpu.memory_space<hbm>>
    tpu.enqueue_indirect_dma source(%dma_start3A_119 : memref<10240x16xf32, #tpu.memory_space<hbm>>) target(%dma_start3A_113 : memref<128x16xf32, #tpu.memory_space<vmem>>) offsets(%dma_start3A_116 : memref<128xi32, #tpu.memory_space<vmem>>) semaphore(%arg10 : memref<!tpu.dma_semaphore, #tpu.memory_space<semaphore_mem>>)
    %dma_start3A_120 = arith.constant 7 : i32
    %dma_start3A_121 = arith.constant 7 : i32
    %dma_start3A_122 = arith.constant 0 : i32
    %dma_start3A_123 = arith.constant 0 : i32
    %dma_start3A_124 = tpu.memref_slice %arg7[%dma_start3A_121, %dma_start3A_122, %dma_start3A_123] : memref<8x128x16xf32, #tpu.memory_space<vmem>> -> memref<1x128x16xf32, #tpu.memory_space<vmem>>
    %dma_start3A_125 = tpu.memref_squeeze %dma_start3A_124 : memref<1x128x16xf32, #tpu.memory_space<vmem>> -> memref<128x16xf32, #tpu.memory_space<vmem>>
    %dma_start3A_126 = arith.constant 0 : i32
    %dma_start3A_127 = tpu.memref_slice %arg5[%dma_start3A_120, %dma_start3A_126] : memref<80x128xi32, #tpu.memory_space<vmem>> -> memref<1x128xi32, #tpu.memory_space<vmem>>
    %dma_start3A_128 = tpu.memref_squeeze %dma_start3A_127 : memref<1x128xi32, #tpu.memory_space<vmem>> -> memref<128xi32, #tpu.memory_space<vmem>>
    %dma_start3A_129 = arith.constant 0 : i32
    %dma_start3A_130 = arith.constant 0 : i32
    %dma_start3A_131 = tpu.memref_slice %arg3[%dma_start3A_129, %dma_start3A_130] : memref<10240x16xf32, #tpu.memory_space<hbm>> -> memref<10240x16xf32, #tpu.memory_space<hbm>>
    tpu.enqueue_indirect_dma source(%dma_start3A_131 : memref<10240x16xf32, #tpu.memory_space<hbm>>) target(%dma_start3A_125 : memref<128x16xf32, #tpu.memory_space<vmem>>) offsets(%dma_start3A_128 : memref<128xi32, #tpu.memory_space<vmem>>) semaphore(%arg10 : memref<!tpu.dma_semaphore, #tpu.memory_space<semaphore_mem>>)
    %scan3A_132 = arith.constant 0 : i32
    %scan3A_133 = arith.constant 0 : i32
    %scan3A_134 = arith.constant 5 : i32
    %scan3A_135 = arith.addi %scan3A_133, %scan3A_134 : i32
    %scan3A_136 = arith.constant 1 : i32
    scf.for %scan3A_143 = %scan3A_133 to %scan3A_135 step %scan3A_136  : i32 {
      %mul3A_144 = arith.constant 2 : i32
      %mul3A_145 = arith.muli %mul3A_144, %scan3A_143 : i32
      %mul3A_146 = arith.constant 8 : i32
      %mul3A_147 = arith.muli %mul3A_145, %mul3A_146 : i32
      %dma_wait3A = arith.constant 0 : i32
      %dma_wait3A_148 = arith.constant 0 : i32
      %dma_wait3A_149 = arith.constant 0 : i32
      %dma_wait3A_150 = arith.constant 0 : i32
      %dma_wait3A_151 = tpu.memref_slice %arg7[%dma_wait3A_148, %dma_wait3A_149, %dma_wait3A_150] : memref<8x128x16xf32, #tpu.memory_space<vmem>> -> memref<1x128x16xf32, #tpu.memory_space<vmem>>
      %dma_wait3A_152 = tpu.memref_squeeze %dma_wait3A_151 : memref<1x128x16xf32, #tpu.memory_space<vmem>> -> memref<128x16xf32, #tpu.memory_space<vmem>>
      %dma_wait3A_153 = arith.constant 0 : i32
      %dma_wait3A_154 = tpu.memref_slice %arg5[%dma_wait3A, %dma_wait3A_153] : memref<80x128xi32, #tpu.memory_space<vmem>> -> memref<1x128xi32, #tpu.memory_space<vmem>>
      %dma_wait3A_155 = tpu.memref_squeeze %dma_wait3A_154 : memref<1x128xi32, #tpu.memory_space<vmem>> -> memref<128xi32, #tpu.memory_space<vmem>>
      %dma_wait3A_156 = arith.constant 0 : i32
      %dma_wait3A_157 = arith.constant 0 : i32
      %dma_wait3A_158 = tpu.memref_slice %arg3[%dma_wait3A_156, %dma_wait3A_157] : memref<10240x16xf32, #tpu.memory_space<hbm>> -> memref<10240x16xf32, #tpu.memory_space<hbm>>
      tpu.wait_indirect_dma semaphore(%arg10 : memref<!tpu.dma_semaphore, #tpu.memory_space<semaphore_mem>>) src(%dma_wait3A_158 : memref<10240x16xf32, #tpu.memory_space<hbm>>) dst(%dma_wait3A_152 : memref<128x16xf32, #tpu.memory_space<vmem>>)
      %dma_wait3A_159 = arith.constant 0 : i32
      %dma_wait3A_160 = arith.constant 1 : i32
      %dma_wait3A_161 = arith.constant 0 : i32
      %dma_wait3A_162 = arith.constant 0 : i32
      %dma_wait3A_163 = tpu.memref_slice %arg7[%dma_wait3A_160, %dma_wait3A_161, %dma_wait3A_162] : memref<8x128x16xf32, #tpu.memory_space<vmem>> -> memref<1x128x16xf32, #tpu.memory_space<vmem>>
      %dma_wait3A_164 = tpu.memref_squeeze %dma_wait3A_163 : memref<1x128x16xf32, #tpu.memory_space<vmem>> -> memref<128x16xf32, #tpu.memory_space<vmem>>
      %dma_wait3A_165 = arith.constant 0 : i32
      %dma_wait3A_166 = tpu.memref_slice %arg5[%dma_wait3A_159, %dma_wait3A_165] : memref<80x128xi32, #tpu.memory_space<vmem>> -> memref<1x128xi32, #tpu.memory_space<vmem>>
      %dma_wait3A_167 = tpu.memref_squeeze %dma_wait3A_166 : memref<1x128xi32, #tpu.memory_space<vmem>> -> memref<128xi32, #tpu.memory_space<vmem>>
      %dma_wait3A_168 = arith.constant 0 : i32
      %dma_wait3A_169 = arith.constant 0 : i32
      %dma_wait3A_170 = tpu.memref_slice %arg3[%dma_wait3A_168, %dma_wait3A_169] : memref<10240x16xf32, #tpu.memory_space<hbm>> -> memref<10240x16xf32, #tpu.memory_space<hbm>>
      tpu.wait_indirect_dma semaphore(%arg10 : memref<!tpu.dma_semaphore, #tpu.memory_space<semaphore_mem>>) src(%dma_wait3A_170 : memref<10240x16xf32, #tpu.memory_space<hbm>>) dst(%dma_wait3A_164 : memref<128x16xf32, #tpu.memory_space<vmem>>)
      %dma_wait3A_171 = arith.constant 0 : i32
      %dma_wait3A_172 = arith.constant 2 : i32
      %dma_wait3A_173 = arith.constant 0 : i32
      %dma_wait3A_174 = arith.constant 0 : i32
      %dma_wait3A_175 = tpu.memref_slice %arg7[%dma_wait3A_172, %dma_wait3A_173, %dma_wait3A_174] : memref<8x128x16xf32, #tpu.memory_space<vmem>> -> memref<1x128x16xf32, #tpu.memory_space<vmem>>
      %dma_wait3A_176 = tpu.memref_squeeze %dma_wait3A_175 : memref<1x128x16xf32, #tpu.memory_space<vmem>> -> memref<128x16xf32, #tpu.memory_space<vmem>>
      %dma_wait3A_177 = arith.constant 0 : i32
      %dma_wait3A_178 = tpu.memref_slice %arg5[%dma_wait3A_171, %dma_wait3A_177] : memref<80x128xi32, #tpu.memory_space<vmem>> -> memref<1x128xi32, #tpu.memory_space<vmem>>
      %dma_wait3A_179 = tpu.memref_squeeze %dma_wait3A_178 : memref<1x128xi32, #tpu.memory_space<vmem>> -> memref<128xi32, #tpu.memory_space<vmem>>
      %dma_wait3A_180 = arith.constant 0 : i32
      %dma_wait3A_181 = arith.constant 0 : i32
      %dma_wait3A_182 = tpu.memref_slice %arg3[%dma_wait3A_180, %dma_wait3A_181] : memref<10240x16xf32, #tpu.memory_space<hbm>> -> memref<10240x16xf32, #tpu.memory_space<hbm>>
      tpu.wait_indirect_dma semaphore(%arg10 : memref<!tpu.dma_semaphore, #tpu.memory_space<semaphore_mem>>) src(%dma_wait3A_182 : memref<10240x16xf32, #tpu.memory_space<hbm>>) dst(%dma_wait3A_176 : memref<128x16xf32, #tpu.memory_space<vmem>>)
      %dma_wait3A_183 = arith.constant 0 : i32
      %dma_wait3A_184 = arith.constant 3 : i32
      %dma_wait3A_185 = arith.constant 0 : i32
      %dma_wait3A_186 = arith.constant 0 : i32
      %dma_wait3A_187 = tpu.memref_slice %arg7[%dma_wait3A_184, %dma_wait3A_185, %dma_wait3A_186] : memref<8x128x16xf32, #tpu.memory_space<vmem>> -> memref<1x128x16xf32, #tpu.memory_space<vmem>>
      %dma_wait3A_188 = tpu.memref_squeeze %dma_wait3A_187 : memref<1x128x16xf32, #tpu.memory_space<vmem>> -> memref<128x16xf32, #tpu.memory_space<vmem>>
      %dma_wait3A_189 = arith.constant 0 : i32
      %dma_wait3A_190 = tpu.memref_slice %arg5[%dma_wait3A_183, %dma_wait3A_189] : memref<80x128xi32, #tpu.memory_space<vmem>> -> memref<1x128xi32, #tpu.memory_space<vmem>>
      %dma_wait3A_191 = tpu.memref_squeeze %dma_wait3A_190 : memref<1x128xi32, #tpu.memory_space<vmem>> -> memref<128xi32, #tpu.memory_space<vmem>>
      %dma_wait3A_192 = arith.constant 0 : i32
      %dma_wait3A_193 = arith.constant 0 : i32
      %dma_wait3A_194 = tpu.memref_slice %arg3[%dma_wait3A_192, %dma_wait3A_193] : memref<10240x16xf32, #tpu.memory_space<hbm>> -> memref<10240x16xf32, #tpu.memory_space<hbm>>
      tpu.wait_indirect_dma semaphore(%arg10 : memref<!tpu.dma_semaphore, #tpu.memory_space<semaphore_mem>>) src(%dma_wait3A_194 : memref<10240x16xf32, #tpu.memory_space<hbm>>) dst(%dma_wait3A_188 : memref<128x16xf32, #tpu.memory_space<vmem>>)
      %dma_wait3A_195 = arith.constant 0 : i32
      %dma_wait3A_196 = arith.constant 4 : i32
      %dma_wait3A_197 = arith.constant 0 : i32
      %dma_wait3A_198 = arith.constant 0 : i32
      %dma_wait3A_199 = tpu.memref_slice %arg7[%dma_wait3A_196, %dma_wait3A_197, %dma_wait3A_198] : memref<8x128x16xf32, #tpu.memory_space<vmem>> -> memref<1x128x16xf32, #tpu.memory_space<vmem>>
      %dma_wait3A_200 = tpu.memref_squeeze %dma_wait3A_199 : memref<1x128x16xf32, #tpu.memory_space<vmem>> -> memref<128x16xf32, #tpu.memory_space<vmem>>
      %dma_wait3A_201 = arith.constant 0 : i32
      %dma_wait3A_202 = tpu.memref_slice %arg5[%dma_wait3A_195, %dma_wait3A_201] : memref<80x128xi32, #tpu.memory_space<vmem>> -> memref<1x128xi32, #tpu.memory_space<vmem>>
      %dma_wait3A_203 = tpu.memref_squeeze %dma_wait3A_202 : memref<1x128xi32, #tpu.memory_space<vmem>> -> memref<128xi32, #tpu.memory_space<vmem>>
      %dma_wait3A_204 = arith.constant 0 : i32
      %dma_wait3A_205 = arith.constant 0 : i32
      %dma_wait3A_206 = tpu.memref_slice %arg3[%dma_wait3A_204, %dma_wait3A_205] : memref<10240x16xf32, #tpu.memory_space<hbm>> -> memref<10240x16xf32, #tpu.memory_space<hbm>>
      tpu.wait_indirect_dma semaphore(%arg10 : memref<!tpu.dma_semaphore, #tpu.memory_space<semaphore_mem>>) src(%dma_wait3A_206 : memref<10240x16xf32, #tpu.memory_space<hbm>>) dst(%dma_wait3A_200 : memref<128x16xf32, #tpu.memory_space<vmem>>)
      %dma_wait3A_207 = arith.constant 0 : i32
      %dma_wait3A_208 = arith.constant 5 : i32
      %dma_wait3A_209 = arith.constant 0 : i32
      %dma_wait3A_210 = arith.constant 0 : i32
      %dma_wait3A_211 = tpu.memref_slice %arg7[%dma_wait3A_208, %dma_wait3A_209, %dma_wait3A_210] : memref<8x128x16xf32, #tpu.memory_space<vmem>> -> memref<1x128x16xf32, #tpu.memory_space<vmem>>
      %dma_wait3A_212 = tpu.memref_squeeze %dma_wait3A_211 : memref<1x128x16xf32, #tpu.memory_space<vmem>> -> memref<128x16xf32, #tpu.memory_space<vmem>>
      %dma_wait3A_213 = arith.constant 0 : i32
      %dma_wait3A_214 = tpu.memref_slice %arg5[%dma_wait3A_207, %dma_wait3A_213] : memref<80x128xi32, #tpu.memory_space<vmem>> -> memref<1x128xi32, #tpu.memory_space<vmem>>
      %dma_wait3A_215 = tpu.memref_squeeze %dma_wait3A_214 : memref<1x128xi32, #tpu.memory_space<vmem>> -> memref<128xi32, #tpu.memory_space<vmem>>
      %dma_wait3A_216 = arith.constant 0 : i32
      %dma_wait3A_217 = arith.constant 0 : i32
      %dma_wait3A_218 = tpu.memref_slice %arg3[%dma_wait3A_216, %dma_wait3A_217] : memref<10240x16xf32, #tpu.memory_space<hbm>> -> memref<10240x16xf32, #tpu.memory_space<hbm>>
      tpu.wait_indirect_dma semaphore(%arg10 : memref<!tpu.dma_semaphore, #tpu.memory_space<semaphore_mem>>) src(%dma_wait3A_218 : memref<10240x16xf32, #tpu.memory_space<hbm>>) dst(%dma_wait3A_212 : memref<128x16xf32, #tpu.memory_space<vmem>>)
      %dma_wait3A_219 = arith.constant 0 : i32
      %dma_wait3A_220 = arith.constant 6 : i32
      %dma_wait3A_221 = arith.constant 0 : i32
      %dma_wait3A_222 = arith.constant 0 : i32
      %dma_wait3A_223 = tpu.memref_slice %arg7[%dma_wait3A_220, %dma_wait3A_221, %dma_wait3A_222] : memref<8x128x16xf32, #tpu.memory_space<vmem>> -> memref<1x128x16xf32, #tpu.memory_space<vmem>>
      %dma_wait3A_224 = tpu.memref_squeeze %dma_wait3A_223 : memref<1x128x16xf32, #tpu.memory_space<vmem>> -> memref<128x16xf32, #tpu.memory_space<vmem>>
      %dma_wait3A_225 = arith.constant 0 : i32
      %dma_wait3A_226 = tpu.memref_slice %arg5[%dma_wait3A_219, %dma_wait3A_225] : memref<80x128xi32, #tpu.memory_space<vmem>> -> memref<1x128xi32, #tpu.memory_space<vmem>>
      %dma_wait3A_227 = tpu.memref_squeeze %dma_wait3A_226 : memref<1x128xi32, #tpu.memory_space<vmem>> -> memref<128xi32, #tpu.memory_space<vmem>>
      %dma_wait3A_228 = arith.constant 0 : i32
      %dma_wait3A_229 = arith.constant 0 : i32
      %dma_wait3A_230 = tpu.memref_slice %arg3[%dma_wait3A_228, %dma_wait3A_229] : memref<10240x16xf32, #tpu.memory_space<hbm>> -> memref<10240x16xf32, #tpu.memory_space<hbm>>
      tpu.wait_indirect_dma semaphore(%arg10 : memref<!tpu.dma_semaphore, #tpu.memory_space<semaphore_mem>>) src(%dma_wait3A_230 : memref<10240x16xf32, #tpu.memory_space<hbm>>) dst(%dma_wait3A_224 : memref<128x16xf32, #tpu.memory_space<vmem>>)
      %dma_wait3A_231 = arith.constant 0 : i32
      %dma_wait3A_232 = arith.constant 7 : i32
      %dma_wait3A_233 = arith.constant 0 : i32
      %dma_wait3A_234 = arith.constant 0 : i32
      %dma_wait3A_235 = tpu.memref_slice %arg7[%dma_wait3A_232, %dma_wait3A_233, %dma_wait3A_234] : memref<8x128x16xf32, #tpu.memory_space<vmem>> -> memref<1x128x16xf32, #tpu.memory_space<vmem>>
      %dma_wait3A_236 = tpu.memref_squeeze %dma_wait3A_235 : memref<1x128x16xf32, #tpu.memory_space<vmem>> -> memref<128x16xf32, #tpu.memory_space<vmem>>
      %dma_wait3A_237 = arith.constant 0 : i32
      %dma_wait3A_238 = tpu.memref_slice %arg5[%dma_wait3A_231, %dma_wait3A_237] : memref<80x128xi32, #tpu.memory_space<vmem>> -> memref<1x128xi32, #tpu.memory_space<vmem>>
      %dma_wait3A_239 = tpu.memref_squeeze %dma_wait3A_238 : memref<1x128xi32, #tpu.memory_space<vmem>> -> memref<128xi32, #tpu.memory_space<vmem>>
      %dma_wait3A_240 = arith.constant 0 : i32
      %dma_wait3A_241 = arith.constant 0 : i32
      %dma_wait3A_242 = tpu.memref_slice %arg3[%dma_wait3A_240, %dma_wait3A_241] : memref<10240x16xf32, #tpu.memory_space<hbm>> -> memref<10240x16xf32, #tpu.memory_space<hbm>>
      tpu.wait_indirect_dma semaphore(%arg10 : memref<!tpu.dma_semaphore, #tpu.memory_space<semaphore_mem>>) src(%dma_wait3A_242 : memref<10240x16xf32, #tpu.memory_space<hbm>>) dst(%dma_wait3A_236 : memref<128x16xf32, #tpu.memory_space<vmem>>)
      %add3A_243 = arith.constant 8 : i32
      %add3A_244 = arith.addi %mul3A_147, %add3A_243 : i32
      %add3A_245 = arith.constant 0 : i32
      %add3A_246 = arith.addi %add3A_244, %add3A_245 : i32
      %dma_start3A_247 = arith.constant 0 : i32
      %dma_start3A_248 = arith.constant 0 : i32
      %dma_start3A_249 = arith.constant 0 : i32
      %dma_start3A_250 = tpu.memref_slice %arg8[%dma_start3A_247, %dma_start3A_248, %dma_start3A_249] : memref<8x128x16xf32, #tpu.memory_space<vmem>> -> memref<1x128x16xf32, #tpu.memory_space<vmem>>
      %dma_start3A_251 = tpu.memref_squeeze %dma_start3A_250 : memref<1x128x16xf32, #tpu.memory_space<vmem>> -> memref<128x16xf32, #tpu.memory_space<vmem>>
      %dma_start3A_252 = arith.constant 0 : i32
      %dma_start3A_253 = tpu.memref_slice %arg5[%add3A_246, %dma_start3A_252] : memref<80x128xi32, #tpu.memory_space<vmem>> -> memref<1x128xi32, #tpu.memory_space<vmem>>
      %dma_start3A_254 = tpu.memref_squeeze %dma_start3A_253 : memref<1x128xi32, #tpu.memory_space<vmem>> -> memref<128xi32, #tpu.memory_space<vmem>>
      %dma_start3A_255 = arith.constant 0 : i32
      %dma_start3A_256 = arith.constant 0 : i32
      %dma_start3A_257 = tpu.memref_slice %arg3[%dma_start3A_255, %dma_start3A_256] : memref<10240x16xf32, #tpu.memory_space<hbm>> -> memref<10240x16xf32, #tpu.memory_space<hbm>>
      tpu.enqueue_indirect_dma source(%dma_start3A_257 : memref<10240x16xf32, #tpu.memory_space<hbm>>) target(%dma_start3A_251 : memref<128x16xf32, #tpu.memory_space<vmem>>) offsets(%dma_start3A_254 : memref<128xi32, #tpu.memory_space<vmem>>) semaphore(%arg11 : memref<!tpu.dma_semaphore, #tpu.memory_space<semaphore_mem>>)
      %add3A_258 = arith.constant 1 : i32
      %add3A_259 = arith.addi %add3A_244, %add3A_258 : i32
      %dma_start3A_260 = arith.constant 1 : i32
      %dma_start3A_261 = arith.constant 0 : i32
      %dma_start3A_262 = arith.constant 0 : i32
      %dma_start3A_263 = tpu.memref_slice %arg8[%dma_start3A_260, %dma_start3A_261, %dma_start3A_262] : memref<8x128x16xf32, #tpu.memory_space<vmem>> -> memref<1x128x16xf32, #tpu.memory_space<vmem>>
      %dma_start3A_264 = tpu.memref_squeeze %dma_start3A_263 : memref<1x128x16xf32, #tpu.memory_space<vmem>> -> memref<128x16xf32, #tpu.memory_space<vmem>>
      %dma_start3A_265 = arith.constant 0 : i32
      %dma_start3A_266 = tpu.memref_slice %arg5[%add3A_259, %dma_start3A_265] : memref<80x128xi32, #tpu.memory_space<vmem>> -> memref<1x128xi32, #tpu.memory_space<vmem>>
      %dma_start3A_267 = tpu.memref_squeeze %dma_start3A_266 : memref<1x128xi32, #tpu.memory_space<vmem>> -> memref<128xi32, #tpu.memory_space<vmem>>
      %dma_start3A_268 = arith.constant 0 : i32
      %dma_start3A_269 = arith.constant 0 : i32
      %dma_start3A_270 = tpu.memref_slice %arg3[%dma_start3A_268, %dma_start3A_269] : memref<10240x16xf32, #tpu.memory_space<hbm>> -> memref<10240x16xf32, #tpu.memory_space<hbm>>
      tpu.enqueue_indirect_dma source(%dma_start3A_270 : memref<10240x16xf32, #tpu.memory_space<hbm>>) target(%dma_start3A_264 : memref<128x16xf32, #tpu.memory_space<vmem>>) offsets(%dma_start3A_267 : memref<128xi32, #tpu.memory_space<vmem>>) semaphore(%arg11 : memref<!tpu.dma_semaphore, #tpu.memory_space<semaphore_mem>>)
      %add3A_271 = arith.constant 2 : i32
      %add3A_272 = arith.addi %add3A_244, %add3A_271 : i32
      %dma_start3A_273 = arith.constant 2 : i32
      %dma_start3A_274 = arith.constant 0 : i32
      %dma_start3A_275 = arith.constant 0 : i32
      %dma_start3A_276 = tpu.memref_slice %arg8[%dma_start3A_273, %dma_start3A_274, %dma_start3A_275] : memref<8x128x16xf32, #tpu.memory_space<vmem>> -> memref<1x128x16xf32, #tpu.memory_space<vmem>>
      %dma_start3A_277 = tpu.memref_squeeze %dma_start3A_276 : memref<1x128x16xf32, #tpu.memory_space<vmem>> -> memref<128x16xf32, #tpu.memory_space<vmem>>
      %dma_start3A_278 = arith.constant 0 : i32
      %dma_start3A_279 = tpu.memref_slice %arg5[%add3A_272, %dma_start3A_278] : memref<80x128xi32, #tpu.memory_space<vmem>> -> memref<1x128xi32, #tpu.memory_space<vmem>>
      %dma_start3A_280 = tpu.memref_squeeze %dma_start3A_279 : memref<1x128xi32, #tpu.memory_space<vmem>> -> memref<128xi32, #tpu.memory_space<vmem>>
      %dma_start3A_281 = arith.constant 0 : i32
      %dma_start3A_282 = arith.constant 0 : i32
      %dma_start3A_283 = tpu.memref_slice %arg3[%dma_start3A_281, %dma_start3A_282] : memref<10240x16xf32, #tpu.memory_space<hbm>> -> memref<10240x16xf32, #tpu.memory_space<hbm>>
      tpu.enqueue_indirect_dma source(%dma_start3A_283 : memref<10240x16xf32, #tpu.memory_space<hbm>>) target(%dma_start3A_277 : memref<128x16xf32, #tpu.memory_space<vmem>>) offsets(%dma_start3A_280 : memref<128xi32, #tpu.memory_space<vmem>>) semaphore(%arg11 : memref<!tpu.dma_semaphore, #tpu.memory_space<semaphore_mem>>)
      %add3A_284 = arith.constant 3 : i32
      %add3A_285 = arith.addi %add3A_244, %add3A_284 : i32
      %dma_start3A_286 = arith.constant 3 : i32
      %dma_start3A_287 = arith.constant 0 : i32
      %dma_start3A_288 = arith.constant 0 : i32
      %dma_start3A_289 = tpu.memref_slice %arg8[%dma_start3A_286, %dma_start3A_287, %dma_start3A_288] : memref<8x128x16xf32, #tpu.memory_space<vmem>> -> memref<1x128x16xf32, #tpu.memory_space<vmem>>
      %dma_start3A_290 = tpu.memref_squeeze %dma_start3A_289 : memref<1x128x16xf32, #tpu.memory_space<vmem>> -> memref<128x16xf32, #tpu.memory_space<vmem>>
      %dma_start3A_291 = arith.constant 0 : i32
      %dma_start3A_292 = tpu.memref_slice %arg5[%add3A_285, %dma_start3A_291] : memref<80x128xi32, #tpu.memory_space<vmem>> -> memref<1x128xi32, #tpu.memory_space<vmem>>
      %dma_start3A_293 = tpu.memref_squeeze %dma_start3A_292 : memref<1x128xi32, #tpu.memory_space<vmem>> -> memref<128xi32, #tpu.memory_space<vmem>>
      %dma_start3A_294 = arith.constant 0 : i32
      %dma_start3A_295 = arith.constant 0 : i32
      %dma_start3A_296 = tpu.memref_slice %arg3[%dma_start3A_294, %dma_start3A_295] : memref<10240x16xf32, #tpu.memory_space<hbm>> -> memref<10240x16xf32, #tpu.memory_space<hbm>>
      tpu.enqueue_indirect_dma source(%dma_start3A_296 : memref<10240x16xf32, #tpu.memory_space<hbm>>) target(%dma_start3A_290 : memref<128x16xf32, #tpu.memory_space<vmem>>) offsets(%dma_start3A_293 : memref<128xi32, #tpu.memory_space<vmem>>) semaphore(%arg11 : memref<!tpu.dma_semaphore, #tpu.memory_space<semaphore_mem>>)
      %add3A_297 = arith.constant 4 : i32
      %add3A_298 = arith.addi %add3A_244, %add3A_297 : i32
      %dma_start3A_299 = arith.constant 4 : i32
      %dma_start3A_300 = arith.constant 0 : i32
      %dma_start3A_301 = arith.constant 0 : i32
      %dma_start3A_302 = tpu.memref_slice %arg8[%dma_start3A_299, %dma_start3A_300, %dma_start3A_301] : memref<8x128x16xf32, #tpu.memory_space<vmem>> -> memref<1x128x16xf32, #tpu.memory_space<vmem>>
      %dma_start3A_303 = tpu.memref_squeeze %dma_start3A_302 : memref<1x128x16xf32, #tpu.memory_space<vmem>> -> memref<128x16xf32, #tpu.memory_space<vmem>>
      %dma_start3A_304 = arith.constant 0 : i32
      %dma_start3A_305 = tpu.memref_slice %arg5[%add3A_298, %dma_start3A_304] : memref<80x128xi32, #tpu.memory_space<vmem>> -> memref<1x128xi32, #tpu.memory_space<vmem>>
      %dma_start3A_306 = tpu.memref_squeeze %dma_start3A_305 : memref<1x128xi32, #tpu.memory_space<vmem>> -> memref<128xi32, #tpu.memory_space<vmem>>
      %dma_start3A_307 = arith.constant 0 : i32
      %dma_start3A_308 = arith.constant 0 : i32
      %dma_start3A_309 = tpu.memref_slice %arg3[%dma_start3A_307, %dma_start3A_308] : memref<10240x16xf32, #tpu.memory_space<hbm>> -> memref<10240x16xf32, #tpu.memory_space<hbm>>
      tpu.enqueue_indirect_dma source(%dma_start3A_309 : memref<10240x16xf32, #tpu.memory_space<hbm>>) target(%dma_start3A_303 : memref<128x16xf32, #tpu.memory_space<vmem>>) offsets(%dma_start3A_306 : memref<128xi32, #tpu.memory_space<vmem>>) semaphore(%arg11 : memref<!tpu.dma_semaphore, #tpu.memory_space<semaphore_mem>>)
      %add3A_310 = arith.constant 5 : i32
      %add3A_311 = arith.addi %add3A_244, %add3A_310 : i32
      %dma_start3A_312 = arith.constant 5 : i32
      %dma_start3A_313 = arith.constant 0 : i32
      %dma_start3A_314 = arith.constant 0 : i32
      %dma_start3A_315 = tpu.memref_slice %arg8[%dma_start3A_312, %dma_start3A_313, %dma_start3A_314] : memref<8x128x16xf32, #tpu.memory_space<vmem>> -> memref<1x128x16xf32, #tpu.memory_space<vmem>>
      %dma_start3A_316 = tpu.memref_squeeze %dma_start3A_315 : memref<1x128x16xf32, #tpu.memory_space<vmem>> -> memref<128x16xf32, #tpu.memory_space<vmem>>
      %dma_start3A_317 = arith.constant 0 : i32
      %dma_start3A_318 = tpu.memref_slice %arg5[%add3A_311, %dma_start3A_317] : memref<80x128xi32, #tpu.memory_space<vmem>> -> memref<1x128xi32, #tpu.memory_space<vmem>>
      %dma_start3A_319 = tpu.memref_squeeze %dma_start3A_318 : memref<1x128xi32, #tpu.memory_space<vmem>> -> memref<128xi32, #tpu.memory_space<vmem>>
      %dma_start3A_320 = arith.constant 0 : i32
      %dma_start3A_321 = arith.constant 0 : i32
      %dma_start3A_322 = tpu.memref_slice %arg3[%dma_start3A_320, %dma_start3A_321] : memref<10240x16xf32, #tpu.memory_space<hbm>> -> memref<10240x16xf32, #tpu.memory_space<hbm>>
      tpu.enqueue_indirect_dma source(%dma_start3A_322 : memref<10240x16xf32, #tpu.memory_space<hbm>>) target(%dma_start3A_316 : memref<128x16xf32, #tpu.memory_space<vmem>>) offsets(%dma_start3A_319 : memref<128xi32, #tpu.memory_space<vmem>>) semaphore(%arg11 : memref<!tpu.dma_semaphore, #tpu.memory_space<semaphore_mem>>)
      %add3A_323 = arith.constant 6 : i32
      %add3A_324 = arith.addi %add3A_244, %add3A_323 : i32
      %dma_start3A_325 = arith.constant 6 : i32
      %dma_start3A_326 = arith.constant 0 : i32
      %dma_start3A_327 = arith.constant 0 : i32
      %dma_start3A_328 = tpu.memref_slice %arg8[%dma_start3A_325, %dma_start3A_326, %dma_start3A_327] : memref<8x128x16xf32, #tpu.memory_space<vmem>> -> memref<1x128x16xf32, #tpu.memory_space<vmem>>
      %dma_start3A_329 = tpu.memref_squeeze %dma_start3A_328 : memref<1x128x16xf32, #tpu.memory_space<vmem>> -> memref<128x16xf32, #tpu.memory_space<vmem>>
      %dma_start3A_330 = arith.constant 0 : i32
      %dma_start3A_331 = tpu.memref_slice %arg5[%add3A_324, %dma_start3A_330] : memref<80x128xi32, #tpu.memory_space<vmem>> -> memref<1x128xi32, #tpu.memory_space<vmem>>
      %dma_start3A_332 = tpu.memref_squeeze %dma_start3A_331 : memref<1x128xi32, #tpu.memory_space<vmem>> -> memref<128xi32, #tpu.memory_space<vmem>>
      %dma_start3A_333 = arith.constant 0 : i32
      %dma_start3A_334 = arith.constant 0 : i32
      %dma_start3A_335 = tpu.memref_slice %arg3[%dma_start3A_333, %dma_start3A_334] : memref<10240x16xf32, #tpu.memory_space<hbm>> -> memref<10240x16xf32, #tpu.memory_space<hbm>>
      tpu.enqueue_indirect_dma source(%dma_start3A_335 : memref<10240x16xf32, #tpu.memory_space<hbm>>) target(%dma_start3A_329 : memref<128x16xf32, #tpu.memory_space<vmem>>) offsets(%dma_start3A_332 : memref<128xi32, #tpu.memory_space<vmem>>) semaphore(%arg11 : memref<!tpu.dma_semaphore, #tpu.memory_space<semaphore_mem>>)
      %add3A_336 = arith.constant 7 : i32
      %add3A_337 = arith.addi %add3A_244, %add3A_336 : i32
      %dma_start3A_338 = arith.constant 7 : i32
      %dma_start3A_339 = arith.constant 0 : i32
      %dma_start3A_340 = arith.constant 0 : i32
      %dma_start3A_341 = tpu.memref_slice %arg8[%dma_start3A_338, %dma_start3A_339, %dma_start3A_340] : memref<8x128x16xf32, #tpu.memory_space<vmem>> -> memref<1x128x16xf32, #tpu.memory_space<vmem>>
      %dma_start3A_342 = tpu.memref_squeeze %dma_start3A_341 : memref<1x128x16xf32, #tpu.memory_space<vmem>> -> memref<128x16xf32, #tpu.memory_space<vmem>>
      %dma_start3A_343 = arith.constant 0 : i32
      %dma_start3A_344 = tpu.memref_slice %arg5[%add3A_337, %dma_start3A_343] : memref<80x128xi32, #tpu.memory_space<vmem>> -> memref<1x128xi32, #tpu.memory_space<vmem>>
      %dma_start3A_345 = tpu.memref_squeeze %dma_start3A_344 : memref<1x128xi32, #tpu.memory_space<vmem>> -> memref<128xi32, #tpu.memory_space<vmem>>
      %dma_start3A_346 = arith.constant 0 : i32
      %dma_start3A_347 = arith.constant 0 : i32
      %dma_start3A_348 = tpu.memref_slice %arg3[%dma_start3A_346, %dma_start3A_347] : memref<10240x16xf32, #tpu.memory_space<hbm>> -> memref<10240x16xf32, #tpu.memory_space<hbm>>
      tpu.enqueue_indirect_dma source(%dma_start3A_348 : memref<10240x16xf32, #tpu.memory_space<hbm>>) target(%dma_start3A_342 : memref<128x16xf32, #tpu.memory_space<vmem>>) offsets(%dma_start3A_345 : memref<128xi32, #tpu.memory_space<vmem>>) semaphore(%arg11 : memref<!tpu.dma_semaphore, #tpu.memory_space<semaphore_mem>>)
      %add3A_349 = arith.constant 0 : i32
      %add3A_350 = arith.addi %mul3A_147, %add3A_349 : i32
      %dma_start3A_351 = arith.constant 0 : i32
      %dma_start3A_352 = arith.constant 0 : i32
      %dma_start3A_353 = arith.constant 0 : i32
      %dma_start3A_354 = tpu.memref_slice %arg7[%dma_start3A_351, %dma_start3A_352, %dma_start3A_353] : memref<8x128x16xf32, #tpu.memory_space<vmem>> -> memref<1x128x16xf32, #tpu.memory_space<vmem>>
      %dma_start3A_355 = tpu.memref_squeeze %dma_start3A_354 : memref<1x128x16xf32, #tpu.memory_space<vmem>> -> memref<128x16xf32, #tpu.memory_space<vmem>>
      %dma_start3A_356 = arith.constant 0 : i32
      %dma_start3A_357 = tpu.memref_slice %arg6[%add3A_350, %dma_start3A_356] : memref<80x128xi32, #tpu.memory_space<vmem>> -> memref<1x128xi32, #tpu.memory_space<vmem>>
      %dma_start3A_358 = tpu.memref_squeeze %dma_start3A_357 : memref<1x128xi32, #tpu.memory_space<vmem>> -> memref<128xi32, #tpu.memory_space<vmem>>
      %dma_start3A_359 = arith.constant 0 : i32
      %dma_start3A_360 = arith.constant 0 : i32
      %dma_start3A_361 = tpu.memref_slice %arg9[%dma_start3A_359, %dma_start3A_360] : memref<10240x16xf32, #tpu.memory_space<vmem_shared>> -> memref<10240x16xf32, #tpu.memory_space<vmem_shared>>
      tpu.enqueue_indirect_dma source(%dma_start3A_355 : memref<128x16xf32, #tpu.memory_space<vmem>>) target(%dma_start3A_361 : memref<10240x16xf32, #tpu.memory_space<vmem_shared>>) offsets(%dma_start3A_358 : memref<128xi32, #tpu.memory_space<vmem>>) semaphore(%arg12 : memref<!tpu.dma_semaphore, #tpu.memory_space<semaphore_mem>>) {add = true}
      %add3A_362 = arith.constant 1 : i32
      %add3A_363 = arith.addi %mul3A_147, %add3A_362 : i32
      %dma_start3A_364 = arith.constant 1 : i32
      %dma_start3A_365 = arith.constant 0 : i32
      %dma_start3A_366 = arith.constant 0 : i32
      %dma_start3A_367 = tpu.memref_slice %arg7[%dma_start3A_364, %dma_start3A_365, %dma_start3A_366] : memref<8x128x16xf32, #tpu.memory_space<vmem>> -> memref<1x128x16xf32, #tpu.memory_space<vmem>>
      %dma_start3A_368 = tpu.memref_squeeze %dma_start3A_367 : memref<1x128x16xf32, #tpu.memory_space<vmem>> -> memref<128x16xf32, #tpu.memory_space<vmem>>
      %dma_start3A_369 = arith.constant 0 : i32
      %dma_start3A_370 = tpu.memref_slice %arg6[%add3A_363, %dma_start3A_369] : memref<80x128xi32, #tpu.memory_space<vmem>> -> memref<1x128xi32, #tpu.memory_space<vmem>>
      %dma_start3A_371 = tpu.memref_squeeze %dma_start3A_370 : memref<1x128xi32, #tpu.memory_space<vmem>> -> memref<128xi32, #tpu.memory_space<vmem>>
      %dma_start3A_372 = arith.constant 0 : i32
      %dma_start3A_373 = arith.constant 0 : i32
      %dma_start3A_374 = tpu.memref_slice %arg9[%dma_start3A_372, %dma_start3A_373] : memref<10240x16xf32, #tpu.memory_space<vmem_shared>> -> memref<10240x16xf32, #tpu.memory_space<vmem_shared>>
      tpu.enqueue_indirect_dma source(%dma_start3A_368 : memref<128x16xf32, #tpu.memory_space<vmem>>) target(%dma_start3A_374 : memref<10240x16xf32, #tpu.memory_space<vmem_shared>>) offsets(%dma_start3A_371 : memref<128xi32, #tpu.memory_space<vmem>>) semaphore(%arg12 : memref<!tpu.dma_semaphore, #tpu.memory_space<semaphore_mem>>) {add = true}
      %add3A_375 = arith.constant 2 : i32
      %add3A_376 = arith.addi %mul3A_147, %add3A_375 : i32
      %dma_start3A_377 = arith.constant 2 : i32
      %dma_start3A_378 = arith.constant 0 : i32
      %dma_start3A_379 = arith.constant 0 : i32
      %dma_start3A_380 = tpu.memref_slice %arg7[%dma_start3A_377, %dma_start3A_378, %dma_start3A_379] : memref<8x128x16xf32, #tpu.memory_space<vmem>> -> memref<1x128x16xf32, #tpu.memory_space<vmem>>
      %dma_start3A_381 = tpu.memref_squeeze %dma_start3A_380 : memref<1x128x16xf32, #tpu.memory_space<vmem>> -> memref<128x16xf32, #tpu.memory_space<vmem>>
      %dma_start3A_382 = arith.constant 0 : i32
      %dma_start3A_383 = tpu.memref_slice %arg6[%add3A_376, %dma_start3A_382] : memref<80x128xi32, #tpu.memory_space<vmem>> -> memref<1x128xi32, #tpu.memory_space<vmem>>
      %dma_start3A_384 = tpu.memref_squeeze %dma_start3A_383 : memref<1x128xi32, #tpu.memory_space<vmem>> -> memref<128xi32, #tpu.memory_space<vmem>>
      %dma_start3A_385 = arith.constant 0 : i32
      %dma_start3A_386 = arith.constant 0 : i32
      %dma_start3A_387 = tpu.memref_slice %arg9[%dma_start3A_385, %dma_start3A_386] : memref<10240x16xf32, #tpu.memory_space<vmem_shared>> -> memref<10240x16xf32, #tpu.memory_space<vmem_shared>>
      tpu.enqueue_indirect_dma source(%dma_start3A_381 : memref<128x16xf32, #tpu.memory_space<vmem>>) target(%dma_start3A_387 : memref<10240x16xf32, #tpu.memory_space<vmem_shared>>) offsets(%dma_start3A_384 : memref<128xi32, #tpu.memory_space<vmem>>) semaphore(%arg12 : memref<!tpu.dma_semaphore, #tpu.memory_space<semaphore_mem>>) {add = true}
      %add3A_388 = arith.constant 3 : i32
      %add3A_389 = arith.addi %mul3A_147, %add3A_388 : i32
      %dma_start3A_390 = arith.constant 3 : i32
      %dma_start3A_391 = arith.constant 0 : i32
      %dma_start3A_392 = arith.constant 0 : i32
      %dma_start3A_393 = tpu.memref_slice %arg7[%dma_start3A_390, %dma_start3A_391, %dma_start3A_392] : memref<8x128x16xf32, #tpu.memory_space<vmem>> -> memref<1x128x16xf32, #tpu.memory_space<vmem>>
      %dma_start3A_394 = tpu.memref_squeeze %dma_start3A_393 : memref<1x128x16xf32, #tpu.memory_space<vmem>> -> memref<128x16xf32, #tpu.memory_space<vmem>>
      %dma_start3A_395 = arith.constant 0 : i32
      %dma_start3A_396 = tpu.memref_slice %arg6[%add3A_389, %dma_start3A_395] : memref<80x128xi32, #tpu.memory_space<vmem>> -> memref<1x128xi32, #tpu.memory_space<vmem>>
      %dma_start3A_397 = tpu.memref_squeeze %dma_start3A_396 : memref<1x128xi32, #tpu.memory_space<vmem>> -> memref<128xi32, #tpu.memory_space<vmem>>
      %dma_start3A_398 = arith.constant 0 : i32
      %dma_start3A_399 = arith.constant 0 : i32
      %dma_start3A_400 = tpu.memref_slice %arg9[%dma_start3A_398, %dma_start3A_399] : memref<10240x16xf32, #tpu.memory_space<vmem_shared>> -> memref<10240x16xf32, #tpu.memory_space<vmem_shared>>
      tpu.enqueue_indirect_dma source(%dma_start3A_394 : memref<128x16xf32, #tpu.memory_space<vmem>>) target(%dma_start3A_400 : memref<10240x16xf32, #tpu.memory_space<vmem_shared>>) offsets(%dma_start3A_397 : memref<128xi32, #tpu.memory_space<vmem>>) semaphore(%arg12 : memref<!tpu.dma_semaphore, #tpu.memory_space<semaphore_mem>>) {add = true}
      %add3A_401 = arith.constant 4 : i32
      %add3A_402 = arith.addi %mul3A_147, %add3A_401 : i32
      %dma_start3A_403 = arith.constant 4 : i32
      %dma_start3A_404 = arith.constant 0 : i32
      %dma_start3A_405 = arith.constant 0 : i32
      %dma_start3A_406 = tpu.memref_slice %arg7[%dma_start3A_403, %dma_start3A_404, %dma_start3A_405] : memref<8x128x16xf32, #tpu.memory_space<vmem>> -> memref<1x128x16xf32, #tpu.memory_space<vmem>>
      %dma_start3A_407 = tpu.memref_squeeze %dma_start3A_406 : memref<1x128x16xf32, #tpu.memory_space<vmem>> -> memref<128x16xf32, #tpu.memory_space<vmem>>
      %dma_start3A_408 = arith.constant 0 : i32
      %dma_start3A_409 = tpu.memref_slice %arg6[%add3A_402, %dma_start3A_408] : memref<80x128xi32, #tpu.memory_space<vmem>> -> memref<1x128xi32, #tpu.memory_space<vmem>>
      %dma_start3A_410 = tpu.memref_squeeze %dma_start3A_409 : memref<1x128xi32, #tpu.memory_space<vmem>> -> memref<128xi32, #tpu.memory_space<vmem>>
      %dma_start3A_411 = arith.constant 0 : i32
      %dma_start3A_412 = arith.constant 0 : i32
      %dma_start3A_413 = tpu.memref_slice %arg9[%dma_start3A_411, %dma_start3A_412] : memref<10240x16xf32, #tpu.memory_space<vmem_shared>> -> memref<10240x16xf32, #tpu.memory_space<vmem_shared>>
      tpu.enqueue_indirect_dma source(%dma_start3A_407 : memref<128x16xf32, #tpu.memory_space<vmem>>) target(%dma_start3A_413 : memref<10240x16xf32, #tpu.memory_space<vmem_shared>>) offsets(%dma_start3A_410 : memref<128xi32, #tpu.memory_space<vmem>>) semaphore(%arg12 : memref<!tpu.dma_semaphore, #tpu.memory_space<semaphore_mem>>) {add = true}
      %add3A_414 = arith.constant 5 : i32
      %add3A_415 = arith.addi %mul3A_147, %add3A_414 : i32
      %dma_start3A_416 = arith.constant 5 : i32
      %dma_start3A_417 = arith.constant 0 : i32
      %dma_start3A_418 = arith.constant 0 : i32
      %dma_start3A_419 = tpu.memref_slice %arg7[%dma_start3A_416, %dma_start3A_417, %dma_start3A_418] : memref<8x128x16xf32, #tpu.memory_space<vmem>> -> memref<1x128x16xf32, #tpu.memory_space<vmem>>
      %dma_start3A_420 = tpu.memref_squeeze %dma_start3A_419 : memref<1x128x16xf32, #tpu.memory_space<vmem>> -> memref<128x16xf32, #tpu.memory_space<vmem>>
      %dma_start3A_421 = arith.constant 0 : i32
      %dma_start3A_422 = tpu.memref_slice %arg6[%add3A_415, %dma_start3A_421] : memref<80x128xi32, #tpu.memory_space<vmem>> -> memref<1x128xi32, #tpu.memory_space<vmem>>
      %dma_start3A_423 = tpu.memref_squeeze %dma_start3A_422 : memref<1x128xi32, #tpu.memory_space<vmem>> -> memref<128xi32, #tpu.memory_space<vmem>>
      %dma_start3A_424 = arith.constant 0 : i32
      %dma_start3A_425 = arith.constant 0 : i32
      %dma_start3A_426 = tpu.memref_slice %arg9[%dma_start3A_424, %dma_start3A_425] : memref<10240x16xf32, #tpu.memory_space<vmem_shared>> -> memref<10240x16xf32, #tpu.memory_space<vmem_shared>>
      tpu.enqueue_indirect_dma source(%dma_start3A_420 : memref<128x16xf32, #tpu.memory_space<vmem>>) target(%dma_start3A_426 : memref<10240x16xf32, #tpu.memory_space<vmem_shared>>) offsets(%dma_start3A_423 : memref<128xi32, #tpu.memory_space<vmem>>) semaphore(%arg12 : memref<!tpu.dma_semaphore, #tpu.memory_space<semaphore_mem>>) {add = true}
      %add3A_427 = arith.constant 6 : i32
      %add3A_428 = arith.addi %mul3A_147, %add3A_427 : i32
      %dma_start3A_429 = arith.constant 6 : i32
      %dma_start3A_430 = arith.constant 0 : i32
      %dma_start3A_431 = arith.constant 0 : i32
      %dma_start3A_432 = tpu.memref_slice %arg7[%dma_start3A_429, %dma_start3A_430, %dma_start3A_431] : memref<8x128x16xf32, #tpu.memory_space<vmem>> -> memref<1x128x16xf32, #tpu.memory_space<vmem>>
      %dma_start3A_433 = tpu.memref_squeeze %dma_start3A_432 : memref<1x128x16xf32, #tpu.memory_space<vmem>> -> memref<128x16xf32, #tpu.memory_space<vmem>>
      %dma_start3A_434 = arith.constant 0 : i32
      %dma_start3A_435 = tpu.memref_slice %arg6[%add3A_428, %dma_start3A_434] : memref<80x128xi32, #tpu.memory_space<vmem>> -> memref<1x128xi32, #tpu.memory_space<vmem>>
      %dma_start3A_436 = tpu.memref_squeeze %dma_start3A_435 : memref<1x128xi32, #tpu.memory_space<vmem>> -> memref<128xi32, #tpu.memory_space<vmem>>
      %dma_start3A_437 = arith.constant 0 : i32
      %dma_start3A_438 = arith.constant 0 : i32
      %dma_start3A_439 = tpu.memref_slice %arg9[%dma_start3A_437, %dma_start3A_438] : memref<10240x16xf32, #tpu.memory_space<vmem_shared>> -> memref<10240x16xf32, #tpu.memory_space<vmem_shared>>
      tpu.enqueue_indirect_dma source(%dma_start3A_433 : memref<128x16xf32, #tpu.memory_space<vmem>>) target(%dma_start3A_439 : memref<10240x16xf32, #tpu.memory_space<vmem_shared>>) offsets(%dma_start3A_436 : memref<128xi32, #tpu.memory_space<vmem>>) semaphore(%arg12 : memref<!tpu.dma_semaphore, #tpu.memory_space<semaphore_mem>>) {add = true}
      %add3A_440 = arith.constant 7 : i32
      %add3A_441 = arith.addi %mul3A_147, %add3A_440 : i32
      %dma_start3A_442 = arith.constant 7 : i32
      %dma_start3A_443 = arith.constant 0 : i32
      %dma_start3A_444 = arith.constant 0 : i32
      %dma_start3A_445 = tpu.memref_slice %arg7[%dma_start3A_442, %dma_start3A_443, %dma_start3A_444] : memref<8x128x16xf32, #tpu.memory_space<vmem>> -> memref<1x128x16xf32, #tpu.memory_space<vmem>>
      %dma_start3A_446 = tpu.memref_squeeze %dma_start3A_445 : memref<1x128x16xf32, #tpu.memory_space<vmem>> -> memref<128x16xf32, #tpu.memory_space<vmem>>
      %dma_start3A_447 = arith.constant 0 : i32
      %dma_start3A_448 = tpu.memref_slice %arg6[%add3A_441, %dma_start3A_447] : memref<80x128xi32, #tpu.memory_space<vmem>> -> memref<1x128xi32, #tpu.memory_space<vmem>>
      %dma_start3A_449 = tpu.memref_squeeze %dma_start3A_448 : memref<1x128xi32, #tpu.memory_space<vmem>> -> memref<128xi32, #tpu.memory_space<vmem>>
      %dma_start3A_450 = arith.constant 0 : i32
      %dma_start3A_451 = arith.constant 0 : i32
      %dma_start3A_452 = tpu.memref_slice %arg9[%dma_start3A_450, %dma_start3A_451] : memref<10240x16xf32, #tpu.memory_space<vmem_shared>> -> memref<10240x16xf32, #tpu.memory_space<vmem_shared>>
      tpu.enqueue_indirect_dma source(%dma_start3A_446 : memref<128x16xf32, #tpu.memory_space<vmem>>) target(%dma_start3A_452 : memref<10240x16xf32, #tpu.memory_space<vmem_shared>>) offsets(%dma_start3A_449 : memref<128xi32, #tpu.memory_space<vmem>>) semaphore(%arg12 : memref<!tpu.dma_semaphore, #tpu.memory_space<semaphore_mem>>) {add = true}
      %dma_wait3A_453 = arith.constant 0 : i32
      %dma_wait3A_454 = arith.constant 0 : i32
      %dma_wait3A_455 = arith.constant 0 : i32
      %dma_wait3A_456 = tpu.memref_slice %arg7[%dma_wait3A_453, %dma_wait3A_454, %dma_wait3A_455] : memref<8x128x16xf32, #tpu.memory_space<vmem>> -> memref<1x128x16xf32, #tpu.memory_space<vmem>>
      %dma_wait3A_457 = tpu.memref_squeeze %dma_wait3A_456 : memref<1x128x16xf32, #tpu.memory_space<vmem>> -> memref<128x16xf32, #tpu.memory_space<vmem>>
      %dma_wait3A_458 = arith.constant 0 : i32
      %dma_wait3A_459 = tpu.memref_slice %arg6[%add3A_350, %dma_wait3A_458] : memref<80x128xi32, #tpu.memory_space<vmem>> -> memref<1x128xi32, #tpu.memory_space<vmem>>
      %dma_wait3A_460 = tpu.memref_squeeze %dma_wait3A_459 : memref<1x128xi32, #tpu.memory_space<vmem>> -> memref<128xi32, #tpu.memory_space<vmem>>
      %dma_wait3A_461 = arith.constant 0 : i32
      %dma_wait3A_462 = arith.constant 0 : i32
      %dma_wait3A_463 = tpu.memref_slice %arg9[%dma_wait3A_461, %dma_wait3A_462] : memref<10240x16xf32, #tpu.memory_space<vmem_shared>> -> memref<10240x16xf32, #tpu.memory_space<vmem_shared>>
      tpu.wait_indirect_dma semaphore(%arg12 : memref<!tpu.dma_semaphore, #tpu.memory_space<semaphore_mem>>) src(%dma_wait3A_457 : memref<128x16xf32, #tpu.memory_space<vmem>>) dst(%dma_wait3A_463 : memref<10240x16xf32, #tpu.memory_space<vmem_shared>>)
      %dma_wait3A_464 = arith.constant 1 : i32
      %dma_wait3A_465 = arith.constant 0 : i32
      %dma_wait3A_466 = arith.constant 0 : i32
      %dma_wait3A_467 = tpu.memref_slice %arg7[%dma_wait3A_464, %dma_wait3A_465, %dma_wait3A_466] : memref<8x128x16xf32, #tpu.memory_space<vmem>> -> memref<1x128x16xf32, #tpu.memory_space<vmem>>
      %dma_wait3A_468 = tpu.memref_squeeze %dma_wait3A_467 : memref<1x128x16xf32, #tpu.memory_space<vmem>> -> memref<128x16xf32, #tpu.memory_space<vmem>>
      %dma_wait3A_469 = arith.constant 0 : i32
      %dma_wait3A_470 = tpu.memref_slice %arg6[%add3A_363, %dma_wait3A_469] : memref<80x128xi32, #tpu.memory_space<vmem>> -> memref<1x128xi32, #tpu.memory_space<vmem>>
      %dma_wait3A_471 = tpu.memref_squeeze %dma_wait3A_470 : memref<1x128xi32, #tpu.memory_space<vmem>> -> memref<128xi32, #tpu.memory_space<vmem>>
      %dma_wait3A_472 = arith.constant 0 : i32
      %dma_wait3A_473 = arith.constant 0 : i32
      %dma_wait3A_474 = tpu.memref_slice %arg9[%dma_wait3A_472, %dma_wait3A_473] : memref<10240x16xf32, #tpu.memory_space<vmem_shared>> -> memref<10240x16xf32, #tpu.memory_space<vmem_shared>>
      tpu.wait_indirect_dma semaphore(%arg12 : memref<!tpu.dma_semaphore, #tpu.memory_space<semaphore_mem>>) src(%dma_wait3A_468 : memref<128x16xf32, #tpu.memory_space<vmem>>) dst(%dma_wait3A_474 : memref<10240x16xf32, #tpu.memory_space<vmem_shared>>)
      %dma_wait3A_475 = arith.constant 2 : i32
      %dma_wait3A_476 = arith.constant 0 : i32
      %dma_wait3A_477 = arith.constant 0 : i32
      %dma_wait3A_478 = tpu.memref_slice %arg7[%dma_wait3A_475, %dma_wait3A_476, %dma_wait3A_477] : memref<8x128x16xf32, #tpu.memory_space<vmem>> -> memref<1x128x16xf32, #tpu.memory_space<vmem>>
      %dma_wait3A_479 = tpu.memref_squeeze %dma_wait3A_478 : memref<1x128x16xf32, #tpu.memory_space<vmem>> -> memref<128x16xf32, #tpu.memory_space<vmem>>
      %dma_wait3A_480 = arith.constant 0 : i32
      %dma_wait3A_481 = tpu.memref_slice %arg6[%add3A_376, %dma_wait3A_480] : memref<80x128xi32, #tpu.memory_space<vmem>> -> memref<1x128xi32, #tpu.memory_space<vmem>>
      %dma_wait3A_482 = tpu.memref_squeeze %dma_wait3A_481 : memref<1x128xi32, #tpu.memory_space<vmem>> -> memref<128xi32, #tpu.memory_space<vmem>>
      %dma_wait3A_483 = arith.constant 0 : i32
      %dma_wait3A_484 = arith.constant 0 : i32
      %dma_wait3A_485 = tpu.memref_slice %arg9[%dma_wait3A_483, %dma_wait3A_484] : memref<10240x16xf32, #tpu.memory_space<vmem_shared>> -> memref<10240x16xf32, #tpu.memory_space<vmem_shared>>
      tpu.wait_indirect_dma semaphore(%arg12 : memref<!tpu.dma_semaphore, #tpu.memory_space<semaphore_mem>>) src(%dma_wait3A_479 : memref<128x16xf32, #tpu.memory_space<vmem>>) dst(%dma_wait3A_485 : memref<10240x16xf32, #tpu.memory_space<vmem_shared>>)
      %dma_wait3A_486 = arith.constant 3 : i32
      %dma_wait3A_487 = arith.constant 0 : i32
      %dma_wait3A_488 = arith.constant 0 : i32
      %dma_wait3A_489 = tpu.memref_slice %arg7[%dma_wait3A_486, %dma_wait3A_487, %dma_wait3A_488] : memref<8x128x16xf32, #tpu.memory_space<vmem>> -> memref<1x128x16xf32, #tpu.memory_space<vmem>>
      %dma_wait3A_490 = tpu.memref_squeeze %dma_wait3A_489 : memref<1x128x16xf32, #tpu.memory_space<vmem>> -> memref<128x16xf32, #tpu.memory_space<vmem>>
      %dma_wait3A_491 = arith.constant 0 : i32
      %dma_wait3A_492 = tpu.memref_slice %arg6[%add3A_389, %dma_wait3A_491] : memref<80x128xi32, #tpu.memory_space<vmem>> -> memref<1x128xi32, #tpu.memory_space<vmem>>
      %dma_wait3A_493 = tpu.memref_squeeze %dma_wait3A_492 : memref<1x128xi32, #tpu.memory_space<vmem>> -> memref<128xi32, #tpu.memory_space<vmem>>
      %dma_wait3A_494 = arith.constant 0 : i32
      %dma_wait3A_495 = arith.constant 0 : i32
      %dma_wait3A_496 = tpu.memref_slice %arg9[%dma_wait3A_494, %dma_wait3A_495] : memref<10240x16xf32, #tpu.memory_space<vmem_shared>> -> memref<10240x16xf32, #tpu.memory_space<vmem_shared>>
      tpu.wait_indirect_dma semaphore(%arg12 : memref<!tpu.dma_semaphore, #tpu.memory_space<semaphore_mem>>) src(%dma_wait3A_490 : memref<128x16xf32, #tpu.memory_space<vmem>>) dst(%dma_wait3A_496 : memref<10240x16xf32, #tpu.memory_space<vmem_shared>>)
      %dma_wait3A_497 = arith.constant 4 : i32
      %dma_wait3A_498 = arith.constant 0 : i32
      %dma_wait3A_499 = arith.constant 0 : i32
      %dma_wait3A_500 = tpu.memref_slice %arg7[%dma_wait3A_497, %dma_wait3A_498, %dma_wait3A_499] : memref<8x128x16xf32, #tpu.memory_space<vmem>> -> memref<1x128x16xf32, #tpu.memory_space<vmem>>
      %dma_wait3A_501 = tpu.memref_squeeze %dma_wait3A_500 : memref<1x128x16xf32, #tpu.memory_space<vmem>> -> memref<128x16xf32, #tpu.memory_space<vmem>>
      %dma_wait3A_502 = arith.constant 0 : i32
      %dma_wait3A_503 = tpu.memref_slice %arg6[%add3A_402, %dma_wait3A_502] : memref<80x128xi32, #tpu.memory_space<vmem>> -> memref<1x128xi32, #tpu.memory_space<vmem>>
      %dma_wait3A_504 = tpu.memref_squeeze %dma_wait3A_503 : memref<1x128xi32, #tpu.memory_space<vmem>> -> memref<128xi32, #tpu.memory_space<vmem>>
      %dma_wait3A_505 = arith.constant 0 : i32
      %dma_wait3A_506 = arith.constant 0 : i32
      %dma_wait3A_507 = tpu.memref_slice %arg9[%dma_wait3A_505, %dma_wait3A_506] : memref<10240x16xf32, #tpu.memory_space<vmem_shared>> -> memref<10240x16xf32, #tpu.memory_space<vmem_shared>>
      tpu.wait_indirect_dma semaphore(%arg12 : memref<!tpu.dma_semaphore, #tpu.memory_space<semaphore_mem>>) src(%dma_wait3A_501 : memref<128x16xf32, #tpu.memory_space<vmem>>) dst(%dma_wait3A_507 : memref<10240x16xf32, #tpu.memory_space<vmem_shared>>)
      %dma_wait3A_508 = arith.constant 5 : i32
      %dma_wait3A_509 = arith.constant 0 : i32
      %dma_wait3A_510 = arith.constant 0 : i32
      %dma_wait3A_511 = tpu.memref_slice %arg7[%dma_wait3A_508, %dma_wait3A_509, %dma_wait3A_510] : memref<8x128x16xf32, #tpu.memory_space<vmem>> -> memref<1x128x16xf32, #tpu.memory_space<vmem>>
      %dma_wait3A_512 = tpu.memref_squeeze %dma_wait3A_511 : memref<1x128x16xf32, #tpu.memory_space<vmem>> -> memref<128x16xf32, #tpu.memory_space<vmem>>
      %dma_wait3A_513 = arith.constant 0 : i32
      %dma_wait3A_514 = tpu.memref_slice %arg6[%add3A_415, %dma_wait3A_513] : memref<80x128xi32, #tpu.memory_space<vmem>> -> memref<1x128xi32, #tpu.memory_space<vmem>>
      %dma_wait3A_515 = tpu.memref_squeeze %dma_wait3A_514 : memref<1x128xi32, #tpu.memory_space<vmem>> -> memref<128xi32, #tpu.memory_space<vmem>>
      %dma_wait3A_516 = arith.constant 0 : i32
      %dma_wait3A_517 = arith.constant 0 : i32
      %dma_wait3A_518 = tpu.memref_slice %arg9[%dma_wait3A_516, %dma_wait3A_517] : memref<10240x16xf32, #tpu.memory_space<vmem_shared>> -> memref<10240x16xf32, #tpu.memory_space<vmem_shared>>
      tpu.wait_indirect_dma semaphore(%arg12 : memref<!tpu.dma_semaphore, #tpu.memory_space<semaphore_mem>>) src(%dma_wait3A_512 : memref<128x16xf32, #tpu.memory_space<vmem>>) dst(%dma_wait3A_518 : memref<10240x16xf32, #tpu.memory_space<vmem_shared>>)
      %dma_wait3A_519 = arith.constant 6 : i32
      %dma_wait3A_520 = arith.constant 0 : i32
      %dma_wait3A_521 = arith.constant 0 : i32
      %dma_wait3A_522 = tpu.memref_slice %arg7[%dma_wait3A_519, %dma_wait3A_520, %dma_wait3A_521] : memref<8x128x16xf32, #tpu.memory_space<vmem>> -> memref<1x128x16xf32, #tpu.memory_space<vmem>>
      %dma_wait3A_523 = tpu.memref_squeeze %dma_wait3A_522 : memref<1x128x16xf32, #tpu.memory_space<vmem>> -> memref<128x16xf32, #tpu.memory_space<vmem>>
      %dma_wait3A_524 = arith.constant 0 : i32
      %dma_wait3A_525 = tpu.memref_slice %arg6[%add3A_428, %dma_wait3A_524] : memref<80x128xi32, #tpu.memory_space<vmem>> -> memref<1x128xi32, #tpu.memory_space<vmem>>
      %dma_wait3A_526 = tpu.memref_squeeze %dma_wait3A_525 : memref<1x128xi32, #tpu.memory_space<vmem>> -> memref<128xi32, #tpu.memory_space<vmem>>
      %dma_wait3A_527 = arith.constant 0 : i32
      %dma_wait3A_528 = arith.constant 0 : i32
      %dma_wait3A_529 = tpu.memref_slice %arg9[%dma_wait3A_527, %dma_wait3A_528] : memref<10240x16xf32, #tpu.memory_space<vmem_shared>> -> memref<10240x16xf32, #tpu.memory_space<vmem_shared>>
      tpu.wait_indirect_dma semaphore(%arg12 : memref<!tpu.dma_semaphore, #tpu.memory_space<semaphore_mem>>) src(%dma_wait3A_523 : memref<128x16xf32, #tpu.memory_space<vmem>>) dst(%dma_wait3A_529 : memref<10240x16xf32, #tpu.memory_space<vmem_shared>>)
      %dma_wait3A_530 = arith.constant 7 : i32
      %dma_wait3A_531 = arith.constant 0 : i32
      %dma_wait3A_532 = arith.constant 0 : i32
      %dma_wait3A_533 = tpu.memref_slice %arg7[%dma_wait3A_530, %dma_wait3A_531, %dma_wait3A_532] : memref<8x128x16xf32, #tpu.memory_space<vmem>> -> memref<1x128x16xf32, #tpu.memory_space<vmem>>
      %dma_wait3A_534 = tpu.memref_squeeze %dma_wait3A_533 : memref<1x128x16xf32, #tpu.memory_space<vmem>> -> memref<128x16xf32, #tpu.memory_space<vmem>>
      %dma_wait3A_535 = arith.constant 0 : i32
      %dma_wait3A_536 = tpu.memref_slice %arg6[%add3A_441, %dma_wait3A_535] : memref<80x128xi32, #tpu.memory_space<vmem>> -> memref<1x128xi32, #tpu.memory_space<vmem>>
      %dma_wait3A_537 = tpu.memref_squeeze %dma_wait3A_536 : memref<1x128xi32, #tpu.memory_space<vmem>> -> memref<128xi32, #tpu.memory_space<vmem>>
      %dma_wait3A_538 = arith.constant 0 : i32
      %dma_wait3A_539 = arith.constant 0 : i32
      %dma_wait3A_540 = tpu.memref_slice %arg9[%dma_wait3A_538, %dma_wait3A_539] : memref<10240x16xf32, #tpu.memory_space<vmem_shared>> -> memref<10240x16xf32, #tpu.memory_space<vmem_shared>>
      tpu.wait_indirect_dma semaphore(%arg12 : memref<!tpu.dma_semaphore, #tpu.memory_space<semaphore_mem>>) src(%dma_wait3A_534 : memref<128x16xf32, #tpu.memory_space<vmem>>) dst(%dma_wait3A_540 : memref<10240x16xf32, #tpu.memory_space<vmem_shared>>)
      %lt3A = arith.constant 4 : i32
      %lt3A_541 = arith.cmpi slt, %scan3A_143, %lt3A : i32
      %convert_element_type3A = arith.extui %lt3A_541 : i1 to i32
      %cond3A = arith.constant 0 : i32
      %cond3A_542 = arith.cmpi ne, %convert_element_type3A, %cond3A : i32
      scf.if %cond3A_542 {
        %add3A_833 = arith.constant 16 : i32
        %add3A_834 = arith.addi %mul3A_147, %add3A_833 : i32
        %add3A_835 = arith.constant 0 : i32
        %add3A_836 = arith.addi %add3A_834, %add3A_835 : i32
        %dma_start3A_837 = arith.constant 0 : i32
        %dma_start3A_838 = arith.constant 0 : i32
        %dma_start3A_839 = arith.constant 0 : i32
        %dma_start3A_840 = tpu.memref_slice %arg7[%dma_start3A_837, %dma_start3A_838, %dma_start3A_839] : memref<8x128x16xf32, #tpu.memory_space<vmem>> -> memref<1x128x16xf32, #tpu.memory_space<vmem>>
        %dma_start3A_841 = tpu.memref_squeeze %dma_start3A_840 : memref<1x128x16xf32, #tpu.memory_space<vmem>> -> memref<128x16xf32, #tpu.memory_space<vmem>>
        %dma_start3A_842 = arith.constant 0 : i32
        %dma_start3A_843 = tpu.memref_slice %arg5[%add3A_836, %dma_start3A_842] : memref<80x128xi32, #tpu.memory_space<vmem>> -> memref<1x128xi32, #tpu.memory_space<vmem>>
        %dma_start3A_844 = tpu.memref_squeeze %dma_start3A_843 : memref<1x128xi32, #tpu.memory_space<vmem>> -> memref<128xi32, #tpu.memory_space<vmem>>
        %dma_start3A_845 = arith.constant 0 : i32
        %dma_start3A_846 = arith.constant 0 : i32
        %dma_start3A_847 = tpu.memref_slice %arg3[%dma_start3A_845, %dma_start3A_846] : memref<10240x16xf32, #tpu.memory_space<hbm>> -> memref<10240x16xf32, #tpu.memory_space<hbm>>
        tpu.enqueue_indirect_dma source(%dma_start3A_847 : memref<10240x16xf32, #tpu.memory_space<hbm>>) target(%dma_start3A_841 : memref<128x16xf32, #tpu.memory_space<vmem>>) offsets(%dma_start3A_844 : memref<128xi32, #tpu.memory_space<vmem>>) semaphore(%arg10 : memref<!tpu.dma_semaphore, #tpu.memory_space<semaphore_mem>>)
        %add3A_848 = arith.constant 1 : i32
        %add3A_849 = arith.addi %add3A_834, %add3A_848 : i32
        %dma_start3A_850 = arith.constant 1 : i32
        %dma_start3A_851 = arith.constant 0 : i32
        %dma_start3A_852 = arith.constant 0 : i32
        %dma_start3A_853 = tpu.memref_slice %arg7[%dma_start3A_850, %dma_start3A_851, %dma_start3A_852] : memref<8x128x16xf32, #tpu.memory_space<vmem>> -> memref<1x128x16xf32, #tpu.memory_space<vmem>>
        %dma_start3A_854 = tpu.memref_squeeze %dma_start3A_853 : memref<1x128x16xf32, #tpu.memory_space<vmem>> -> memref<128x16xf32, #tpu.memory_space<vmem>>
        %dma_start3A_855 = arith.constant 0 : i32
        %dma_start3A_856 = tpu.memref_slice %arg5[%add3A_849, %dma_start3A_855] : memref<80x128xi32, #tpu.memory_space<vmem>> -> memref<1x128xi32, #tpu.memory_space<vmem>>
        %dma_start3A_857 = tpu.memref_squeeze %dma_start3A_856 : memref<1x128xi32, #tpu.memory_space<vmem>> -> memref<128xi32, #tpu.memory_space<vmem>>
        %dma_start3A_858 = arith.constant 0 : i32
        %dma_start3A_859 = arith.constant 0 : i32
        %dma_start3A_860 = tpu.memref_slice %arg3[%dma_start3A_858, %dma_start3A_859] : memref<10240x16xf32, #tpu.memory_space<hbm>> -> memref<10240x16xf32, #tpu.memory_space<hbm>>
        tpu.enqueue_indirect_dma source(%dma_start3A_860 : memref<10240x16xf32, #tpu.memory_space<hbm>>) target(%dma_start3A_854 : memref<128x16xf32, #tpu.memory_space<vmem>>) offsets(%dma_start3A_857 : memref<128xi32, #tpu.memory_space<vmem>>) semaphore(%arg10 : memref<!tpu.dma_semaphore, #tpu.memory_space<semaphore_mem>>)
        %add3A_861 = arith.constant 2 : i32
        %add3A_862 = arith.addi %add3A_834, %add3A_861 : i32
        %dma_start3A_863 = arith.constant 2 : i32
        %dma_start3A_864 = arith.constant 0 : i32
        %dma_start3A_865 = arith.constant 0 : i32
        %dma_start3A_866 = tpu.memref_slice %arg7[%dma_start3A_863, %dma_start3A_864, %dma_start3A_865] : memref<8x128x16xf32, #tpu.memory_space<vmem>> -> memref<1x128x16xf32, #tpu.memory_space<vmem>>
        %dma_start3A_867 = tpu.memref_squeeze %dma_start3A_866 : memref<1x128x16xf32, #tpu.memory_space<vmem>> -> memref<128x16xf32, #tpu.memory_space<vmem>>
        %dma_start3A_868 = arith.constant 0 : i32
        %dma_start3A_869 = tpu.memref_slice %arg5[%add3A_862, %dma_start3A_868] : memref<80x128xi32, #tpu.memory_space<vmem>> -> memref<1x128xi32, #tpu.memory_space<vmem>>
        %dma_start3A_870 = tpu.memref_squeeze %dma_start3A_869 : memref<1x128xi32, #tpu.memory_space<vmem>> -> memref<128xi32, #tpu.memory_space<vmem>>
        %dma_start3A_871 = arith.constant 0 : i32
        %dma_start3A_872 = arith.constant 0 : i32
        %dma_start3A_873 = tpu.memref_slice %arg3[%dma_start3A_871, %dma_start3A_872] : memref<10240x16xf32, #tpu.memory_space<hbm>> -> memref<10240x16xf32, #tpu.memory_space<hbm>>
        tpu.enqueue_indirect_dma source(%dma_start3A_873 : memref<10240x16xf32, #tpu.memory_space<hbm>>) target(%dma_start3A_867 : memref<128x16xf32, #tpu.memory_space<vmem>>) offsets(%dma_start3A_870 : memref<128xi32, #tpu.memory_space<vmem>>) semaphore(%arg10 : memref<!tpu.dma_semaphore, #tpu.memory_space<semaphore_mem>>)
        %add3A_874 = arith.constant 3 : i32
        %add3A_875 = arith.addi %add3A_834, %add3A_874 : i32
        %dma_start3A_876 = arith.constant 3 : i32
        %dma_start3A_877 = arith.constant 0 : i32
        %dma_start3A_878 = arith.constant 0 : i32
        %dma_start3A_879 = tpu.memref_slice %arg7[%dma_start3A_876, %dma_start3A_877, %dma_start3A_878] : memref<8x128x16xf32, #tpu.memory_space<vmem>> -> memref<1x128x16xf32, #tpu.memory_space<vmem>>
        %dma_start3A_880 = tpu.memref_squeeze %dma_start3A_879 : memref<1x128x16xf32, #tpu.memory_space<vmem>> -> memref<128x16xf32, #tpu.memory_space<vmem>>
        %dma_start3A_881 = arith.constant 0 : i32
        %dma_start3A_882 = tpu.memref_slice %arg5[%add3A_875, %dma_start3A_881] : memref<80x128xi32, #tpu.memory_space<vmem>> -> memref<1x128xi32, #tpu.memory_space<vmem>>
        %dma_start3A_883 = tpu.memref_squeeze %dma_start3A_882 : memref<1x128xi32, #tpu.memory_space<vmem>> -> memref<128xi32, #tpu.memory_space<vmem>>
        %dma_start3A_884 = arith.constant 0 : i32
        %dma_start3A_885 = arith.constant 0 : i32
        %dma_start3A_886 = tpu.memref_slice %arg3[%dma_start3A_884, %dma_start3A_885] : memref<10240x16xf32, #tpu.memory_space<hbm>> -> memref<10240x16xf32, #tpu.memory_space<hbm>>
        tpu.enqueue_indirect_dma source(%dma_start3A_886 : memref<10240x16xf32, #tpu.memory_space<hbm>>) target(%dma_start3A_880 : memref<128x16xf32, #tpu.memory_space<vmem>>) offsets(%dma_start3A_883 : memref<128xi32, #tpu.memory_space<vmem>>) semaphore(%arg10 : memref<!tpu.dma_semaphore, #tpu.memory_space<semaphore_mem>>)
        %add3A_887 = arith.constant 4 : i32
        %add3A_888 = arith.addi %add3A_834, %add3A_887 : i32
        %dma_start3A_889 = arith.constant 4 : i32
        %dma_start3A_890 = arith.constant 0 : i32
        %dma_start3A_891 = arith.constant 0 : i32
        %dma_start3A_892 = tpu.memref_slice %arg7[%dma_start3A_889, %dma_start3A_890, %dma_start3A_891] : memref<8x128x16xf32, #tpu.memory_space<vmem>> -> memref<1x128x16xf32, #tpu.memory_space<vmem>>
        %dma_start3A_893 = tpu.memref_squeeze %dma_start3A_892 : memref<1x128x16xf32, #tpu.memory_space<vmem>> -> memref<128x16xf32, #tpu.memory_space<vmem>>
        %dma_start3A_894 = arith.constant 0 : i32
        %dma_start3A_895 = tpu.memref_slice %arg5[%add3A_888, %dma_start3A_894] : memref<80x128xi32, #tpu.memory_space<vmem>> -> memref<1x128xi32, #tpu.memory_space<vmem>>
        %dma_start3A_896 = tpu.memref_squeeze %dma_start3A_895 : memref<1x128xi32, #tpu.memory_space<vmem>> -> memref<128xi32, #tpu.memory_space<vmem>>
        %dma_start3A_897 = arith.constant 0 : i32
        %dma_start3A_898 = arith.constant 0 : i32
        %dma_start3A_899 = tpu.memref_slice %arg3[%dma_start3A_897, %dma_start3A_898] : memref<10240x16xf32, #tpu.memory_space<hbm>> -> memref<10240x16xf32, #tpu.memory_space<hbm>>
        tpu.enqueue_indirect_dma source(%dma_start3A_899 : memref<10240x16xf32, #tpu.memory_space<hbm>>) target(%dma_start3A_893 : memref<128x16xf32, #tpu.memory_space<vmem>>) offsets(%dma_start3A_896 : memref<128xi32, #tpu.memory_space<vmem>>) semaphore(%arg10 : memref<!tpu.dma_semaphore, #tpu.memory_space<semaphore_mem>>)
        %add3A_900 = arith.constant 5 : i32
        %add3A_901 = arith.addi %add3A_834, %add3A_900 : i32
        %dma_start3A_902 = arith.constant 5 : i32
        %dma_start3A_903 = arith.constant 0 : i32
        %dma_start3A_904 = arith.constant 0 : i32
        %dma_start3A_905 = tpu.memref_slice %arg7[%dma_start3A_902, %dma_start3A_903, %dma_start3A_904] : memref<8x128x16xf32, #tpu.memory_space<vmem>> -> memref<1x128x16xf32, #tpu.memory_space<vmem>>
        %dma_start3A_906 = tpu.memref_squeeze %dma_start3A_905 : memref<1x128x16xf32, #tpu.memory_space<vmem>> -> memref<128x16xf32, #tpu.memory_space<vmem>>
        %dma_start3A_907 = arith.constant 0 : i32
        %dma_start3A_908 = tpu.memref_slice %arg5[%add3A_901, %dma_start3A_907] : memref<80x128xi32, #tpu.memory_space<vmem>> -> memref<1x128xi32, #tpu.memory_space<vmem>>
        %dma_start3A_909 = tpu.memref_squeeze %dma_start3A_908 : memref<1x128xi32, #tpu.memory_space<vmem>> -> memref<128xi32, #tpu.memory_space<vmem>>
        %dma_start3A_910 = arith.constant 0 : i32
        %dma_start3A_911 = arith.constant 0 : i32
        %dma_start3A_912 = tpu.memref_slice %arg3[%dma_start3A_910, %dma_start3A_911] : memref<10240x16xf32, #tpu.memory_space<hbm>> -> memref<10240x16xf32, #tpu.memory_space<hbm>>
        tpu.enqueue_indirect_dma source(%dma_start3A_912 : memref<10240x16xf32, #tpu.memory_space<hbm>>) target(%dma_start3A_906 : memref<128x16xf32, #tpu.memory_space<vmem>>) offsets(%dma_start3A_909 : memref<128xi32, #tpu.memory_space<vmem>>) semaphore(%arg10 : memref<!tpu.dma_semaphore, #tpu.memory_space<semaphore_mem>>)
        %add3A_913 = arith.constant 6 : i32
        %add3A_914 = arith.addi %add3A_834, %add3A_913 : i32
        %dma_start3A_915 = arith.constant 6 : i32
        %dma_start3A_916 = arith.constant 0 : i32
        %dma_start3A_917 = arith.constant 0 : i32
        %dma_start3A_918 = tpu.memref_slice %arg7[%dma_start3A_915, %dma_start3A_916, %dma_start3A_917] : memref<8x128x16xf32, #tpu.memory_space<vmem>> -> memref<1x128x16xf32, #tpu.memory_space<vmem>>
        %dma_start3A_919 = tpu.memref_squeeze %dma_start3A_918 : memref<1x128x16xf32, #tpu.memory_space<vmem>> -> memref<128x16xf32, #tpu.memory_space<vmem>>
        %dma_start3A_920 = arith.constant 0 : i32
        %dma_start3A_921 = tpu.memref_slice %arg5[%add3A_914, %dma_start3A_920] : memref<80x128xi32, #tpu.memory_space<vmem>> -> memref<1x128xi32, #tpu.memory_space<vmem>>
        %dma_start3A_922 = tpu.memref_squeeze %dma_start3A_921 : memref<1x128xi32, #tpu.memory_space<vmem>> -> memref<128xi32, #tpu.memory_space<vmem>>
        %dma_start3A_923 = arith.constant 0 : i32
        %dma_start3A_924 = arith.constant 0 : i32
        %dma_start3A_925 = tpu.memref_slice %arg3[%dma_start3A_923, %dma_start3A_924] : memref<10240x16xf32, #tpu.memory_space<hbm>> -> memref<10240x16xf32, #tpu.memory_space<hbm>>
        tpu.enqueue_indirect_dma source(%dma_start3A_925 : memref<10240x16xf32, #tpu.memory_space<hbm>>) target(%dma_start3A_919 : memref<128x16xf32, #tpu.memory_space<vmem>>) offsets(%dma_start3A_922 : memref<128xi32, #tpu.memory_space<vmem>>) semaphore(%arg10 : memref<!tpu.dma_semaphore, #tpu.memory_space<semaphore_mem>>)
        %add3A_926 = arith.constant 7 : i32
        %add3A_927 = arith.addi %add3A_834, %add3A_926 : i32
        %dma_start3A_928 = arith.constant 7 : i32
        %dma_start3A_929 = arith.constant 0 : i32
        %dma_start3A_930 = arith.constant 0 : i32
        %dma_start3A_931 = tpu.memref_slice %arg7[%dma_start3A_928, %dma_start3A_929, %dma_start3A_930] : memref<8x128x16xf32, #tpu.memory_space<vmem>> -> memref<1x128x16xf32, #tpu.memory_space<vmem>>
        %dma_start3A_932 = tpu.memref_squeeze %dma_start3A_931 : memref<1x128x16xf32, #tpu.memory_space<vmem>> -> memref<128x16xf32, #tpu.memory_space<vmem>>
        %dma_start3A_933 = arith.constant 0 : i32
        %dma_start3A_934 = tpu.memref_slice %arg5[%add3A_927, %dma_start3A_933] : memref<80x128xi32, #tpu.memory_space<vmem>> -> memref<1x128xi32, #tpu.memory_space<vmem>>
        %dma_start3A_935 = tpu.memref_squeeze %dma_start3A_934 : memref<1x128xi32, #tpu.memory_space<vmem>> -> memref<128xi32, #tpu.memory_space<vmem>>
        %dma_start3A_936 = arith.constant 0 : i32
        %dma_start3A_937 = arith.constant 0 : i32
        %dma_start3A_938 = tpu.memref_slice %arg3[%dma_start3A_936, %dma_start3A_937] : memref<10240x16xf32, #tpu.memory_space<hbm>> -> memref<10240x16xf32, #tpu.memory_space<hbm>>
        tpu.enqueue_indirect_dma source(%dma_start3A_938 : memref<10240x16xf32, #tpu.memory_space<hbm>>) target(%dma_start3A_932 : memref<128x16xf32, #tpu.memory_space<vmem>>) offsets(%dma_start3A_935 : memref<128xi32, #tpu.memory_space<vmem>>) semaphore(%arg10 : memref<!tpu.dma_semaphore, #tpu.memory_space<semaphore_mem>>)
      } else {
      }
      %dma_wait3A_543 = arith.constant 0 : i32
      %dma_wait3A_544 = arith.constant 0 : i32
      %dma_wait3A_545 = arith.constant 0 : i32
      %dma_wait3A_546 = arith.constant 0 : i32
      %dma_wait3A_547 = tpu.memref_slice %arg8[%dma_wait3A_544, %dma_wait3A_545, %dma_wait3A_546] : memref<8x128x16xf32, #tpu.memory_space<vmem>> -> memref<1x128x16xf32, #tpu.memory_space<vmem>>
      %dma_wait3A_548 = tpu.memref_squeeze %dma_wait3A_547 : memref<1x128x16xf32, #tpu.memory_space<vmem>> -> memref<128x16xf32, #tpu.memory_space<vmem>>
      %dma_wait3A_549 = arith.constant 0 : i32
      %dma_wait3A_550 = tpu.memref_slice %arg5[%dma_wait3A_543, %dma_wait3A_549] : memref<80x128xi32, #tpu.memory_space<vmem>> -> memref<1x128xi32, #tpu.memory_space<vmem>>
      %dma_wait3A_551 = tpu.memref_squeeze %dma_wait3A_550 : memref<1x128xi32, #tpu.memory_space<vmem>> -> memref<128xi32, #tpu.memory_space<vmem>>
      %dma_wait3A_552 = arith.constant 0 : i32
      %dma_wait3A_553 = arith.constant 0 : i32
      %dma_wait3A_554 = tpu.memref_slice %arg3[%dma_wait3A_552, %dma_wait3A_553] : memref<10240x16xf32, #tpu.memory_space<hbm>> -> memref<10240x16xf32, #tpu.memory_space<hbm>>
      tpu.wait_indirect_dma semaphore(%arg11 : memref<!tpu.dma_semaphore, #tpu.memory_space<semaphore_mem>>) src(%dma_wait3A_554 : memref<10240x16xf32, #tpu.memory_space<hbm>>) dst(%dma_wait3A_548 : memref<128x16xf32, #tpu.memory_space<vmem>>)
      %dma_wait3A_555 = arith.constant 0 : i32
      %dma_wait3A_556 = arith.constant 1 : i32
      %dma_wait3A_557 = arith.constant 0 : i32
      %dma_wait3A_558 = arith.constant 0 : i32
      %dma_wait3A_559 = tpu.memref_slice %arg8[%dma_wait3A_556, %dma_wait3A_557, %dma_wait3A_558] : memref<8x128x16xf32, #tpu.memory_space<vmem>> -> memref<1x128x16xf32, #tpu.memory_space<vmem>>
      %dma_wait3A_560 = tpu.memref_squeeze %dma_wait3A_559 : memref<1x128x16xf32, #tpu.memory_space<vmem>> -> memref<128x16xf32, #tpu.memory_space<vmem>>
      %dma_wait3A_561 = arith.constant 0 : i32
      %dma_wait3A_562 = tpu.memref_slice %arg5[%dma_wait3A_555, %dma_wait3A_561] : memref<80x128xi32, #tpu.memory_space<vmem>> -> memref<1x128xi32, #tpu.memory_space<vmem>>
      %dma_wait3A_563 = tpu.memref_squeeze %dma_wait3A_562 : memref<1x128xi32, #tpu.memory_space<vmem>> -> memref<128xi32, #tpu.memory_space<vmem>>
      %dma_wait3A_564 = arith.constant 0 : i32
      %dma_wait3A_565 = arith.constant 0 : i32
      %dma_wait3A_566 = tpu.memref_slice %arg3[%dma_wait3A_564, %dma_wait3A_565] : memref<10240x16xf32, #tpu.memory_space<hbm>> -> memref<10240x16xf32, #tpu.memory_space<hbm>>
      tpu.wait_indirect_dma semaphore(%arg11 : memref<!tpu.dma_semaphore, #tpu.memory_space<semaphore_mem>>) src(%dma_wait3A_566 : memref<10240x16xf32, #tpu.memory_space<hbm>>) dst(%dma_wait3A_560 : memref<128x16xf32, #tpu.memory_space<vmem>>)
      %dma_wait3A_567 = arith.constant 0 : i32
      %dma_wait3A_568 = arith.constant 2 : i32
      %dma_wait3A_569 = arith.constant 0 : i32
      %dma_wait3A_570 = arith.constant 0 : i32
      %dma_wait3A_571 = tpu.memref_slice %arg8[%dma_wait3A_568, %dma_wait3A_569, %dma_wait3A_570] : memref<8x128x16xf32, #tpu.memory_space<vmem>> -> memref<1x128x16xf32, #tpu.memory_space<vmem>>
      %dma_wait3A_572 = tpu.memref_squeeze %dma_wait3A_571 : memref<1x128x16xf32, #tpu.memory_space<vmem>> -> memref<128x16xf32, #tpu.memory_space<vmem>>
      %dma_wait3A_573 = arith.constant 0 : i32
      %dma_wait3A_574 = tpu.memref_slice %arg5[%dma_wait3A_567, %dma_wait3A_573] : memref<80x128xi32, #tpu.memory_space<vmem>> -> memref<1x128xi32, #tpu.memory_space<vmem>>
      %dma_wait3A_575 = tpu.memref_squeeze %dma_wait3A_574 : memref<1x128xi32, #tpu.memory_space<vmem>> -> memref<128xi32, #tpu.memory_space<vmem>>
      %dma_wait3A_576 = arith.constant 0 : i32
      %dma_wait3A_577 = arith.constant 0 : i32
      %dma_wait3A_578 = tpu.memref_slice %arg3[%dma_wait3A_576, %dma_wait3A_577] : memref<10240x16xf32, #tpu.memory_space<hbm>> -> memref<10240x16xf32, #tpu.memory_space<hbm>>
      tpu.wait_indirect_dma semaphore(%arg11 : memref<!tpu.dma_semaphore, #tpu.memory_space<semaphore_mem>>) src(%dma_wait3A_578 : memref<10240x16xf32, #tpu.memory_space<hbm>>) dst(%dma_wait3A_572 : memref<128x16xf32, #tpu.memory_space<vmem>>)
      %dma_wait3A_579 = arith.constant 0 : i32
      %dma_wait3A_580 = arith.constant 3 : i32
      %dma_wait3A_581 = arith.constant 0 : i32
      %dma_wait3A_582 = arith.constant 0 : i32
      %dma_wait3A_583 = tpu.memref_slice %arg8[%dma_wait3A_580, %dma_wait3A_581, %dma_wait3A_582] : memref<8x128x16xf32, #tpu.memory_space<vmem>> -> memref<1x128x16xf32, #tpu.memory_space<vmem>>
      %dma_wait3A_584 = tpu.memref_squeeze %dma_wait3A_583 : memref<1x128x16xf32, #tpu.memory_space<vmem>> -> memref<128x16xf32, #tpu.memory_space<vmem>>
      %dma_wait3A_585 = arith.constant 0 : i32
      %dma_wait3A_586 = tpu.memref_slice %arg5[%dma_wait3A_579, %dma_wait3A_585] : memref<80x128xi32, #tpu.memory_space<vmem>> -> memref<1x128xi32, #tpu.memory_space<vmem>>
      %dma_wait3A_587 = tpu.memref_squeeze %dma_wait3A_586 : memref<1x128xi32, #tpu.memory_space<vmem>> -> memref<128xi32, #tpu.memory_space<vmem>>
      %dma_wait3A_588 = arith.constant 0 : i32
      %dma_wait3A_589 = arith.constant 0 : i32
      %dma_wait3A_590 = tpu.memref_slice %arg3[%dma_wait3A_588, %dma_wait3A_589] : memref<10240x16xf32, #tpu.memory_space<hbm>> -> memref<10240x16xf32, #tpu.memory_space<hbm>>
      tpu.wait_indirect_dma semaphore(%arg11 : memref<!tpu.dma_semaphore, #tpu.memory_space<semaphore_mem>>) src(%dma_wait3A_590 : memref<10240x16xf32, #tpu.memory_space<hbm>>) dst(%dma_wait3A_584 : memref<128x16xf32, #tpu.memory_space<vmem>>)
      %dma_wait3A_591 = arith.constant 0 : i32
      %dma_wait3A_592 = arith.constant 4 : i32
      %dma_wait3A_593 = arith.constant 0 : i32
      %dma_wait3A_594 = arith.constant 0 : i32
      %dma_wait3A_595 = tpu.memref_slice %arg8[%dma_wait3A_592, %dma_wait3A_593, %dma_wait3A_594] : memref<8x128x16xf32, #tpu.memory_space<vmem>> -> memref<1x128x16xf32, #tpu.memory_space<vmem>>
      %dma_wait3A_596 = tpu.memref_squeeze %dma_wait3A_595 : memref<1x128x16xf32, #tpu.memory_space<vmem>> -> memref<128x16xf32, #tpu.memory_space<vmem>>
      %dma_wait3A_597 = arith.constant 0 : i32
      %dma_wait3A_598 = tpu.memref_slice %arg5[%dma_wait3A_591, %dma_wait3A_597] : memref<80x128xi32, #tpu.memory_space<vmem>> -> memref<1x128xi32, #tpu.memory_space<vmem>>
      %dma_wait3A_599 = tpu.memref_squeeze %dma_wait3A_598 : memref<1x128xi32, #tpu.memory_space<vmem>> -> memref<128xi32, #tpu.memory_space<vmem>>
      %dma_wait3A_600 = arith.constant 0 : i32
      %dma_wait3A_601 = arith.constant 0 : i32
      %dma_wait3A_602 = tpu.memref_slice %arg3[%dma_wait3A_600, %dma_wait3A_601] : memref<10240x16xf32, #tpu.memory_space<hbm>> -> memref<10240x16xf32, #tpu.memory_space<hbm>>
      tpu.wait_indirect_dma semaphore(%arg11 : memref<!tpu.dma_semaphore, #tpu.memory_space<semaphore_mem>>) src(%dma_wait3A_602 : memref<10240x16xf32, #tpu.memory_space<hbm>>) dst(%dma_wait3A_596 : memref<128x16xf32, #tpu.memory_space<vmem>>)
      %dma_wait3A_603 = arith.constant 0 : i32
      %dma_wait3A_604 = arith.constant 5 : i32
      %dma_wait3A_605 = arith.constant 0 : i32
      %dma_wait3A_606 = arith.constant 0 : i32
      %dma_wait3A_607 = tpu.memref_slice %arg8[%dma_wait3A_604, %dma_wait3A_605, %dma_wait3A_606] : memref<8x128x16xf32, #tpu.memory_space<vmem>> -> memref<1x128x16xf32, #tpu.memory_space<vmem>>
      %dma_wait3A_608 = tpu.memref_squeeze %dma_wait3A_607 : memref<1x128x16xf32, #tpu.memory_space<vmem>> -> memref<128x16xf32, #tpu.memory_space<vmem>>
      %dma_wait3A_609 = arith.constant 0 : i32
      %dma_wait3A_610 = tpu.memref_slice %arg5[%dma_wait3A_603, %dma_wait3A_609] : memref<80x128xi32, #tpu.memory_space<vmem>> -> memref<1x128xi32, #tpu.memory_space<vmem>>
      %dma_wait3A_611 = tpu.memref_squeeze %dma_wait3A_610 : memref<1x128xi32, #tpu.memory_space<vmem>> -> memref<128xi32, #tpu.memory_space<vmem>>
      %dma_wait3A_612 = arith.constant 0 : i32
      %dma_wait3A_613 = arith.constant 0 : i32
      %dma_wait3A_614 = tpu.memref_slice %arg3[%dma_wait3A_612, %dma_wait3A_613] : memref<10240x16xf32, #tpu.memory_space<hbm>> -> memref<10240x16xf32, #tpu.memory_space<hbm>>
      tpu.wait_indirect_dma semaphore(%arg11 : memref<!tpu.dma_semaphore, #tpu.memory_space<semaphore_mem>>) src(%dma_wait3A_614 : memref<10240x16xf32, #tpu.memory_space<hbm>>) dst(%dma_wait3A_608 : memref<128x16xf32, #tpu.memory_space<vmem>>)
      %dma_wait3A_615 = arith.constant 0 : i32
      %dma_wait3A_616 = arith.constant 6 : i32
      %dma_wait3A_617 = arith.constant 0 : i32
      %dma_wait3A_618 = arith.constant 0 : i32
      %dma_wait3A_619 = tpu.memref_slice %arg8[%dma_wait3A_616, %dma_wait3A_617, %dma_wait3A_618] : memref<8x128x16xf32, #tpu.memory_space<vmem>> -> memref<1x128x16xf32, #tpu.memory_space<vmem>>
      %dma_wait3A_620 = tpu.memref_squeeze %dma_wait3A_619 : memref<1x128x16xf32, #tpu.memory_space<vmem>> -> memref<128x16xf32, #tpu.memory_space<vmem>>
      %dma_wait3A_621 = arith.constant 0 : i32
      %dma_wait3A_622 = tpu.memref_slice %arg5[%dma_wait3A_615, %dma_wait3A_621] : memref<80x128xi32, #tpu.memory_space<vmem>> -> memref<1x128xi32, #tpu.memory_space<vmem>>
      %dma_wait3A_623 = tpu.memref_squeeze %dma_wait3A_622 : memref<1x128xi32, #tpu.memory_space<vmem>> -> memref<128xi32, #tpu.memory_space<vmem>>
      %dma_wait3A_624 = arith.constant 0 : i32
      %dma_wait3A_625 = arith.constant 0 : i32
      %dma_wait3A_626 = tpu.memref_slice %arg3[%dma_wait3A_624, %dma_wait3A_625] : memref<10240x16xf32, #tpu.memory_space<hbm>> -> memref<10240x16xf32, #tpu.memory_space<hbm>>
      tpu.wait_indirect_dma semaphore(%arg11 : memref<!tpu.dma_semaphore, #tpu.memory_space<semaphore_mem>>) src(%dma_wait3A_626 : memref<10240x16xf32, #tpu.memory_space<hbm>>) dst(%dma_wait3A_620 : memref<128x16xf32, #tpu.memory_space<vmem>>)
      %dma_wait3A_627 = arith.constant 0 : i32
      %dma_wait3A_628 = arith.constant 7 : i32
      %dma_wait3A_629 = arith.constant 0 : i32
      %dma_wait3A_630 = arith.constant 0 : i32
      %dma_wait3A_631 = tpu.memref_slice %arg8[%dma_wait3A_628, %dma_wait3A_629, %dma_wait3A_630] : memref<8x128x16xf32, #tpu.memory_space<vmem>> -> memref<1x128x16xf32, #tpu.memory_space<vmem>>
      %dma_wait3A_632 = tpu.memref_squeeze %dma_wait3A_631 : memref<1x128x16xf32, #tpu.memory_space<vmem>> -> memref<128x16xf32, #tpu.memory_space<vmem>>
      %dma_wait3A_633 = arith.constant 0 : i32
      %dma_wait3A_634 = tpu.memref_slice %arg5[%dma_wait3A_627, %dma_wait3A_633] : memref<80x128xi32, #tpu.memory_space<vmem>> -> memref<1x128xi32, #tpu.memory_space<vmem>>
      %dma_wait3A_635 = tpu.memref_squeeze %dma_wait3A_634 : memref<1x128xi32, #tpu.memory_space<vmem>> -> memref<128xi32, #tpu.memory_space<vmem>>
      %dma_wait3A_636 = arith.constant 0 : i32
      %dma_wait3A_637 = arith.constant 0 : i32
      %dma_wait3A_638 = tpu.memref_slice %arg3[%dma_wait3A_636, %dma_wait3A_637] : memref<10240x16xf32, #tpu.memory_space<hbm>> -> memref<10240x16xf32, #tpu.memory_space<hbm>>
      tpu.wait_indirect_dma semaphore(%arg11 : memref<!tpu.dma_semaphore, #tpu.memory_space<semaphore_mem>>) src(%dma_wait3A_638 : memref<10240x16xf32, #tpu.memory_space<hbm>>) dst(%dma_wait3A_632 : memref<128x16xf32, #tpu.memory_space<vmem>>)
      %add3A_639 = arith.constant 8 : i32
      %add3A_640 = arith.addi %mul3A_147, %add3A_639 : i32
      %add3A_641 = arith.constant 0 : i32
      %add3A_642 = arith.addi %add3A_640, %add3A_641 : i32
      %dma_start3A_643 = arith.constant 0 : i32
      %dma_start3A_644 = arith.constant 0 : i32
      %dma_start3A_645 = arith.constant 0 : i32
      %dma_start3A_646 = tpu.memref_slice %arg8[%dma_start3A_643, %dma_start3A_644, %dma_start3A_645] : memref<8x128x16xf32, #tpu.memory_space<vmem>> -> memref<1x128x16xf32, #tpu.memory_space<vmem>>
      %dma_start3A_647 = tpu.memref_squeeze %dma_start3A_646 : memref<1x128x16xf32, #tpu.memory_space<vmem>> -> memref<128x16xf32, #tpu.memory_space<vmem>>
      %dma_start3A_648 = arith.constant 0 : i32
      %dma_start3A_649 = tpu.memref_slice %arg6[%add3A_642, %dma_start3A_648] : memref<80x128xi32, #tpu.memory_space<vmem>> -> memref<1x128xi32, #tpu.memory_space<vmem>>
      %dma_start3A_650 = tpu.memref_squeeze %dma_start3A_649 : memref<1x128xi32, #tpu.memory_space<vmem>> -> memref<128xi32, #tpu.memory_space<vmem>>
      %dma_start3A_651 = arith.constant 0 : i32
      %dma_start3A_652 = arith.constant 0 : i32
      %dma_start3A_653 = tpu.memref_slice %arg9[%dma_start3A_651, %dma_start3A_652] : memref<10240x16xf32, #tpu.memory_space<vmem_shared>> -> memref<10240x16xf32, #tpu.memory_space<vmem_shared>>
      tpu.enqueue_indirect_dma source(%dma_start3A_647 : memref<128x16xf32, #tpu.memory_space<vmem>>) target(%dma_start3A_653 : memref<10240x16xf32, #tpu.memory_space<vmem_shared>>) offsets(%dma_start3A_650 : memref<128xi32, #tpu.memory_space<vmem>>) semaphore(%arg13 : memref<!tpu.dma_semaphore, #tpu.memory_space<semaphore_mem>>) {add = true}
      %add3A_654 = arith.constant 1 : i32
      %add3A_655 = arith.addi %add3A_640, %add3A_654 : i32
      %dma_start3A_656 = arith.constant 1 : i32
      %dma_start3A_657 = arith.constant 0 : i32
      %dma_start3A_658 = arith.constant 0 : i32
      %dma_start3A_659 = tpu.memref_slice %arg8[%dma_start3A_656, %dma_start3A_657, %dma_start3A_658] : memref<8x128x16xf32, #tpu.memory_space<vmem>> -> memref<1x128x16xf32, #tpu.memory_space<vmem>>
      %dma_start3A_660 = tpu.memref_squeeze %dma_start3A_659 : memref<1x128x16xf32, #tpu.memory_space<vmem>> -> memref<128x16xf32, #tpu.memory_space<vmem>>
      %dma_start3A_661 = arith.constant 0 : i32
      %dma_start3A_662 = tpu.memref_slice %arg6[%add3A_655, %dma_start3A_661] : memref<80x128xi32, #tpu.memory_space<vmem>> -> memref<1x128xi32, #tpu.memory_space<vmem>>
      %dma_start3A_663 = tpu.memref_squeeze %dma_start3A_662 : memref<1x128xi32, #tpu.memory_space<vmem>> -> memref<128xi32, #tpu.memory_space<vmem>>
      %dma_start3A_664 = arith.constant 0 : i32
      %dma_start3A_665 = arith.constant 0 : i32
      %dma_start3A_666 = tpu.memref_slice %arg9[%dma_start3A_664, %dma_start3A_665] : memref<10240x16xf32, #tpu.memory_space<vmem_shared>> -> memref<10240x16xf32, #tpu.memory_space<vmem_shared>>
      tpu.enqueue_indirect_dma source(%dma_start3A_660 : memref<128x16xf32, #tpu.memory_space<vmem>>) target(%dma_start3A_666 : memref<10240x16xf32, #tpu.memory_space<vmem_shared>>) offsets(%dma_start3A_663 : memref<128xi32, #tpu.memory_space<vmem>>) semaphore(%arg13 : memref<!tpu.dma_semaphore, #tpu.memory_space<semaphore_mem>>) {add = true}
      %add3A_667 = arith.constant 2 : i32
      %add3A_668 = arith.addi %add3A_640, %add3A_667 : i32
      %dma_start3A_669 = arith.constant 2 : i32
      %dma_start3A_670 = arith.constant 0 : i32
      %dma_start3A_671 = arith.constant 0 : i32
      %dma_start3A_672 = tpu.memref_slice %arg8[%dma_start3A_669, %dma_start3A_670, %dma_start3A_671] : memref<8x128x16xf32, #tpu.memory_space<vmem>> -> memref<1x128x16xf32, #tpu.memory_space<vmem>>
      %dma_start3A_673 = tpu.memref_squeeze %dma_start3A_672 : memref<1x128x16xf32, #tpu.memory_space<vmem>> -> memref<128x16xf32, #tpu.memory_space<vmem>>
      %dma_start3A_674 = arith.constant 0 : i32
      %dma_start3A_675 = tpu.memref_slice %arg6[%add3A_668, %dma_start3A_674] : memref<80x128xi32, #tpu.memory_space<vmem>> -> memref<1x128xi32, #tpu.memory_space<vmem>>
      %dma_start3A_676 = tpu.memref_squeeze %dma_start3A_675 : memref<1x128xi32, #tpu.memory_space<vmem>> -> memref<128xi32, #tpu.memory_space<vmem>>
      %dma_start3A_677 = arith.constant 0 : i32
      %dma_start3A_678 = arith.constant 0 : i32
      %dma_start3A_679 = tpu.memref_slice %arg9[%dma_start3A_677, %dma_start3A_678] : memref<10240x16xf32, #tpu.memory_space<vmem_shared>> -> memref<10240x16xf32, #tpu.memory_space<vmem_shared>>
      tpu.enqueue_indirect_dma source(%dma_start3A_673 : memref<128x16xf32, #tpu.memory_space<vmem>>) target(%dma_start3A_679 : memref<10240x16xf32, #tpu.memory_space<vmem_shared>>) offsets(%dma_start3A_676 : memref<128xi32, #tpu.memory_space<vmem>>) semaphore(%arg13 : memref<!tpu.dma_semaphore, #tpu.memory_space<semaphore_mem>>) {add = true}
      %add3A_680 = arith.constant 3 : i32
      %add3A_681 = arith.addi %add3A_640, %add3A_680 : i32
      %dma_start3A_682 = arith.constant 3 : i32
      %dma_start3A_683 = arith.constant 0 : i32
      %dma_start3A_684 = arith.constant 0 : i32
      %dma_start3A_685 = tpu.memref_slice %arg8[%dma_start3A_682, %dma_start3A_683, %dma_start3A_684] : memref<8x128x16xf32, #tpu.memory_space<vmem>> -> memref<1x128x16xf32, #tpu.memory_space<vmem>>
      %dma_start3A_686 = tpu.memref_squeeze %dma_start3A_685 : memref<1x128x16xf32, #tpu.memory_space<vmem>> -> memref<128x16xf32, #tpu.memory_space<vmem>>
      %dma_start3A_687 = arith.constant 0 : i32
      %dma_start3A_688 = tpu.memref_slice %arg6[%add3A_681, %dma_start3A_687] : memref<80x128xi32, #tpu.memory_space<vmem>> -> memref<1x128xi32, #tpu.memory_space<vmem>>
      %dma_start3A_689 = tpu.memref_squeeze %dma_start3A_688 : memref<1x128xi32, #tpu.memory_space<vmem>> -> memref<128xi32, #tpu.memory_space<vmem>>
      %dma_start3A_690 = arith.constant 0 : i32
      %dma_start3A_691 = arith.constant 0 : i32
      %dma_start3A_692 = tpu.memref_slice %arg9[%dma_start3A_690, %dma_start3A_691] : memref<10240x16xf32, #tpu.memory_space<vmem_shared>> -> memref<10240x16xf32, #tpu.memory_space<vmem_shared>>
      tpu.enqueue_indirect_dma source(%dma_start3A_686 : memref<128x16xf32, #tpu.memory_space<vmem>>) target(%dma_start3A_692 : memref<10240x16xf32, #tpu.memory_space<vmem_shared>>) offsets(%dma_start3A_689 : memref<128xi32, #tpu.memory_space<vmem>>) semaphore(%arg13 : memref<!tpu.dma_semaphore, #tpu.memory_space<semaphore_mem>>) {add = true}
      %add3A_693 = arith.constant 4 : i32
      %add3A_694 = arith.addi %add3A_640, %add3A_693 : i32
      %dma_start3A_695 = arith.constant 4 : i32
      %dma_start3A_696 = arith.constant 0 : i32
      %dma_start3A_697 = arith.constant 0 : i32
      %dma_start3A_698 = tpu.memref_slice %arg8[%dma_start3A_695, %dma_start3A_696, %dma_start3A_697] : memref<8x128x16xf32, #tpu.memory_space<vmem>> -> memref<1x128x16xf32, #tpu.memory_space<vmem>>
      %dma_start3A_699 = tpu.memref_squeeze %dma_start3A_698 : memref<1x128x16xf32, #tpu.memory_space<vmem>> -> memref<128x16xf32, #tpu.memory_space<vmem>>
      %dma_start3A_700 = arith.constant 0 : i32
      %dma_start3A_701 = tpu.memref_slice %arg6[%add3A_694, %dma_start3A_700] : memref<80x128xi32, #tpu.memory_space<vmem>> -> memref<1x128xi32, #tpu.memory_space<vmem>>
      %dma_start3A_702 = tpu.memref_squeeze %dma_start3A_701 : memref<1x128xi32, #tpu.memory_space<vmem>> -> memref<128xi32, #tpu.memory_space<vmem>>
      %dma_start3A_703 = arith.constant 0 : i32
      %dma_start3A_704 = arith.constant 0 : i32
      %dma_start3A_705 = tpu.memref_slice %arg9[%dma_start3A_703, %dma_start3A_704] : memref<10240x16xf32, #tpu.memory_space<vmem_shared>> -> memref<10240x16xf32, #tpu.memory_space<vmem_shared>>
      tpu.enqueue_indirect_dma source(%dma_start3A_699 : memref<128x16xf32, #tpu.memory_space<vmem>>) target(%dma_start3A_705 : memref<10240x16xf32, #tpu.memory_space<vmem_shared>>) offsets(%dma_start3A_702 : memref<128xi32, #tpu.memory_space<vmem>>) semaphore(%arg13 : memref<!tpu.dma_semaphore, #tpu.memory_space<semaphore_mem>>) {add = true}
      %add3A_706 = arith.constant 5 : i32
      %add3A_707 = arith.addi %add3A_640, %add3A_706 : i32
      %dma_start3A_708 = arith.constant 5 : i32
      %dma_start3A_709 = arith.constant 0 : i32
      %dma_start3A_710 = arith.constant 0 : i32
      %dma_start3A_711 = tpu.memref_slice %arg8[%dma_start3A_708, %dma_start3A_709, %dma_start3A_710] : memref<8x128x16xf32, #tpu.memory_space<vmem>> -> memref<1x128x16xf32, #tpu.memory_space<vmem>>
      %dma_start3A_712 = tpu.memref_squeeze %dma_start3A_711 : memref<1x128x16xf32, #tpu.memory_space<vmem>> -> memref<128x16xf32, #tpu.memory_space<vmem>>
      %dma_start3A_713 = arith.constant 0 : i32
      %dma_start3A_714 = tpu.memref_slice %arg6[%add3A_707, %dma_start3A_713] : memref<80x128xi32, #tpu.memory_space<vmem>> -> memref<1x128xi32, #tpu.memory_space<vmem>>
      %dma_start3A_715 = tpu.memref_squeeze %dma_start3A_714 : memref<1x128xi32, #tpu.memory_space<vmem>> -> memref<128xi32, #tpu.memory_space<vmem>>
      %dma_start3A_716 = arith.constant 0 : i32
      %dma_start3A_717 = arith.constant 0 : i32
      %dma_start3A_718 = tpu.memref_slice %arg9[%dma_start3A_716, %dma_start3A_717] : memref<10240x16xf32, #tpu.memory_space<vmem_shared>> -> memref<10240x16xf32, #tpu.memory_space<vmem_shared>>
      tpu.enqueue_indirect_dma source(%dma_start3A_712 : memref<128x16xf32, #tpu.memory_space<vmem>>) target(%dma_start3A_718 : memref<10240x16xf32, #tpu.memory_space<vmem_shared>>) offsets(%dma_start3A_715 : memref<128xi32, #tpu.memory_space<vmem>>) semaphore(%arg13 : memref<!tpu.dma_semaphore, #tpu.memory_space<semaphore_mem>>) {add = true}
      %add3A_719 = arith.constant 6 : i32
      %add3A_720 = arith.addi %add3A_640, %add3A_719 : i32
      %dma_start3A_721 = arith.constant 6 : i32
      %dma_start3A_722 = arith.constant 0 : i32
      %dma_start3A_723 = arith.constant 0 : i32
      %dma_start3A_724 = tpu.memref_slice %arg8[%dma_start3A_721, %dma_start3A_722, %dma_start3A_723] : memref<8x128x16xf32, #tpu.memory_space<vmem>> -> memref<1x128x16xf32, #tpu.memory_space<vmem>>
      %dma_start3A_725 = tpu.memref_squeeze %dma_start3A_724 : memref<1x128x16xf32, #tpu.memory_space<vmem>> -> memref<128x16xf32, #tpu.memory_space<vmem>>
      %dma_start3A_726 = arith.constant 0 : i32
      %dma_start3A_727 = tpu.memref_slice %arg6[%add3A_720, %dma_start3A_726] : memref<80x128xi32, #tpu.memory_space<vmem>> -> memref<1x128xi32, #tpu.memory_space<vmem>>
      %dma_start3A_728 = tpu.memref_squeeze %dma_start3A_727 : memref<1x128xi32, #tpu.memory_space<vmem>> -> memref<128xi32, #tpu.memory_space<vmem>>
      %dma_start3A_729 = arith.constant 0 : i32
      %dma_start3A_730 = arith.constant 0 : i32
      %dma_start3A_731 = tpu.memref_slice %arg9[%dma_start3A_729, %dma_start3A_730] : memref<10240x16xf32, #tpu.memory_space<vmem_shared>> -> memref<10240x16xf32, #tpu.memory_space<vmem_shared>>
      tpu.enqueue_indirect_dma source(%dma_start3A_725 : memref<128x16xf32, #tpu.memory_space<vmem>>) target(%dma_start3A_731 : memref<10240x16xf32, #tpu.memory_space<vmem_shared>>) offsets(%dma_start3A_728 : memref<128xi32, #tpu.memory_space<vmem>>) semaphore(%arg13 : memref<!tpu.dma_semaphore, #tpu.memory_space<semaphore_mem>>) {add = true}
      %add3A_732 = arith.constant 7 : i32
      %add3A_733 = arith.addi %add3A_640, %add3A_732 : i32
      %dma_start3A_734 = arith.constant 7 : i32
      %dma_start3A_735 = arith.constant 0 : i32
      %dma_start3A_736 = arith.constant 0 : i32
      %dma_start3A_737 = tpu.memref_slice %arg8[%dma_start3A_734, %dma_start3A_735, %dma_start3A_736] : memref<8x128x16xf32, #tpu.memory_space<vmem>> -> memref<1x128x16xf32, #tpu.memory_space<vmem>>
      %dma_start3A_738 = tpu.memref_squeeze %dma_start3A_737 : memref<1x128x16xf32, #tpu.memory_space<vmem>> -> memref<128x16xf32, #tpu.memory_space<vmem>>
      %dma_start3A_739 = arith.constant 0 : i32
      %dma_start3A_740 = tpu.memref_slice %arg6[%add3A_733, %dma_start3A_739] : memref<80x128xi32, #tpu.memory_space<vmem>> -> memref<1x128xi32, #tpu.memory_space<vmem>>
      %dma_start3A_741 = tpu.memref_squeeze %dma_start3A_740 : memref<1x128xi32, #tpu.memory_space<vmem>> -> memref<128xi32, #tpu.memory_space<vmem>>
      %dma_start3A_742 = arith.constant 0 : i32
      %dma_start3A_743 = arith.constant 0 : i32
      %dma_start3A_744 = tpu.memref_slice %arg9[%dma_start3A_742, %dma_start3A_743] : memref<10240x16xf32, #tpu.memory_space<vmem_shared>> -> memref<10240x16xf32, #tpu.memory_space<vmem_shared>>
      tpu.enqueue_indirect_dma source(%dma_start3A_738 : memref<128x16xf32, #tpu.memory_space<vmem>>) target(%dma_start3A_744 : memref<10240x16xf32, #tpu.memory_space<vmem_shared>>) offsets(%dma_start3A_741 : memref<128xi32, #tpu.memory_space<vmem>>) semaphore(%arg13 : memref<!tpu.dma_semaphore, #tpu.memory_space<semaphore_mem>>) {add = true}
      %dma_wait3A_745 = arith.constant 0 : i32
      %dma_wait3A_746 = arith.constant 0 : i32
      %dma_wait3A_747 = arith.constant 0 : i32
      %dma_wait3A_748 = tpu.memref_slice %arg8[%dma_wait3A_745, %dma_wait3A_746, %dma_wait3A_747] : memref<8x128x16xf32, #tpu.memory_space<vmem>> -> memref<1x128x16xf32, #tpu.memory_space<vmem>>
      %dma_wait3A_749 = tpu.memref_squeeze %dma_wait3A_748 : memref<1x128x16xf32, #tpu.memory_space<vmem>> -> memref<128x16xf32, #tpu.memory_space<vmem>>
      %dma_wait3A_750 = arith.constant 0 : i32
      %dma_wait3A_751 = tpu.memref_slice %arg6[%add3A_642, %dma_wait3A_750] : memref<80x128xi32, #tpu.memory_space<vmem>> -> memref<1x128xi32, #tpu.memory_space<vmem>>
      %dma_wait3A_752 = tpu.memref_squeeze %dma_wait3A_751 : memref<1x128xi32, #tpu.memory_space<vmem>> -> memref<128xi32, #tpu.memory_space<vmem>>
      %dma_wait3A_753 = arith.constant 0 : i32
      %dma_wait3A_754 = arith.constant 0 : i32
      %dma_wait3A_755 = tpu.memref_slice %arg9[%dma_wait3A_753, %dma_wait3A_754] : memref<10240x16xf32, #tpu.memory_space<vmem_shared>> -> memref<10240x16xf32, #tpu.memory_space<vmem_shared>>
      tpu.wait_indirect_dma semaphore(%arg13 : memref<!tpu.dma_semaphore, #tpu.memory_space<semaphore_mem>>) src(%dma_wait3A_749 : memref<128x16xf32, #tpu.memory_space<vmem>>) dst(%dma_wait3A_755 : memref<10240x16xf32, #tpu.memory_space<vmem_shared>>)
      %dma_wait3A_756 = arith.constant 1 : i32
      %dma_wait3A_757 = arith.constant 0 : i32
      %dma_wait3A_758 = arith.constant 0 : i32
      %dma_wait3A_759 = tpu.memref_slice %arg8[%dma_wait3A_756, %dma_wait3A_757, %dma_wait3A_758] : memref<8x128x16xf32, #tpu.memory_space<vmem>> -> memref<1x128x16xf32, #tpu.memory_space<vmem>>
      %dma_wait3A_760 = tpu.memref_squeeze %dma_wait3A_759 : memref<1x128x16xf32, #tpu.memory_space<vmem>> -> memref<128x16xf32, #tpu.memory_space<vmem>>
      %dma_wait3A_761 = arith.constant 0 : i32
      %dma_wait3A_762 = tpu.memref_slice %arg6[%add3A_655, %dma_wait3A_761] : memref<80x128xi32, #tpu.memory_space<vmem>> -> memref<1x128xi32, #tpu.memory_space<vmem>>
      %dma_wait3A_763 = tpu.memref_squeeze %dma_wait3A_762 : memref<1x128xi32, #tpu.memory_space<vmem>> -> memref<128xi32, #tpu.memory_space<vmem>>
      %dma_wait3A_764 = arith.constant 0 : i32
      %dma_wait3A_765 = arith.constant 0 : i32
      %dma_wait3A_766 = tpu.memref_slice %arg9[%dma_wait3A_764, %dma_wait3A_765] : memref<10240x16xf32, #tpu.memory_space<vmem_shared>> -> memref<10240x16xf32, #tpu.memory_space<vmem_shared>>
      tpu.wait_indirect_dma semaphore(%arg13 : memref<!tpu.dma_semaphore, #tpu.memory_space<semaphore_mem>>) src(%dma_wait3A_760 : memref<128x16xf32, #tpu.memory_space<vmem>>) dst(%dma_wait3A_766 : memref<10240x16xf32, #tpu.memory_space<vmem_shared>>)
      %dma_wait3A_767 = arith.constant 2 : i32
      %dma_wait3A_768 = arith.constant 0 : i32
      %dma_wait3A_769 = arith.constant 0 : i32
      %dma_wait3A_770 = tpu.memref_slice %arg8[%dma_wait3A_767, %dma_wait3A_768, %dma_wait3A_769] : memref<8x128x16xf32, #tpu.memory_space<vmem>> -> memref<1x128x16xf32, #tpu.memory_space<vmem>>
      %dma_wait3A_771 = tpu.memref_squeeze %dma_wait3A_770 : memref<1x128x16xf32, #tpu.memory_space<vmem>> -> memref<128x16xf32, #tpu.memory_space<vmem>>
      %dma_wait3A_772 = arith.constant 0 : i32
      %dma_wait3A_773 = tpu.memref_slice %arg6[%add3A_668, %dma_wait3A_772] : memref<80x128xi32, #tpu.memory_space<vmem>> -> memref<1x128xi32, #tpu.memory_space<vmem>>
      %dma_wait3A_774 = tpu.memref_squeeze %dma_wait3A_773 : memref<1x128xi32, #tpu.memory_space<vmem>> -> memref<128xi32, #tpu.memory_space<vmem>>
      %dma_wait3A_775 = arith.constant 0 : i32
      %dma_wait3A_776 = arith.constant 0 : i32
      %dma_wait3A_777 = tpu.memref_slice %arg9[%dma_wait3A_775, %dma_wait3A_776] : memref<10240x16xf32, #tpu.memory_space<vmem_shared>> -> memref<10240x16xf32, #tpu.memory_space<vmem_shared>>
      tpu.wait_indirect_dma semaphore(%arg13 : memref<!tpu.dma_semaphore, #tpu.memory_space<semaphore_mem>>) src(%dma_wait3A_771 : memref<128x16xf32, #tpu.memory_space<vmem>>) dst(%dma_wait3A_777 : memref<10240x16xf32, #tpu.memory_space<vmem_shared>>)
      %dma_wait3A_778 = arith.constant 3 : i32
      %dma_wait3A_779 = arith.constant 0 : i32
      %dma_wait3A_780 = arith.constant 0 : i32
      %dma_wait3A_781 = tpu.memref_slice %arg8[%dma_wait3A_778, %dma_wait3A_779, %dma_wait3A_780] : memref<8x128x16xf32, #tpu.memory_space<vmem>> -> memref<1x128x16xf32, #tpu.memory_space<vmem>>
      %dma_wait3A_782 = tpu.memref_squeeze %dma_wait3A_781 : memref<1x128x16xf32, #tpu.memory_space<vmem>> -> memref<128x16xf32, #tpu.memory_space<vmem>>
      %dma_wait3A_783 = arith.constant 0 : i32
      %dma_wait3A_784 = tpu.memref_slice %arg6[%add3A_681, %dma_wait3A_783] : memref<80x128xi32, #tpu.memory_space<vmem>> -> memref<1x128xi32, #tpu.memory_space<vmem>>
      %dma_wait3A_785 = tpu.memref_squeeze %dma_wait3A_784 : memref<1x128xi32, #tpu.memory_space<vmem>> -> memref<128xi32, #tpu.memory_space<vmem>>
      %dma_wait3A_786 = arith.constant 0 : i32
      %dma_wait3A_787 = arith.constant 0 : i32
      %dma_wait3A_788 = tpu.memref_slice %arg9[%dma_wait3A_786, %dma_wait3A_787] : memref<10240x16xf32, #tpu.memory_space<vmem_shared>> -> memref<10240x16xf32, #tpu.memory_space<vmem_shared>>
      tpu.wait_indirect_dma semaphore(%arg13 : memref<!tpu.dma_semaphore, #tpu.memory_space<semaphore_mem>>) src(%dma_wait3A_782 : memref<128x16xf32, #tpu.memory_space<vmem>>) dst(%dma_wait3A_788 : memref<10240x16xf32, #tpu.memory_space<vmem_shared>>)
      %dma_wait3A_789 = arith.constant 4 : i32
      %dma_wait3A_790 = arith.constant 0 : i32
      %dma_wait3A_791 = arith.constant 0 : i32
      %dma_wait3A_792 = tpu.memref_slice %arg8[%dma_wait3A_789, %dma_wait3A_790, %dma_wait3A_791] : memref<8x128x16xf32, #tpu.memory_space<vmem>> -> memref<1x128x16xf32, #tpu.memory_space<vmem>>
      %dma_wait3A_793 = tpu.memref_squeeze %dma_wait3A_792 : memref<1x128x16xf32, #tpu.memory_space<vmem>> -> memref<128x16xf32, #tpu.memory_space<vmem>>
      %dma_wait3A_794 = arith.constant 0 : i32
      %dma_wait3A_795 = tpu.memref_slice %arg6[%add3A_694, %dma_wait3A_794] : memref<80x128xi32, #tpu.memory_space<vmem>> -> memref<1x128xi32, #tpu.memory_space<vmem>>
      %dma_wait3A_796 = tpu.memref_squeeze %dma_wait3A_795 : memref<1x128xi32, #tpu.memory_space<vmem>> -> memref<128xi32, #tpu.memory_space<vmem>>
      %dma_wait3A_797 = arith.constant 0 : i32
      %dma_wait3A_798 = arith.constant 0 : i32
      %dma_wait3A_799 = tpu.memref_slice %arg9[%dma_wait3A_797, %dma_wait3A_798] : memref<10240x16xf32, #tpu.memory_space<vmem_shared>> -> memref<10240x16xf32, #tpu.memory_space<vmem_shared>>
      tpu.wait_indirect_dma semaphore(%arg13 : memref<!tpu.dma_semaphore, #tpu.memory_space<semaphore_mem>>) src(%dma_wait3A_793 : memref<128x16xf32, #tpu.memory_space<vmem>>) dst(%dma_wait3A_799 : memref<10240x16xf32, #tpu.memory_space<vmem_shared>>)
      %dma_wait3A_800 = arith.constant 5 : i32
      %dma_wait3A_801 = arith.constant 0 : i32
      %dma_wait3A_802 = arith.constant 0 : i32
      %dma_wait3A_803 = tpu.memref_slice %arg8[%dma_wait3A_800, %dma_wait3A_801, %dma_wait3A_802] : memref<8x128x16xf32, #tpu.memory_space<vmem>> -> memref<1x128x16xf32, #tpu.memory_space<vmem>>
      %dma_wait3A_804 = tpu.memref_squeeze %dma_wait3A_803 : memref<1x128x16xf32, #tpu.memory_space<vmem>> -> memref<128x16xf32, #tpu.memory_space<vmem>>
      %dma_wait3A_805 = arith.constant 0 : i32
      %dma_wait3A_806 = tpu.memref_slice %arg6[%add3A_707, %dma_wait3A_805] : memref<80x128xi32, #tpu.memory_space<vmem>> -> memref<1x128xi32, #tpu.memory_space<vmem>>
      %dma_wait3A_807 = tpu.memref_squeeze %dma_wait3A_806 : memref<1x128xi32, #tpu.memory_space<vmem>> -> memref<128xi32, #tpu.memory_space<vmem>>
      %dma_wait3A_808 = arith.constant 0 : i32
      %dma_wait3A_809 = arith.constant 0 : i32
      %dma_wait3A_810 = tpu.memref_slice %arg9[%dma_wait3A_808, %dma_wait3A_809] : memref<10240x16xf32, #tpu.memory_space<vmem_shared>> -> memref<10240x16xf32, #tpu.memory_space<vmem_shared>>
      tpu.wait_indirect_dma semaphore(%arg13 : memref<!tpu.dma_semaphore, #tpu.memory_space<semaphore_mem>>) src(%dma_wait3A_804 : memref<128x16xf32, #tpu.memory_space<vmem>>) dst(%dma_wait3A_810 : memref<10240x16xf32, #tpu.memory_space<vmem_shared>>)
      %dma_wait3A_811 = arith.constant 6 : i32
      %dma_wait3A_812 = arith.constant 0 : i32
      %dma_wait3A_813 = arith.constant 0 : i32
      %dma_wait3A_814 = tpu.memref_slice %arg8[%dma_wait3A_811, %dma_wait3A_812, %dma_wait3A_813] : memref<8x128x16xf32, #tpu.memory_space<vmem>> -> memref<1x128x16xf32, #tpu.memory_space<vmem>>
      %dma_wait3A_815 = tpu.memref_squeeze %dma_wait3A_814 : memref<1x128x16xf32, #tpu.memory_space<vmem>> -> memref<128x16xf32, #tpu.memory_space<vmem>>
      %dma_wait3A_816 = arith.constant 0 : i32
      %dma_wait3A_817 = tpu.memref_slice %arg6[%add3A_720, %dma_wait3A_816] : memref<80x128xi32, #tpu.memory_space<vmem>> -> memref<1x128xi32, #tpu.memory_space<vmem>>
      %dma_wait3A_818 = tpu.memref_squeeze %dma_wait3A_817 : memref<1x128xi32, #tpu.memory_space<vmem>> -> memref<128xi32, #tpu.memory_space<vmem>>
      %dma_wait3A_819 = arith.constant 0 : i32
      %dma_wait3A_820 = arith.constant 0 : i32
      %dma_wait3A_821 = tpu.memref_slice %arg9[%dma_wait3A_819, %dma_wait3A_820] : memref<10240x16xf32, #tpu.memory_space<vmem_shared>> -> memref<10240x16xf32, #tpu.memory_space<vmem_shared>>
      tpu.wait_indirect_dma semaphore(%arg13 : memref<!tpu.dma_semaphore, #tpu.memory_space<semaphore_mem>>) src(%dma_wait3A_815 : memref<128x16xf32, #tpu.memory_space<vmem>>) dst(%dma_wait3A_821 : memref<10240x16xf32, #tpu.memory_space<vmem_shared>>)
      %dma_wait3A_822 = arith.constant 7 : i32
      %dma_wait3A_823 = arith.constant 0 : i32
      %dma_wait3A_824 = arith.constant 0 : i32
      %dma_wait3A_825 = tpu.memref_slice %arg8[%dma_wait3A_822, %dma_wait3A_823, %dma_wait3A_824] : memref<8x128x16xf32, #tpu.memory_space<vmem>> -> memref<1x128x16xf32, #tpu.memory_space<vmem>>
      %dma_wait3A_826 = tpu.memref_squeeze %dma_wait3A_825 : memref<1x128x16xf32, #tpu.memory_space<vmem>> -> memref<128x16xf32, #tpu.memory_space<vmem>>
      %dma_wait3A_827 = arith.constant 0 : i32
      %dma_wait3A_828 = tpu.memref_slice %arg6[%add3A_733, %dma_wait3A_827] : memref<80x128xi32, #tpu.memory_space<vmem>> -> memref<1x128xi32, #tpu.memory_space<vmem>>
      %dma_wait3A_829 = tpu.memref_squeeze %dma_wait3A_828 : memref<1x128xi32, #tpu.memory_space<vmem>> -> memref<128xi32, #tpu.memory_space<vmem>>
      %dma_wait3A_830 = arith.constant 0 : i32
      %dma_wait3A_831 = arith.constant 0 : i32
      %dma_wait3A_832 = tpu.memref_slice %arg9[%dma_wait3A_830, %dma_wait3A_831] : memref<10240x16xf32, #tpu.memory_space<vmem_shared>> -> memref<10240x16xf32, #tpu.memory_space<vmem_shared>>
      tpu.wait_indirect_dma semaphore(%arg13 : memref<!tpu.dma_semaphore, #tpu.memory_space<semaphore_mem>>) src(%dma_wait3A_826 : memref<128x16xf32, #tpu.memory_space<vmem>>) dst(%dma_wait3A_832 : memref<10240x16xf32, #tpu.memory_space<vmem_shared>>)
    }
    %scan3A_137 = arith.constant 5 : i32
    %barrier3A_138 = arith.constant 0 : index
    tpu.barrier barrier_id(%barrier3A_138)
    %mul3A_139 = arith.constant 640 : i32
    %mul3A_140 = arith.muli %arg1, %mul3A_139 : i32
    %mul3A_141 = arith.constant 640 : i32
    %mul3A_142 = arith.muli %arg1, %mul3A_141 : i32
    "tpu.region"() ({
      %run_scoped3A_143 = tpu.sem_alloc : memref<!tpu.dma_semaphore, #tpu.memory_space<semaphore_mem>>
      %dma_start3A_144 = arith.constant 0 : i32
      %dma_start3A_145 = tpu.memref_slice %arg4[%arg0, %mul3A_142, %dma_start3A_144] : memref<2x10240x16xf32, #tpu.memory_space<hbm>> -> memref<1x640x16xf32, #tpu.memory_space<hbm>>
      %dma_start3A_146 = tpu.memref_squeeze %dma_start3A_145 : memref<1x640x16xf32, #tpu.memory_space<hbm>> -> memref<640x16xf32, #tpu.memory_space<hbm>>
      %dma_start3A_147 = arith.constant 0 : i32
      %dma_start3A_148 = tpu.memref_slice %arg9[%mul3A_140, %dma_start3A_147] : memref<10240x16xf32, #tpu.memory_space<vmem_shared>> -> memref<640x16xf32, #tpu.memory_space<vmem_shared>>
      tpu.enqueue_dma source(%dma_start3A_148 : memref<640x16xf32, #tpu.memory_space<vmem_shared>>) target(%dma_start3A_146 : memref<640x16xf32, #tpu.memory_space<hbm>>) target_semaphore(%run_scoped3A_143 : memref<!tpu.dma_semaphore, #tpu.memory_space<semaphore_mem>>)
      %dma_wait3A = arith.constant 0 : i32
      %dma_wait3A_149 = tpu.memref_slice %arg4[%arg0, %mul3A_142, %dma_wait3A] : memref<2x10240x16xf32, #tpu.memory_space<hbm>> -> memref<1x640x16xf32, #tpu.memory_space<hbm>>
      %dma_wait3A_150 = tpu.memref_squeeze %dma_wait3A_149 : memref<1x640x16xf32, #tpu.memory_space<hbm>> -> memref<640x16xf32, #tpu.memory_space<hbm>>
      %dma_wait3A_151 = arith.constant 0 : i32
      %dma_wait3A_152 = tpu.memref_slice %arg9[%mul3A_140, %dma_wait3A_151] : memref<10240x16xf32, #tpu.memory_space<vmem_shared>> -> memref<640x16xf32, #tpu.memory_space<vmem_shared>>
      tpu.wait_dma2 semaphore(%run_scoped3A_143 : memref<!tpu.dma_semaphore, #tpu.memory_space<semaphore_mem>>) src(%dma_wait3A_152 : memref<640x16xf32, #tpu.memory_space<vmem_shared>>) dst(%dma_wait3A_150 : memref<640x16xf32, #tpu.memory_space<hbm>>)
      tpu.yield
    }) : () -> ()
    return
  }
}

#map = affine_map<(d0, d1) -> (0, 0, 0)>
module attributes {stable_mosaic.version = 14 : i64} {
  func.func @_deg_kernel(%arg0: i32, %arg1: i32, %arg2: memref<2x2560x128xi32, #tpu.memory_space<hbm>>, %arg3: memref<2x10240x16xf32, #tpu.memory_space<hbm>>, %arg4: memref<80x128xi32, #tpu.memory_space<vmem>>, %arg5: memref<128x16xf32, #tpu.memory_space<vmem>>, %arg6: memref<10240x16xf32, #tpu.memory_space<vmem_shared>>, %arg7: memref<!tpu.dma_semaphore, #tpu.memory_space<semaphore_mem>>) attributes {dimension_semantics = [#tpu.dimension_semantics<core_parallel>, #tpu.dimension_semantics<subcore_parallel>], iteration_bounds = array<i64: 2, 16>, scalar_prefetch = 0 : i64, scratch_operands = 4 : i64, tpu.core_type = #tpu.core_type<sc_vector_subcore>, window_params = [{transform_indices = #map}, {transform_indices = #map}]} {
    %mul3A = arith.constant 2 : i32
    %mul3A_0 = arith.muli %arg1, %mul3A : i32
    %add3A = arith.addi %mul3A_0, %arg0 : i32
    %mul3A_1 = arith.constant 80 : i32
    %mul3A_2 = arith.muli %add3A, %mul3A_1 : i32
    %run_scoped3A = arith.constant 0 : i32
    "tpu.region"() ({
      %run_scoped3A_51 = tpu.sem_alloc : memref<!tpu.dma_semaphore, #tpu.memory_space<semaphore_mem>>
      %dma_start3A = arith.constant 0 : i32
      %dma_start3A_52 = tpu.memref_slice %arg2[%run_scoped3A, %mul3A_2, %dma_start3A] : memref<2x2560x128xi32, #tpu.memory_space<hbm>> -> memref<1x80x128xi32, #tpu.memory_space<hbm>>
      %dma_start3A_53 = tpu.memref_squeeze %dma_start3A_52 : memref<1x80x128xi32, #tpu.memory_space<hbm>> -> memref<80x128xi32, #tpu.memory_space<hbm>>
      %dma_start3A_54 = arith.constant 0 : i32
      %dma_start3A_55 = tpu.memref_slice %arg2[%run_scoped3A, %mul3A_2, %dma_start3A_54] : memref<2x2560x128xi32, #tpu.memory_space<hbm>> -> memref<1x80x128xi32, #tpu.memory_space<hbm>>
      %dma_start3A_56 = tpu.memref_squeeze %dma_start3A_55 : memref<1x80x128xi32, #tpu.memory_space<hbm>> -> memref<80x128xi32, #tpu.memory_space<hbm>>
      tpu.enqueue_dma source(%dma_start3A_56 : memref<80x128xi32, #tpu.memory_space<hbm>>) target(%arg4 : memref<80x128xi32, #tpu.memory_space<vmem>>) target_semaphore(%run_scoped3A_51 : memref<!tpu.dma_semaphore, #tpu.memory_space<semaphore_mem>>)
      %dma_wait3A = arith.constant 0 : i32
      %dma_wait3A_57 = tpu.memref_slice %arg2[%run_scoped3A, %mul3A_2, %dma_wait3A] : memref<2x2560x128xi32, #tpu.memory_space<hbm>> -> memref<1x80x128xi32, #tpu.memory_space<hbm>>
      %dma_wait3A_58 = tpu.memref_squeeze %dma_wait3A_57 : memref<1x80x128xi32, #tpu.memory_space<hbm>> -> memref<80x128xi32, #tpu.memory_space<hbm>>
      %dma_wait3A_59 = arith.constant 0 : i32
      %dma_wait3A_60 = tpu.memref_slice %arg2[%run_scoped3A, %mul3A_2, %dma_wait3A_59] : memref<2x2560x128xi32, #tpu.memory_space<hbm>> -> memref<1x80x128xi32, #tpu.memory_space<hbm>>
      %dma_wait3A_61 = tpu.memref_squeeze %dma_wait3A_60 : memref<1x80x128xi32, #tpu.memory_space<hbm>> -> memref<80x128xi32, #tpu.memory_space<hbm>>
      tpu.wait_dma2 semaphore(%run_scoped3A_51 : memref<!tpu.dma_semaphore, #tpu.memory_space<semaphore_mem>>) src(%dma_wait3A_61 : memref<80x128xi32, #tpu.memory_space<hbm>>) dst(%arg4 : memref<80x128xi32, #tpu.memory_space<vmem>>)
      tpu.yield
    }) : () -> ()
    %scan3A = arith.constant 0 : i32
    %scan3A_3 = arith.constant 0 : i32
    %scan3A_4 = arith.constant 128 : i32
    %scan3A_5 = arith.addi %scan3A_3, %scan3A_4 : i32
    %scan3A_6 = arith.constant 1 : i32
    scf.for %scan3A_51 = %scan3A_3 to %scan3A_5 step %scan3A_6  : i32 {
      %broadcast_in_dim3A = arith.constant 0.000000e+00 : f32
      %broadcast_in_dim3A_52 = vector.broadcast %broadcast_in_dim3A : f32 to vector<16xf32>
      %swap3A = arith.index_cast %scan3A_51 : i32 to index
      %swap3A_53 = arith.constant 0 : index
      %swap3A_54 = tpu.vector_load %arg5[%swap3A, %swap3A_53] {strides = array<i32>} : memref<128x16xf32, #tpu.memory_space<vmem>>, vector<1x16xf32>,
      %swap3A_55 = vector.shape_cast %swap3A_54 : vector<1x16xf32> to vector<16xf32>
      %swap3A_56 = vector.shape_cast %broadcast_in_dim3A_52 : vector<16xf32> to vector<1x16xf32>
      tpu.vector_store %arg5[%swap3A, %swap3A_53], %swap3A_56 {strides = array<i32>} : memref<128x16xf32, #tpu.memory_space<vmem>>, vector<1x16xf32>,
    }
    %scan3A_7 = arith.constant 128 : i32
    %mul3A_8 = arith.constant 640 : i32
    %mul3A_9 = arith.muli %arg1, %mul3A_8 : i32
    %add3A_10 = arith.constant 0 : i32
    %add3A_11 = arith.addi %mul3A_9, %add3A_10 : i32
    "tpu.region"() ({
      %run_scoped3A_51 = tpu.sem_alloc : memref<!tpu.dma_semaphore, #tpu.memory_space<semaphore_mem>>
      %dma_start3A = arith.constant 0 : i32
      %dma_start3A_52 = tpu.memref_slice %arg6[%add3A_11, %dma_start3A] : memref<10240x16xf32, #tpu.memory_space<vmem_shared>> -> memref<128x16xf32, #tpu.memory_space<vmem_shared>>
      %dma_start3A_53 = arith.constant 0 : i32
      %dma_start3A_54 = tpu.memref_slice %arg6[%add3A_11, %dma_start3A_53] : memref<10240x16xf32, #tpu.memory_space<vmem_shared>> -> memref<128x16xf32, #tpu.memory_space<vmem_shared>>
      tpu.enqueue_dma source(%arg5 : memref<128x16xf32, #tpu.memory_space<vmem>>) target(%dma_start3A_54 : memref<128x16xf32, #tpu.memory_space<vmem_shared>>) target_semaphore(%run_scoped3A_51 : memref<!tpu.dma_semaphore, #tpu.memory_space<semaphore_mem>>)
      %dma_wait3A = arith.constant 0 : i32
      %dma_wait3A_55 = tpu.memref_slice %arg6[%add3A_11, %dma_wait3A] : memref<10240x16xf32, #tpu.memory_space<vmem_shared>> -> memref<128x16xf32, #tpu.memory_space<vmem_shared>>
      %dma_wait3A_56 = arith.constant 0 : i32
      %dma_wait3A_57 = tpu.memref_slice %arg6[%add3A_11, %dma_wait3A_56] : memref<10240x16xf32, #tpu.memory_space<vmem_shared>> -> memref<128x16xf32, #tpu.memory_space<vmem_shared>>
      tpu.wait_dma2 semaphore(%run_scoped3A_51 : memref<!tpu.dma_semaphore, #tpu.memory_space<semaphore_mem>>) src(%arg5 : memref<128x16xf32, #tpu.memory_space<vmem>>) dst(%dma_wait3A_57 : memref<128x16xf32, #tpu.memory_space<vmem_shared>>)
      tpu.yield
    }) : () -> ()
    %mul3A_12 = arith.constant 640 : i32
    %mul3A_13 = arith.muli %arg1, %mul3A_12 : i32
    %add3A_14 = arith.constant 128 : i32
    %add3A_15 = arith.addi %mul3A_13, %add3A_14 : i32
    "tpu.region"() ({
      %run_scoped3A_51 = tpu.sem_alloc : memref<!tpu.dma_semaphore, #tpu.memory_space<semaphore_mem>>
      %dma_start3A = arith.constant 0 : i32
      %dma_start3A_52 = tpu.memref_slice %arg6[%add3A_15, %dma_start3A] : memref<10240x16xf32, #tpu.memory_space<vmem_shared>> -> memref<128x16xf32, #tpu.memory_space<vmem_shared>>
      %dma_start3A_53 = arith.constant 0 : i32
      %dma_start3A_54 = tpu.memref_slice %arg6[%add3A_15, %dma_start3A_53] : memref<10240x16xf32, #tpu.memory_space<vmem_shared>> -> memref<128x16xf32, #tpu.memory_space<vmem_shared>>
      tpu.enqueue_dma source(%arg5 : memref<128x16xf32, #tpu.memory_space<vmem>>) target(%dma_start3A_54 : memref<128x16xf32, #tpu.memory_space<vmem_shared>>) target_semaphore(%run_scoped3A_51 : memref<!tpu.dma_semaphore, #tpu.memory_space<semaphore_mem>>)
      %dma_wait3A = arith.constant 0 : i32
      %dma_wait3A_55 = tpu.memref_slice %arg6[%add3A_15, %dma_wait3A] : memref<10240x16xf32, #tpu.memory_space<vmem_shared>> -> memref<128x16xf32, #tpu.memory_space<vmem_shared>>
      %dma_wait3A_56 = arith.constant 0 : i32
      %dma_wait3A_57 = tpu.memref_slice %arg6[%add3A_15, %dma_wait3A_56] : memref<10240x16xf32, #tpu.memory_space<vmem_shared>> -> memref<128x16xf32, #tpu.memory_space<vmem_shared>>
      tpu.wait_dma2 semaphore(%run_scoped3A_51 : memref<!tpu.dma_semaphore, #tpu.memory_space<semaphore_mem>>) src(%arg5 : memref<128x16xf32, #tpu.memory_space<vmem>>) dst(%dma_wait3A_57 : memref<128x16xf32, #tpu.memory_space<vmem_shared>>)
      tpu.yield
    }) : () -> ()
    %mul3A_16 = arith.constant 640 : i32
    %mul3A_17 = arith.muli %arg1, %mul3A_16 : i32
    %add3A_18 = arith.constant 256 : i32
    %add3A_19 = arith.addi %mul3A_17, %add3A_18 : i32
    "tpu.region"() ({
      %run_scoped3A_51 = tpu.sem_alloc : memref<!tpu.dma_semaphore, #tpu.memory_space<semaphore_mem>>
      %dma_start3A = arith.constant 0 : i32
      %dma_start3A_52 = tpu.memref_slice %arg6[%add3A_19, %dma_start3A] : memref<10240x16xf32, #tpu.memory_space<vmem_shared>> -> memref<128x16xf32, #tpu.memory_space<vmem_shared>>
      %dma_start3A_53 = arith.constant 0 : i32
      %dma_start3A_54 = tpu.memref_slice %arg6[%add3A_19, %dma_start3A_53] : memref<10240x16xf32, #tpu.memory_space<vmem_shared>> -> memref<128x16xf32, #tpu.memory_space<vmem_shared>>
      tpu.enqueue_dma source(%arg5 : memref<128x16xf32, #tpu.memory_space<vmem>>) target(%dma_start3A_54 : memref<128x16xf32, #tpu.memory_space<vmem_shared>>) target_semaphore(%run_scoped3A_51 : memref<!tpu.dma_semaphore, #tpu.memory_space<semaphore_mem>>)
      %dma_wait3A = arith.constant 0 : i32
      %dma_wait3A_55 = tpu.memref_slice %arg6[%add3A_19, %dma_wait3A] : memref<10240x16xf32, #tpu.memory_space<vmem_shared>> -> memref<128x16xf32, #tpu.memory_space<vmem_shared>>
      %dma_wait3A_56 = arith.constant 0 : i32
      %dma_wait3A_57 = tpu.memref_slice %arg6[%add3A_19, %dma_wait3A_56] : memref<10240x16xf32, #tpu.memory_space<vmem_shared>> -> memref<128x16xf32, #tpu.memory_space<vmem_shared>>
      tpu.wait_dma2 semaphore(%run_scoped3A_51 : memref<!tpu.dma_semaphore, #tpu.memory_space<semaphore_mem>>) src(%arg5 : memref<128x16xf32, #tpu.memory_space<vmem>>) dst(%dma_wait3A_57 : memref<128x16xf32, #tpu.memory_space<vmem_shared>>)
      tpu.yield
    }) : () -> ()
    %mul3A_20 = arith.constant 640 : i32
    %mul3A_21 = arith.muli %arg1, %mul3A_20 : i32
    %add3A_22 = arith.constant 384 : i32
    %add3A_23 = arith.addi %mul3A_21, %add3A_22 : i32
    "tpu.region"() ({
      %run_scoped3A_51 = tpu.sem_alloc : memref<!tpu.dma_semaphore, #tpu.memory_space<semaphore_mem>>
      %dma_start3A = arith.constant 0 : i32
      %dma_start3A_52 = tpu.memref_slice %arg6[%add3A_23, %dma_start3A] : memref<10240x16xf32, #tpu.memory_space<vmem_shared>> -> memref<128x16xf32, #tpu.memory_space<vmem_shared>>
      %dma_start3A_53 = arith.constant 0 : i32
      %dma_start3A_54 = tpu.memref_slice %arg6[%add3A_23, %dma_start3A_53] : memref<10240x16xf32, #tpu.memory_space<vmem_shared>> -> memref<128x16xf32, #tpu.memory_space<vmem_shared>>
      tpu.enqueue_dma source(%arg5 : memref<128x16xf32, #tpu.memory_space<vmem>>) target(%dma_start3A_54 : memref<128x16xf32, #tpu.memory_space<vmem_shared>>) target_semaphore(%run_scoped3A_51 : memref<!tpu.dma_semaphore, #tpu.memory_space<semaphore_mem>>)
      %dma_wait3A = arith.constant 0 : i32
      %dma_wait3A_55 = tpu.memref_slice %arg6[%add3A_23, %dma_wait3A] : memref<10240x16xf32, #tpu.memory_space<vmem_shared>> -> memref<128x16xf32, #tpu.memory_space<vmem_shared>>
      %dma_wait3A_56 = arith.constant 0 : i32
      %dma_wait3A_57 = tpu.memref_slice %arg6[%add3A_23, %dma_wait3A_56] : memref<10240x16xf32, #tpu.memory_space<vmem_shared>> -> memref<128x16xf32, #tpu.memory_space<vmem_shared>>
      tpu.wait_dma2 semaphore(%run_scoped3A_51 : memref<!tpu.dma_semaphore, #tpu.memory_space<semaphore_mem>>) src(%arg5 : memref<128x16xf32, #tpu.memory_space<vmem>>) dst(%dma_wait3A_57 : memref<128x16xf32, #tpu.memory_space<vmem_shared>>)
      tpu.yield
    }) : () -> ()
    %mul3A_24 = arith.constant 640 : i32
    %mul3A_25 = arith.muli %arg1, %mul3A_24 : i32
    %add3A_26 = arith.constant 512 : i32
    %add3A_27 = arith.addi %mul3A_25, %add3A_26 : i32
    "tpu.region"() ({
      %run_scoped3A_51 = tpu.sem_alloc : memref<!tpu.dma_semaphore, #tpu.memory_space<semaphore_mem>>
      %dma_start3A = arith.constant 0 : i32
      %dma_start3A_52 = tpu.memref_slice %arg6[%add3A_27, %dma_start3A] : memref<10240x16xf32, #tpu.memory_space<vmem_shared>> -> memref<128x16xf32, #tpu.memory_space<vmem_shared>>
      %dma_start3A_53 = arith.constant 0 : i32
      %dma_start3A_54 = tpu.memref_slice %arg6[%add3A_27, %dma_start3A_53] : memref<10240x16xf32, #tpu.memory_space<vmem_shared>> -> memref<128x16xf32, #tpu.memory_space<vmem_shared>>
      tpu.enqueue_dma source(%arg5 : memref<128x16xf32, #tpu.memory_space<vmem>>) target(%dma_start3A_54 : memref<128x16xf32, #tpu.memory_space<vmem_shared>>) target_semaphore(%run_scoped3A_51 : memref<!tpu.dma_semaphore, #tpu.memory_space<semaphore_mem>>)
      %dma_wait3A = arith.constant 0 : i32
      %dma_wait3A_55 = tpu.memref_slice %arg6[%add3A_27, %dma_wait3A] : memref<10240x16xf32, #tpu.memory_space<vmem_shared>> -> memref<128x16xf32, #tpu.memory_space<vmem_shared>>
      %dma_wait3A_56 = arith.constant 0 : i32
      %dma_wait3A_57 = tpu.memref_slice %arg6[%add3A_27, %dma_wait3A_56] : memref<10240x16xf32, #tpu.memory_space<vmem_shared>> -> memref<128x16xf32, #tpu.memory_space<vmem_shared>>
      tpu.wait_dma2 semaphore(%run_scoped3A_51 : memref<!tpu.dma_semaphore, #tpu.memory_space<semaphore_mem>>) src(%arg5 : memref<128x16xf32, #tpu.memory_space<vmem>>) dst(%dma_wait3A_57 : memref<128x16xf32, #tpu.memory_space<vmem_shared>>)
      tpu.yield
    }) : () -> ()
    %scan3A_28 = arith.constant 0 : i32
    %scan3A_29 = arith.constant 0 : i32
    %scan3A_30 = arith.constant 128 : i32
    %scan3A_31 = arith.addi %scan3A_29, %scan3A_30 : i32
    %scan3A_32 = arith.constant 1 : i32
    scf.for %scan3A_51 = %scan3A_29 to %scan3A_31 step %scan3A_32  : i32 {
      %broadcast_in_dim3A = arith.constant 1.000000e+00 : f32
      %broadcast_in_dim3A_52 = vector.broadcast %broadcast_in_dim3A : f32 to vector<16xf32>
      %swap3A = arith.index_cast %scan3A_51 : i32 to index
      %swap3A_53 = arith.constant 0 : index
      %swap3A_54 = tpu.vector_load %arg5[%swap3A, %swap3A_53] {strides = array<i32>} : memref<128x16xf32, #tpu.memory_space<vmem>>, vector<1x16xf32>,
      %swap3A_55 = vector.shape_cast %swap3A_54 : vector<1x16xf32> to vector<16xf32>
      %swap3A_56 = vector.shape_cast %broadcast_in_dim3A_52 : vector<16xf32> to vector<1x16xf32>
      tpu.vector_store %arg5[%swap3A, %swap3A_53], %swap3A_56 {strides = array<i32>} : memref<128x16xf32, #tpu.memory_space<vmem>>, vector<1x16xf32>,
    }
    %scan3A_33 = arith.constant 128 : i32
    %barrier3A = arith.constant 0 : index
    tpu.barrier barrier_id(%barrier3A)
    %scan3A_34 = arith.constant 0 : i32
    %scan3A_35 = arith.constant 0 : i32
    %scan3A_36 = arith.constant 80 : i32
    %scan3A_37 = arith.addi %scan3A_35, %scan3A_36 : i32
    %scan3A_38 = arith.constant 1 : i32
    scf.for %scan3A_51 = %scan3A_35 to %scan3A_37 step %scan3A_38  : i32 {
      %dma_start3A = arith.constant 0 : i32
      %dma_start3A_52 = tpu.memref_slice %arg4[%scan3A_51, %dma_start3A] : memref<80x128xi32, #tpu.memory_space<vmem>> -> memref<1x128xi32, #tpu.memory_space<vmem>>
      %dma_start3A_53 = tpu.memref_squeeze %dma_start3A_52 : memref<1x128xi32, #tpu.memory_space<vmem>> -> memref<128xi32, #tpu.memory_space<vmem>>
      %dma_start3A_54 = arith.constant 0 : i32
      %dma_start3A_55 = arith.constant 0 : i32
      %dma_start3A_56 = tpu.memref_slice %arg6[%dma_start3A_54, %dma_start3A_55] : memref<10240x16xf32, #tpu.memory_space<vmem_shared>> -> memref<10240x16xf32, #tpu.memory_space<vmem_shared>>
      tpu.enqueue_indirect_dma source(%arg5 : memref<128x16xf32, #tpu.memory_space<vmem>>) target(%dma_start3A_56 : memref<10240x16xf32, #tpu.memory_space<vmem_shared>>) offsets(%dma_start3A_53 : memref<128xi32, #tpu.memory_space<vmem>>) semaphore(%arg7 : memref<!tpu.dma_semaphore, #tpu.memory_space<semaphore_mem>>) {add = true}
    }
    %scan3A_39 = arith.constant 80 : i32
    %scan3A_40 = arith.constant 0 : i32
    %scan3A_41 = arith.constant 0 : i32
    %scan3A_42 = arith.constant 80 : i32
    %scan3A_43 = arith.addi %scan3A_41, %scan3A_42 : i32
    %scan3A_44 = arith.constant 1 : i32
    scf.for %scan3A_51 = %scan3A_41 to %scan3A_43 step %scan3A_44  : i32 {
      %dma_wait3A = arith.constant 0 : i32
      %dma_wait3A_52 = arith.constant 0 : i32
      %dma_wait3A_53 = tpu.memref_slice %arg4[%dma_wait3A, %dma_wait3A_52] : memref<80x128xi32, #tpu.memory_space<vmem>> -> memref<1x128xi32, #tpu.memory_space<vmem>>
      %dma_wait3A_54 = tpu.memref_squeeze %dma_wait3A_53 : memref<1x128xi32, #tpu.memory_space<vmem>> -> memref<128xi32, #tpu.memory_space<vmem>>
      %dma_wait3A_55 = arith.constant 0 : i32
      %dma_wait3A_56 = arith.constant 0 : i32
      %dma_wait3A_57 = tpu.memref_slice %arg6[%dma_wait3A_55, %dma_wait3A_56] : memref<10240x16xf32, #tpu.memory_space<vmem_shared>> -> memref<10240x16xf32, #tpu.memory_space<vmem_shared>>
      tpu.wait_indirect_dma semaphore(%arg7 : memref<!tpu.dma_semaphore, #tpu.memory_space<semaphore_mem>>) src(%arg5 : memref<128x16xf32, #tpu.memory_space<vmem>>) dst(%dma_wait3A_57 : memref<10240x16xf32, #tpu.memory_space<vmem_shared>>)
    }
    %scan3A_45 = arith.constant 80 : i32
    %barrier3A_46 = arith.constant 0 : index
    tpu.barrier barrier_id(%barrier3A_46)
    %mul3A_47 = arith.constant 640 : i32
    %mul3A_48 = arith.muli %arg1, %mul3A_47 : i32
    %mul3A_49 = arith.constant 640 : i32
    %mul3A_50 = arith.muli %arg1, %mul3A_49 : i32
    "tpu.region"() ({
      %run_scoped3A_51 = tpu.sem_alloc : memref<!tpu.dma_semaphore, #tpu.memory_space<semaphore_mem>>
      %dma_start3A = arith.constant 0 : i32
      %dma_start3A_52 = tpu.memref_slice %arg3[%arg0, %mul3A_50, %dma_start3A] : memref<2x10240x16xf32, #tpu.memory_space<hbm>> -> memref<1x640x16xf32, #tpu.memory_space<hbm>>
      %dma_start3A_53 = tpu.memref_squeeze %dma_start3A_52 : memref<1x640x16xf32, #tpu.memory_space<hbm>> -> memref<640x16xf32, #tpu.memory_space<hbm>>
      %dma_start3A_54 = arith.constant 0 : i32
      %dma_start3A_55 = tpu.memref_slice %arg6[%mul3A_48, %dma_start3A_54] : memref<10240x16xf32, #tpu.memory_space<vmem_shared>> -> memref<640x16xf32, #tpu.memory_space<vmem_shared>>
      tpu.enqueue_dma source(%dma_start3A_55 : memref<640x16xf32, #tpu.memory_space<vmem_shared>>) target(%dma_start3A_53 : memref<640x16xf32, #tpu.memory_space<hbm>>) target_semaphore(%run_scoped3A_51 : memref<!tpu.dma_semaphore, #tpu.memory_space<semaphore_mem>>)
      %dma_wait3A = arith.constant 0 : i32
      %dma_wait3A_56 = tpu.memref_slice %arg3[%arg0, %mul3A_50, %dma_wait3A] : memref<2x10240x16xf32, #tpu.memory_space<hbm>> -> memref<1x640x16xf32, #tpu.memory_space<hbm>>
      %dma_wait3A_57 = tpu.memref_squeeze %dma_wait3A_56 : memref<1x640x16xf32, #tpu.memory_space<hbm>> -> memref<640x16xf32, #tpu.memory_space<hbm>>
      %dma_wait3A_58 = arith.constant 0 : i32
      %dma_wait3A_59 = tpu.memref_slice %arg6[%mul3A_48, %dma_wait3A_58] : memref<10240x16xf32, #tpu.memory_space<vmem_shared>> -> memref<640x16xf32, #tpu.memory_space<vmem_shared>>
      tpu.wait_dma2 semaphore(%run_scoped3A_51 : memref<!tpu.dma_semaphore, #tpu.memory_space<semaphore_mem>>) src(%dma_wait3A_59 : memref<640x16xf32, #tpu.memory_space<vmem_shared>>) dst(%dma_wait3A_57 : memref<640x16xf32, #tpu.memory_space<hbm>>)
      tpu.yield
    }) : () -> ()
    return
  }
}

#map = affine_map<(d0, d1) -> (0, 0, 0)>
#map1 = affine_map<(d0, d1) -> (0, 0)>
module attributes {stable_mosaic.version = 14 : i64} {
  func.func @gs(%arg0: i32, %arg1: i32, %arg2: memref<2x2560x128xi32, #tpu.memory_space<hbm>>, %arg3: memref<10240x32xf32, #tpu.memory_space<hbm>>, %arg4: memref<2x10240x32xf32, #tpu.memory_space<hbm>>, %arg5: memref<80x128xi32, #tpu.memory_space<vmem>>, %arg6: memref<80x128xi32, #tpu.memory_space<vmem>>, %arg7: memref<8x128x32xf32, #tpu.memory_space<vmem>>, %arg8: memref<8x128x32xf32, #tpu.memory_space<vmem>>, %arg9: memref<10240x32xf32, #tpu.memory_space<vmem_shared>>, %arg10: memref<!tpu.dma_semaphore, #tpu.memory_space<semaphore_mem>>, %arg11: memref<!tpu.dma_semaphore, #tpu.memory_space<semaphore_mem>>, %arg12: memref<!tpu.dma_semaphore, #tpu.memory_space<semaphore_mem>>, %arg13: memref<!tpu.dma_semaphore, #tpu.memory_space<semaphore_mem>>) attributes {dimension_semantics = [#tpu.dimension_semantics<core_parallel>, #tpu.dimension_semantics<subcore_parallel>], iteration_bounds = array<i64: 2, 16>, scalar_prefetch = 0 : i64, scratch_operands = 9 : i64, tpu.core_type = #tpu.core_type<sc_vector_subcore>, window_params = [{transform_indices = #map}, {transform_indices = #map1}, {transform_indices = #map}]} {
    %mul3A = arith.constant 2 : i32
    %mul3A_0 = arith.muli %arg1, %mul3A : i32
    %add3A = arith.addi %mul3A_0, %arg0 : i32
    %mul3A_1 = arith.constant 80 : i32
    %mul3A_2 = arith.muli %add3A, %mul3A_1 : i32
    %run_scoped3A = arith.constant 1 : i32
    "tpu.region"() ({
      %run_scoped3A_143 = tpu.sem_alloc : memref<!tpu.dma_semaphore, #tpu.memory_space<semaphore_mem>>
      %dma_start3A_144 = arith.constant 0 : i32
      %dma_start3A_145 = tpu.memref_slice %arg2[%run_scoped3A, %mul3A_2, %dma_start3A_144] : memref<2x2560x128xi32, #tpu.memory_space<hbm>> -> memref<1x80x128xi32, #tpu.memory_space<hbm>>
      %dma_start3A_146 = tpu.memref_squeeze %dma_start3A_145 : memref<1x80x128xi32, #tpu.memory_space<hbm>> -> memref<80x128xi32, #tpu.memory_space<hbm>>
      %dma_start3A_147 = arith.constant 0 : i32
      %dma_start3A_148 = tpu.memref_slice %arg2[%run_scoped3A, %mul3A_2, %dma_start3A_147] : memref<2x2560x128xi32, #tpu.memory_space<hbm>> -> memref<1x80x128xi32, #tpu.memory_space<hbm>>
      %dma_start3A_149 = tpu.memref_squeeze %dma_start3A_148 : memref<1x80x128xi32, #tpu.memory_space<hbm>> -> memref<80x128xi32, #tpu.memory_space<hbm>>
      tpu.enqueue_dma source(%dma_start3A_149 : memref<80x128xi32, #tpu.memory_space<hbm>>) target(%arg5 : memref<80x128xi32, #tpu.memory_space<vmem>>) target_semaphore(%run_scoped3A_143 : memref<!tpu.dma_semaphore, #tpu.memory_space<semaphore_mem>>)
      %dma_wait3A = arith.constant 0 : i32
      %dma_wait3A_150 = tpu.memref_slice %arg2[%run_scoped3A, %mul3A_2, %dma_wait3A] : memref<2x2560x128xi32, #tpu.memory_space<hbm>> -> memref<1x80x128xi32, #tpu.memory_space<hbm>>
      %dma_wait3A_151 = tpu.memref_squeeze %dma_wait3A_150 : memref<1x80x128xi32, #tpu.memory_space<hbm>> -> memref<80x128xi32, #tpu.memory_space<hbm>>
      %dma_wait3A_152 = arith.constant 0 : i32
      %dma_wait3A_153 = tpu.memref_slice %arg2[%run_scoped3A, %mul3A_2, %dma_wait3A_152] : memref<2x2560x128xi32, #tpu.memory_space<hbm>> -> memref<1x80x128xi32, #tpu.memory_space<hbm>>
      %dma_wait3A_154 = tpu.memref_squeeze %dma_wait3A_153 : memref<1x80x128xi32, #tpu.memory_space<hbm>> -> memref<80x128xi32, #tpu.memory_space<hbm>>
      tpu.wait_dma2 semaphore(%run_scoped3A_143 : memref<!tpu.dma_semaphore, #tpu.memory_space<semaphore_mem>>) src(%dma_wait3A_154 : memref<80x128xi32, #tpu.memory_space<hbm>>) dst(%arg5 : memref<80x128xi32, #tpu.memory_space<vmem>>)
      tpu.yield
    }) : () -> ()
    %mul3A_3 = arith.constant 80 : i32
    %mul3A_4 = arith.muli %add3A, %mul3A_3 : i32
    %run_scoped3A_5 = arith.constant 0 : i32
    "tpu.region"() ({
      %run_scoped3A_143 = tpu.sem_alloc : memref<!tpu.dma_semaphore, #tpu.memory_space<semaphore_mem>>
      %dma_start3A_144 = arith.constant 0 : i32
      %dma_start3A_145 = tpu.memref_slice %arg2[%run_scoped3A_5, %mul3A_4, %dma_start3A_144] : memref<2x2560x128xi32, #tpu.memory_space<hbm>> -> memref<1x80x128xi32, #tpu.memory_space<hbm>>
      %dma_start3A_146 = tpu.memref_squeeze %dma_start3A_145 : memref<1x80x128xi32, #tpu.memory_space<hbm>> -> memref<80x128xi32, #tpu.memory_space<hbm>>
      %dma_start3A_147 = arith.constant 0 : i32
      %dma_start3A_148 = tpu.memref_slice %arg2[%run_scoped3A_5, %mul3A_4, %dma_start3A_147] : memref<2x2560x128xi32, #tpu.memory_space<hbm>> -> memref<1x80x128xi32, #tpu.memory_space<hbm>>
      %dma_start3A_149 = tpu.memref_squeeze %dma_start3A_148 : memref<1x80x128xi32, #tpu.memory_space<hbm>> -> memref<80x128xi32, #tpu.memory_space<hbm>>
      tpu.enqueue_dma source(%dma_start3A_149 : memref<80x128xi32, #tpu.memory_space<hbm>>) target(%arg6 : memref<80x128xi32, #tpu.memory_space<vmem>>) target_semaphore(%run_scoped3A_143 : memref<!tpu.dma_semaphore, #tpu.memory_space<semaphore_mem>>)
      %dma_wait3A = arith.constant 0 : i32
      %dma_wait3A_150 = tpu.memref_slice %arg2[%run_scoped3A_5, %mul3A_4, %dma_wait3A] : memref<2x2560x128xi32, #tpu.memory_space<hbm>> -> memref<1x80x128xi32, #tpu.memory_space<hbm>>
      %dma_wait3A_151 = tpu.memref_squeeze %dma_wait3A_150 : memref<1x80x128xi32, #tpu.memory_space<hbm>> -> memref<80x128xi32, #tpu.memory_space<hbm>>
      %dma_wait3A_152 = arith.constant 0 : i32
      %dma_wait3A_153 = tpu.memref_slice %arg2[%run_scoped3A_5, %mul3A_4, %dma_wait3A_152] : memref<2x2560x128xi32, #tpu.memory_space<hbm>> -> memref<1x80x128xi32, #tpu.memory_space<hbm>>
      %dma_wait3A_154 = tpu.memref_squeeze %dma_wait3A_153 : memref<1x80x128xi32, #tpu.memory_space<hbm>> -> memref<80x128xi32, #tpu.memory_space<hbm>>
      tpu.wait_dma2 semaphore(%run_scoped3A_143 : memref<!tpu.dma_semaphore, #tpu.memory_space<semaphore_mem>>) src(%dma_wait3A_154 : memref<80x128xi32, #tpu.memory_space<hbm>>) dst(%arg6 : memref<80x128xi32, #tpu.memory_space<vmem>>)
      tpu.yield
    }) : () -> ()
    %scan3A = arith.constant 0 : i32
    %scan3A_6 = arith.constant 0 : i32
    %scan3A_7 = arith.constant 0 : i32
    %scan3A_8 = arith.constant 128 : i32
    %scan3A_9 = arith.addi %scan3A_7, %scan3A_8 : i32
    %scan3A_10 = arith.constant 1 : i32
    scf.for %scan3A_143 = %scan3A_7 to %scan3A_9 step %scan3A_10  : i32 {
      %broadcast_in_dim3A = arith.constant 0.000000e+00 : f32
      %broadcast_in_dim3A_144 = vector.broadcast %broadcast_in_dim3A : f32 to vector<16xf32>
      %swap3A = arith.constant 0 : i32
      %swap3A_145 = arith.constant 0 : i32
      %swap3A_146 = tpu.memref_slice %arg7[%scan3A_6, %swap3A, %swap3A_145] : memref<8x128x32xf32, #tpu.memory_space<vmem>> -> memref<1x128x32xf32, #tpu.memory_space<vmem>>
      %swap3A_147 = tpu.memref_squeeze %swap3A_146 : memref<1x128x32xf32, #tpu.memory_space<vmem>> -> memref<128x32xf32, #tpu.memory_space<vmem>>
      %swap3A_148 = arith.index_cast %scan3A_143 : i32 to index
      %swap3A_149 = arith.constant 0 : index
      %swap3A_150 = tpu.vector_load %swap3A_147[%swap3A_148, %swap3A_149] {strides = array<i32>} : memref<128x32xf32, #tpu.memory_space<vmem>>, vector<1x16xf32>,
      %swap3A_151 = vector.shape_cast %swap3A_150 : vector<1x16xf32> to vector<16xf32>
      %swap3A_152 = vector.shape_cast %broadcast_in_dim3A_144 : vector<16xf32> to vector<1x16xf32>
      tpu.vector_store %swap3A_147[%swap3A_148, %swap3A_149], %swap3A_152 {strides = array<i32>} : memref<128x32xf32, #tpu.memory_space<vmem>>, vector<1x16xf32>,
      %broadcast_in_dim3A_153 = arith.constant 0.000000e+00 : f32
      %broadcast_in_dim3A_154 = vector.broadcast %broadcast_in_dim3A_153 : f32 to vector<16xf32>
      %swap3A_155 = arith.constant 0 : i32
      %swap3A_156 = arith.constant 0 : i32
      %swap3A_157 = tpu.memref_slice %arg7[%scan3A_6, %swap3A_155, %swap3A_156] : memref<8x128x32xf32, #tpu.memory_space<vmem>> -> memref<1x128x32xf32, #tpu.memory_space<vmem>>
      %swap3A_158 = tpu.memref_squeeze %swap3A_157 : memref<1x128x32xf32, #tpu.memory_space<vmem>> -> memref<128x32xf32, #tpu.memory_space<vmem>>
      %swap3A_159 = arith.index_cast %scan3A_143 : i32 to index
      %swap3A_160 = arith.constant 16 : index
      %swap3A_161 = tpu.vector_load %swap3A_158[%swap3A_159, %swap3A_160] {strides = array<i32>} : memref<128x32xf32, #tpu.memory_space<vmem>>, vector<1x16xf32>,
      %swap3A_162 = vector.shape_cast %swap3A_161 : vector<1x16xf32> to vector<16xf32>
      %swap3A_163 = vector.shape_cast %broadcast_in_dim3A_154 : vector<16xf32> to vector<1x16xf32>
      tpu.vector_store %swap3A_158[%swap3A_159, %swap3A_160], %swap3A_163 {strides = array<i32>} : memref<128x32xf32, #tpu.memory_space<vmem>>, vector<1x16xf32>,
    }
    %scan3A_11 = arith.constant 128 : i32
    %mul3A_12 = arith.constant 640 : i32
    %mul3A_13 = arith.muli %arg1, %mul3A_12 : i32
    %add3A_14 = arith.constant 0 : i32
    %add3A_15 = arith.addi %mul3A_13, %add3A_14 : i32
    %run_scoped3A_16 = arith.constant 0 : i32
    "tpu.region"() ({
      %run_scoped3A_143 = tpu.sem_alloc : memref<!tpu.dma_semaphore, #tpu.memory_space<semaphore_mem>>
      %dma_start3A_144 = arith.constant 0 : i32
      %dma_start3A_145 = arith.constant 0 : i32
      %dma_start3A_146 = tpu.memref_slice %arg7[%run_scoped3A_16, %dma_start3A_144, %dma_start3A_145] : memref<8x128x32xf32, #tpu.memory_space<vmem>> -> memref<1x128x32xf32, #tpu.memory_space<vmem>>
      %dma_start3A_147 = tpu.memref_squeeze %dma_start3A_146 : memref<1x128x32xf32, #tpu.memory_space<vmem>> -> memref<128x32xf32, #tpu.memory_space<vmem>>
      %dma_start3A_148 = arith.constant 0 : i32
      %dma_start3A_149 = tpu.memref_slice %arg9[%add3A_15, %dma_start3A_148] : memref<10240x32xf32, #tpu.memory_space<vmem_shared>> -> memref<128x32xf32, #tpu.memory_space<vmem_shared>>
      %dma_start3A_150 = arith.constant 0 : i32
      %dma_start3A_151 = tpu.memref_slice %arg9[%add3A_15, %dma_start3A_150] : memref<10240x32xf32, #tpu.memory_space<vmem_shared>> -> memref<128x32xf32, #tpu.memory_space<vmem_shared>>
      %dma_start3A_152 = arith.constant 0 : i32
      %dma_start3A_153 = arith.constant 0 : i32
      %dma_start3A_154 = tpu.memref_slice %arg7[%run_scoped3A_16, %dma_start3A_152, %dma_start3A_153] : memref<8x128x32xf32, #tpu.memory_space<vmem>> -> memref<1x128x32xf32, #tpu.memory_space<vmem>>
      %dma_start3A_155 = tpu.memref_squeeze %dma_start3A_154 : memref<1x128x32xf32, #tpu.memory_space<vmem>> -> memref<128x32xf32, #tpu.memory_space<vmem>>
      tpu.enqueue_dma source(%dma_start3A_155 : memref<128x32xf32, #tpu.memory_space<vmem>>) target(%dma_start3A_151 : memref<128x32xf32, #tpu.memory_space<vmem_shared>>) target_semaphore(%run_scoped3A_143 : memref<!tpu.dma_semaphore, #tpu.memory_space<semaphore_mem>>)
      %dma_wait3A = arith.constant 0 : i32
      %dma_wait3A_156 = arith.constant 0 : i32
      %dma_wait3A_157 = tpu.memref_slice %arg7[%run_scoped3A_16, %dma_wait3A, %dma_wait3A_156] : memref<8x128x32xf32, #tpu.memory_space<vmem>> -> memref<1x128x32xf32, #tpu.memory_space<vmem>>
      %dma_wait3A_158 = tpu.memref_squeeze %dma_wait3A_157 : memref<1x128x32xf32, #tpu.memory_space<vmem>> -> memref<128x32xf32, #tpu.memory_space<vmem>>
      %dma_wait3A_159 = arith.constant 0 : i32
      %dma_wait3A_160 = tpu.memref_slice %arg9[%add3A_15, %dma_wait3A_159] : memref<10240x32xf32, #tpu.memory_space<vmem_shared>> -> memref<128x32xf32, #tpu.memory_space<vmem_shared>>
      %dma_wait3A_161 = arith.constant 0 : i32
      %dma_wait3A_162 = tpu.memref_slice %arg9[%add3A_15, %dma_wait3A_161] : memref<10240x32xf32, #tpu.memory_space<vmem_shared>> -> memref<128x32xf32, #tpu.memory_space<vmem_shared>>
      %dma_wait3A_163 = arith.constant 0 : i32
      %dma_wait3A_164 = arith.constant 0 : i32
      %dma_wait3A_165 = tpu.memref_slice %arg7[%run_scoped3A_16, %dma_wait3A_163, %dma_wait3A_164] : memref<8x128x32xf32, #tpu.memory_space<vmem>> -> memref<1x128x32xf32, #tpu.memory_space<vmem>>
      %dma_wait3A_166 = tpu.memref_squeeze %dma_wait3A_165 : memref<1x128x32xf32, #tpu.memory_space<vmem>> -> memref<128x32xf32, #tpu.memory_space<vmem>>
      tpu.wait_dma2 semaphore(%run_scoped3A_143 : memref<!tpu.dma_semaphore, #tpu.memory_space<semaphore_mem>>) src(%dma_wait3A_166 : memref<128x32xf32, #tpu.memory_space<vmem>>) dst(%dma_wait3A_162 : memref<128x32xf32, #tpu.memory_space<vmem_shared>>)
      tpu.yield
    }) : () -> ()
    %mul3A_17 = arith.constant 640 : i32
    %mul3A_18 = arith.muli %arg1, %mul3A_17 : i32
    %add3A_19 = arith.constant 128 : i32
    %add3A_20 = arith.addi %mul3A_18, %add3A_19 : i32
    %run_scoped3A_21 = arith.constant 0 : i32
    "tpu.region"() ({
      %run_scoped3A_143 = tpu.sem_alloc : memref<!tpu.dma_semaphore, #tpu.memory_space<semaphore_mem>>
      %dma_start3A_144 = arith.constant 0 : i32
      %dma_start3A_145 = arith.constant 0 : i32
      %dma_start3A_146 = tpu.memref_slice %arg7[%run_scoped3A_21, %dma_start3A_144, %dma_start3A_145] : memref<8x128x32xf32, #tpu.memory_space<vmem>> -> memref<1x128x32xf32, #tpu.memory_space<vmem>>
      %dma_start3A_147 = tpu.memref_squeeze %dma_start3A_146 : memref<1x128x32xf32, #tpu.memory_space<vmem>> -> memref<128x32xf32, #tpu.memory_space<vmem>>
      %dma_start3A_148 = arith.constant 0 : i32
      %dma_start3A_149 = tpu.memref_slice %arg9[%add3A_20, %dma_start3A_148] : memref<10240x32xf32, #tpu.memory_space<vmem_shared>> -> memref<128x32xf32, #tpu.memory_space<vmem_shared>>
      %dma_start3A_150 = arith.constant 0 : i32
      %dma_start3A_151 = tpu.memref_slice %arg9[%add3A_20, %dma_start3A_150] : memref<10240x32xf32, #tpu.memory_space<vmem_shared>> -> memref<128x32xf32, #tpu.memory_space<vmem_shared>>
      %dma_start3A_152 = arith.constant 0 : i32
      %dma_start3A_153 = arith.constant 0 : i32
      %dma_start3A_154 = tpu.memref_slice %arg7[%run_scoped3A_21, %dma_start3A_152, %dma_start3A_153] : memref<8x128x32xf32, #tpu.memory_space<vmem>> -> memref<1x128x32xf32, #tpu.memory_space<vmem>>
      %dma_start3A_155 = tpu.memref_squeeze %dma_start3A_154 : memref<1x128x32xf32, #tpu.memory_space<vmem>> -> memref<128x32xf32, #tpu.memory_space<vmem>>
      tpu.enqueue_dma source(%dma_start3A_155 : memref<128x32xf32, #tpu.memory_space<vmem>>) target(%dma_start3A_151 : memref<128x32xf32, #tpu.memory_space<vmem_shared>>) target_semaphore(%run_scoped3A_143 : memref<!tpu.dma_semaphore, #tpu.memory_space<semaphore_mem>>)
      %dma_wait3A = arith.constant 0 : i32
      %dma_wait3A_156 = arith.constant 0 : i32
      %dma_wait3A_157 = tpu.memref_slice %arg7[%run_scoped3A_21, %dma_wait3A, %dma_wait3A_156] : memref<8x128x32xf32, #tpu.memory_space<vmem>> -> memref<1x128x32xf32, #tpu.memory_space<vmem>>
      %dma_wait3A_158 = tpu.memref_squeeze %dma_wait3A_157 : memref<1x128x32xf32, #tpu.memory_space<vmem>> -> memref<128x32xf32, #tpu.memory_space<vmem>>
      %dma_wait3A_159 = arith.constant 0 : i32
      %dma_wait3A_160 = tpu.memref_slice %arg9[%add3A_20, %dma_wait3A_159] : memref<10240x32xf32, #tpu.memory_space<vmem_shared>> -> memref<128x32xf32, #tpu.memory_space<vmem_shared>>
      %dma_wait3A_161 = arith.constant 0 : i32
      %dma_wait3A_162 = tpu.memref_slice %arg9[%add3A_20, %dma_wait3A_161] : memref<10240x32xf32, #tpu.memory_space<vmem_shared>> -> memref<128x32xf32, #tpu.memory_space<vmem_shared>>
      %dma_wait3A_163 = arith.constant 0 : i32
      %dma_wait3A_164 = arith.constant 0 : i32
      %dma_wait3A_165 = tpu.memref_slice %arg7[%run_scoped3A_21, %dma_wait3A_163, %dma_wait3A_164] : memref<8x128x32xf32, #tpu.memory_space<vmem>> -> memref<1x128x32xf32, #tpu.memory_space<vmem>>
      %dma_wait3A_166 = tpu.memref_squeeze %dma_wait3A_165 : memref<1x128x32xf32, #tpu.memory_space<vmem>> -> memref<128x32xf32, #tpu.memory_space<vmem>>
      tpu.wait_dma2 semaphore(%run_scoped3A_143 : memref<!tpu.dma_semaphore, #tpu.memory_space<semaphore_mem>>) src(%dma_wait3A_166 : memref<128x32xf32, #tpu.memory_space<vmem>>) dst(%dma_wait3A_162 : memref<128x32xf32, #tpu.memory_space<vmem_shared>>)
      tpu.yield
    }) : () -> ()
    %mul3A_22 = arith.constant 640 : i32
    %mul3A_23 = arith.muli %arg1, %mul3A_22 : i32
    %add3A_24 = arith.constant 256 : i32
    %add3A_25 = arith.addi %mul3A_23, %add3A_24 : i32
    %run_scoped3A_26 = arith.constant 0 : i32
    "tpu.region"() ({
      %run_scoped3A_143 = tpu.sem_alloc : memref<!tpu.dma_semaphore, #tpu.memory_space<semaphore_mem>>
      %dma_start3A_144 = arith.constant 0 : i32
      %dma_start3A_145 = arith.constant 0 : i32
      %dma_start3A_146 = tpu.memref_slice %arg7[%run_scoped3A_26, %dma_start3A_144, %dma_start3A_145] : memref<8x128x32xf32, #tpu.memory_space<vmem>> -> memref<1x128x32xf32, #tpu.memory_space<vmem>>
      %dma_start3A_147 = tpu.memref_squeeze %dma_start3A_146 : memref<1x128x32xf32, #tpu.memory_space<vmem>> -> memref<128x32xf32, #tpu.memory_space<vmem>>
      %dma_start3A_148 = arith.constant 0 : i32
      %dma_start3A_149 = tpu.memref_slice %arg9[%add3A_25, %dma_start3A_148] : memref<10240x32xf32, #tpu.memory_space<vmem_shared>> -> memref<128x32xf32, #tpu.memory_space<vmem_shared>>
      %dma_start3A_150 = arith.constant 0 : i32
      %dma_start3A_151 = tpu.memref_slice %arg9[%add3A_25, %dma_start3A_150] : memref<10240x32xf32, #tpu.memory_space<vmem_shared>> -> memref<128x32xf32, #tpu.memory_space<vmem_shared>>
      %dma_start3A_152 = arith.constant 0 : i32
      %dma_start3A_153 = arith.constant 0 : i32
      %dma_start3A_154 = tpu.memref_slice %arg7[%run_scoped3A_26, %dma_start3A_152, %dma_start3A_153] : memref<8x128x32xf32, #tpu.memory_space<vmem>> -> memref<1x128x32xf32, #tpu.memory_space<vmem>>
      %dma_start3A_155 = tpu.memref_squeeze %dma_start3A_154 : memref<1x128x32xf32, #tpu.memory_space<vmem>> -> memref<128x32xf32, #tpu.memory_space<vmem>>
      tpu.enqueue_dma source(%dma_start3A_155 : memref<128x32xf32, #tpu.memory_space<vmem>>) target(%dma_start3A_151 : memref<128x32xf32, #tpu.memory_space<vmem_shared>>) target_semaphore(%run_scoped3A_143 : memref<!tpu.dma_semaphore, #tpu.memory_space<semaphore_mem>>)
      %dma_wait3A = arith.constant 0 : i32
      %dma_wait3A_156 = arith.constant 0 : i32
      %dma_wait3A_157 = tpu.memref_slice %arg7[%run_scoped3A_26, %dma_wait3A, %dma_wait3A_156] : memref<8x128x32xf32, #tpu.memory_space<vmem>> -> memref<1x128x32xf32, #tpu.memory_space<vmem>>
      %dma_wait3A_158 = tpu.memref_squeeze %dma_wait3A_157 : memref<1x128x32xf32, #tpu.memory_space<vmem>> -> memref<128x32xf32, #tpu.memory_space<vmem>>
      %dma_wait3A_159 = arith.constant 0 : i32
      %dma_wait3A_160 = tpu.memref_slice %arg9[%add3A_25, %dma_wait3A_159] : memref<10240x32xf32, #tpu.memory_space<vmem_shared>> -> memref<128x32xf32, #tpu.memory_space<vmem_shared>>
      %dma_wait3A_161 = arith.constant 0 : i32
      %dma_wait3A_162 = tpu.memref_slice %arg9[%add3A_25, %dma_wait3A_161] : memref<10240x32xf32, #tpu.memory_space<vmem_shared>> -> memref<128x32xf32, #tpu.memory_space<vmem_shared>>
      %dma_wait3A_163 = arith.constant 0 : i32
      %dma_wait3A_164 = arith.constant 0 : i32
      %dma_wait3A_165 = tpu.memref_slice %arg7[%run_scoped3A_26, %dma_wait3A_163, %dma_wait3A_164] : memref<8x128x32xf32, #tpu.memory_space<vmem>> -> memref<1x128x32xf32, #tpu.memory_space<vmem>>
      %dma_wait3A_166 = tpu.memref_squeeze %dma_wait3A_165 : memref<1x128x32xf32, #tpu.memory_space<vmem>> -> memref<128x32xf32, #tpu.memory_space<vmem>>
      tpu.wait_dma2 semaphore(%run_scoped3A_143 : memref<!tpu.dma_semaphore, #tpu.memory_space<semaphore_mem>>) src(%dma_wait3A_166 : memref<128x32xf32, #tpu.memory_space<vmem>>) dst(%dma_wait3A_162 : memref<128x32xf32, #tpu.memory_space<vmem_shared>>)
      tpu.yield
    }) : () -> ()
    %mul3A_27 = arith.constant 640 : i32
    %mul3A_28 = arith.muli %arg1, %mul3A_27 : i32
    %add3A_29 = arith.constant 384 : i32
    %add3A_30 = arith.addi %mul3A_28, %add3A_29 : i32
    %run_scoped3A_31 = arith.constant 0 : i32
    "tpu.region"() ({
      %run_scoped3A_143 = tpu.sem_alloc : memref<!tpu.dma_semaphore, #tpu.memory_space<semaphore_mem>>
      %dma_start3A_144 = arith.constant 0 : i32
      %dma_start3A_145 = arith.constant 0 : i32
      %dma_start3A_146 = tpu.memref_slice %arg7[%run_scoped3A_31, %dma_start3A_144, %dma_start3A_145] : memref<8x128x32xf32, #tpu.memory_space<vmem>> -> memref<1x128x32xf32, #tpu.memory_space<vmem>>
      %dma_start3A_147 = tpu.memref_squeeze %dma_start3A_146 : memref<1x128x32xf32, #tpu.memory_space<vmem>> -> memref<128x32xf32, #tpu.memory_space<vmem>>
      %dma_start3A_148 = arith.constant 0 : i32
      %dma_start3A_149 = tpu.memref_slice %arg9[%add3A_30, %dma_start3A_148] : memref<10240x32xf32, #tpu.memory_space<vmem_shared>> -> memref<128x32xf32, #tpu.memory_space<vmem_shared>>
      %dma_start3A_150 = arith.constant 0 : i32
      %dma_start3A_151 = tpu.memref_slice %arg9[%add3A_30, %dma_start3A_150] : memref<10240x32xf32, #tpu.memory_space<vmem_shared>> -> memref<128x32xf32, #tpu.memory_space<vmem_shared>>
      %dma_start3A_152 = arith.constant 0 : i32
      %dma_start3A_153 = arith.constant 0 : i32
      %dma_start3A_154 = tpu.memref_slice %arg7[%run_scoped3A_31, %dma_start3A_152, %dma_start3A_153] : memref<8x128x32xf32, #tpu.memory_space<vmem>> -> memref<1x128x32xf32, #tpu.memory_space<vmem>>
      %dma_start3A_155 = tpu.memref_squeeze %dma_start3A_154 : memref<1x128x32xf32, #tpu.memory_space<vmem>> -> memref<128x32xf32, #tpu.memory_space<vmem>>
      tpu.enqueue_dma source(%dma_start3A_155 : memref<128x32xf32, #tpu.memory_space<vmem>>) target(%dma_start3A_151 : memref<128x32xf32, #tpu.memory_space<vmem_shared>>) target_semaphore(%run_scoped3A_143 : memref<!tpu.dma_semaphore, #tpu.memory_space<semaphore_mem>>)
      %dma_wait3A = arith.constant 0 : i32
      %dma_wait3A_156 = arith.constant 0 : i32
      %dma_wait3A_157 = tpu.memref_slice %arg7[%run_scoped3A_31, %dma_wait3A, %dma_wait3A_156] : memref<8x128x32xf32, #tpu.memory_space<vmem>> -> memref<1x128x32xf32, #tpu.memory_space<vmem>>
      %dma_wait3A_158 = tpu.memref_squeeze %dma_wait3A_157 : memref<1x128x32xf32, #tpu.memory_space<vmem>> -> memref<128x32xf32, #tpu.memory_space<vmem>>
      %dma_wait3A_159 = arith.constant 0 : i32
      %dma_wait3A_160 = tpu.memref_slice %arg9[%add3A_30, %dma_wait3A_159] : memref<10240x32xf32, #tpu.memory_space<vmem_shared>> -> memref<128x32xf32, #tpu.memory_space<vmem_shared>>
      %dma_wait3A_161 = arith.constant 0 : i32
      %dma_wait3A_162 = tpu.memref_slice %arg9[%add3A_30, %dma_wait3A_161] : memref<10240x32xf32, #tpu.memory_space<vmem_shared>> -> memref<128x32xf32, #tpu.memory_space<vmem_shared>>
      %dma_wait3A_163 = arith.constant 0 : i32
      %dma_wait3A_164 = arith.constant 0 : i32
      %dma_wait3A_165 = tpu.memref_slice %arg7[%run_scoped3A_31, %dma_wait3A_163, %dma_wait3A_164] : memref<8x128x32xf32, #tpu.memory_space<vmem>> -> memref<1x128x32xf32, #tpu.memory_space<vmem>>
      %dma_wait3A_166 = tpu.memref_squeeze %dma_wait3A_165 : memref<1x128x32xf32, #tpu.memory_space<vmem>> -> memref<128x32xf32, #tpu.memory_space<vmem>>
      tpu.wait_dma2 semaphore(%run_scoped3A_143 : memref<!tpu.dma_semaphore, #tpu.memory_space<semaphore_mem>>) src(%dma_wait3A_166 : memref<128x32xf32, #tpu.memory_space<vmem>>) dst(%dma_wait3A_162 : memref<128x32xf32, #tpu.memory_space<vmem_shared>>)
      tpu.yield
    }) : () -> ()
    %mul3A_32 = arith.constant 640 : i32
    %mul3A_33 = arith.muli %arg1, %mul3A_32 : i32
    %add3A_34 = arith.constant 512 : i32
    %add3A_35 = arith.addi %mul3A_33, %add3A_34 : i32
    %run_scoped3A_36 = arith.constant 0 : i32
    "tpu.region"() ({
      %run_scoped3A_143 = tpu.sem_alloc : memref<!tpu.dma_semaphore, #tpu.memory_space<semaphore_mem>>
      %dma_start3A_144 = arith.constant 0 : i32
      %dma_start3A_145 = arith.constant 0 : i32
      %dma_start3A_146 = tpu.memref_slice %arg7[%run_scoped3A_36, %dma_start3A_144, %dma_start3A_145] : memref<8x128x32xf32, #tpu.memory_space<vmem>> -> memref<1x128x32xf32, #tpu.memory_space<vmem>>
      %dma_start3A_147 = tpu.memref_squeeze %dma_start3A_146 : memref<1x128x32xf32, #tpu.memory_space<vmem>> -> memref<128x32xf32, #tpu.memory_space<vmem>>
      %dma_start3A_148 = arith.constant 0 : i32
      %dma_start3A_149 = tpu.memref_slice %arg9[%add3A_35, %dma_start3A_148] : memref<10240x32xf32, #tpu.memory_space<vmem_shared>> -> memref<128x32xf32, #tpu.memory_space<vmem_shared>>
      %dma_start3A_150 = arith.constant 0 : i32
      %dma_start3A_151 = tpu.memref_slice %arg9[%add3A_35, %dma_start3A_150] : memref<10240x32xf32, #tpu.memory_space<vmem_shared>> -> memref<128x32xf32, #tpu.memory_space<vmem_shared>>
      %dma_start3A_152 = arith.constant 0 : i32
      %dma_start3A_153 = arith.constant 0 : i32
      %dma_start3A_154 = tpu.memref_slice %arg7[%run_scoped3A_36, %dma_start3A_152, %dma_start3A_153] : memref<8x128x32xf32, #tpu.memory_space<vmem>> -> memref<1x128x32xf32, #tpu.memory_space<vmem>>
      %dma_start3A_155 = tpu.memref_squeeze %dma_start3A_154 : memref<1x128x32xf32, #tpu.memory_space<vmem>> -> memref<128x32xf32, #tpu.memory_space<vmem>>
      tpu.enqueue_dma source(%dma_start3A_155 : memref<128x32xf32, #tpu.memory_space<vmem>>) target(%dma_start3A_151 : memref<128x32xf32, #tpu.memory_space<vmem_shared>>) target_semaphore(%run_scoped3A_143 : memref<!tpu.dma_semaphore, #tpu.memory_space<semaphore_mem>>)
      %dma_wait3A = arith.constant 0 : i32
      %dma_wait3A_156 = arith.constant 0 : i32
      %dma_wait3A_157 = tpu.memref_slice %arg7[%run_scoped3A_36, %dma_wait3A, %dma_wait3A_156] : memref<8x128x32xf32, #tpu.memory_space<vmem>> -> memref<1x128x32xf32, #tpu.memory_space<vmem>>
      %dma_wait3A_158 = tpu.memref_squeeze %dma_wait3A_157 : memref<1x128x32xf32, #tpu.memory_space<vmem>> -> memref<128x32xf32, #tpu.memory_space<vmem>>
      %dma_wait3A_159 = arith.constant 0 : i32
      %dma_wait3A_160 = tpu.memref_slice %arg9[%add3A_35, %dma_wait3A_159] : memref<10240x32xf32, #tpu.memory_space<vmem_shared>> -> memref<128x32xf32, #tpu.memory_space<vmem_shared>>
      %dma_wait3A_161 = arith.constant 0 : i32
      %dma_wait3A_162 = tpu.memref_slice %arg9[%add3A_35, %dma_wait3A_161] : memref<10240x32xf32, #tpu.memory_space<vmem_shared>> -> memref<128x32xf32, #tpu.memory_space<vmem_shared>>
      %dma_wait3A_163 = arith.constant 0 : i32
      %dma_wait3A_164 = arith.constant 0 : i32
      %dma_wait3A_165 = tpu.memref_slice %arg7[%run_scoped3A_36, %dma_wait3A_163, %dma_wait3A_164] : memref<8x128x32xf32, #tpu.memory_space<vmem>> -> memref<1x128x32xf32, #tpu.memory_space<vmem>>
      %dma_wait3A_166 = tpu.memref_squeeze %dma_wait3A_165 : memref<1x128x32xf32, #tpu.memory_space<vmem>> -> memref<128x32xf32, #tpu.memory_space<vmem>>
      tpu.wait_dma2 semaphore(%run_scoped3A_143 : memref<!tpu.dma_semaphore, #tpu.memory_space<semaphore_mem>>) src(%dma_wait3A_166 : memref<128x32xf32, #tpu.memory_space<vmem>>) dst(%dma_wait3A_162 : memref<128x32xf32, #tpu.memory_space<vmem_shared>>)
      tpu.yield
    }) : () -> ()
    %barrier3A = arith.constant 0 : index
    tpu.barrier barrier_id(%barrier3A)
    %dma_start3A = arith.constant 0 : i32
    %dma_start3A_37 = arith.constant 0 : i32
    %dma_start3A_38 = arith.constant 0 : i32
    %dma_start3A_39 = arith.constant 0 : i32
    %dma_start3A_40 = tpu.memref_slice %arg7[%dma_start3A_37, %dma_start3A_38, %dma_start3A_39] : memref<8x128x32xf32, #tpu.memory_space<vmem>> -> memref<1x128x32xf32, #tpu.memory_space<vmem>>
    %dma_start3A_41 = tpu.memref_squeeze %dma_start3A_40 : memref<1x128x32xf32, #tpu.memory_space<vmem>> -> memref<128x32xf32, #tpu.memory_space<vmem>>
    %dma_start3A_42 = arith.constant 0 : i32
    %dma_start3A_43 = tpu.memref_slice %arg5[%dma_start3A, %dma_start3A_42] : memref<80x128xi32, #tpu.memory_space<vmem>> -> memref<1x128xi32, #tpu.memory_space<vmem>>
    %dma_start3A_44 = tpu.memref_squeeze %dma_start3A_43 : memref<1x128xi32, #tpu.memory_space<vmem>> -> memref<128xi32, #tpu.memory_space<vmem>>
    %dma_start3A_45 = arith.constant 0 : i32
    %dma_start3A_46 = arith.constant 0 : i32
    %dma_start3A_47 = tpu.memref_slice %arg3[%dma_start3A_45, %dma_start3A_46] : memref<10240x32xf32, #tpu.memory_space<hbm>> -> memref<10240x32xf32, #tpu.memory_space<hbm>>
    tpu.enqueue_indirect_dma source(%dma_start3A_47 : memref<10240x32xf32, #tpu.memory_space<hbm>>) target(%dma_start3A_41 : memref<128x32xf32, #tpu.memory_space<vmem>>) offsets(%dma_start3A_44 : memref<128xi32, #tpu.memory_space<vmem>>) semaphore(%arg10 : memref<!tpu.dma_semaphore, #tpu.memory_space<semaphore_mem>>)
    %dma_start3A_48 = arith.constant 1 : i32
    %dma_start3A_49 = arith.constant 1 : i32
    %dma_start3A_50 = arith.constant 0 : i32
    %dma_start3A_51 = arith.constant 0 : i32
    %dma_start3A_52 = tpu.memref_slice %arg7[%dma_start3A_49, %dma_start3A_50, %dma_start3A_51] : memref<8x128x32xf32, #tpu.memory_space<vmem>> -> memref<1x128x32xf32, #tpu.memory_space<vmem>>
    %dma_start3A_53 = tpu.memref_squeeze %dma_start3A_52 : memref<1x128x32xf32, #tpu.memory_space<vmem>> -> memref<128x32xf32, #tpu.memory_space<vmem>>
    %dma_start3A_54 = arith.constant 0 : i32
    %dma_start3A_55 = tpu.memref_slice %arg5[%dma_start3A_48, %dma_start3A_54] : memref<80x128xi32, #tpu.memory_space<vmem>> -> memref<1x128xi32, #tpu.memory_space<vmem>>
    %dma_start3A_56 = tpu.memref_squeeze %dma_start3A_55 : memref<1x128xi32, #tpu.memory_space<vmem>> -> memref<128xi32, #tpu.memory_space<vmem>>
    %dma_start3A_57 = arith.constant 0 : i32
    %dma_start3A_58 = arith.constant 0 : i32
    %dma_start3A_59 = tpu.memref_slice %arg3[%dma_start3A_57, %dma_start3A_58] : memref<10240x32xf32, #tpu.memory_space<hbm>> -> memref<10240x32xf32, #tpu.memory_space<hbm>>
    tpu.enqueue_indirect_dma source(%dma_start3A_59 : memref<10240x32xf32, #tpu.memory_space<hbm>>) target(%dma_start3A_53 : memref<128x32xf32, #tpu.memory_space<vmem>>) offsets(%dma_start3A_56 : memref<128xi32, #tpu.memory_space<vmem>>) semaphore(%arg10 : memref<!tpu.dma_semaphore, #tpu.memory_space<semaphore_mem>>)
    %dma_start3A_60 = arith.constant 2 : i32
    %dma_start3A_61 = arith.constant 2 : i32
    %dma_start3A_62 = arith.constant 0 : i32
    %dma_start3A_63 = arith.constant 0 : i32
    %dma_start3A_64 = tpu.memref_slice %arg7[%dma_start3A_61, %dma_start3A_62, %dma_start3A_63] : memref<8x128x32xf32, #tpu.memory_space<vmem>> -> memref<1x128x32xf32, #tpu.memory_space<vmem>>
    %dma_start3A_65 = tpu.memref_squeeze %dma_start3A_64 : memref<1x128x32xf32, #tpu.memory_space<vmem>> -> memref<128x32xf32, #tpu.memory_space<vmem>>
    %dma_start3A_66 = arith.constant 0 : i32
    %dma_start3A_67 = tpu.memref_slice %arg5[%dma_start3A_60, %dma_start3A_66] : memref<80x128xi32, #tpu.memory_space<vmem>> -> memref<1x128xi32, #tpu.memory_space<vmem>>
    %dma_start3A_68 = tpu.memref_squeeze %dma_start3A_67 : memref<1x128xi32, #tpu.memory_space<vmem>> -> memref<128xi32, #tpu.memory_space<vmem>>
    %dma_start3A_69 = arith.constant 0 : i32
    %dma_start3A_70 = arith.constant 0 : i32
    %dma_start3A_71 = tpu.memref_slice %arg3[%dma_start3A_69, %dma_start3A_70] : memref<10240x32xf32, #tpu.memory_space<hbm>> -> memref<10240x32xf32, #tpu.memory_space<hbm>>
    tpu.enqueue_indirect_dma source(%dma_start3A_71 : memref<10240x32xf32, #tpu.memory_space<hbm>>) target(%dma_start3A_65 : memref<128x32xf32, #tpu.memory_space<vmem>>) offsets(%dma_start3A_68 : memref<128xi32, #tpu.memory_space<vmem>>) semaphore(%arg10 : memref<!tpu.dma_semaphore, #tpu.memory_space<semaphore_mem>>)
    %dma_start3A_72 = arith.constant 3 : i32
    %dma_start3A_73 = arith.constant 3 : i32
    %dma_start3A_74 = arith.constant 0 : i32
    %dma_start3A_75 = arith.constant 0 : i32
    %dma_start3A_76 = tpu.memref_slice %arg7[%dma_start3A_73, %dma_start3A_74, %dma_start3A_75] : memref<8x128x32xf32, #tpu.memory_space<vmem>> -> memref<1x128x32xf32, #tpu.memory_space<vmem>>
    %dma_start3A_77 = tpu.memref_squeeze %dma_start3A_76 : memref<1x128x32xf32, #tpu.memory_space<vmem>> -> memref<128x32xf32, #tpu.memory_space<vmem>>
    %dma_start3A_78 = arith.constant 0 : i32
    %dma_start3A_79 = tpu.memref_slice %arg5[%dma_start3A_72, %dma_start3A_78] : memref<80x128xi32, #tpu.memory_space<vmem>> -> memref<1x128xi32, #tpu.memory_space<vmem>>
    %dma_start3A_80 = tpu.memref_squeeze %dma_start3A_79 : memref<1x128xi32, #tpu.memory_space<vmem>> -> memref<128xi32, #tpu.memory_space<vmem>>
    %dma_start3A_81 = arith.constant 0 : i32
    %dma_start3A_82 = arith.constant 0 : i32
    %dma_start3A_83 = tpu.memref_slice %arg3[%dma_start3A_81, %dma_start3A_82] : memref<10240x32xf32, #tpu.memory_space<hbm>> -> memref<10240x32xf32, #tpu.memory_space<hbm>>
    tpu.enqueue_indirect_dma source(%dma_start3A_83 : memref<10240x32xf32, #tpu.memory_space<hbm>>) target(%dma_start3A_77 : memref<128x32xf32, #tpu.memory_space<vmem>>) offsets(%dma_start3A_80 : memref<128xi32, #tpu.memory_space<vmem>>) semaphore(%arg10 : memref<!tpu.dma_semaphore, #tpu.memory_space<semaphore_mem>>)
    %dma_start3A_84 = arith.constant 4 : i32
    %dma_start3A_85 = arith.constant 4 : i32
    %dma_start3A_86 = arith.constant 0 : i32
    %dma_start3A_87 = arith.constant 0 : i32
    %dma_start3A_88 = tpu.memref_slice %arg7[%dma_start3A_85, %dma_start3A_86, %dma_start3A_87] : memref<8x128x32xf32, #tpu.memory_space<vmem>> -> memref<1x128x32xf32, #tpu.memory_space<vmem>>
    %dma_start3A_89 = tpu.memref_squeeze %dma_start3A_88 : memref<1x128x32xf32, #tpu.memory_space<vmem>> -> memref<128x32xf32, #tpu.memory_space<vmem>>
    %dma_start3A_90 = arith.constant 0 : i32
    %dma_start3A_91 = tpu.memref_slice %arg5[%dma_start3A_84, %dma_start3A_90] : memref<80x128xi32, #tpu.memory_space<vmem>> -> memref<1x128xi32, #tpu.memory_space<vmem>>
    %dma_start3A_92 = tpu.memref_squeeze %dma_start3A_91 : memref<1x128xi32, #tpu.memory_space<vmem>> -> memref<128xi32, #tpu.memory_space<vmem>>
    %dma_start3A_93 = arith.constant 0 : i32
    %dma_start3A_94 = arith.constant 0 : i32
    %dma_start3A_95 = tpu.memref_slice %arg3[%dma_start3A_93, %dma_start3A_94] : memref<10240x32xf32, #tpu.memory_space<hbm>> -> memref<10240x32xf32, #tpu.memory_space<hbm>>
    tpu.enqueue_indirect_dma source(%dma_start3A_95 : memref<10240x32xf32, #tpu.memory_space<hbm>>) target(%dma_start3A_89 : memref<128x32xf32, #tpu.memory_space<vmem>>) offsets(%dma_start3A_92 : memref<128xi32, #tpu.memory_space<vmem>>) semaphore(%arg10 : memref<!tpu.dma_semaphore, #tpu.memory_space<semaphore_mem>>)
    %dma_start3A_96 = arith.constant 5 : i32
    %dma_start3A_97 = arith.constant 5 : i32
    %dma_start3A_98 = arith.constant 0 : i32
    %dma_start3A_99 = arith.constant 0 : i32
    %dma_start3A_100 = tpu.memref_slice %arg7[%dma_start3A_97, %dma_start3A_98, %dma_start3A_99] : memref<8x128x32xf32, #tpu.memory_space<vmem>> -> memref<1x128x32xf32, #tpu.memory_space<vmem>>
    %dma_start3A_101 = tpu.memref_squeeze %dma_start3A_100 : memref<1x128x32xf32, #tpu.memory_space<vmem>> -> memref<128x32xf32, #tpu.memory_space<vmem>>
    %dma_start3A_102 = arith.constant 0 : i32
    %dma_start3A_103 = tpu.memref_slice %arg5[%dma_start3A_96, %dma_start3A_102] : memref<80x128xi32, #tpu.memory_space<vmem>> -> memref<1x128xi32, #tpu.memory_space<vmem>>
    %dma_start3A_104 = tpu.memref_squeeze %dma_start3A_103 : memref<1x128xi32, #tpu.memory_space<vmem>> -> memref<128xi32, #tpu.memory_space<vmem>>
    %dma_start3A_105 = arith.constant 0 : i32
    %dma_start3A_106 = arith.constant 0 : i32
    %dma_start3A_107 = tpu.memref_slice %arg3[%dma_start3A_105, %dma_start3A_106] : memref<10240x32xf32, #tpu.memory_space<hbm>> -> memref<10240x32xf32, #tpu.memory_space<hbm>>
    tpu.enqueue_indirect_dma source(%dma_start3A_107 : memref<10240x32xf32, #tpu.memory_space<hbm>>) target(%dma_start3A_101 : memref<128x32xf32, #tpu.memory_space<vmem>>) offsets(%dma_start3A_104 : memref<128xi32, #tpu.memory_space<vmem>>) semaphore(%arg10 : memref<!tpu.dma_semaphore, #tpu.memory_space<semaphore_mem>>)
    %dma_start3A_108 = arith.constant 6 : i32
    %dma_start3A_109 = arith.constant 6 : i32
    %dma_start3A_110 = arith.constant 0 : i32
    %dma_start3A_111 = arith.constant 0 : i32
    %dma_start3A_112 = tpu.memref_slice %arg7[%dma_start3A_109, %dma_start3A_110, %dma_start3A_111] : memref<8x128x32xf32, #tpu.memory_space<vmem>> -> memref<1x128x32xf32, #tpu.memory_space<vmem>>
    %dma_start3A_113 = tpu.memref_squeeze %dma_start3A_112 : memref<1x128x32xf32, #tpu.memory_space<vmem>> -> memref<128x32xf32, #tpu.memory_space<vmem>>
    %dma_start3A_114 = arith.constant 0 : i32
    %dma_start3A_115 = tpu.memref_slice %arg5[%dma_start3A_108, %dma_start3A_114] : memref<80x128xi32, #tpu.memory_space<vmem>> -> memref<1x128xi32, #tpu.memory_space<vmem>>
    %dma_start3A_116 = tpu.memref_squeeze %dma_start3A_115 : memref<1x128xi32, #tpu.memory_space<vmem>> -> memref<128xi32, #tpu.memory_space<vmem>>
    %dma_start3A_117 = arith.constant 0 : i32
    %dma_start3A_118 = arith.constant 0 : i32
    %dma_start3A_119 = tpu.memref_slice %arg3[%dma_start3A_117, %dma_start3A_118] : memref<10240x32xf32, #tpu.memory_space<hbm>> -> memref<10240x32xf32, #tpu.memory_space<hbm>>
    tpu.enqueue_indirect_dma source(%dma_start3A_119 : memref<10240x32xf32, #tpu.memory_space<hbm>>) target(%dma_start3A_113 : memref<128x32xf32, #tpu.memory_space<vmem>>) offsets(%dma_start3A_116 : memref<128xi32, #tpu.memory_space<vmem>>) semaphore(%arg10 : memref<!tpu.dma_semaphore, #tpu.memory_space<semaphore_mem>>)
    %dma_start3A_120 = arith.constant 7 : i32
    %dma_start3A_121 = arith.constant 7 : i32
    %dma_start3A_122 = arith.constant 0 : i32
    %dma_start3A_123 = arith.constant 0 : i32
    %dma_start3A_124 = tpu.memref_slice %arg7[%dma_start3A_121, %dma_start3A_122, %dma_start3A_123] : memref<8x128x32xf32, #tpu.memory_space<vmem>> -> memref<1x128x32xf32, #tpu.memory_space<vmem>>
    %dma_start3A_125 = tpu.memref_squeeze %dma_start3A_124 : memref<1x128x32xf32, #tpu.memory_space<vmem>> -> memref<128x32xf32, #tpu.memory_space<vmem>>
    %dma_start3A_126 = arith.constant 0 : i32
    %dma_start3A_127 = tpu.memref_slice %arg5[%dma_start3A_120, %dma_start3A_126] : memref<80x128xi32, #tpu.memory_space<vmem>> -> memref<1x128xi32, #tpu.memory_space<vmem>>
    %dma_start3A_128 = tpu.memref_squeeze %dma_start3A_127 : memref<1x128xi32, #tpu.memory_space<vmem>> -> memref<128xi32, #tpu.memory_space<vmem>>
    %dma_start3A_129 = arith.constant 0 : i32
    %dma_start3A_130 = arith.constant 0 : i32
    %dma_start3A_131 = tpu.memref_slice %arg3[%dma_start3A_129, %dma_start3A_130] : memref<10240x32xf32, #tpu.memory_space<hbm>> -> memref<10240x32xf32, #tpu.memory_space<hbm>>
    tpu.enqueue_indirect_dma source(%dma_start3A_131 : memref<10240x32xf32, #tpu.memory_space<hbm>>) target(%dma_start3A_125 : memref<128x32xf32, #tpu.memory_space<vmem>>) offsets(%dma_start3A_128 : memref<128xi32, #tpu.memory_space<vmem>>) semaphore(%arg10 : memref<!tpu.dma_semaphore, #tpu.memory_space<semaphore_mem>>)
    %scan3A_132 = arith.constant 0 : i32
    %scan3A_133 = arith.constant 0 : i32
    %scan3A_134 = arith.constant 5 : i32
    %scan3A_135 = arith.addi %scan3A_133, %scan3A_134 : i32
    %scan3A_136 = arith.constant 1 : i32
    scf.for %scan3A_143 = %scan3A_133 to %scan3A_135 step %scan3A_136  : i32 {
      %mul3A_144 = arith.constant 2 : i32
      %mul3A_145 = arith.muli %mul3A_144, %scan3A_143 : i32
      %mul3A_146 = arith.constant 8 : i32
      %mul3A_147 = arith.muli %mul3A_145, %mul3A_146 : i32
      %dma_wait3A = arith.constant 0 : i32
      %dma_wait3A_148 = arith.constant 0 : i32
      %dma_wait3A_149 = arith.constant 0 : i32
      %dma_wait3A_150 = arith.constant 0 : i32
      %dma_wait3A_151 = tpu.memref_slice %arg7[%dma_wait3A_148, %dma_wait3A_149, %dma_wait3A_150] : memref<8x128x32xf32, #tpu.memory_space<vmem>> -> memref<1x128x32xf32, #tpu.memory_space<vmem>>
      %dma_wait3A_152 = tpu.memref_squeeze %dma_wait3A_151 : memref<1x128x32xf32, #tpu.memory_space<vmem>> -> memref<128x32xf32, #tpu.memory_space<vmem>>
      %dma_wait3A_153 = arith.constant 0 : i32
      %dma_wait3A_154 = tpu.memref_slice %arg5[%dma_wait3A, %dma_wait3A_153] : memref<80x128xi32, #tpu.memory_space<vmem>> -> memref<1x128xi32, #tpu.memory_space<vmem>>
      %dma_wait3A_155 = tpu.memref_squeeze %dma_wait3A_154 : memref<1x128xi32, #tpu.memory_space<vmem>> -> memref<128xi32, #tpu.memory_space<vmem>>
      %dma_wait3A_156 = arith.constant 0 : i32
      %dma_wait3A_157 = arith.constant 0 : i32
      %dma_wait3A_158 = tpu.memref_slice %arg3[%dma_wait3A_156, %dma_wait3A_157] : memref<10240x32xf32, #tpu.memory_space<hbm>> -> memref<10240x32xf32, #tpu.memory_space<hbm>>
      tpu.wait_indirect_dma semaphore(%arg10 : memref<!tpu.dma_semaphore, #tpu.memory_space<semaphore_mem>>) src(%dma_wait3A_158 : memref<10240x32xf32, #tpu.memory_space<hbm>>) dst(%dma_wait3A_152 : memref<128x32xf32, #tpu.memory_space<vmem>>)
      %dma_wait3A_159 = arith.constant 0 : i32
      %dma_wait3A_160 = arith.constant 1 : i32
      %dma_wait3A_161 = arith.constant 0 : i32
      %dma_wait3A_162 = arith.constant 0 : i32
      %dma_wait3A_163 = tpu.memref_slice %arg7[%dma_wait3A_160, %dma_wait3A_161, %dma_wait3A_162] : memref<8x128x32xf32, #tpu.memory_space<vmem>> -> memref<1x128x32xf32, #tpu.memory_space<vmem>>
      %dma_wait3A_164 = tpu.memref_squeeze %dma_wait3A_163 : memref<1x128x32xf32, #tpu.memory_space<vmem>> -> memref<128x32xf32, #tpu.memory_space<vmem>>
      %dma_wait3A_165 = arith.constant 0 : i32
      %dma_wait3A_166 = tpu.memref_slice %arg5[%dma_wait3A_159, %dma_wait3A_165] : memref<80x128xi32, #tpu.memory_space<vmem>> -> memref<1x128xi32, #tpu.memory_space<vmem>>
      %dma_wait3A_167 = tpu.memref_squeeze %dma_wait3A_166 : memref<1x128xi32, #tpu.memory_space<vmem>> -> memref<128xi32, #tpu.memory_space<vmem>>
      %dma_wait3A_168 = arith.constant 0 : i32
      %dma_wait3A_169 = arith.constant 0 : i32
      %dma_wait3A_170 = tpu.memref_slice %arg3[%dma_wait3A_168, %dma_wait3A_169] : memref<10240x32xf32, #tpu.memory_space<hbm>> -> memref<10240x32xf32, #tpu.memory_space<hbm>>
      tpu.wait_indirect_dma semaphore(%arg10 : memref<!tpu.dma_semaphore, #tpu.memory_space<semaphore_mem>>) src(%dma_wait3A_170 : memref<10240x32xf32, #tpu.memory_space<hbm>>) dst(%dma_wait3A_164 : memref<128x32xf32, #tpu.memory_space<vmem>>)
      %dma_wait3A_171 = arith.constant 0 : i32
      %dma_wait3A_172 = arith.constant 2 : i32
      %dma_wait3A_173 = arith.constant 0 : i32
      %dma_wait3A_174 = arith.constant 0 : i32
      %dma_wait3A_175 = tpu.memref_slice %arg7[%dma_wait3A_172, %dma_wait3A_173, %dma_wait3A_174] : memref<8x128x32xf32, #tpu.memory_space<vmem>> -> memref<1x128x32xf32, #tpu.memory_space<vmem>>
      %dma_wait3A_176 = tpu.memref_squeeze %dma_wait3A_175 : memref<1x128x32xf32, #tpu.memory_space<vmem>> -> memref<128x32xf32, #tpu.memory_space<vmem>>
      %dma_wait3A_177 = arith.constant 0 : i32
      %dma_wait3A_178 = tpu.memref_slice %arg5[%dma_wait3A_171, %dma_wait3A_177] : memref<80x128xi32, #tpu.memory_space<vmem>> -> memref<1x128xi32, #tpu.memory_space<vmem>>
      %dma_wait3A_179 = tpu.memref_squeeze %dma_wait3A_178 : memref<1x128xi32, #tpu.memory_space<vmem>> -> memref<128xi32, #tpu.memory_space<vmem>>
      %dma_wait3A_180 = arith.constant 0 : i32
      %dma_wait3A_181 = arith.constant 0 : i32
      %dma_wait3A_182 = tpu.memref_slice %arg3[%dma_wait3A_180, %dma_wait3A_181] : memref<10240x32xf32, #tpu.memory_space<hbm>> -> memref<10240x32xf32, #tpu.memory_space<hbm>>
      tpu.wait_indirect_dma semaphore(%arg10 : memref<!tpu.dma_semaphore, #tpu.memory_space<semaphore_mem>>) src(%dma_wait3A_182 : memref<10240x32xf32, #tpu.memory_space<hbm>>) dst(%dma_wait3A_176 : memref<128x32xf32, #tpu.memory_space<vmem>>)
      %dma_wait3A_183 = arith.constant 0 : i32
      %dma_wait3A_184 = arith.constant 3 : i32
      %dma_wait3A_185 = arith.constant 0 : i32
      %dma_wait3A_186 = arith.constant 0 : i32
      %dma_wait3A_187 = tpu.memref_slice %arg7[%dma_wait3A_184, %dma_wait3A_185, %dma_wait3A_186] : memref<8x128x32xf32, #tpu.memory_space<vmem>> -> memref<1x128x32xf32, #tpu.memory_space<vmem>>
      %dma_wait3A_188 = tpu.memref_squeeze %dma_wait3A_187 : memref<1x128x32xf32, #tpu.memory_space<vmem>> -> memref<128x32xf32, #tpu.memory_space<vmem>>
      %dma_wait3A_189 = arith.constant 0 : i32
      %dma_wait3A_190 = tpu.memref_slice %arg5[%dma_wait3A_183, %dma_wait3A_189] : memref<80x128xi32, #tpu.memory_space<vmem>> -> memref<1x128xi32, #tpu.memory_space<vmem>>
      %dma_wait3A_191 = tpu.memref_squeeze %dma_wait3A_190 : memref<1x128xi32, #tpu.memory_space<vmem>> -> memref<128xi32, #tpu.memory_space<vmem>>
      %dma_wait3A_192 = arith.constant 0 : i32
      %dma_wait3A_193 = arith.constant 0 : i32
      %dma_wait3A_194 = tpu.memref_slice %arg3[%dma_wait3A_192, %dma_wait3A_193] : memref<10240x32xf32, #tpu.memory_space<hbm>> -> memref<10240x32xf32, #tpu.memory_space<hbm>>
      tpu.wait_indirect_dma semaphore(%arg10 : memref<!tpu.dma_semaphore, #tpu.memory_space<semaphore_mem>>) src(%dma_wait3A_194 : memref<10240x32xf32, #tpu.memory_space<hbm>>) dst(%dma_wait3A_188 : memref<128x32xf32, #tpu.memory_space<vmem>>)
      %dma_wait3A_195 = arith.constant 0 : i32
      %dma_wait3A_196 = arith.constant 4 : i32
      %dma_wait3A_197 = arith.constant 0 : i32
      %dma_wait3A_198 = arith.constant 0 : i32
      %dma_wait3A_199 = tpu.memref_slice %arg7[%dma_wait3A_196, %dma_wait3A_197, %dma_wait3A_198] : memref<8x128x32xf32, #tpu.memory_space<vmem>> -> memref<1x128x32xf32, #tpu.memory_space<vmem>>
      %dma_wait3A_200 = tpu.memref_squeeze %dma_wait3A_199 : memref<1x128x32xf32, #tpu.memory_space<vmem>> -> memref<128x32xf32, #tpu.memory_space<vmem>>
      %dma_wait3A_201 = arith.constant 0 : i32
      %dma_wait3A_202 = tpu.memref_slice %arg5[%dma_wait3A_195, %dma_wait3A_201] : memref<80x128xi32, #tpu.memory_space<vmem>> -> memref<1x128xi32, #tpu.memory_space<vmem>>
      %dma_wait3A_203 = tpu.memref_squeeze %dma_wait3A_202 : memref<1x128xi32, #tpu.memory_space<vmem>> -> memref<128xi32, #tpu.memory_space<vmem>>
      %dma_wait3A_204 = arith.constant 0 : i32
      %dma_wait3A_205 = arith.constant 0 : i32
      %dma_wait3A_206 = tpu.memref_slice %arg3[%dma_wait3A_204, %dma_wait3A_205] : memref<10240x32xf32, #tpu.memory_space<hbm>> -> memref<10240x32xf32, #tpu.memory_space<hbm>>
      tpu.wait_indirect_dma semaphore(%arg10 : memref<!tpu.dma_semaphore, #tpu.memory_space<semaphore_mem>>) src(%dma_wait3A_206 : memref<10240x32xf32, #tpu.memory_space<hbm>>) dst(%dma_wait3A_200 : memref<128x32xf32, #tpu.memory_space<vmem>>)
      %dma_wait3A_207 = arith.constant 0 : i32
      %dma_wait3A_208 = arith.constant 5 : i32
      %dma_wait3A_209 = arith.constant 0 : i32
      %dma_wait3A_210 = arith.constant 0 : i32
      %dma_wait3A_211 = tpu.memref_slice %arg7[%dma_wait3A_208, %dma_wait3A_209, %dma_wait3A_210] : memref<8x128x32xf32, #tpu.memory_space<vmem>> -> memref<1x128x32xf32, #tpu.memory_space<vmem>>
      %dma_wait3A_212 = tpu.memref_squeeze %dma_wait3A_211 : memref<1x128x32xf32, #tpu.memory_space<vmem>> -> memref<128x32xf32, #tpu.memory_space<vmem>>
      %dma_wait3A_213 = arith.constant 0 : i32
      %dma_wait3A_214 = tpu.memref_slice %arg5[%dma_wait3A_207, %dma_wait3A_213] : memref<80x128xi32, #tpu.memory_space<vmem>> -> memref<1x128xi32, #tpu.memory_space<vmem>>
      %dma_wait3A_215 = tpu.memref_squeeze %dma_wait3A_214 : memref<1x128xi32, #tpu.memory_space<vmem>> -> memref<128xi32, #tpu.memory_space<vmem>>
      %dma_wait3A_216 = arith.constant 0 : i32
      %dma_wait3A_217 = arith.constant 0 : i32
      %dma_wait3A_218 = tpu.memref_slice %arg3[%dma_wait3A_216, %dma_wait3A_217] : memref<10240x32xf32, #tpu.memory_space<hbm>> -> memref<10240x32xf32, #tpu.memory_space<hbm>>
      tpu.wait_indirect_dma semaphore(%arg10 : memref<!tpu.dma_semaphore, #tpu.memory_space<semaphore_mem>>) src(%dma_wait3A_218 : memref<10240x32xf32, #tpu.memory_space<hbm>>) dst(%dma_wait3A_212 : memref<128x32xf32, #tpu.memory_space<vmem>>)
      %dma_wait3A_219 = arith.constant 0 : i32
      %dma_wait3A_220 = arith.constant 6 : i32
      %dma_wait3A_221 = arith.constant 0 : i32
      %dma_wait3A_222 = arith.constant 0 : i32
      %dma_wait3A_223 = tpu.memref_slice %arg7[%dma_wait3A_220, %dma_wait3A_221, %dma_wait3A_222] : memref<8x128x32xf32, #tpu.memory_space<vmem>> -> memref<1x128x32xf32, #tpu.memory_space<vmem>>
      %dma_wait3A_224 = tpu.memref_squeeze %dma_wait3A_223 : memref<1x128x32xf32, #tpu.memory_space<vmem>> -> memref<128x32xf32, #tpu.memory_space<vmem>>
      %dma_wait3A_225 = arith.constant 0 : i32
      %dma_wait3A_226 = tpu.memref_slice %arg5[%dma_wait3A_219, %dma_wait3A_225] : memref<80x128xi32, #tpu.memory_space<vmem>> -> memref<1x128xi32, #tpu.memory_space<vmem>>
      %dma_wait3A_227 = tpu.memref_squeeze %dma_wait3A_226 : memref<1x128xi32, #tpu.memory_space<vmem>> -> memref<128xi32, #tpu.memory_space<vmem>>
      %dma_wait3A_228 = arith.constant 0 : i32
      %dma_wait3A_229 = arith.constant 0 : i32
      %dma_wait3A_230 = tpu.memref_slice %arg3[%dma_wait3A_228, %dma_wait3A_229] : memref<10240x32xf32, #tpu.memory_space<hbm>> -> memref<10240x32xf32, #tpu.memory_space<hbm>>
      tpu.wait_indirect_dma semaphore(%arg10 : memref<!tpu.dma_semaphore, #tpu.memory_space<semaphore_mem>>) src(%dma_wait3A_230 : memref<10240x32xf32, #tpu.memory_space<hbm>>) dst(%dma_wait3A_224 : memref<128x32xf32, #tpu.memory_space<vmem>>)
      %dma_wait3A_231 = arith.constant 0 : i32
      %dma_wait3A_232 = arith.constant 7 : i32
      %dma_wait3A_233 = arith.constant 0 : i32
      %dma_wait3A_234 = arith.constant 0 : i32
      %dma_wait3A_235 = tpu.memref_slice %arg7[%dma_wait3A_232, %dma_wait3A_233, %dma_wait3A_234] : memref<8x128x32xf32, #tpu.memory_space<vmem>> -> memref<1x128x32xf32, #tpu.memory_space<vmem>>
      %dma_wait3A_236 = tpu.memref_squeeze %dma_wait3A_235 : memref<1x128x32xf32, #tpu.memory_space<vmem>> -> memref<128x32xf32, #tpu.memory_space<vmem>>
      %dma_wait3A_237 = arith.constant 0 : i32
      %dma_wait3A_238 = tpu.memref_slice %arg5[%dma_wait3A_231, %dma_wait3A_237] : memref<80x128xi32, #tpu.memory_space<vmem>> -> memref<1x128xi32, #tpu.memory_space<vmem>>
      %dma_wait3A_239 = tpu.memref_squeeze %dma_wait3A_238 : memref<1x128xi32, #tpu.memory_space<vmem>> -> memref<128xi32, #tpu.memory_space<vmem>>
      %dma_wait3A_240 = arith.constant 0 : i32
      %dma_wait3A_241 = arith.constant 0 : i32
      %dma_wait3A_242 = tpu.memref_slice %arg3[%dma_wait3A_240, %dma_wait3A_241] : memref<10240x32xf32, #tpu.memory_space<hbm>> -> memref<10240x32xf32, #tpu.memory_space<hbm>>
      tpu.wait_indirect_dma semaphore(%arg10 : memref<!tpu.dma_semaphore, #tpu.memory_space<semaphore_mem>>) src(%dma_wait3A_242 : memref<10240x32xf32, #tpu.memory_space<hbm>>) dst(%dma_wait3A_236 : memref<128x32xf32, #tpu.memory_space<vmem>>)
      %add3A_243 = arith.constant 8 : i32
      %add3A_244 = arith.addi %mul3A_147, %add3A_243 : i32
      %add3A_245 = arith.constant 0 : i32
      %add3A_246 = arith.addi %add3A_244, %add3A_245 : i32
      %dma_start3A_247 = arith.constant 0 : i32
      %dma_start3A_248 = arith.constant 0 : i32
      %dma_start3A_249 = arith.constant 0 : i32
      %dma_start3A_250 = tpu.memref_slice %arg8[%dma_start3A_247, %dma_start3A_248, %dma_start3A_249] : memref<8x128x32xf32, #tpu.memory_space<vmem>> -> memref<1x128x32xf32, #tpu.memory_space<vmem>>
      %dma_start3A_251 = tpu.memref_squeeze %dma_start3A_250 : memref<1x128x32xf32, #tpu.memory_space<vmem>> -> memref<128x32xf32, #tpu.memory_space<vmem>>
      %dma_start3A_252 = arith.constant 0 : i32
      %dma_start3A_253 = tpu.memref_slice %arg5[%add3A_246, %dma_start3A_252] : memref<80x128xi32, #tpu.memory_space<vmem>> -> memref<1x128xi32, #tpu.memory_space<vmem>>
      %dma_start3A_254 = tpu.memref_squeeze %dma_start3A_253 : memref<1x128xi32, #tpu.memory_space<vmem>> -> memref<128xi32, #tpu.memory_space<vmem>>
      %dma_start3A_255 = arith.constant 0 : i32
      %dma_start3A_256 = arith.constant 0 : i32
      %dma_start3A_257 = tpu.memref_slice %arg3[%dma_start3A_255, %dma_start3A_256] : memref<10240x32xf32, #tpu.memory_space<hbm>> -> memref<10240x32xf32, #tpu.memory_space<hbm>>
      tpu.enqueue_indirect_dma source(%dma_start3A_257 : memref<10240x32xf32, #tpu.memory_space<hbm>>) target(%dma_start3A_251 : memref<128x32xf32, #tpu.memory_space<vmem>>) offsets(%dma_start3A_254 : memref<128xi32, #tpu.memory_space<vmem>>) semaphore(%arg11 : memref<!tpu.dma_semaphore, #tpu.memory_space<semaphore_mem>>)
      %add3A_258 = arith.constant 1 : i32
      %add3A_259 = arith.addi %add3A_244, %add3A_258 : i32
      %dma_start3A_260 = arith.constant 1 : i32
      %dma_start3A_261 = arith.constant 0 : i32
      %dma_start3A_262 = arith.constant 0 : i32
      %dma_start3A_263 = tpu.memref_slice %arg8[%dma_start3A_260, %dma_start3A_261, %dma_start3A_262] : memref<8x128x32xf32, #tpu.memory_space<vmem>> -> memref<1x128x32xf32, #tpu.memory_space<vmem>>
      %dma_start3A_264 = tpu.memref_squeeze %dma_start3A_263 : memref<1x128x32xf32, #tpu.memory_space<vmem>> -> memref<128x32xf32, #tpu.memory_space<vmem>>
      %dma_start3A_265 = arith.constant 0 : i32
      %dma_start3A_266 = tpu.memref_slice %arg5[%add3A_259, %dma_start3A_265] : memref<80x128xi32, #tpu.memory_space<vmem>> -> memref<1x128xi32, #tpu.memory_space<vmem>>
      %dma_start3A_267 = tpu.memref_squeeze %dma_start3A_266 : memref<1x128xi32, #tpu.memory_space<vmem>> -> memref<128xi32, #tpu.memory_space<vmem>>
      %dma_start3A_268 = arith.constant 0 : i32
      %dma_start3A_269 = arith.constant 0 : i32
      %dma_start3A_270 = tpu.memref_slice %arg3[%dma_start3A_268, %dma_start3A_269] : memref<10240x32xf32, #tpu.memory_space<hbm>> -> memref<10240x32xf32, #tpu.memory_space<hbm>>
      tpu.enqueue_indirect_dma source(%dma_start3A_270 : memref<10240x32xf32, #tpu.memory_space<hbm>>) target(%dma_start3A_264 : memref<128x32xf32, #tpu.memory_space<vmem>>) offsets(%dma_start3A_267 : memref<128xi32, #tpu.memory_space<vmem>>) semaphore(%arg11 : memref<!tpu.dma_semaphore, #tpu.memory_space<semaphore_mem>>)
      %add3A_271 = arith.constant 2 : i32
      %add3A_272 = arith.addi %add3A_244, %add3A_271 : i32
      %dma_start3A_273 = arith.constant 2 : i32
      %dma_start3A_274 = arith.constant 0 : i32
      %dma_start3A_275 = arith.constant 0 : i32
      %dma_start3A_276 = tpu.memref_slice %arg8[%dma_start3A_273, %dma_start3A_274, %dma_start3A_275] : memref<8x128x32xf32, #tpu.memory_space<vmem>> -> memref<1x128x32xf32, #tpu.memory_space<vmem>>
      %dma_start3A_277 = tpu.memref_squeeze %dma_start3A_276 : memref<1x128x32xf32, #tpu.memory_space<vmem>> -> memref<128x32xf32, #tpu.memory_space<vmem>>
      %dma_start3A_278 = arith.constant 0 : i32
      %dma_start3A_279 = tpu.memref_slice %arg5[%add3A_272, %dma_start3A_278] : memref<80x128xi32, #tpu.memory_space<vmem>> -> memref<1x128xi32, #tpu.memory_space<vmem>>
      %dma_start3A_280 = tpu.memref_squeeze %dma_start3A_279 : memref<1x128xi32, #tpu.memory_space<vmem>> -> memref<128xi32, #tpu.memory_space<vmem>>
      %dma_start3A_281 = arith.constant 0 : i32
      %dma_start3A_282 = arith.constant 0 : i32
      %dma_start3A_283 = tpu.memref_slice %arg3[%dma_start3A_281, %dma_start3A_282] : memref<10240x32xf32, #tpu.memory_space<hbm>> -> memref<10240x32xf32, #tpu.memory_space<hbm>>
      tpu.enqueue_indirect_dma source(%dma_start3A_283 : memref<10240x32xf32, #tpu.memory_space<hbm>>) target(%dma_start3A_277 : memref<128x32xf32, #tpu.memory_space<vmem>>) offsets(%dma_start3A_280 : memref<128xi32, #tpu.memory_space<vmem>>) semaphore(%arg11 : memref<!tpu.dma_semaphore, #tpu.memory_space<semaphore_mem>>)
      %add3A_284 = arith.constant 3 : i32
      %add3A_285 = arith.addi %add3A_244, %add3A_284 : i32
      %dma_start3A_286 = arith.constant 3 : i32
      %dma_start3A_287 = arith.constant 0 : i32
      %dma_start3A_288 = arith.constant 0 : i32
      %dma_start3A_289 = tpu.memref_slice %arg8[%dma_start3A_286, %dma_start3A_287, %dma_start3A_288] : memref<8x128x32xf32, #tpu.memory_space<vmem>> -> memref<1x128x32xf32, #tpu.memory_space<vmem>>
      %dma_start3A_290 = tpu.memref_squeeze %dma_start3A_289 : memref<1x128x32xf32, #tpu.memory_space<vmem>> -> memref<128x32xf32, #tpu.memory_space<vmem>>
      %dma_start3A_291 = arith.constant 0 : i32
      %dma_start3A_292 = tpu.memref_slice %arg5[%add3A_285, %dma_start3A_291] : memref<80x128xi32, #tpu.memory_space<vmem>> -> memref<1x128xi32, #tpu.memory_space<vmem>>
      %dma_start3A_293 = tpu.memref_squeeze %dma_start3A_292 : memref<1x128xi32, #tpu.memory_space<vmem>> -> memref<128xi32, #tpu.memory_space<vmem>>
      %dma_start3A_294 = arith.constant 0 : i32
      %dma_start3A_295 = arith.constant 0 : i32
      %dma_start3A_296 = tpu.memref_slice %arg3[%dma_start3A_294, %dma_start3A_295] : memref<10240x32xf32, #tpu.memory_space<hbm>> -> memref<10240x32xf32, #tpu.memory_space<hbm>>
      tpu.enqueue_indirect_dma source(%dma_start3A_296 : memref<10240x32xf32, #tpu.memory_space<hbm>>) target(%dma_start3A_290 : memref<128x32xf32, #tpu.memory_space<vmem>>) offsets(%dma_start3A_293 : memref<128xi32, #tpu.memory_space<vmem>>) semaphore(%arg11 : memref<!tpu.dma_semaphore, #tpu.memory_space<semaphore_mem>>)
      %add3A_297 = arith.constant 4 : i32
      %add3A_298 = arith.addi %add3A_244, %add3A_297 : i32
      %dma_start3A_299 = arith.constant 4 : i32
      %dma_start3A_300 = arith.constant 0 : i32
      %dma_start3A_301 = arith.constant 0 : i32
      %dma_start3A_302 = tpu.memref_slice %arg8[%dma_start3A_299, %dma_start3A_300, %dma_start3A_301] : memref<8x128x32xf32, #tpu.memory_space<vmem>> -> memref<1x128x32xf32, #tpu.memory_space<vmem>>
      %dma_start3A_303 = tpu.memref_squeeze %dma_start3A_302 : memref<1x128x32xf32, #tpu.memory_space<vmem>> -> memref<128x32xf32, #tpu.memory_space<vmem>>
      %dma_start3A_304 = arith.constant 0 : i32
      %dma_start3A_305 = tpu.memref_slice %arg5[%add3A_298, %dma_start3A_304] : memref<80x128xi32, #tpu.memory_space<vmem>> -> memref<1x128xi32, #tpu.memory_space<vmem>>
      %dma_start3A_306 = tpu.memref_squeeze %dma_start3A_305 : memref<1x128xi32, #tpu.memory_space<vmem>> -> memref<128xi32, #tpu.memory_space<vmem>>
      %dma_start3A_307 = arith.constant 0 : i32
      %dma_start3A_308 = arith.constant 0 : i32
      %dma_start3A_309 = tpu.memref_slice %arg3[%dma_start3A_307, %dma_start3A_308] : memref<10240x32xf32, #tpu.memory_space<hbm>> -> memref<10240x32xf32, #tpu.memory_space<hbm>>
      tpu.enqueue_indirect_dma source(%dma_start3A_309 : memref<10240x32xf32, #tpu.memory_space<hbm>>) target(%dma_start3A_303 : memref<128x32xf32, #tpu.memory_space<vmem>>) offsets(%dma_start3A_306 : memref<128xi32, #tpu.memory_space<vmem>>) semaphore(%arg11 : memref<!tpu.dma_semaphore, #tpu.memory_space<semaphore_mem>>)
      %add3A_310 = arith.constant 5 : i32
      %add3A_311 = arith.addi %add3A_244, %add3A_310 : i32
      %dma_start3A_312 = arith.constant 5 : i32
      %dma_start3A_313 = arith.constant 0 : i32
      %dma_start3A_314 = arith.constant 0 : i32
      %dma_start3A_315 = tpu.memref_slice %arg8[%dma_start3A_312, %dma_start3A_313, %dma_start3A_314] : memref<8x128x32xf32, #tpu.memory_space<vmem>> -> memref<1x128x32xf32, #tpu.memory_space<vmem>>
      %dma_start3A_316 = tpu.memref_squeeze %dma_start3A_315 : memref<1x128x32xf32, #tpu.memory_space<vmem>> -> memref<128x32xf32, #tpu.memory_space<vmem>>
      %dma_start3A_317 = arith.constant 0 : i32
      %dma_start3A_318 = tpu.memref_slice %arg5[%add3A_311, %dma_start3A_317] : memref<80x128xi32, #tpu.memory_space<vmem>> -> memref<1x128xi32, #tpu.memory_space<vmem>>
      %dma_start3A_319 = tpu.memref_squeeze %dma_start3A_318 : memref<1x128xi32, #tpu.memory_space<vmem>> -> memref<128xi32, #tpu.memory_space<vmem>>
      %dma_start3A_320 = arith.constant 0 : i32
      %dma_start3A_321 = arith.constant 0 : i32
      %dma_start3A_322 = tpu.memref_slice %arg3[%dma_start3A_320, %dma_start3A_321] : memref<10240x32xf32, #tpu.memory_space<hbm>> -> memref<10240x32xf32, #tpu.memory_space<hbm>>
      tpu.enqueue_indirect_dma source(%dma_start3A_322 : memref<10240x32xf32, #tpu.memory_space<hbm>>) target(%dma_start3A_316 : memref<128x32xf32, #tpu.memory_space<vmem>>) offsets(%dma_start3A_319 : memref<128xi32, #tpu.memory_space<vmem>>) semaphore(%arg11 : memref<!tpu.dma_semaphore, #tpu.memory_space<semaphore_mem>>)
      %add3A_323 = arith.constant 6 : i32
      %add3A_324 = arith.addi %add3A_244, %add3A_323 : i32
      %dma_start3A_325 = arith.constant 6 : i32
      %dma_start3A_326 = arith.constant 0 : i32
      %dma_start3A_327 = arith.constant 0 : i32
      %dma_start3A_328 = tpu.memref_slice %arg8[%dma_start3A_325, %dma_start3A_326, %dma_start3A_327] : memref<8x128x32xf32, #tpu.memory_space<vmem>> -> memref<1x128x32xf32, #tpu.memory_space<vmem>>
      %dma_start3A_329 = tpu.memref_squeeze %dma_start3A_328 : memref<1x128x32xf32, #tpu.memory_space<vmem>> -> memref<128x32xf32, #tpu.memory_space<vmem>>
      %dma_start3A_330 = arith.constant 0 : i32
      %dma_start3A_331 = tpu.memref_slice %arg5[%add3A_324, %dma_start3A_330] : memref<80x128xi32, #tpu.memory_space<vmem>> -> memref<1x128xi32, #tpu.memory_space<vmem>>
      %dma_start3A_332 = tpu.memref_squeeze %dma_start3A_331 : memref<1x128xi32, #tpu.memory_space<vmem>> -> memref<128xi32, #tpu.memory_space<vmem>>
      %dma_start3A_333 = arith.constant 0 : i32
      %dma_start3A_334 = arith.constant 0 : i32
      %dma_start3A_335 = tpu.memref_slice %arg3[%dma_start3A_333, %dma_start3A_334] : memref<10240x32xf32, #tpu.memory_space<hbm>> -> memref<10240x32xf32, #tpu.memory_space<hbm>>
      tpu.enqueue_indirect_dma source(%dma_start3A_335 : memref<10240x32xf32, #tpu.memory_space<hbm>>) target(%dma_start3A_329 : memref<128x32xf32, #tpu.memory_space<vmem>>) offsets(%dma_start3A_332 : memref<128xi32, #tpu.memory_space<vmem>>) semaphore(%arg11 : memref<!tpu.dma_semaphore, #tpu.memory_space<semaphore_mem>>)
      %add3A_336 = arith.constant 7 : i32
      %add3A_337 = arith.addi %add3A_244, %add3A_336 : i32
      %dma_start3A_338 = arith.constant 7 : i32
      %dma_start3A_339 = arith.constant 0 : i32
      %dma_start3A_340 = arith.constant 0 : i32
      %dma_start3A_341 = tpu.memref_slice %arg8[%dma_start3A_338, %dma_start3A_339, %dma_start3A_340] : memref<8x128x32xf32, #tpu.memory_space<vmem>> -> memref<1x128x32xf32, #tpu.memory_space<vmem>>
      %dma_start3A_342 = tpu.memref_squeeze %dma_start3A_341 : memref<1x128x32xf32, #tpu.memory_space<vmem>> -> memref<128x32xf32, #tpu.memory_space<vmem>>
      %dma_start3A_343 = arith.constant 0 : i32
      %dma_start3A_344 = tpu.memref_slice %arg5[%add3A_337, %dma_start3A_343] : memref<80x128xi32, #tpu.memory_space<vmem>> -> memref<1x128xi32, #tpu.memory_space<vmem>>
      %dma_start3A_345 = tpu.memref_squeeze %dma_start3A_344 : memref<1x128xi32, #tpu.memory_space<vmem>> -> memref<128xi32, #tpu.memory_space<vmem>>
      %dma_start3A_346 = arith.constant 0 : i32
      %dma_start3A_347 = arith.constant 0 : i32
      %dma_start3A_348 = tpu.memref_slice %arg3[%dma_start3A_346, %dma_start3A_347] : memref<10240x32xf32, #tpu.memory_space<hbm>> -> memref<10240x32xf32, #tpu.memory_space<hbm>>
      tpu.enqueue_indirect_dma source(%dma_start3A_348 : memref<10240x32xf32, #tpu.memory_space<hbm>>) target(%dma_start3A_342 : memref<128x32xf32, #tpu.memory_space<vmem>>) offsets(%dma_start3A_345 : memref<128xi32, #tpu.memory_space<vmem>>) semaphore(%arg11 : memref<!tpu.dma_semaphore, #tpu.memory_space<semaphore_mem>>)
      %add3A_349 = arith.constant 0 : i32
      %add3A_350 = arith.addi %mul3A_147, %add3A_349 : i32
      %dma_start3A_351 = arith.constant 0 : i32
      %dma_start3A_352 = arith.constant 0 : i32
      %dma_start3A_353 = arith.constant 0 : i32
      %dma_start3A_354 = tpu.memref_slice %arg7[%dma_start3A_351, %dma_start3A_352, %dma_start3A_353] : memref<8x128x32xf32, #tpu.memory_space<vmem>> -> memref<1x128x32xf32, #tpu.memory_space<vmem>>
      %dma_start3A_355 = tpu.memref_squeeze %dma_start3A_354 : memref<1x128x32xf32, #tpu.memory_space<vmem>> -> memref<128x32xf32, #tpu.memory_space<vmem>>
      %dma_start3A_356 = arith.constant 0 : i32
      %dma_start3A_357 = tpu.memref_slice %arg6[%add3A_350, %dma_start3A_356] : memref<80x128xi32, #tpu.memory_space<vmem>> -> memref<1x128xi32, #tpu.memory_space<vmem>>
      %dma_start3A_358 = tpu.memref_squeeze %dma_start3A_357 : memref<1x128xi32, #tpu.memory_space<vmem>> -> memref<128xi32, #tpu.memory_space<vmem>>
      %dma_start3A_359 = arith.constant 0 : i32
      %dma_start3A_360 = arith.constant 0 : i32
      %dma_start3A_361 = tpu.memref_slice %arg9[%dma_start3A_359, %dma_start3A_360] : memref<10240x32xf32, #tpu.memory_space<vmem_shared>> -> memref<10240x32xf32, #tpu.memory_space<vmem_shared>>
      tpu.enqueue_indirect_dma source(%dma_start3A_355 : memref<128x32xf32, #tpu.memory_space<vmem>>) target(%dma_start3A_361 : memref<10240x32xf32, #tpu.memory_space<vmem_shared>>) offsets(%dma_start3A_358 : memref<128xi32, #tpu.memory_space<vmem>>) semaphore(%arg12 : memref<!tpu.dma_semaphore, #tpu.memory_space<semaphore_mem>>) {add = true}
      %add3A_362 = arith.constant 1 : i32
      %add3A_363 = arith.addi %mul3A_147, %add3A_362 : i32
      %dma_start3A_364 = arith.constant 1 : i32
      %dma_start3A_365 = arith.constant 0 : i32
      %dma_start3A_366 = arith.constant 0 : i32
      %dma_start3A_367 = tpu.memref_slice %arg7[%dma_start3A_364, %dma_start3A_365, %dma_start3A_366] : memref<8x128x32xf32, #tpu.memory_space<vmem>> -> memref<1x128x32xf32, #tpu.memory_space<vmem>>
      %dma_start3A_368 = tpu.memref_squeeze %dma_start3A_367 : memref<1x128x32xf32, #tpu.memory_space<vmem>> -> memref<128x32xf32, #tpu.memory_space<vmem>>
      %dma_start3A_369 = arith.constant 0 : i32
      %dma_start3A_370 = tpu.memref_slice %arg6[%add3A_363, %dma_start3A_369] : memref<80x128xi32, #tpu.memory_space<vmem>> -> memref<1x128xi32, #tpu.memory_space<vmem>>
      %dma_start3A_371 = tpu.memref_squeeze %dma_start3A_370 : memref<1x128xi32, #tpu.memory_space<vmem>> -> memref<128xi32, #tpu.memory_space<vmem>>
      %dma_start3A_372 = arith.constant 0 : i32
      %dma_start3A_373 = arith.constant 0 : i32
      %dma_start3A_374 = tpu.memref_slice %arg9[%dma_start3A_372, %dma_start3A_373] : memref<10240x32xf32, #tpu.memory_space<vmem_shared>> -> memref<10240x32xf32, #tpu.memory_space<vmem_shared>>
      tpu.enqueue_indirect_dma source(%dma_start3A_368 : memref<128x32xf32, #tpu.memory_space<vmem>>) target(%dma_start3A_374 : memref<10240x32xf32, #tpu.memory_space<vmem_shared>>) offsets(%dma_start3A_371 : memref<128xi32, #tpu.memory_space<vmem>>) semaphore(%arg12 : memref<!tpu.dma_semaphore, #tpu.memory_space<semaphore_mem>>) {add = true}
      %add3A_375 = arith.constant 2 : i32
      %add3A_376 = arith.addi %mul3A_147, %add3A_375 : i32
      %dma_start3A_377 = arith.constant 2 : i32
      %dma_start3A_378 = arith.constant 0 : i32
      %dma_start3A_379 = arith.constant 0 : i32
      %dma_start3A_380 = tpu.memref_slice %arg7[%dma_start3A_377, %dma_start3A_378, %dma_start3A_379] : memref<8x128x32xf32, #tpu.memory_space<vmem>> -> memref<1x128x32xf32, #tpu.memory_space<vmem>>
      %dma_start3A_381 = tpu.memref_squeeze %dma_start3A_380 : memref<1x128x32xf32, #tpu.memory_space<vmem>> -> memref<128x32xf32, #tpu.memory_space<vmem>>
      %dma_start3A_382 = arith.constant 0 : i32
      %dma_start3A_383 = tpu.memref_slice %arg6[%add3A_376, %dma_start3A_382] : memref<80x128xi32, #tpu.memory_space<vmem>> -> memref<1x128xi32, #tpu.memory_space<vmem>>
      %dma_start3A_384 = tpu.memref_squeeze %dma_start3A_383 : memref<1x128xi32, #tpu.memory_space<vmem>> -> memref<128xi32, #tpu.memory_space<vmem>>
      %dma_start3A_385 = arith.constant 0 : i32
      %dma_start3A_386 = arith.constant 0 : i32
      %dma_start3A_387 = tpu.memref_slice %arg9[%dma_start3A_385, %dma_start3A_386] : memref<10240x32xf32, #tpu.memory_space<vmem_shared>> -> memref<10240x32xf32, #tpu.memory_space<vmem_shared>>
      tpu.enqueue_indirect_dma source(%dma_start3A_381 : memref<128x32xf32, #tpu.memory_space<vmem>>) target(%dma_start3A_387 : memref<10240x32xf32, #tpu.memory_space<vmem_shared>>) offsets(%dma_start3A_384 : memref<128xi32, #tpu.memory_space<vmem>>) semaphore(%arg12 : memref<!tpu.dma_semaphore, #tpu.memory_space<semaphore_mem>>) {add = true}
      %add3A_388 = arith.constant 3 : i32
      %add3A_389 = arith.addi %mul3A_147, %add3A_388 : i32
      %dma_start3A_390 = arith.constant 3 : i32
      %dma_start3A_391 = arith.constant 0 : i32
      %dma_start3A_392 = arith.constant 0 : i32
      %dma_start3A_393 = tpu.memref_slice %arg7[%dma_start3A_390, %dma_start3A_391, %dma_start3A_392] : memref<8x128x32xf32, #tpu.memory_space<vmem>> -> memref<1x128x32xf32, #tpu.memory_space<vmem>>
      %dma_start3A_394 = tpu.memref_squeeze %dma_start3A_393 : memref<1x128x32xf32, #tpu.memory_space<vmem>> -> memref<128x32xf32, #tpu.memory_space<vmem>>
      %dma_start3A_395 = arith.constant 0 : i32
      %dma_start3A_396 = tpu.memref_slice %arg6[%add3A_389, %dma_start3A_395] : memref<80x128xi32, #tpu.memory_space<vmem>> -> memref<1x128xi32, #tpu.memory_space<vmem>>
      %dma_start3A_397 = tpu.memref_squeeze %dma_start3A_396 : memref<1x128xi32, #tpu.memory_space<vmem>> -> memref<128xi32, #tpu.memory_space<vmem>>
      %dma_start3A_398 = arith.constant 0 : i32
      %dma_start3A_399 = arith.constant 0 : i32
      %dma_start3A_400 = tpu.memref_slice %arg9[%dma_start3A_398, %dma_start3A_399] : memref<10240x32xf32, #tpu.memory_space<vmem_shared>> -> memref<10240x32xf32, #tpu.memory_space<vmem_shared>>
      tpu.enqueue_indirect_dma source(%dma_start3A_394 : memref<128x32xf32, #tpu.memory_space<vmem>>) target(%dma_start3A_400 : memref<10240x32xf32, #tpu.memory_space<vmem_shared>>) offsets(%dma_start3A_397 : memref<128xi32, #tpu.memory_space<vmem>>) semaphore(%arg12 : memref<!tpu.dma_semaphore, #tpu.memory_space<semaphore_mem>>) {add = true}
      %add3A_401 = arith.constant 4 : i32
      %add3A_402 = arith.addi %mul3A_147, %add3A_401 : i32
      %dma_start3A_403 = arith.constant 4 : i32
      %dma_start3A_404 = arith.constant 0 : i32
      %dma_start3A_405 = arith.constant 0 : i32
      %dma_start3A_406 = tpu.memref_slice %arg7[%dma_start3A_403, %dma_start3A_404, %dma_start3A_405] : memref<8x128x32xf32, #tpu.memory_space<vmem>> -> memref<1x128x32xf32, #tpu.memory_space<vmem>>
      %dma_start3A_407 = tpu.memref_squeeze %dma_start3A_406 : memref<1x128x32xf32, #tpu.memory_space<vmem>> -> memref<128x32xf32, #tpu.memory_space<vmem>>
      %dma_start3A_408 = arith.constant 0 : i32
      %dma_start3A_409 = tpu.memref_slice %arg6[%add3A_402, %dma_start3A_408] : memref<80x128xi32, #tpu.memory_space<vmem>> -> memref<1x128xi32, #tpu.memory_space<vmem>>
      %dma_start3A_410 = tpu.memref_squeeze %dma_start3A_409 : memref<1x128xi32, #tpu.memory_space<vmem>> -> memref<128xi32, #tpu.memory_space<vmem>>
      %dma_start3A_411 = arith.constant 0 : i32
      %dma_start3A_412 = arith.constant 0 : i32
      %dma_start3A_413 = tpu.memref_slice %arg9[%dma_start3A_411, %dma_start3A_412] : memref<10240x32xf32, #tpu.memory_space<vmem_shared>> -> memref<10240x32xf32, #tpu.memory_space<vmem_shared>>
      tpu.enqueue_indirect_dma source(%dma_start3A_407 : memref<128x32xf32, #tpu.memory_space<vmem>>) target(%dma_start3A_413 : memref<10240x32xf32, #tpu.memory_space<vmem_shared>>) offsets(%dma_start3A_410 : memref<128xi32, #tpu.memory_space<vmem>>) semaphore(%arg12 : memref<!tpu.dma_semaphore, #tpu.memory_space<semaphore_mem>>) {add = true}
      %add3A_414 = arith.constant 5 : i32
      %add3A_415 = arith.addi %mul3A_147, %add3A_414 : i32
      %dma_start3A_416 = arith.constant 5 : i32
      %dma_start3A_417 = arith.constant 0 : i32
      %dma_start3A_418 = arith.constant 0 : i32
      %dma_start3A_419 = tpu.memref_slice %arg7[%dma_start3A_416, %dma_start3A_417, %dma_start3A_418] : memref<8x128x32xf32, #tpu.memory_space<vmem>> -> memref<1x128x32xf32, #tpu.memory_space<vmem>>
      %dma_start3A_420 = tpu.memref_squeeze %dma_start3A_419 : memref<1x128x32xf32, #tpu.memory_space<vmem>> -> memref<128x32xf32, #tpu.memory_space<vmem>>
      %dma_start3A_421 = arith.constant 0 : i32
      %dma_start3A_422 = tpu.memref_slice %arg6[%add3A_415, %dma_start3A_421] : memref<80x128xi32, #tpu.memory_space<vmem>> -> memref<1x128xi32, #tpu.memory_space<vmem>>
      %dma_start3A_423 = tpu.memref_squeeze %dma_start3A_422 : memref<1x128xi32, #tpu.memory_space<vmem>> -> memref<128xi32, #tpu.memory_space<vmem>>
      %dma_start3A_424 = arith.constant 0 : i32
      %dma_start3A_425 = arith.constant 0 : i32
      %dma_start3A_426 = tpu.memref_slice %arg9[%dma_start3A_424, %dma_start3A_425] : memref<10240x32xf32, #tpu.memory_space<vmem_shared>> -> memref<10240x32xf32, #tpu.memory_space<vmem_shared>>
      tpu.enqueue_indirect_dma source(%dma_start3A_420 : memref<128x32xf32, #tpu.memory_space<vmem>>) target(%dma_start3A_426 : memref<10240x32xf32, #tpu.memory_space<vmem_shared>>) offsets(%dma_start3A_423 : memref<128xi32, #tpu.memory_space<vmem>>) semaphore(%arg12 : memref<!tpu.dma_semaphore, #tpu.memory_space<semaphore_mem>>) {add = true}
      %add3A_427 = arith.constant 6 : i32
      %add3A_428 = arith.addi %mul3A_147, %add3A_427 : i32
      %dma_start3A_429 = arith.constant 6 : i32
      %dma_start3A_430 = arith.constant 0 : i32
      %dma_start3A_431 = arith.constant 0 : i32
      %dma_start3A_432 = tpu.memref_slice %arg7[%dma_start3A_429, %dma_start3A_430, %dma_start3A_431] : memref<8x128x32xf32, #tpu.memory_space<vmem>> -> memref<1x128x32xf32, #tpu.memory_space<vmem>>
      %dma_start3A_433 = tpu.memref_squeeze %dma_start3A_432 : memref<1x128x32xf32, #tpu.memory_space<vmem>> -> memref<128x32xf32, #tpu.memory_space<vmem>>
      %dma_start3A_434 = arith.constant 0 : i32
      %dma_start3A_435 = tpu.memref_slice %arg6[%add3A_428, %dma_start3A_434] : memref<80x128xi32, #tpu.memory_space<vmem>> -> memref<1x128xi32, #tpu.memory_space<vmem>>
      %dma_start3A_436 = tpu.memref_squeeze %dma_start3A_435 : memref<1x128xi32, #tpu.memory_space<vmem>> -> memref<128xi32, #tpu.memory_space<vmem>>
      %dma_start3A_437 = arith.constant 0 : i32
      %dma_start3A_438 = arith.constant 0 : i32
      %dma_start3A_439 = tpu.memref_slice %arg9[%dma_start3A_437, %dma_start3A_438] : memref<10240x32xf32, #tpu.memory_space<vmem_shared>> -> memref<10240x32xf32, #tpu.memory_space<vmem_shared>>
      tpu.enqueue_indirect_dma source(%dma_start3A_433 : memref<128x32xf32, #tpu.memory_space<vmem>>) target(%dma_start3A_439 : memref<10240x32xf32, #tpu.memory_space<vmem_shared>>) offsets(%dma_start3A_436 : memref<128xi32, #tpu.memory_space<vmem>>) semaphore(%arg12 : memref<!tpu.dma_semaphore, #tpu.memory_space<semaphore_mem>>) {add = true}
      %add3A_440 = arith.constant 7 : i32
      %add3A_441 = arith.addi %mul3A_147, %add3A_440 : i32
      %dma_start3A_442 = arith.constant 7 : i32
      %dma_start3A_443 = arith.constant 0 : i32
      %dma_start3A_444 = arith.constant 0 : i32
      %dma_start3A_445 = tpu.memref_slice %arg7[%dma_start3A_442, %dma_start3A_443, %dma_start3A_444] : memref<8x128x32xf32, #tpu.memory_space<vmem>> -> memref<1x128x32xf32, #tpu.memory_space<vmem>>
      %dma_start3A_446 = tpu.memref_squeeze %dma_start3A_445 : memref<1x128x32xf32, #tpu.memory_space<vmem>> -> memref<128x32xf32, #tpu.memory_space<vmem>>
      %dma_start3A_447 = arith.constant 0 : i32
      %dma_start3A_448 = tpu.memref_slice %arg6[%add3A_441, %dma_start3A_447] : memref<80x128xi32, #tpu.memory_space<vmem>> -> memref<1x128xi32, #tpu.memory_space<vmem>>
      %dma_start3A_449 = tpu.memref_squeeze %dma_start3A_448 : memref<1x128xi32, #tpu.memory_space<vmem>> -> memref<128xi32, #tpu.memory_space<vmem>>
      %dma_start3A_450 = arith.constant 0 : i32
      %dma_start3A_451 = arith.constant 0 : i32
      %dma_start3A_452 = tpu.memref_slice %arg9[%dma_start3A_450, %dma_start3A_451] : memref<10240x32xf32, #tpu.memory_space<vmem_shared>> -> memref<10240x32xf32, #tpu.memory_space<vmem_shared>>
      tpu.enqueue_indirect_dma source(%dma_start3A_446 : memref<128x32xf32, #tpu.memory_space<vmem>>) target(%dma_start3A_452 : memref<10240x32xf32, #tpu.memory_space<vmem_shared>>) offsets(%dma_start3A_449 : memref<128xi32, #tpu.memory_space<vmem>>) semaphore(%arg12 : memref<!tpu.dma_semaphore, #tpu.memory_space<semaphore_mem>>) {add = true}
      %dma_wait3A_453 = arith.constant 0 : i32
      %dma_wait3A_454 = arith.constant 0 : i32
      %dma_wait3A_455 = arith.constant 0 : i32
      %dma_wait3A_456 = tpu.memref_slice %arg7[%dma_wait3A_453, %dma_wait3A_454, %dma_wait3A_455] : memref<8x128x32xf32, #tpu.memory_space<vmem>> -> memref<1x128x32xf32, #tpu.memory_space<vmem>>
      %dma_wait3A_457 = tpu.memref_squeeze %dma_wait3A_456 : memref<1x128x32xf32, #tpu.memory_space<vmem>> -> memref<128x32xf32, #tpu.memory_space<vmem>>
      %dma_wait3A_458 = arith.constant 0 : i32
      %dma_wait3A_459 = tpu.memref_slice %arg6[%add3A_350, %dma_wait3A_458] : memref<80x128xi32, #tpu.memory_space<vmem>> -> memref<1x128xi32, #tpu.memory_space<vmem>>
      %dma_wait3A_460 = tpu.memref_squeeze %dma_wait3A_459 : memref<1x128xi32, #tpu.memory_space<vmem>> -> memref<128xi32, #tpu.memory_space<vmem>>
      %dma_wait3A_461 = arith.constant 0 : i32
      %dma_wait3A_462 = arith.constant 0 : i32
      %dma_wait3A_463 = tpu.memref_slice %arg9[%dma_wait3A_461, %dma_wait3A_462] : memref<10240x32xf32, #tpu.memory_space<vmem_shared>> -> memref<10240x32xf32, #tpu.memory_space<vmem_shared>>
      tpu.wait_indirect_dma semaphore(%arg12 : memref<!tpu.dma_semaphore, #tpu.memory_space<semaphore_mem>>) src(%dma_wait3A_457 : memref<128x32xf32, #tpu.memory_space<vmem>>) dst(%dma_wait3A_463 : memref<10240x32xf32, #tpu.memory_space<vmem_shared>>)
      %dma_wait3A_464 = arith.constant 1 : i32
      %dma_wait3A_465 = arith.constant 0 : i32
      %dma_wait3A_466 = arith.constant 0 : i32
      %dma_wait3A_467 = tpu.memref_slice %arg7[%dma_wait3A_464, %dma_wait3A_465, %dma_wait3A_466] : memref<8x128x32xf32, #tpu.memory_space<vmem>> -> memref<1x128x32xf32, #tpu.memory_space<vmem>>
      %dma_wait3A_468 = tpu.memref_squeeze %dma_wait3A_467 : memref<1x128x32xf32, #tpu.memory_space<vmem>> -> memref<128x32xf32, #tpu.memory_space<vmem>>
      %dma_wait3A_469 = arith.constant 0 : i32
      %dma_wait3A_470 = tpu.memref_slice %arg6[%add3A_363, %dma_wait3A_469] : memref<80x128xi32, #tpu.memory_space<vmem>> -> memref<1x128xi32, #tpu.memory_space<vmem>>
      %dma_wait3A_471 = tpu.memref_squeeze %dma_wait3A_470 : memref<1x128xi32, #tpu.memory_space<vmem>> -> memref<128xi32, #tpu.memory_space<vmem>>
      %dma_wait3A_472 = arith.constant 0 : i32
      %dma_wait3A_473 = arith.constant 0 : i32
      %dma_wait3A_474 = tpu.memref_slice %arg9[%dma_wait3A_472, %dma_wait3A_473] : memref<10240x32xf32, #tpu.memory_space<vmem_shared>> -> memref<10240x32xf32, #tpu.memory_space<vmem_shared>>
      tpu.wait_indirect_dma semaphore(%arg12 : memref<!tpu.dma_semaphore, #tpu.memory_space<semaphore_mem>>) src(%dma_wait3A_468 : memref<128x32xf32, #tpu.memory_space<vmem>>) dst(%dma_wait3A_474 : memref<10240x32xf32, #tpu.memory_space<vmem_shared>>)
      %dma_wait3A_475 = arith.constant 2 : i32
      %dma_wait3A_476 = arith.constant 0 : i32
      %dma_wait3A_477 = arith.constant 0 : i32
      %dma_wait3A_478 = tpu.memref_slice %arg7[%dma_wait3A_475, %dma_wait3A_476, %dma_wait3A_477] : memref<8x128x32xf32, #tpu.memory_space<vmem>> -> memref<1x128x32xf32, #tpu.memory_space<vmem>>
      %dma_wait3A_479 = tpu.memref_squeeze %dma_wait3A_478 : memref<1x128x32xf32, #tpu.memory_space<vmem>> -> memref<128x32xf32, #tpu.memory_space<vmem>>
      %dma_wait3A_480 = arith.constant 0 : i32
      %dma_wait3A_481 = tpu.memref_slice %arg6[%add3A_376, %dma_wait3A_480] : memref<80x128xi32, #tpu.memory_space<vmem>> -> memref<1x128xi32, #tpu.memory_space<vmem>>
      %dma_wait3A_482 = tpu.memref_squeeze %dma_wait3A_481 : memref<1x128xi32, #tpu.memory_space<vmem>> -> memref<128xi32, #tpu.memory_space<vmem>>
      %dma_wait3A_483 = arith.constant 0 : i32
      %dma_wait3A_484 = arith.constant 0 : i32
      %dma_wait3A_485 = tpu.memref_slice %arg9[%dma_wait3A_483, %dma_wait3A_484] : memref<10240x32xf32, #tpu.memory_space<vmem_shared>> -> memref<10240x32xf32, #tpu.memory_space<vmem_shared>>
      tpu.wait_indirect_dma semaphore(%arg12 : memref<!tpu.dma_semaphore, #tpu.memory_space<semaphore_mem>>) src(%dma_wait3A_479 : memref<128x32xf32, #tpu.memory_space<vmem>>) dst(%dma_wait3A_485 : memref<10240x32xf32, #tpu.memory_space<vmem_shared>>)
      %dma_wait3A_486 = arith.constant 3 : i32
      %dma_wait3A_487 = arith.constant 0 : i32
      %dma_wait3A_488 = arith.constant 0 : i32
      %dma_wait3A_489 = tpu.memref_slice %arg7[%dma_wait3A_486, %dma_wait3A_487, %dma_wait3A_488] : memref<8x128x32xf32, #tpu.memory_space<vmem>> -> memref<1x128x32xf32, #tpu.memory_space<vmem>>
      %dma_wait3A_490 = tpu.memref_squeeze %dma_wait3A_489 : memref<1x128x32xf32, #tpu.memory_space<vmem>> -> memref<128x32xf32, #tpu.memory_space<vmem>>
      %dma_wait3A_491 = arith.constant 0 : i32
      %dma_wait3A_492 = tpu.memref_slice %arg6[%add3A_389, %dma_wait3A_491] : memref<80x128xi32, #tpu.memory_space<vmem>> -> memref<1x128xi32, #tpu.memory_space<vmem>>
      %dma_wait3A_493 = tpu.memref_squeeze %dma_wait3A_492 : memref<1x128xi32, #tpu.memory_space<vmem>> -> memref<128xi32, #tpu.memory_space<vmem>>
      %dma_wait3A_494 = arith.constant 0 : i32
      %dma_wait3A_495 = arith.constant 0 : i32
      %dma_wait3A_496 = tpu.memref_slice %arg9[%dma_wait3A_494, %dma_wait3A_495] : memref<10240x32xf32, #tpu.memory_space<vmem_shared>> -> memref<10240x32xf32, #tpu.memory_space<vmem_shared>>
      tpu.wait_indirect_dma semaphore(%arg12 : memref<!tpu.dma_semaphore, #tpu.memory_space<semaphore_mem>>) src(%dma_wait3A_490 : memref<128x32xf32, #tpu.memory_space<vmem>>) dst(%dma_wait3A_496 : memref<10240x32xf32, #tpu.memory_space<vmem_shared>>)
      %dma_wait3A_497 = arith.constant 4 : i32
      %dma_wait3A_498 = arith.constant 0 : i32
      %dma_wait3A_499 = arith.constant 0 : i32
      %dma_wait3A_500 = tpu.memref_slice %arg7[%dma_wait3A_497, %dma_wait3A_498, %dma_wait3A_499] : memref<8x128x32xf32, #tpu.memory_space<vmem>> -> memref<1x128x32xf32, #tpu.memory_space<vmem>>
      %dma_wait3A_501 = tpu.memref_squeeze %dma_wait3A_500 : memref<1x128x32xf32, #tpu.memory_space<vmem>> -> memref<128x32xf32, #tpu.memory_space<vmem>>
      %dma_wait3A_502 = arith.constant 0 : i32
      %dma_wait3A_503 = tpu.memref_slice %arg6[%add3A_402, %dma_wait3A_502] : memref<80x128xi32, #tpu.memory_space<vmem>> -> memref<1x128xi32, #tpu.memory_space<vmem>>
      %dma_wait3A_504 = tpu.memref_squeeze %dma_wait3A_503 : memref<1x128xi32, #tpu.memory_space<vmem>> -> memref<128xi32, #tpu.memory_space<vmem>>
      %dma_wait3A_505 = arith.constant 0 : i32
      %dma_wait3A_506 = arith.constant 0 : i32
      %dma_wait3A_507 = tpu.memref_slice %arg9[%dma_wait3A_505, %dma_wait3A_506] : memref<10240x32xf32, #tpu.memory_space<vmem_shared>> -> memref<10240x32xf32, #tpu.memory_space<vmem_shared>>
      tpu.wait_indirect_dma semaphore(%arg12 : memref<!tpu.dma_semaphore, #tpu.memory_space<semaphore_mem>>) src(%dma_wait3A_501 : memref<128x32xf32, #tpu.memory_space<vmem>>) dst(%dma_wait3A_507 : memref<10240x32xf32, #tpu.memory_space<vmem_shared>>)
      %dma_wait3A_508 = arith.constant 5 : i32
      %dma_wait3A_509 = arith.constant 0 : i32
      %dma_wait3A_510 = arith.constant 0 : i32
      %dma_wait3A_511 = tpu.memref_slice %arg7[%dma_wait3A_508, %dma_wait3A_509, %dma_wait3A_510] : memref<8x128x32xf32, #tpu.memory_space<vmem>> -> memref<1x128x32xf32, #tpu.memory_space<vmem>>
      %dma_wait3A_512 = tpu.memref_squeeze %dma_wait3A_511 : memref<1x128x32xf32, #tpu.memory_space<vmem>> -> memref<128x32xf32, #tpu.memory_space<vmem>>
      %dma_wait3A_513 = arith.constant 0 : i32
      %dma_wait3A_514 = tpu.memref_slice %arg6[%add3A_415, %dma_wait3A_513] : memref<80x128xi32, #tpu.memory_space<vmem>> -> memref<1x128xi32, #tpu.memory_space<vmem>>
      %dma_wait3A_515 = tpu.memref_squeeze %dma_wait3A_514 : memref<1x128xi32, #tpu.memory_space<vmem>> -> memref<128xi32, #tpu.memory_space<vmem>>
      %dma_wait3A_516 = arith.constant 0 : i32
      %dma_wait3A_517 = arith.constant 0 : i32
      %dma_wait3A_518 = tpu.memref_slice %arg9[%dma_wait3A_516, %dma_wait3A_517] : memref<10240x32xf32, #tpu.memory_space<vmem_shared>> -> memref<10240x32xf32, #tpu.memory_space<vmem_shared>>
      tpu.wait_indirect_dma semaphore(%arg12 : memref<!tpu.dma_semaphore, #tpu.memory_space<semaphore_mem>>) src(%dma_wait3A_512 : memref<128x32xf32, #tpu.memory_space<vmem>>) dst(%dma_wait3A_518 : memref<10240x32xf32, #tpu.memory_space<vmem_shared>>)
      %dma_wait3A_519 = arith.constant 6 : i32
      %dma_wait3A_520 = arith.constant 0 : i32
      %dma_wait3A_521 = arith.constant 0 : i32
      %dma_wait3A_522 = tpu.memref_slice %arg7[%dma_wait3A_519, %dma_wait3A_520, %dma_wait3A_521] : memref<8x128x32xf32, #tpu.memory_space<vmem>> -> memref<1x128x32xf32, #tpu.memory_space<vmem>>
      %dma_wait3A_523 = tpu.memref_squeeze %dma_wait3A_522 : memref<1x128x32xf32, #tpu.memory_space<vmem>> -> memref<128x32xf32, #tpu.memory_space<vmem>>
      %dma_wait3A_524 = arith.constant 0 : i32
      %dma_wait3A_525 = tpu.memref_slice %arg6[%add3A_428, %dma_wait3A_524] : memref<80x128xi32, #tpu.memory_space<vmem>> -> memref<1x128xi32, #tpu.memory_space<vmem>>
      %dma_wait3A_526 = tpu.memref_squeeze %dma_wait3A_525 : memref<1x128xi32, #tpu.memory_space<vmem>> -> memref<128xi32, #tpu.memory_space<vmem>>
      %dma_wait3A_527 = arith.constant 0 : i32
      %dma_wait3A_528 = arith.constant 0 : i32
      %dma_wait3A_529 = tpu.memref_slice %arg9[%dma_wait3A_527, %dma_wait3A_528] : memref<10240x32xf32, #tpu.memory_space<vmem_shared>> -> memref<10240x32xf32, #tpu.memory_space<vmem_shared>>
      tpu.wait_indirect_dma semaphore(%arg12 : memref<!tpu.dma_semaphore, #tpu.memory_space<semaphore_mem>>) src(%dma_wait3A_523 : memref<128x32xf32, #tpu.memory_space<vmem>>) dst(%dma_wait3A_529 : memref<10240x32xf32, #tpu.memory_space<vmem_shared>>)
      %dma_wait3A_530 = arith.constant 7 : i32
      %dma_wait3A_531 = arith.constant 0 : i32
      %dma_wait3A_532 = arith.constant 0 : i32
      %dma_wait3A_533 = tpu.memref_slice %arg7[%dma_wait3A_530, %dma_wait3A_531, %dma_wait3A_532] : memref<8x128x32xf32, #tpu.memory_space<vmem>> -> memref<1x128x32xf32, #tpu.memory_space<vmem>>
      %dma_wait3A_534 = tpu.memref_squeeze %dma_wait3A_533 : memref<1x128x32xf32, #tpu.memory_space<vmem>> -> memref<128x32xf32, #tpu.memory_space<vmem>>
      %dma_wait3A_535 = arith.constant 0 : i32
      %dma_wait3A_536 = tpu.memref_slice %arg6[%add3A_441, %dma_wait3A_535] : memref<80x128xi32, #tpu.memory_space<vmem>> -> memref<1x128xi32, #tpu.memory_space<vmem>>
      %dma_wait3A_537 = tpu.memref_squeeze %dma_wait3A_536 : memref<1x128xi32, #tpu.memory_space<vmem>> -> memref<128xi32, #tpu.memory_space<vmem>>
      %dma_wait3A_538 = arith.constant 0 : i32
      %dma_wait3A_539 = arith.constant 0 : i32
      %dma_wait3A_540 = tpu.memref_slice %arg9[%dma_wait3A_538, %dma_wait3A_539] : memref<10240x32xf32, #tpu.memory_space<vmem_shared>> -> memref<10240x32xf32, #tpu.memory_space<vmem_shared>>
      tpu.wait_indirect_dma semaphore(%arg12 : memref<!tpu.dma_semaphore, #tpu.memory_space<semaphore_mem>>) src(%dma_wait3A_534 : memref<128x32xf32, #tpu.memory_space<vmem>>) dst(%dma_wait3A_540 : memref<10240x32xf32, #tpu.memory_space<vmem_shared>>)
      %lt3A = arith.constant 4 : i32
      %lt3A_541 = arith.cmpi slt, %scan3A_143, %lt3A : i32
      %convert_element_type3A = arith.extui %lt3A_541 : i1 to i32
      %cond3A = arith.constant 0 : i32
      %cond3A_542 = arith.cmpi ne, %convert_element_type3A, %cond3A : i32
      scf.if %cond3A_542 {
        %add3A_833 = arith.constant 16 : i32
        %add3A_834 = arith.addi %mul3A_147, %add3A_833 : i32
        %add3A_835 = arith.constant 0 : i32
        %add3A_836 = arith.addi %add3A_834, %add3A_835 : i32
        %dma_start3A_837 = arith.constant 0 : i32
        %dma_start3A_838 = arith.constant 0 : i32
        %dma_start3A_839 = arith.constant 0 : i32
        %dma_start3A_840 = tpu.memref_slice %arg7[%dma_start3A_837, %dma_start3A_838, %dma_start3A_839] : memref<8x128x32xf32, #tpu.memory_space<vmem>> -> memref<1x128x32xf32, #tpu.memory_space<vmem>>
        %dma_start3A_841 = tpu.memref_squeeze %dma_start3A_840 : memref<1x128x32xf32, #tpu.memory_space<vmem>> -> memref<128x32xf32, #tpu.memory_space<vmem>>
        %dma_start3A_842 = arith.constant 0 : i32
        %dma_start3A_843 = tpu.memref_slice %arg5[%add3A_836, %dma_start3A_842] : memref<80x128xi32, #tpu.memory_space<vmem>> -> memref<1x128xi32, #tpu.memory_space<vmem>>
        %dma_start3A_844 = tpu.memref_squeeze %dma_start3A_843 : memref<1x128xi32, #tpu.memory_space<vmem>> -> memref<128xi32, #tpu.memory_space<vmem>>
        %dma_start3A_845 = arith.constant 0 : i32
        %dma_start3A_846 = arith.constant 0 : i32
        %dma_start3A_847 = tpu.memref_slice %arg3[%dma_start3A_845, %dma_start3A_846] : memref<10240x32xf32, #tpu.memory_space<hbm>> -> memref<10240x32xf32, #tpu.memory_space<hbm>>
        tpu.enqueue_indirect_dma source(%dma_start3A_847 : memref<10240x32xf32, #tpu.memory_space<hbm>>) target(%dma_start3A_841 : memref<128x32xf32, #tpu.memory_space<vmem>>) offsets(%dma_start3A_844 : memref<128xi32, #tpu.memory_space<vmem>>) semaphore(%arg10 : memref<!tpu.dma_semaphore, #tpu.memory_space<semaphore_mem>>)
        %add3A_848 = arith.constant 1 : i32
        %add3A_849 = arith.addi %add3A_834, %add3A_848 : i32
        %dma_start3A_850 = arith.constant 1 : i32
        %dma_start3A_851 = arith.constant 0 : i32
        %dma_start3A_852 = arith.constant 0 : i32
        %dma_start3A_853 = tpu.memref_slice %arg7[%dma_start3A_850, %dma_start3A_851, %dma_start3A_852] : memref<8x128x32xf32, #tpu.memory_space<vmem>> -> memref<1x128x32xf32, #tpu.memory_space<vmem>>
        %dma_start3A_854 = tpu.memref_squeeze %dma_start3A_853 : memref<1x128x32xf32, #tpu.memory_space<vmem>> -> memref<128x32xf32, #tpu.memory_space<vmem>>
        %dma_start3A_855 = arith.constant 0 : i32
        %dma_start3A_856 = tpu.memref_slice %arg5[%add3A_849, %dma_start3A_855] : memref<80x128xi32, #tpu.memory_space<vmem>> -> memref<1x128xi32, #tpu.memory_space<vmem>>
        %dma_start3A_857 = tpu.memref_squeeze %dma_start3A_856 : memref<1x128xi32, #tpu.memory_space<vmem>> -> memref<128xi32, #tpu.memory_space<vmem>>
        %dma_start3A_858 = arith.constant 0 : i32
        %dma_start3A_859 = arith.constant 0 : i32
        %dma_start3A_860 = tpu.memref_slice %arg3[%dma_start3A_858, %dma_start3A_859] : memref<10240x32xf32, #tpu.memory_space<hbm>> -> memref<10240x32xf32, #tpu.memory_space<hbm>>
        tpu.enqueue_indirect_dma source(%dma_start3A_860 : memref<10240x32xf32, #tpu.memory_space<hbm>>) target(%dma_start3A_854 : memref<128x32xf32, #tpu.memory_space<vmem>>) offsets(%dma_start3A_857 : memref<128xi32, #tpu.memory_space<vmem>>) semaphore(%arg10 : memref<!tpu.dma_semaphore, #tpu.memory_space<semaphore_mem>>)
        %add3A_861 = arith.constant 2 : i32
        %add3A_862 = arith.addi %add3A_834, %add3A_861 : i32
        %dma_start3A_863 = arith.constant 2 : i32
        %dma_start3A_864 = arith.constant 0 : i32
        %dma_start3A_865 = arith.constant 0 : i32
        %dma_start3A_866 = tpu.memref_slice %arg7[%dma_start3A_863, %dma_start3A_864, %dma_start3A_865] : memref<8x128x32xf32, #tpu.memory_space<vmem>> -> memref<1x128x32xf32, #tpu.memory_space<vmem>>
        %dma_start3A_867 = tpu.memref_squeeze %dma_start3A_866 : memref<1x128x32xf32, #tpu.memory_space<vmem>> -> memref<128x32xf32, #tpu.memory_space<vmem>>
        %dma_start3A_868 = arith.constant 0 : i32
        %dma_start3A_869 = tpu.memref_slice %arg5[%add3A_862, %dma_start3A_868] : memref<80x128xi32, #tpu.memory_space<vmem>> -> memref<1x128xi32, #tpu.memory_space<vmem>>
        %dma_start3A_870 = tpu.memref_squeeze %dma_start3A_869 : memref<1x128xi32, #tpu.memory_space<vmem>> -> memref<128xi32, #tpu.memory_space<vmem>>
        %dma_start3A_871 = arith.constant 0 : i32
        %dma_start3A_872 = arith.constant 0 : i32
        %dma_start3A_873 = tpu.memref_slice %arg3[%dma_start3A_871, %dma_start3A_872] : memref<10240x32xf32, #tpu.memory_space<hbm>> -> memref<10240x32xf32, #tpu.memory_space<hbm>>
        tpu.enqueue_indirect_dma source(%dma_start3A_873 : memref<10240x32xf32, #tpu.memory_space<hbm>>) target(%dma_start3A_867 : memref<128x32xf32, #tpu.memory_space<vmem>>) offsets(%dma_start3A_870 : memref<128xi32, #tpu.memory_space<vmem>>) semaphore(%arg10 : memref<!tpu.dma_semaphore, #tpu.memory_space<semaphore_mem>>)
        %add3A_874 = arith.constant 3 : i32
        %add3A_875 = arith.addi %add3A_834, %add3A_874 : i32
        %dma_start3A_876 = arith.constant 3 : i32
        %dma_start3A_877 = arith.constant 0 : i32
        %dma_start3A_878 = arith.constant 0 : i32
        %dma_start3A_879 = tpu.memref_slice %arg7[%dma_start3A_876, %dma_start3A_877, %dma_start3A_878] : memref<8x128x32xf32, #tpu.memory_space<vmem>> -> memref<1x128x32xf32, #tpu.memory_space<vmem>>
        %dma_start3A_880 = tpu.memref_squeeze %dma_start3A_879 : memref<1x128x32xf32, #tpu.memory_space<vmem>> -> memref<128x32xf32, #tpu.memory_space<vmem>>
        %dma_start3A_881 = arith.constant 0 : i32
        %dma_start3A_882 = tpu.memref_slice %arg5[%add3A_875, %dma_start3A_881] : memref<80x128xi32, #tpu.memory_space<vmem>> -> memref<1x128xi32, #tpu.memory_space<vmem>>
        %dma_start3A_883 = tpu.memref_squeeze %dma_start3A_882 : memref<1x128xi32, #tpu.memory_space<vmem>> -> memref<128xi32, #tpu.memory_space<vmem>>
        %dma_start3A_884 = arith.constant 0 : i32
        %dma_start3A_885 = arith.constant 0 : i32
        %dma_start3A_886 = tpu.memref_slice %arg3[%dma_start3A_884, %dma_start3A_885] : memref<10240x32xf32, #tpu.memory_space<hbm>> -> memref<10240x32xf32, #tpu.memory_space<hbm>>
        tpu.enqueue_indirect_dma source(%dma_start3A_886 : memref<10240x32xf32, #tpu.memory_space<hbm>>) target(%dma_start3A_880 : memref<128x32xf32, #tpu.memory_space<vmem>>) offsets(%dma_start3A_883 : memref<128xi32, #tpu.memory_space<vmem>>) semaphore(%arg10 : memref<!tpu.dma_semaphore, #tpu.memory_space<semaphore_mem>>)
        %add3A_887 = arith.constant 4 : i32
        %add3A_888 = arith.addi %add3A_834, %add3A_887 : i32
        %dma_start3A_889 = arith.constant 4 : i32
        %dma_start3A_890 = arith.constant 0 : i32
        %dma_start3A_891 = arith.constant 0 : i32
        %dma_start3A_892 = tpu.memref_slice %arg7[%dma_start3A_889, %dma_start3A_890, %dma_start3A_891] : memref<8x128x32xf32, #tpu.memory_space<vmem>> -> memref<1x128x32xf32, #tpu.memory_space<vmem>>
        %dma_start3A_893 = tpu.memref_squeeze %dma_start3A_892 : memref<1x128x32xf32, #tpu.memory_space<vmem>> -> memref<128x32xf32, #tpu.memory_space<vmem>>
        %dma_start3A_894 = arith.constant 0 : i32
        %dma_start3A_895 = tpu.memref_slice %arg5[%add3A_888, %dma_start3A_894] : memref<80x128xi32, #tpu.memory_space<vmem>> -> memref<1x128xi32, #tpu.memory_space<vmem>>
        %dma_start3A_896 = tpu.memref_squeeze %dma_start3A_895 : memref<1x128xi32, #tpu.memory_space<vmem>> -> memref<128xi32, #tpu.memory_space<vmem>>
        %dma_start3A_897 = arith.constant 0 : i32
        %dma_start3A_898 = arith.constant 0 : i32
        %dma_start3A_899 = tpu.memref_slice %arg3[%dma_start3A_897, %dma_start3A_898] : memref<10240x32xf32, #tpu.memory_space<hbm>> -> memref<10240x32xf32, #tpu.memory_space<hbm>>
        tpu.enqueue_indirect_dma source(%dma_start3A_899 : memref<10240x32xf32, #tpu.memory_space<hbm>>) target(%dma_start3A_893 : memref<128x32xf32, #tpu.memory_space<vmem>>) offsets(%dma_start3A_896 : memref<128xi32, #tpu.memory_space<vmem>>) semaphore(%arg10 : memref<!tpu.dma_semaphore, #tpu.memory_space<semaphore_mem>>)
        %add3A_900 = arith.constant 5 : i32
        %add3A_901 = arith.addi %add3A_834, %add3A_900 : i32
        %dma_start3A_902 = arith.constant 5 : i32
        %dma_start3A_903 = arith.constant 0 : i32
        %dma_start3A_904 = arith.constant 0 : i32
        %dma_start3A_905 = tpu.memref_slice %arg7[%dma_start3A_902, %dma_start3A_903, %dma_start3A_904] : memref<8x128x32xf32, #tpu.memory_space<vmem>> -> memref<1x128x32xf32, #tpu.memory_space<vmem>>
        %dma_start3A_906 = tpu.memref_squeeze %dma_start3A_905 : memref<1x128x32xf32, #tpu.memory_space<vmem>> -> memref<128x32xf32, #tpu.memory_space<vmem>>
        %dma_start3A_907 = arith.constant 0 : i32
        %dma_start3A_908 = tpu.memref_slice %arg5[%add3A_901, %dma_start3A_907] : memref<80x128xi32, #tpu.memory_space<vmem>> -> memref<1x128xi32, #tpu.memory_space<vmem>>
        %dma_start3A_909 = tpu.memref_squeeze %dma_start3A_908 : memref<1x128xi32, #tpu.memory_space<vmem>> -> memref<128xi32, #tpu.memory_space<vmem>>
        %dma_start3A_910 = arith.constant 0 : i32
        %dma_start3A_911 = arith.constant 0 : i32
        %dma_start3A_912 = tpu.memref_slice %arg3[%dma_start3A_910, %dma_start3A_911] : memref<10240x32xf32, #tpu.memory_space<hbm>> -> memref<10240x32xf32, #tpu.memory_space<hbm>>
        tpu.enqueue_indirect_dma source(%dma_start3A_912 : memref<10240x32xf32, #tpu.memory_space<hbm>>) target(%dma_start3A_906 : memref<128x32xf32, #tpu.memory_space<vmem>>) offsets(%dma_start3A_909 : memref<128xi32, #tpu.memory_space<vmem>>) semaphore(%arg10 : memref<!tpu.dma_semaphore, #tpu.memory_space<semaphore_mem>>)
        %add3A_913 = arith.constant 6 : i32
        %add3A_914 = arith.addi %add3A_834, %add3A_913 : i32
        %dma_start3A_915 = arith.constant 6 : i32
        %dma_start3A_916 = arith.constant 0 : i32
        %dma_start3A_917 = arith.constant 0 : i32
        %dma_start3A_918 = tpu.memref_slice %arg7[%dma_start3A_915, %dma_start3A_916, %dma_start3A_917] : memref<8x128x32xf32, #tpu.memory_space<vmem>> -> memref<1x128x32xf32, #tpu.memory_space<vmem>>
        %dma_start3A_919 = tpu.memref_squeeze %dma_start3A_918 : memref<1x128x32xf32, #tpu.memory_space<vmem>> -> memref<128x32xf32, #tpu.memory_space<vmem>>
        %dma_start3A_920 = arith.constant 0 : i32
        %dma_start3A_921 = tpu.memref_slice %arg5[%add3A_914, %dma_start3A_920] : memref<80x128xi32, #tpu.memory_space<vmem>> -> memref<1x128xi32, #tpu.memory_space<vmem>>
        %dma_start3A_922 = tpu.memref_squeeze %dma_start3A_921 : memref<1x128xi32, #tpu.memory_space<vmem>> -> memref<128xi32, #tpu.memory_space<vmem>>
        %dma_start3A_923 = arith.constant 0 : i32
        %dma_start3A_924 = arith.constant 0 : i32
        %dma_start3A_925 = tpu.memref_slice %arg3[%dma_start3A_923, %dma_start3A_924] : memref<10240x32xf32, #tpu.memory_space<hbm>> -> memref<10240x32xf32, #tpu.memory_space<hbm>>
        tpu.enqueue_indirect_dma source(%dma_start3A_925 : memref<10240x32xf32, #tpu.memory_space<hbm>>) target(%dma_start3A_919 : memref<128x32xf32, #tpu.memory_space<vmem>>) offsets(%dma_start3A_922 : memref<128xi32, #tpu.memory_space<vmem>>) semaphore(%arg10 : memref<!tpu.dma_semaphore, #tpu.memory_space<semaphore_mem>>)
        %add3A_926 = arith.constant 7 : i32
        %add3A_927 = arith.addi %add3A_834, %add3A_926 : i32
        %dma_start3A_928 = arith.constant 7 : i32
        %dma_start3A_929 = arith.constant 0 : i32
        %dma_start3A_930 = arith.constant 0 : i32
        %dma_start3A_931 = tpu.memref_slice %arg7[%dma_start3A_928, %dma_start3A_929, %dma_start3A_930] : memref<8x128x32xf32, #tpu.memory_space<vmem>> -> memref<1x128x32xf32, #tpu.memory_space<vmem>>
        %dma_start3A_932 = tpu.memref_squeeze %dma_start3A_931 : memref<1x128x32xf32, #tpu.memory_space<vmem>> -> memref<128x32xf32, #tpu.memory_space<vmem>>
        %dma_start3A_933 = arith.constant 0 : i32
        %dma_start3A_934 = tpu.memref_slice %arg5[%add3A_927, %dma_start3A_933] : memref<80x128xi32, #tpu.memory_space<vmem>> -> memref<1x128xi32, #tpu.memory_space<vmem>>
        %dma_start3A_935 = tpu.memref_squeeze %dma_start3A_934 : memref<1x128xi32, #tpu.memory_space<vmem>> -> memref<128xi32, #tpu.memory_space<vmem>>
        %dma_start3A_936 = arith.constant 0 : i32
        %dma_start3A_937 = arith.constant 0 : i32
        %dma_start3A_938 = tpu.memref_slice %arg3[%dma_start3A_936, %dma_start3A_937] : memref<10240x32xf32, #tpu.memory_space<hbm>> -> memref<10240x32xf32, #tpu.memory_space<hbm>>
        tpu.enqueue_indirect_dma source(%dma_start3A_938 : memref<10240x32xf32, #tpu.memory_space<hbm>>) target(%dma_start3A_932 : memref<128x32xf32, #tpu.memory_space<vmem>>) offsets(%dma_start3A_935 : memref<128xi32, #tpu.memory_space<vmem>>) semaphore(%arg10 : memref<!tpu.dma_semaphore, #tpu.memory_space<semaphore_mem>>)
      } else {
      }
      %dma_wait3A_543 = arith.constant 0 : i32
      %dma_wait3A_544 = arith.constant 0 : i32
      %dma_wait3A_545 = arith.constant 0 : i32
      %dma_wait3A_546 = arith.constant 0 : i32
      %dma_wait3A_547 = tpu.memref_slice %arg8[%dma_wait3A_544, %dma_wait3A_545, %dma_wait3A_546] : memref<8x128x32xf32, #tpu.memory_space<vmem>> -> memref<1x128x32xf32, #tpu.memory_space<vmem>>
      %dma_wait3A_548 = tpu.memref_squeeze %dma_wait3A_547 : memref<1x128x32xf32, #tpu.memory_space<vmem>> -> memref<128x32xf32, #tpu.memory_space<vmem>>
      %dma_wait3A_549 = arith.constant 0 : i32
      %dma_wait3A_550 = tpu.memref_slice %arg5[%dma_wait3A_543, %dma_wait3A_549] : memref<80x128xi32, #tpu.memory_space<vmem>> -> memref<1x128xi32, #tpu.memory_space<vmem>>
      %dma_wait3A_551 = tpu.memref_squeeze %dma_wait3A_550 : memref<1x128xi32, #tpu.memory_space<vmem>> -> memref<128xi32, #tpu.memory_space<vmem>>
      %dma_wait3A_552 = arith.constant 0 : i32
      %dma_wait3A_553 = arith.constant 0 : i32
      %dma_wait3A_554 = tpu.memref_slice %arg3[%dma_wait3A_552, %dma_wait3A_553] : memref<10240x32xf32, #tpu.memory_space<hbm>> -> memref<10240x32xf32, #tpu.memory_space<hbm>>
      tpu.wait_indirect_dma semaphore(%arg11 : memref<!tpu.dma_semaphore, #tpu.memory_space<semaphore_mem>>) src(%dma_wait3A_554 : memref<10240x32xf32, #tpu.memory_space<hbm>>) dst(%dma_wait3A_548 : memref<128x32xf32, #tpu.memory_space<vmem>>)
      %dma_wait3A_555 = arith.constant 0 : i32
      %dma_wait3A_556 = arith.constant 1 : i32
      %dma_wait3A_557 = arith.constant 0 : i32
      %dma_wait3A_558 = arith.constant 0 : i32
      %dma_wait3A_559 = tpu.memref_slice %arg8[%dma_wait3A_556, %dma_wait3A_557, %dma_wait3A_558] : memref<8x128x32xf32, #tpu.memory_space<vmem>> -> memref<1x128x32xf32, #tpu.memory_space<vmem>>
      %dma_wait3A_560 = tpu.memref_squeeze %dma_wait3A_559 : memref<1x128x32xf32, #tpu.memory_space<vmem>> -> memref<128x32xf32, #tpu.memory_space<vmem>>
      %dma_wait3A_561 = arith.constant 0 : i32
      %dma_wait3A_562 = tpu.memref_slice %arg5[%dma_wait3A_555, %dma_wait3A_561] : memref<80x128xi32, #tpu.memory_space<vmem>> -> memref<1x128xi32, #tpu.memory_space<vmem>>
      %dma_wait3A_563 = tpu.memref_squeeze %dma_wait3A_562 : memref<1x128xi32, #tpu.memory_space<vmem>> -> memref<128xi32, #tpu.memory_space<vmem>>
      %dma_wait3A_564 = arith.constant 0 : i32
      %dma_wait3A_565 = arith.constant 0 : i32
      %dma_wait3A_566 = tpu.memref_slice %arg3[%dma_wait3A_564, %dma_wait3A_565] : memref<10240x32xf32, #tpu.memory_space<hbm>> -> memref<10240x32xf32, #tpu.memory_space<hbm>>
      tpu.wait_indirect_dma semaphore(%arg11 : memref<!tpu.dma_semaphore, #tpu.memory_space<semaphore_mem>>) src(%dma_wait3A_566 : memref<10240x32xf32, #tpu.memory_space<hbm>>) dst(%dma_wait3A_560 : memref<128x32xf32, #tpu.memory_space<vmem>>)
      %dma_wait3A_567 = arith.constant 0 : i32
      %dma_wait3A_568 = arith.constant 2 : i32
      %dma_wait3A_569 = arith.constant 0 : i32
      %dma_wait3A_570 = arith.constant 0 : i32
      %dma_wait3A_571 = tpu.memref_slice %arg8[%dma_wait3A_568, %dma_wait3A_569, %dma_wait3A_570] : memref<8x128x32xf32, #tpu.memory_space<vmem>> -> memref<1x128x32xf32, #tpu.memory_space<vmem>>
      %dma_wait3A_572 = tpu.memref_squeeze %dma_wait3A_571 : memref<1x128x32xf32, #tpu.memory_space<vmem>> -> memref<128x32xf32, #tpu.memory_space<vmem>>
      %dma_wait3A_573 = arith.constant 0 : i32
      %dma_wait3A_574 = tpu.memref_slice %arg5[%dma_wait3A_567, %dma_wait3A_573] : memref<80x128xi32, #tpu.memory_space<vmem>> -> memref<1x128xi32, #tpu.memory_space<vmem>>
      %dma_wait3A_575 = tpu.memref_squeeze %dma_wait3A_574 : memref<1x128xi32, #tpu.memory_space<vmem>> -> memref<128xi32, #tpu.memory_space<vmem>>
      %dma_wait3A_576 = arith.constant 0 : i32
      %dma_wait3A_577 = arith.constant 0 : i32
      %dma_wait3A_578 = tpu.memref_slice %arg3[%dma_wait3A_576, %dma_wait3A_577] : memref<10240x32xf32, #tpu.memory_space<hbm>> -> memref<10240x32xf32, #tpu.memory_space<hbm>>
      tpu.wait_indirect_dma semaphore(%arg11 : memref<!tpu.dma_semaphore, #tpu.memory_space<semaphore_mem>>) src(%dma_wait3A_578 : memref<10240x32xf32, #tpu.memory_space<hbm>>) dst(%dma_wait3A_572 : memref<128x32xf32, #tpu.memory_space<vmem>>)
      %dma_wait3A_579 = arith.constant 0 : i32
      %dma_wait3A_580 = arith.constant 3 : i32
      %dma_wait3A_581 = arith.constant 0 : i32
      %dma_wait3A_582 = arith.constant 0 : i32
      %dma_wait3A_583 = tpu.memref_slice %arg8[%dma_wait3A_580, %dma_wait3A_581, %dma_wait3A_582] : memref<8x128x32xf32, #tpu.memory_space<vmem>> -> memref<1x128x32xf32, #tpu.memory_space<vmem>>
      %dma_wait3A_584 = tpu.memref_squeeze %dma_wait3A_583 : memref<1x128x32xf32, #tpu.memory_space<vmem>> -> memref<128x32xf32, #tpu.memory_space<vmem>>
      %dma_wait3A_585 = arith.constant 0 : i32
      %dma_wait3A_586 = tpu.memref_slice %arg5[%dma_wait3A_579, %dma_wait3A_585] : memref<80x128xi32, #tpu.memory_space<vmem>> -> memref<1x128xi32, #tpu.memory_space<vmem>>
      %dma_wait3A_587 = tpu.memref_squeeze %dma_wait3A_586 : memref<1x128xi32, #tpu.memory_space<vmem>> -> memref<128xi32, #tpu.memory_space<vmem>>
      %dma_wait3A_588 = arith.constant 0 : i32
      %dma_wait3A_589 = arith.constant 0 : i32
      %dma_wait3A_590 = tpu.memref_slice %arg3[%dma_wait3A_588, %dma_wait3A_589] : memref<10240x32xf32, #tpu.memory_space<hbm>> -> memref<10240x32xf32, #tpu.memory_space<hbm>>
      tpu.wait_indirect_dma semaphore(%arg11 : memref<!tpu.dma_semaphore, #tpu.memory_space<semaphore_mem>>) src(%dma_wait3A_590 : memref<10240x32xf32, #tpu.memory_space<hbm>>) dst(%dma_wait3A_584 : memref<128x32xf32, #tpu.memory_space<vmem>>)
      %dma_wait3A_591 = arith.constant 0 : i32
      %dma_wait3A_592 = arith.constant 4 : i32
      %dma_wait3A_593 = arith.constant 0 : i32
      %dma_wait3A_594 = arith.constant 0 : i32
      %dma_wait3A_595 = tpu.memref_slice %arg8[%dma_wait3A_592, %dma_wait3A_593, %dma_wait3A_594] : memref<8x128x32xf32, #tpu.memory_space<vmem>> -> memref<1x128x32xf32, #tpu.memory_space<vmem>>
      %dma_wait3A_596 = tpu.memref_squeeze %dma_wait3A_595 : memref<1x128x32xf32, #tpu.memory_space<vmem>> -> memref<128x32xf32, #tpu.memory_space<vmem>>
      %dma_wait3A_597 = arith.constant 0 : i32
      %dma_wait3A_598 = tpu.memref_slice %arg5[%dma_wait3A_591, %dma_wait3A_597] : memref<80x128xi32, #tpu.memory_space<vmem>> -> memref<1x128xi32, #tpu.memory_space<vmem>>
      %dma_wait3A_599 = tpu.memref_squeeze %dma_wait3A_598 : memref<1x128xi32, #tpu.memory_space<vmem>> -> memref<128xi32, #tpu.memory_space<vmem>>
      %dma_wait3A_600 = arith.constant 0 : i32
      %dma_wait3A_601 = arith.constant 0 : i32
      %dma_wait3A_602 = tpu.memref_slice %arg3[%dma_wait3A_600, %dma_wait3A_601] : memref<10240x32xf32, #tpu.memory_space<hbm>> -> memref<10240x32xf32, #tpu.memory_space<hbm>>
      tpu.wait_indirect_dma semaphore(%arg11 : memref<!tpu.dma_semaphore, #tpu.memory_space<semaphore_mem>>) src(%dma_wait3A_602 : memref<10240x32xf32, #tpu.memory_space<hbm>>) dst(%dma_wait3A_596 : memref<128x32xf32, #tpu.memory_space<vmem>>)
      %dma_wait3A_603 = arith.constant 0 : i32
      %dma_wait3A_604 = arith.constant 5 : i32
      %dma_wait3A_605 = arith.constant 0 : i32
      %dma_wait3A_606 = arith.constant 0 : i32
      %dma_wait3A_607 = tpu.memref_slice %arg8[%dma_wait3A_604, %dma_wait3A_605, %dma_wait3A_606] : memref<8x128x32xf32, #tpu.memory_space<vmem>> -> memref<1x128x32xf32, #tpu.memory_space<vmem>>
      %dma_wait3A_608 = tpu.memref_squeeze %dma_wait3A_607 : memref<1x128x32xf32, #tpu.memory_space<vmem>> -> memref<128x32xf32, #tpu.memory_space<vmem>>
      %dma_wait3A_609 = arith.constant 0 : i32
      %dma_wait3A_610 = tpu.memref_slice %arg5[%dma_wait3A_603, %dma_wait3A_609] : memref<80x128xi32, #tpu.memory_space<vmem>> -> memref<1x128xi32, #tpu.memory_space<vmem>>
      %dma_wait3A_611 = tpu.memref_squeeze %dma_wait3A_610 : memref<1x128xi32, #tpu.memory_space<vmem>> -> memref<128xi32, #tpu.memory_space<vmem>>
      %dma_wait3A_612 = arith.constant 0 : i32
      %dma_wait3A_613 = arith.constant 0 : i32
      %dma_wait3A_614 = tpu.memref_slice %arg3[%dma_wait3A_612, %dma_wait3A_613] : memref<10240x32xf32, #tpu.memory_space<hbm>> -> memref<10240x32xf32, #tpu.memory_space<hbm>>
      tpu.wait_indirect_dma semaphore(%arg11 : memref<!tpu.dma_semaphore, #tpu.memory_space<semaphore_mem>>) src(%dma_wait3A_614 : memref<10240x32xf32, #tpu.memory_space<hbm>>) dst(%dma_wait3A_608 : memref<128x32xf32, #tpu.memory_space<vmem>>)
      %dma_wait3A_615 = arith.constant 0 : i32
      %dma_wait3A_616 = arith.constant 6 : i32
      %dma_wait3A_617 = arith.constant 0 : i32
      %dma_wait3A_618 = arith.constant 0 : i32
      %dma_wait3A_619 = tpu.memref_slice %arg8[%dma_wait3A_616, %dma_wait3A_617, %dma_wait3A_618] : memref<8x128x32xf32, #tpu.memory_space<vmem>> -> memref<1x128x32xf32, #tpu.memory_space<vmem>>
      %dma_wait3A_620 = tpu.memref_squeeze %dma_wait3A_619 : memref<1x128x32xf32, #tpu.memory_space<vmem>> -> memref<128x32xf32, #tpu.memory_space<vmem>>
      %dma_wait3A_621 = arith.constant 0 : i32
      %dma_wait3A_622 = tpu.memref_slice %arg5[%dma_wait3A_615, %dma_wait3A_621] : memref<80x128xi32, #tpu.memory_space<vmem>> -> memref<1x128xi32, #tpu.memory_space<vmem>>
      %dma_wait3A_623 = tpu.memref_squeeze %dma_wait3A_622 : memref<1x128xi32, #tpu.memory_space<vmem>> -> memref<128xi32, #tpu.memory_space<vmem>>
      %dma_wait3A_624 = arith.constant 0 : i32
      %dma_wait3A_625 = arith.constant 0 : i32
      %dma_wait3A_626 = tpu.memref_slice %arg3[%dma_wait3A_624, %dma_wait3A_625] : memref<10240x32xf32, #tpu.memory_space<hbm>> -> memref<10240x32xf32, #tpu.memory_space<hbm>>
      tpu.wait_indirect_dma semaphore(%arg11 : memref<!tpu.dma_semaphore, #tpu.memory_space<semaphore_mem>>) src(%dma_wait3A_626 : memref<10240x32xf32, #tpu.memory_space<hbm>>) dst(%dma_wait3A_620 : memref<128x32xf32, #tpu.memory_space<vmem>>)
      %dma_wait3A_627 = arith.constant 0 : i32
      %dma_wait3A_628 = arith.constant 7 : i32
      %dma_wait3A_629 = arith.constant 0 : i32
      %dma_wait3A_630 = arith.constant 0 : i32
      %dma_wait3A_631 = tpu.memref_slice %arg8[%dma_wait3A_628, %dma_wait3A_629, %dma_wait3A_630] : memref<8x128x32xf32, #tpu.memory_space<vmem>> -> memref<1x128x32xf32, #tpu.memory_space<vmem>>
      %dma_wait3A_632 = tpu.memref_squeeze %dma_wait3A_631 : memref<1x128x32xf32, #tpu.memory_space<vmem>> -> memref<128x32xf32, #tpu.memory_space<vmem>>
      %dma_wait3A_633 = arith.constant 0 : i32
      %dma_wait3A_634 = tpu.memref_slice %arg5[%dma_wait3A_627, %dma_wait3A_633] : memref<80x128xi32, #tpu.memory_space<vmem>> -> memref<1x128xi32, #tpu.memory_space<vmem>>
      %dma_wait3A_635 = tpu.memref_squeeze %dma_wait3A_634 : memref<1x128xi32, #tpu.memory_space<vmem>> -> memref<128xi32, #tpu.memory_space<vmem>>
      %dma_wait3A_636 = arith.constant 0 : i32
      %dma_wait3A_637 = arith.constant 0 : i32
      %dma_wait3A_638 = tpu.memref_slice %arg3[%dma_wait3A_636, %dma_wait3A_637] : memref<10240x32xf32, #tpu.memory_space<hbm>> -> memref<10240x32xf32, #tpu.memory_space<hbm>>
      tpu.wait_indirect_dma semaphore(%arg11 : memref<!tpu.dma_semaphore, #tpu.memory_space<semaphore_mem>>) src(%dma_wait3A_638 : memref<10240x32xf32, #tpu.memory_space<hbm>>) dst(%dma_wait3A_632 : memref<128x32xf32, #tpu.memory_space<vmem>>)
      %add3A_639 = arith.constant 8 : i32
      %add3A_640 = arith.addi %mul3A_147, %add3A_639 : i32
      %add3A_641 = arith.constant 0 : i32
      %add3A_642 = arith.addi %add3A_640, %add3A_641 : i32
      %dma_start3A_643 = arith.constant 0 : i32
      %dma_start3A_644 = arith.constant 0 : i32
      %dma_start3A_645 = arith.constant 0 : i32
      %dma_start3A_646 = tpu.memref_slice %arg8[%dma_start3A_643, %dma_start3A_644, %dma_start3A_645] : memref<8x128x32xf32, #tpu.memory_space<vmem>> -> memref<1x128x32xf32, #tpu.memory_space<vmem>>
      %dma_start3A_647 = tpu.memref_squeeze %dma_start3A_646 : memref<1x128x32xf32, #tpu.memory_space<vmem>> -> memref<128x32xf32, #tpu.memory_space<vmem>>
      %dma_start3A_648 = arith.constant 0 : i32
      %dma_start3A_649 = tpu.memref_slice %arg6[%add3A_642, %dma_start3A_648] : memref<80x128xi32, #tpu.memory_space<vmem>> -> memref<1x128xi32, #tpu.memory_space<vmem>>
      %dma_start3A_650 = tpu.memref_squeeze %dma_start3A_649 : memref<1x128xi32, #tpu.memory_space<vmem>> -> memref<128xi32, #tpu.memory_space<vmem>>
      %dma_start3A_651 = arith.constant 0 : i32
      %dma_start3A_652 = arith.constant 0 : i32
      %dma_start3A_653 = tpu.memref_slice %arg9[%dma_start3A_651, %dma_start3A_652] : memref<10240x32xf32, #tpu.memory_space<vmem_shared>> -> memref<10240x32xf32, #tpu.memory_space<vmem_shared>>
      tpu.enqueue_indirect_dma source(%dma_start3A_647 : memref<128x32xf32, #tpu.memory_space<vmem>>) target(%dma_start3A_653 : memref<10240x32xf32, #tpu.memory_space<vmem_shared>>) offsets(%dma_start3A_650 : memref<128xi32, #tpu.memory_space<vmem>>) semaphore(%arg13 : memref<!tpu.dma_semaphore, #tpu.memory_space<semaphore_mem>>) {add = true}
      %add3A_654 = arith.constant 1 : i32
      %add3A_655 = arith.addi %add3A_640, %add3A_654 : i32
      %dma_start3A_656 = arith.constant 1 : i32
      %dma_start3A_657 = arith.constant 0 : i32
      %dma_start3A_658 = arith.constant 0 : i32
      %dma_start3A_659 = tpu.memref_slice %arg8[%dma_start3A_656, %dma_start3A_657, %dma_start3A_658] : memref<8x128x32xf32, #tpu.memory_space<vmem>> -> memref<1x128x32xf32, #tpu.memory_space<vmem>>
      %dma_start3A_660 = tpu.memref_squeeze %dma_start3A_659 : memref<1x128x32xf32, #tpu.memory_space<vmem>> -> memref<128x32xf32, #tpu.memory_space<vmem>>
      %dma_start3A_661 = arith.constant 0 : i32
      %dma_start3A_662 = tpu.memref_slice %arg6[%add3A_655, %dma_start3A_661] : memref<80x128xi32, #tpu.memory_space<vmem>> -> memref<1x128xi32, #tpu.memory_space<vmem>>
      %dma_start3A_663 = tpu.memref_squeeze %dma_start3A_662 : memref<1x128xi32, #tpu.memory_space<vmem>> -> memref<128xi32, #tpu.memory_space<vmem>>
      %dma_start3A_664 = arith.constant 0 : i32
      %dma_start3A_665 = arith.constant 0 : i32
      %dma_start3A_666 = tpu.memref_slice %arg9[%dma_start3A_664, %dma_start3A_665] : memref<10240x32xf32, #tpu.memory_space<vmem_shared>> -> memref<10240x32xf32, #tpu.memory_space<vmem_shared>>
      tpu.enqueue_indirect_dma source(%dma_start3A_660 : memref<128x32xf32, #tpu.memory_space<vmem>>) target(%dma_start3A_666 : memref<10240x32xf32, #tpu.memory_space<vmem_shared>>) offsets(%dma_start3A_663 : memref<128xi32, #tpu.memory_space<vmem>>) semaphore(%arg13 : memref<!tpu.dma_semaphore, #tpu.memory_space<semaphore_mem>>) {add = true}
      %add3A_667 = arith.constant 2 : i32
      %add3A_668 = arith.addi %add3A_640, %add3A_667 : i32
      %dma_start3A_669 = arith.constant 2 : i32
      %dma_start3A_670 = arith.constant 0 : i32
      %dma_start3A_671 = arith.constant 0 : i32
      %dma_start3A_672 = tpu.memref_slice %arg8[%dma_start3A_669, %dma_start3A_670, %dma_start3A_671] : memref<8x128x32xf32, #tpu.memory_space<vmem>> -> memref<1x128x32xf32, #tpu.memory_space<vmem>>
      %dma_start3A_673 = tpu.memref_squeeze %dma_start3A_672 : memref<1x128x32xf32, #tpu.memory_space<vmem>> -> memref<128x32xf32, #tpu.memory_space<vmem>>
      %dma_start3A_674 = arith.constant 0 : i32
      %dma_start3A_675 = tpu.memref_slice %arg6[%add3A_668, %dma_start3A_674] : memref<80x128xi32, #tpu.memory_space<vmem>> -> memref<1x128xi32, #tpu.memory_space<vmem>>
      %dma_start3A_676 = tpu.memref_squeeze %dma_start3A_675 : memref<1x128xi32, #tpu.memory_space<vmem>> -> memref<128xi32, #tpu.memory_space<vmem>>
      %dma_start3A_677 = arith.constant 0 : i32
      %dma_start3A_678 = arith.constant 0 : i32
      %dma_start3A_679 = tpu.memref_slice %arg9[%dma_start3A_677, %dma_start3A_678] : memref<10240x32xf32, #tpu.memory_space<vmem_shared>> -> memref<10240x32xf32, #tpu.memory_space<vmem_shared>>
      tpu.enqueue_indirect_dma source(%dma_start3A_673 : memref<128x32xf32, #tpu.memory_space<vmem>>) target(%dma_start3A_679 : memref<10240x32xf32, #tpu.memory_space<vmem_shared>>) offsets(%dma_start3A_676 : memref<128xi32, #tpu.memory_space<vmem>>) semaphore(%arg13 : memref<!tpu.dma_semaphore, #tpu.memory_space<semaphore_mem>>) {add = true}
      %add3A_680 = arith.constant 3 : i32
      %add3A_681 = arith.addi %add3A_640, %add3A_680 : i32
      %dma_start3A_682 = arith.constant 3 : i32
      %dma_start3A_683 = arith.constant 0 : i32
      %dma_start3A_684 = arith.constant 0 : i32
      %dma_start3A_685 = tpu.memref_slice %arg8[%dma_start3A_682, %dma_start3A_683, %dma_start3A_684] : memref<8x128x32xf32, #tpu.memory_space<vmem>> -> memref<1x128x32xf32, #tpu.memory_space<vmem>>
      %dma_start3A_686 = tpu.memref_squeeze %dma_start3A_685 : memref<1x128x32xf32, #tpu.memory_space<vmem>> -> memref<128x32xf32, #tpu.memory_space<vmem>>
      %dma_start3A_687 = arith.constant 0 : i32
      %dma_start3A_688 = tpu.memref_slice %arg6[%add3A_681, %dma_start3A_687] : memref<80x128xi32, #tpu.memory_space<vmem>> -> memref<1x128xi32, #tpu.memory_space<vmem>>
      %dma_start3A_689 = tpu.memref_squeeze %dma_start3A_688 : memref<1x128xi32, #tpu.memory_space<vmem>> -> memref<128xi32, #tpu.memory_space<vmem>>
      %dma_start3A_690 = arith.constant 0 : i32
      %dma_start3A_691 = arith.constant 0 : i32
      %dma_start3A_692 = tpu.memref_slice %arg9[%dma_start3A_690, %dma_start3A_691] : memref<10240x32xf32, #tpu.memory_space<vmem_shared>> -> memref<10240x32xf32, #tpu.memory_space<vmem_shared>>
      tpu.enqueue_indirect_dma source(%dma_start3A_686 : memref<128x32xf32, #tpu.memory_space<vmem>>) target(%dma_start3A_692 : memref<10240x32xf32, #tpu.memory_space<vmem_shared>>) offsets(%dma_start3A_689 : memref<128xi32, #tpu.memory_space<vmem>>) semaphore(%arg13 : memref<!tpu.dma_semaphore, #tpu.memory_space<semaphore_mem>>) {add = true}
      %add3A_693 = arith.constant 4 : i32
      %add3A_694 = arith.addi %add3A_640, %add3A_693 : i32
      %dma_start3A_695 = arith.constant 4 : i32
      %dma_start3A_696 = arith.constant 0 : i32
      %dma_start3A_697 = arith.constant 0 : i32
      %dma_start3A_698 = tpu.memref_slice %arg8[%dma_start3A_695, %dma_start3A_696, %dma_start3A_697] : memref<8x128x32xf32, #tpu.memory_space<vmem>> -> memref<1x128x32xf32, #tpu.memory_space<vmem>>
      %dma_start3A_699 = tpu.memref_squeeze %dma_start3A_698 : memref<1x128x32xf32, #tpu.memory_space<vmem>> -> memref<128x32xf32, #tpu.memory_space<vmem>>
      %dma_start3A_700 = arith.constant 0 : i32
      %dma_start3A_701 = tpu.memref_slice %arg6[%add3A_694, %dma_start3A_700] : memref<80x128xi32, #tpu.memory_space<vmem>> -> memref<1x128xi32, #tpu.memory_space<vmem>>
      %dma_start3A_702 = tpu.memref_squeeze %dma_start3A_701 : memref<1x128xi32, #tpu.memory_space<vmem>> -> memref<128xi32, #tpu.memory_space<vmem>>
      %dma_start3A_703 = arith.constant 0 : i32
      %dma_start3A_704 = arith.constant 0 : i32
      %dma_start3A_705 = tpu.memref_slice %arg9[%dma_start3A_703, %dma_start3A_704] : memref<10240x32xf32, #tpu.memory_space<vmem_shared>> -> memref<10240x32xf32, #tpu.memory_space<vmem_shared>>
      tpu.enqueue_indirect_dma source(%dma_start3A_699 : memref<128x32xf32, #tpu.memory_space<vmem>>) target(%dma_start3A_705 : memref<10240x32xf32, #tpu.memory_space<vmem_shared>>) offsets(%dma_start3A_702 : memref<128xi32, #tpu.memory_space<vmem>>) semaphore(%arg13 : memref<!tpu.dma_semaphore, #tpu.memory_space<semaphore_mem>>) {add = true}
      %add3A_706 = arith.constant 5 : i32
      %add3A_707 = arith.addi %add3A_640, %add3A_706 : i32
      %dma_start3A_708 = arith.constant 5 : i32
      %dma_start3A_709 = arith.constant 0 : i32
      %dma_start3A_710 = arith.constant 0 : i32
      %dma_start3A_711 = tpu.memref_slice %arg8[%dma_start3A_708, %dma_start3A_709, %dma_start3A_710] : memref<8x128x32xf32, #tpu.memory_space<vmem>> -> memref<1x128x32xf32, #tpu.memory_space<vmem>>
      %dma_start3A_712 = tpu.memref_squeeze %dma_start3A_711 : memref<1x128x32xf32, #tpu.memory_space<vmem>> -> memref<128x32xf32, #tpu.memory_space<vmem>>
      %dma_start3A_713 = arith.constant 0 : i32
      %dma_start3A_714 = tpu.memref_slice %arg6[%add3A_707, %dma_start3A_713] : memref<80x128xi32, #tpu.memory_space<vmem>> -> memref<1x128xi32, #tpu.memory_space<vmem>>
      %dma_start3A_715 = tpu.memref_squeeze %dma_start3A_714 : memref<1x128xi32, #tpu.memory_space<vmem>> -> memref<128xi32, #tpu.memory_space<vmem>>
      %dma_start3A_716 = arith.constant 0 : i32
      %dma_start3A_717 = arith.constant 0 : i32
      %dma_start3A_718 = tpu.memref_slice %arg9[%dma_start3A_716, %dma_start3A_717] : memref<10240x32xf32, #tpu.memory_space<vmem_shared>> -> memref<10240x32xf32, #tpu.memory_space<vmem_shared>>
      tpu.enqueue_indirect_dma source(%dma_start3A_712 : memref<128x32xf32, #tpu.memory_space<vmem>>) target(%dma_start3A_718 : memref<10240x32xf32, #tpu.memory_space<vmem_shared>>) offsets(%dma_start3A_715 : memref<128xi32, #tpu.memory_space<vmem>>) semaphore(%arg13 : memref<!tpu.dma_semaphore, #tpu.memory_space<semaphore_mem>>) {add = true}
      %add3A_719 = arith.constant 6 : i32
      %add3A_720 = arith.addi %add3A_640, %add3A_719 : i32
      %dma_start3A_721 = arith.constant 6 : i32
      %dma_start3A_722 = arith.constant 0 : i32
      %dma_start3A_723 = arith.constant 0 : i32
      %dma_start3A_724 = tpu.memref_slice %arg8[%dma_start3A_721, %dma_start3A_722, %dma_start3A_723] : memref<8x128x32xf32, #tpu.memory_space<vmem>> -> memref<1x128x32xf32, #tpu.memory_space<vmem>>
      %dma_start3A_725 = tpu.memref_squeeze %dma_start3A_724 : memref<1x128x32xf32, #tpu.memory_space<vmem>> -> memref<128x32xf32, #tpu.memory_space<vmem>>
      %dma_start3A_726 = arith.constant 0 : i32
      %dma_start3A_727 = tpu.memref_slice %arg6[%add3A_720, %dma_start3A_726] : memref<80x128xi32, #tpu.memory_space<vmem>> -> memref<1x128xi32, #tpu.memory_space<vmem>>
      %dma_start3A_728 = tpu.memref_squeeze %dma_start3A_727 : memref<1x128xi32, #tpu.memory_space<vmem>> -> memref<128xi32, #tpu.memory_space<vmem>>
      %dma_start3A_729 = arith.constant 0 : i32
      %dma_start3A_730 = arith.constant 0 : i32
      %dma_start3A_731 = tpu.memref_slice %arg9[%dma_start3A_729, %dma_start3A_730] : memref<10240x32xf32, #tpu.memory_space<vmem_shared>> -> memref<10240x32xf32, #tpu.memory_space<vmem_shared>>
      tpu.enqueue_indirect_dma source(%dma_start3A_725 : memref<128x32xf32, #tpu.memory_space<vmem>>) target(%dma_start3A_731 : memref<10240x32xf32, #tpu.memory_space<vmem_shared>>) offsets(%dma_start3A_728 : memref<128xi32, #tpu.memory_space<vmem>>) semaphore(%arg13 : memref<!tpu.dma_semaphore, #tpu.memory_space<semaphore_mem>>) {add = true}
      %add3A_732 = arith.constant 7 : i32
      %add3A_733 = arith.addi %add3A_640, %add3A_732 : i32
      %dma_start3A_734 = arith.constant 7 : i32
      %dma_start3A_735 = arith.constant 0 : i32
      %dma_start3A_736 = arith.constant 0 : i32
      %dma_start3A_737 = tpu.memref_slice %arg8[%dma_start3A_734, %dma_start3A_735, %dma_start3A_736] : memref<8x128x32xf32, #tpu.memory_space<vmem>> -> memref<1x128x32xf32, #tpu.memory_space<vmem>>
      %dma_start3A_738 = tpu.memref_squeeze %dma_start3A_737 : memref<1x128x32xf32, #tpu.memory_space<vmem>> -> memref<128x32xf32, #tpu.memory_space<vmem>>
      %dma_start3A_739 = arith.constant 0 : i32
      %dma_start3A_740 = tpu.memref_slice %arg6[%add3A_733, %dma_start3A_739] : memref<80x128xi32, #tpu.memory_space<vmem>> -> memref<1x128xi32, #tpu.memory_space<vmem>>
      %dma_start3A_741 = tpu.memref_squeeze %dma_start3A_740 : memref<1x128xi32, #tpu.memory_space<vmem>> -> memref<128xi32, #tpu.memory_space<vmem>>
      %dma_start3A_742 = arith.constant 0 : i32
      %dma_start3A_743 = arith.constant 0 : i32
      %dma_start3A_744 = tpu.memref_slice %arg9[%dma_start3A_742, %dma_start3A_743] : memref<10240x32xf32, #tpu.memory_space<vmem_shared>> -> memref<10240x32xf32, #tpu.memory_space<vmem_shared>>
      tpu.enqueue_indirect_dma source(%dma_start3A_738 : memref<128x32xf32, #tpu.memory_space<vmem>>) target(%dma_start3A_744 : memref<10240x32xf32, #tpu.memory_space<vmem_shared>>) offsets(%dma_start3A_741 : memref<128xi32, #tpu.memory_space<vmem>>) semaphore(%arg13 : memref<!tpu.dma_semaphore, #tpu.memory_space<semaphore_mem>>) {add = true}
      %dma_wait3A_745 = arith.constant 0 : i32
      %dma_wait3A_746 = arith.constant 0 : i32
      %dma_wait3A_747 = arith.constant 0 : i32
      %dma_wait3A_748 = tpu.memref_slice %arg8[%dma_wait3A_745, %dma_wait3A_746, %dma_wait3A_747] : memref<8x128x32xf32, #tpu.memory_space<vmem>> -> memref<1x128x32xf32, #tpu.memory_space<vmem>>
      %dma_wait3A_749 = tpu.memref_squeeze %dma_wait3A_748 : memref<1x128x32xf32, #tpu.memory_space<vmem>> -> memref<128x32xf32, #tpu.memory_space<vmem>>
      %dma_wait3A_750 = arith.constant 0 : i32
      %dma_wait3A_751 = tpu.memref_slice %arg6[%add3A_642, %dma_wait3A_750] : memref<80x128xi32, #tpu.memory_space<vmem>> -> memref<1x128xi32, #tpu.memory_space<vmem>>
      %dma_wait3A_752 = tpu.memref_squeeze %dma_wait3A_751 : memref<1x128xi32, #tpu.memory_space<vmem>> -> memref<128xi32, #tpu.memory_space<vmem>>
      %dma_wait3A_753 = arith.constant 0 : i32
      %dma_wait3A_754 = arith.constant 0 : i32
      %dma_wait3A_755 = tpu.memref_slice %arg9[%dma_wait3A_753, %dma_wait3A_754] : memref<10240x32xf32, #tpu.memory_space<vmem_shared>> -> memref<10240x32xf32, #tpu.memory_space<vmem_shared>>
      tpu.wait_indirect_dma semaphore(%arg13 : memref<!tpu.dma_semaphore, #tpu.memory_space<semaphore_mem>>) src(%dma_wait3A_749 : memref<128x32xf32, #tpu.memory_space<vmem>>) dst(%dma_wait3A_755 : memref<10240x32xf32, #tpu.memory_space<vmem_shared>>)
      %dma_wait3A_756 = arith.constant 1 : i32
      %dma_wait3A_757 = arith.constant 0 : i32
      %dma_wait3A_758 = arith.constant 0 : i32
      %dma_wait3A_759 = tpu.memref_slice %arg8[%dma_wait3A_756, %dma_wait3A_757, %dma_wait3A_758] : memref<8x128x32xf32, #tpu.memory_space<vmem>> -> memref<1x128x32xf32, #tpu.memory_space<vmem>>
      %dma_wait3A_760 = tpu.memref_squeeze %dma_wait3A_759 : memref<1x128x32xf32, #tpu.memory_space<vmem>> -> memref<128x32xf32, #tpu.memory_space<vmem>>
      %dma_wait3A_761 = arith.constant 0 : i32
      %dma_wait3A_762 = tpu.memref_slice %arg6[%add3A_655, %dma_wait3A_761] : memref<80x128xi32, #tpu.memory_space<vmem>> -> memref<1x128xi32, #tpu.memory_space<vmem>>
      %dma_wait3A_763 = tpu.memref_squeeze %dma_wait3A_762 : memref<1x128xi32, #tpu.memory_space<vmem>> -> memref<128xi32, #tpu.memory_space<vmem>>
      %dma_wait3A_764 = arith.constant 0 : i32
      %dma_wait3A_765 = arith.constant 0 : i32
      %dma_wait3A_766 = tpu.memref_slice %arg9[%dma_wait3A_764, %dma_wait3A_765] : memref<10240x32xf32, #tpu.memory_space<vmem_shared>> -> memref<10240x32xf32, #tpu.memory_space<vmem_shared>>
      tpu.wait_indirect_dma semaphore(%arg13 : memref<!tpu.dma_semaphore, #tpu.memory_space<semaphore_mem>>) src(%dma_wait3A_760 : memref<128x32xf32, #tpu.memory_space<vmem>>) dst(%dma_wait3A_766 : memref<10240x32xf32, #tpu.memory_space<vmem_shared>>)
      %dma_wait3A_767 = arith.constant 2 : i32
      %dma_wait3A_768 = arith.constant 0 : i32
      %dma_wait3A_769 = arith.constant 0 : i32
      %dma_wait3A_770 = tpu.memref_slice %arg8[%dma_wait3A_767, %dma_wait3A_768, %dma_wait3A_769] : memref<8x128x32xf32, #tpu.memory_space<vmem>> -> memref<1x128x32xf32, #tpu.memory_space<vmem>>
      %dma_wait3A_771 = tpu.memref_squeeze %dma_wait3A_770 : memref<1x128x32xf32, #tpu.memory_space<vmem>> -> memref<128x32xf32, #tpu.memory_space<vmem>>
      %dma_wait3A_772 = arith.constant 0 : i32
      %dma_wait3A_773 = tpu.memref_slice %arg6[%add3A_668, %dma_wait3A_772] : memref<80x128xi32, #tpu.memory_space<vmem>> -> memref<1x128xi32, #tpu.memory_space<vmem>>
      %dma_wait3A_774 = tpu.memref_squeeze %dma_wait3A_773 : memref<1x128xi32, #tpu.memory_space<vmem>> -> memref<128xi32, #tpu.memory_space<vmem>>
      %dma_wait3A_775 = arith.constant 0 : i32
      %dma_wait3A_776 = arith.constant 0 : i32
      %dma_wait3A_777 = tpu.memref_slice %arg9[%dma_wait3A_775, %dma_wait3A_776] : memref<10240x32xf32, #tpu.memory_space<vmem_shared>> -> memref<10240x32xf32, #tpu.memory_space<vmem_shared>>
      tpu.wait_indirect_dma semaphore(%arg13 : memref<!tpu.dma_semaphore, #tpu.memory_space<semaphore_mem>>) src(%dma_wait3A_771 : memref<128x32xf32, #tpu.memory_space<vmem>>) dst(%dma_wait3A_777 : memref<10240x32xf32, #tpu.memory_space<vmem_shared>>)
      %dma_wait3A_778 = arith.constant 3 : i32
      %dma_wait3A_779 = arith.constant 0 : i32
      %dma_wait3A_780 = arith.constant 0 : i32
      %dma_wait3A_781 = tpu.memref_slice %arg8[%dma_wait3A_778, %dma_wait3A_779, %dma_wait3A_780] : memref<8x128x32xf32, #tpu.memory_space<vmem>> -> memref<1x128x32xf32, #tpu.memory_space<vmem>>
      %dma_wait3A_782 = tpu.memref_squeeze %dma_wait3A_781 : memref<1x128x32xf32, #tpu.memory_space<vmem>> -> memref<128x32xf32, #tpu.memory_space<vmem>>
      %dma_wait3A_783 = arith.constant 0 : i32
      %dma_wait3A_784 = tpu.memref_slice %arg6[%add3A_681, %dma_wait3A_783] : memref<80x128xi32, #tpu.memory_space<vmem>> -> memref<1x128xi32, #tpu.memory_space<vmem>>
      %dma_wait3A_785 = tpu.memref_squeeze %dma_wait3A_784 : memref<1x128xi32, #tpu.memory_space<vmem>> -> memref<128xi32, #tpu.memory_space<vmem>>
      %dma_wait3A_786 = arith.constant 0 : i32
      %dma_wait3A_787 = arith.constant 0 : i32
      %dma_wait3A_788 = tpu.memref_slice %arg9[%dma_wait3A_786, %dma_wait3A_787] : memref<10240x32xf32, #tpu.memory_space<vmem_shared>> -> memref<10240x32xf32, #tpu.memory_space<vmem_shared>>
      tpu.wait_indirect_dma semaphore(%arg13 : memref<!tpu.dma_semaphore, #tpu.memory_space<semaphore_mem>>) src(%dma_wait3A_782 : memref<128x32xf32, #tpu.memory_space<vmem>>) dst(%dma_wait3A_788 : memref<10240x32xf32, #tpu.memory_space<vmem_shared>>)
      %dma_wait3A_789 = arith.constant 4 : i32
      %dma_wait3A_790 = arith.constant 0 : i32
      %dma_wait3A_791 = arith.constant 0 : i32
      %dma_wait3A_792 = tpu.memref_slice %arg8[%dma_wait3A_789, %dma_wait3A_790, %dma_wait3A_791] : memref<8x128x32xf32, #tpu.memory_space<vmem>> -> memref<1x128x32xf32, #tpu.memory_space<vmem>>
      %dma_wait3A_793 = tpu.memref_squeeze %dma_wait3A_792 : memref<1x128x32xf32, #tpu.memory_space<vmem>> -> memref<128x32xf32, #tpu.memory_space<vmem>>
      %dma_wait3A_794 = arith.constant 0 : i32
      %dma_wait3A_795 = tpu.memref_slice %arg6[%add3A_694, %dma_wait3A_794] : memref<80x128xi32, #tpu.memory_space<vmem>> -> memref<1x128xi32, #tpu.memory_space<vmem>>
      %dma_wait3A_796 = tpu.memref_squeeze %dma_wait3A_795 : memref<1x128xi32, #tpu.memory_space<vmem>> -> memref<128xi32, #tpu.memory_space<vmem>>
      %dma_wait3A_797 = arith.constant 0 : i32
      %dma_wait3A_798 = arith.constant 0 : i32
      %dma_wait3A_799 = tpu.memref_slice %arg9[%dma_wait3A_797, %dma_wait3A_798] : memref<10240x32xf32, #tpu.memory_space<vmem_shared>> -> memref<10240x32xf32, #tpu.memory_space<vmem_shared>>
      tpu.wait_indirect_dma semaphore(%arg13 : memref<!tpu.dma_semaphore, #tpu.memory_space<semaphore_mem>>) src(%dma_wait3A_793 : memref<128x32xf32, #tpu.memory_space<vmem>>) dst(%dma_wait3A_799 : memref<10240x32xf32, #tpu.memory_space<vmem_shared>>)
      %dma_wait3A_800 = arith.constant 5 : i32
      %dma_wait3A_801 = arith.constant 0 : i32
      %dma_wait3A_802 = arith.constant 0 : i32
      %dma_wait3A_803 = tpu.memref_slice %arg8[%dma_wait3A_800, %dma_wait3A_801, %dma_wait3A_802] : memref<8x128x32xf32, #tpu.memory_space<vmem>> -> memref<1x128x32xf32, #tpu.memory_space<vmem>>
      %dma_wait3A_804 = tpu.memref_squeeze %dma_wait3A_803 : memref<1x128x32xf32, #tpu.memory_space<vmem>> -> memref<128x32xf32, #tpu.memory_space<vmem>>
      %dma_wait3A_805 = arith.constant 0 : i32
      %dma_wait3A_806 = tpu.memref_slice %arg6[%add3A_707, %dma_wait3A_805] : memref<80x128xi32, #tpu.memory_space<vmem>> -> memref<1x128xi32, #tpu.memory_space<vmem>>
      %dma_wait3A_807 = tpu.memref_squeeze %dma_wait3A_806 : memref<1x128xi32, #tpu.memory_space<vmem>> -> memref<128xi32, #tpu.memory_space<vmem>>
      %dma_wait3A_808 = arith.constant 0 : i32
      %dma_wait3A_809 = arith.constant 0 : i32
      %dma_wait3A_810 = tpu.memref_slice %arg9[%dma_wait3A_808, %dma_wait3A_809] : memref<10240x32xf32, #tpu.memory_space<vmem_shared>> -> memref<10240x32xf32, #tpu.memory_space<vmem_shared>>
      tpu.wait_indirect_dma semaphore(%arg13 : memref<!tpu.dma_semaphore, #tpu.memory_space<semaphore_mem>>) src(%dma_wait3A_804 : memref<128x32xf32, #tpu.memory_space<vmem>>) dst(%dma_wait3A_810 : memref<10240x32xf32, #tpu.memory_space<vmem_shared>>)
      %dma_wait3A_811 = arith.constant 6 : i32
      %dma_wait3A_812 = arith.constant 0 : i32
      %dma_wait3A_813 = arith.constant 0 : i32
      %dma_wait3A_814 = tpu.memref_slice %arg8[%dma_wait3A_811, %dma_wait3A_812, %dma_wait3A_813] : memref<8x128x32xf32, #tpu.memory_space<vmem>> -> memref<1x128x32xf32, #tpu.memory_space<vmem>>
      %dma_wait3A_815 = tpu.memref_squeeze %dma_wait3A_814 : memref<1x128x32xf32, #tpu.memory_space<vmem>> -> memref<128x32xf32, #tpu.memory_space<vmem>>
      %dma_wait3A_816 = arith.constant 0 : i32
      %dma_wait3A_817 = tpu.memref_slice %arg6[%add3A_720, %dma_wait3A_816] : memref<80x128xi32, #tpu.memory_space<vmem>> -> memref<1x128xi32, #tpu.memory_space<vmem>>
      %dma_wait3A_818 = tpu.memref_squeeze %dma_wait3A_817 : memref<1x128xi32, #tpu.memory_space<vmem>> -> memref<128xi32, #tpu.memory_space<vmem>>
      %dma_wait3A_819 = arith.constant 0 : i32
      %dma_wait3A_820 = arith.constant 0 : i32
      %dma_wait3A_821 = tpu.memref_slice %arg9[%dma_wait3A_819, %dma_wait3A_820] : memref<10240x32xf32, #tpu.memory_space<vmem_shared>> -> memref<10240x32xf32, #tpu.memory_space<vmem_shared>>
      tpu.wait_indirect_dma semaphore(%arg13 : memref<!tpu.dma_semaphore, #tpu.memory_space<semaphore_mem>>) src(%dma_wait3A_815 : memref<128x32xf32, #tpu.memory_space<vmem>>) dst(%dma_wait3A_821 : memref<10240x32xf32, #tpu.memory_space<vmem_shared>>)
      %dma_wait3A_822 = arith.constant 7 : i32
      %dma_wait3A_823 = arith.constant 0 : i32
      %dma_wait3A_824 = arith.constant 0 : i32
      %dma_wait3A_825 = tpu.memref_slice %arg8[%dma_wait3A_822, %dma_wait3A_823, %dma_wait3A_824] : memref<8x128x32xf32, #tpu.memory_space<vmem>> -> memref<1x128x32xf32, #tpu.memory_space<vmem>>
      %dma_wait3A_826 = tpu.memref_squeeze %dma_wait3A_825 : memref<1x128x32xf32, #tpu.memory_space<vmem>> -> memref<128x32xf32, #tpu.memory_space<vmem>>
      %dma_wait3A_827 = arith.constant 0 : i32
      %dma_wait3A_828 = tpu.memref_slice %arg6[%add3A_733, %dma_wait3A_827] : memref<80x128xi32, #tpu.memory_space<vmem>> -> memref<1x128xi32, #tpu.memory_space<vmem>>
      %dma_wait3A_829 = tpu.memref_squeeze %dma_wait3A_828 : memref<1x128xi32, #tpu.memory_space<vmem>> -> memref<128xi32, #tpu.memory_space<vmem>>
      %dma_wait3A_830 = arith.constant 0 : i32
      %dma_wait3A_831 = arith.constant 0 : i32
      %dma_wait3A_832 = tpu.memref_slice %arg9[%dma_wait3A_830, %dma_wait3A_831] : memref<10240x32xf32, #tpu.memory_space<vmem_shared>> -> memref<10240x32xf32, #tpu.memory_space<vmem_shared>>
      tpu.wait_indirect_dma semaphore(%arg13 : memref<!tpu.dma_semaphore, #tpu.memory_space<semaphore_mem>>) src(%dma_wait3A_826 : memref<128x32xf32, #tpu.memory_space<vmem>>) dst(%dma_wait3A_832 : memref<10240x32xf32, #tpu.memory_space<vmem_shared>>)
    }
    %scan3A_137 = arith.constant 5 : i32
    %barrier3A_138 = arith.constant 0 : index
    tpu.barrier barrier_id(%barrier3A_138)
    %mul3A_139 = arith.constant 640 : i32
    %mul3A_140 = arith.muli %arg1, %mul3A_139 : i32
    %mul3A_141 = arith.constant 640 : i32
    %mul3A_142 = arith.muli %arg1, %mul3A_141 : i32
    "tpu.region"() ({
      %run_scoped3A_143 = tpu.sem_alloc : memref<!tpu.dma_semaphore, #tpu.memory_space<semaphore_mem>>
      %dma_start3A_144 = arith.constant 0 : i32
      %dma_start3A_145 = tpu.memref_slice %arg4[%arg0, %mul3A_142, %dma_start3A_144] : memref<2x10240x32xf32, #tpu.memory_space<hbm>> -> memref<1x640x32xf32, #tpu.memory_space<hbm>>
      %dma_start3A_146 = tpu.memref_squeeze %dma_start3A_145 : memref<1x640x32xf32, #tpu.memory_space<hbm>> -> memref<640x32xf32, #tpu.memory_space<hbm>>
      %dma_start3A_147 = arith.constant 0 : i32
      %dma_start3A_148 = tpu.memref_slice %arg9[%mul3A_140, %dma_start3A_147] : memref<10240x32xf32, #tpu.memory_space<vmem_shared>> -> memref<640x32xf32, #tpu.memory_space<vmem_shared>>
      tpu.enqueue_dma source(%dma_start3A_148 : memref<640x32xf32, #tpu.memory_space<vmem_shared>>) target(%dma_start3A_146 : memref<640x32xf32, #tpu.memory_space<hbm>>) target_semaphore(%run_scoped3A_143 : memref<!tpu.dma_semaphore, #tpu.memory_space<semaphore_mem>>)
      %dma_wait3A = arith.constant 0 : i32
      %dma_wait3A_149 = tpu.memref_slice %arg4[%arg0, %mul3A_142, %dma_wait3A] : memref<2x10240x32xf32, #tpu.memory_space<hbm>> -> memref<1x640x32xf32, #tpu.memory_space<hbm>>
      %dma_wait3A_150 = tpu.memref_squeeze %dma_wait3A_149 : memref<1x640x32xf32, #tpu.memory_space<hbm>> -> memref<640x32xf32, #tpu.memory_space<hbm>>
      %dma_wait3A_151 = arith.constant 0 : i32
      %dma_wait3A_152 = tpu.memref_slice %arg9[%mul3A_140, %dma_wait3A_151] : memref<10240x32xf32, #tpu.memory_space<vmem_shared>> -> memref<640x32xf32, #tpu.memory_space<vmem_shared>>
      tpu.wait_dma2 semaphore(%run_scoped3A_143 : memref<!tpu.dma_semaphore, #tpu.memory_space<semaphore_mem>>) src(%dma_wait3A_152 : memref<640x32xf32, #tpu.memory_space<vmem_shared>>) dst(%dma_wait3A_150 : memref<640x32xf32, #tpu.memory_space<hbm>>)
      tpu.yield
    }) : () -> ()
    return
  }
}

module attributes {stable_mosaic.version = 14 : i64} {
  func.func @_proj_body(%arg0: i32, %arg1: memref<2048x128xf32, #tpu.memory_space<vmem>>, %arg2: memref<128x32xf32, #tpu.memory_space<vmem>>, %arg3: memref<128x32xf32, #tpu.memory_space<vmem>>, %arg4: memref<2048x32xf32, #tpu.memory_space<vmem>>, %arg5: memref<2048x32xf32, #tpu.memory_space<vmem>>) attributes {dimension_semantics = [#tpu.dimension_semantics<arbitrary>], iteration_bounds = array<i64: 5>, scalar_prefetch = 0 : i64, scratch_operands = 0 : i64, tpu.core_type = #tpu.core_type<tc>, window_params = [{transform_indices = @transform_0, window_bounds = array<i64: 2048, 128>}, {pipeline_mode = #tpu.pipeline_mode<synchronous>, transform_indices = @transform_1, window_bounds = array<i64: 128, 32>}, {pipeline_mode = #tpu.pipeline_mode<synchronous>, transform_indices = @transform_2, window_bounds = array<i64: 128, 32>}, {transform_indices = @transform_3, window_bounds = array<i64: 2048, 32>}, {transform_indices = @transform_4, window_bounds = array<i64: 2048, 32>}]} {
    %get3A = arith.constant 0 : index
    %get3A_0 = arith.constant 0 : index
    %get3A_1 = vector.load %arg1[%get3A, %get3A_0] : memref<2048x128xf32, #tpu.memory_space<vmem>>, vector<2048x128xf32>
    %get3A_2 = arith.constant 0 : index
    %get3A_3 = arith.constant 0 : index
    %get3A_4 = vector.load %arg2[%get3A_2, %get3A_3] : memref<128x32xf32, #tpu.memory_space<vmem>>, vector<128x32xf32>
    %dot_general3A = arith.constant dense<0.000000e+00> : vector<2048x32xf32>
    %dot_general3A_5 = tpu.matmul %get3A_1, %get3A_4, %dot_general3A {dimension_numbers = #tpu.dot_dimension_numbers<[1], [0], [0], [1], [0, 0, 1, 1], [], []>, transpose_lhs_hint = false} : vector<2048x128xf32>, vector<128x32xf32>, vector<2048x32xf32> -> vector<2048x32xf32>
    %swap3A = arith.constant 0 : index
    %swap3A_6 = arith.constant 0 : index
    %swap3A_7 = vector.load %arg4[%swap3A, %swap3A_6] : memref<2048x32xf32, #tpu.memory_space<vmem>>, vector<2048x32xf32>
    tpu.vector_store %arg4[%swap3A, %swap3A_6], %dot_general3A_5 {strides = array<i32>} : memref<2048x32xf32, #tpu.memory_space<vmem>>, vector<2048x32xf32>,
    %get3A_8 = arith.constant 0 : index
    %get3A_9 = arith.constant 0 : index
    %get3A_10 = vector.load %arg3[%get3A_8, %get3A_9] : memref<128x32xf32, #tpu.memory_space<vmem>>, vector<128x32xf32>
    %dot_general3A_11 = arith.constant dense<0.000000e+00> : vector<2048x32xf32>
    %dot_general3A_12 = tpu.matmul %get3A_1, %get3A_10, %dot_general3A_11 {dimension_numbers = #tpu.dot_dimension_numbers<[1], [0], [0], [1], [0, 0, 1, 1], [], []>, transpose_lhs_hint = false} : vector<2048x128xf32>, vector<128x32xf32>, vector<2048x32xf32> -> vector<2048x32xf32>
    %swap3A_13 = arith.constant 0 : index
    %swap3A_14 = arith.constant 0 : index
    %swap3A_15 = vector.load %arg5[%swap3A_13, %swap3A_14] : memref<2048x32xf32, #tpu.memory_space<vmem>>, vector<2048x32xf32>
    tpu.vector_store %arg5[%swap3A_13, %swap3A_14], %dot_general3A_12 {strides = array<i32>} : memref<2048x32xf32, #tpu.memory_space<vmem>>, vector<2048x32xf32>,
    return
  }
  func.func @transform_0(%arg0: i32) -> (i32, i32) {
    %c0_i32 = arith.constant 0 : i32
    %c0_i32_0 = arith.constant 0 : i32
    return %arg0, %c0_i32 : i32, i32
  }
  func.func @transform_1(%arg0: i32) -> (i32, i32) {
    %c0_i32 = arith.constant 0 : i32
    %c0_i32_0 = arith.constant 0 : i32
    %c0_i32_1 = arith.constant 0 : i32
    return %c0_i32, %c0_i32_0 : i32, i32
  }
  func.func @transform_2(%arg0: i32) -> (i32, i32) {
    %c0_i32 = arith.constant 0 : i32
    %c0_i32_0 = arith.constant 0 : i32
    %c0_i32_1 = arith.constant 0 : i32
    return %c0_i32, %c0_i32_0 : i32, i32
  }
  func.func @transform_3(%arg0: i32) -> (i32, i32) {
    %c0_i32 = arith.constant 0 : i32
    %c0_i32_0 = arith.constant 0 : i32
    return %arg0, %c0_i32 : i32, i32
  }
  func.func @transform_4(%arg0: i32) -> (i32, i32) {
    %c0_i32 = arith.constant 0 : i32
    %c0_i32_0 = arith.constant 0 : i32
    return %arg0, %c0_i32 : i32, i32
  }
}

module attributes {stable_mosaic.version = 14 : i64} {
  func.func @_scale_body(%arg0: i32, %arg1: memref<2x2048x16xf32, #tpu.memory_space<vmem>>, %arg2: memref<2048x32xf32, #tpu.memory_space<vmem>>, %arg3: memref<2048x32xf32, #tpu.memory_space<vmem>>) attributes {dimension_semantics = [#tpu.dimension_semantics<arbitrary>], iteration_bounds = array<i64: 5>, scalar_prefetch = 0 : i64, scratch_operands = 0 : i64, tpu.core_type = #tpu.core_type<tc>, window_params = [{transform_indices = @transform_0, window_bounds = array<i64: 2, 2048, 16>}, {transform_indices = @transform_1, window_bounds = array<i64: 2048, 32>}, {transform_indices = @transform_2, window_bounds = array<i64: 2048, 32>}]} {
    %get3A = arith.constant 0 : index
    %get3A_0 = arith.constant 0 : index
    %get3A_1 = arith.constant 0 : index
    %get3A_2 = vector.load %arg1[%get3A, %get3A_0, %get3A_1] : memref<2x2048x16xf32, #tpu.memory_space<vmem>>, vector<2x2048x16xf32>
    %slice3A = vector.extract_strided_slice %get3A_2 {offsets = [0, 0, 0], sizes = [1, 2048, 1], strides = [1, 1, 1]} : vector<2x2048x16xf32> to vector<1x2048x1xf32>
    %squeeze3A = vector.shape_cast %slice3A : vector<1x2048x1xf32> to vector<2048x1xf32>
    %slice3A_3 = vector.extract_strided_slice %get3A_2 {offsets = [1, 0, 0], sizes = [1, 2048, 1], strides = [1, 1, 1]} : vector<2x2048x16xf32> to vector<1x2048x1xf32>
    %squeeze3A_4 = vector.shape_cast %slice3A_3 : vector<1x2048x1xf32> to vector<2048x1xf32>
    %add3A = arith.addf %squeeze3A, %squeeze3A_4 : vector<2048x1xf32>
    %gt3A = arith.constant 0.000000e+00 : f32
    %gt3A_5 = vector.broadcast %gt3A : f32 to vector<2048x1xf32>
    %gt3A_6 = arith.cmpf ogt, %add3A, %gt3A_5 : vector<2048x1xf32>
    %max3A = arith.constant 1.000000e+00 : f32
    %max3A_7 = vector.broadcast %max3A : f32 to vector<2048x1xf32>
    %max3A_8 = arith.maximumf %add3A, %max3A_7 : vector<2048x1xf32>
    %rsqrt3A = math.rsqrt %max3A_8 : vector<2048x1xf32>
    %jit3A = arith.constant 0.000000e+00 : f32
    %broadcast_in_dim3A = vector.broadcast %jit3A : f32 to vector<2048x1xf32>
    %select_n3A = arith.select %gt3A_6, %rsqrt3A, %broadcast_in_dim3A : vector<2048x1xi1>, vector<2048x1xf32>
    %get3A_9 = arith.constant 0 : index
    %get3A_10 = arith.constant 0 : index
    %get3A_11 = vector.load %arg2[%get3A_9, %get3A_10] : memref<2048x32xf32, #tpu.memory_space<vmem>>, vector<2048x32xf32>
    %mul3A = vector.broadcast %select_n3A : vector<2048x1xf32> to vector<2048x32xf32>
    %mul3A_12 = arith.mulf %mul3A, %get3A_11 : vector<2048x32xf32>
    %swap3A = arith.constant 0 : index
    %swap3A_13 = arith.constant 0 : index
    %swap3A_14 = vector.load %arg3[%swap3A, %swap3A_13] : memref<2048x32xf32, #tpu.memory_space<vmem>>, vector<2048x32xf32>
    tpu.vector_store %arg3[%swap3A, %swap3A_13], %mul3A_12 {strides = array<i32>} : memref<2048x32xf32, #tpu.memory_space<vmem>>, vector<2048x32xf32>,
    return
  }
  func.func @transform_0(%arg0: i32) -> (i32, i32, i32) {
    %c0_i32 = arith.constant 0 : i32
    %c0_i32_0 = arith.constant 0 : i32
    %c0_i32_1 = arith.constant 0 : i32
    return %c0_i32, %arg0, %c0_i32_0 : i32, i32, i32
  }
  func.func @transform_1(%arg0: i32) -> (i32, i32) {
    %c0_i32 = arith.constant 0 : i32
    %c0_i32_0 = arith.constant 0 : i32
    return %arg0, %c0_i32 : i32, i32
  }
  func.func @transform_2(%arg0: i32) -> (i32, i32) {
    %c0_i32 = arith.constant 0 : i32
    %c0_i32_0 = arith.constant 0 : i32
    return %arg0, %c0_i32 : i32, i32
  }
}

module attributes {stable_mosaic.version = 14 : i64} {
  func.func @_mid_body(%arg0: i32, %arg1: memref<2x2048x16xf32, #tpu.memory_space<vmem>>, %arg2: memref<2048x32xf32, #tpu.memory_space<vmem>>, %arg3: memref<2x2048x32xf32, #tpu.memory_space<vmem>>, %arg4: memref<32x16xf32, #tpu.memory_space<vmem>>, %arg5: memref<32x16xf32, #tpu.memory_space<vmem>>, %arg6: memref<8x32xf32, #tpu.memory_space<vmem>>, %arg7: memref<8x16xf32, #tpu.memory_space<vmem>>, %arg8: memref<2048x16xf32, #tpu.memory_space<vmem>>, %arg9: memref<2048x16xf32, #tpu.memory_space<vmem>>) attributes {dimension_semantics = [#tpu.dimension_semantics<arbitrary>], iteration_bounds = array<i64: 5>, scalar_prefetch = 0 : i64, scratch_operands = 0 : i64, tpu.core_type = #tpu.core_type<tc>, window_params = [{transform_indices = @transform_0, window_bounds = array<i64: 2, 2048, 16>}, {transform_indices = @transform_1, window_bounds = array<i64: 2048, 32>}, {transform_indices = @transform_2, window_bounds = array<i64: 2, 2048, 32>}, {pipeline_mode = #tpu.pipeline_mode<synchronous>, transform_indices = @transform_3, window_bounds = array<i64: 32, 16>}, {pipeline_mode = #tpu.pipeline_mode<synchronous>, transform_indices = @transform_4, window_bounds = array<i64: 32, 16>}, {pipeline_mode = #tpu.pipeline_mode<synchronous>, transform_indices = @transform_5, window_bounds = array<i64: 8, 32>}, {pipeline_mode = #tpu.pipeline_mode<synchronous>, transform_indices = @transform_6, window_bounds = array<i64: 8, 16>}, {transform_indices = @transform_7, window_bounds = array<i64: 2048, 16>}, {transform_indices = @transform_8, window_bounds = array<i64: 2048, 16>}]} {
    %get3A = arith.constant 0 : index
    %get3A_0 = arith.constant 0 : index
    %get3A_1 = arith.constant 0 : index
    %get3A_2 = vector.load %arg1[%get3A, %get3A_0, %get3A_1] : memref<2x2048x16xf32, #tpu.memory_space<vmem>>, vector<2x2048x16xf32>
    %slice3A = vector.extract_strided_slice %get3A_2 {offsets = [0, 0, 0], sizes = [1, 2048, 1], strides = [1, 1, 1]} : vector<2x2048x16xf32> to vector<1x2048x1xf32>
    %squeeze3A = vector.shape_cast %slice3A : vector<1x2048x1xf32> to vector<2048x1xf32>
    %slice3A_3 = vector.extract_strided_slice %get3A_2 {offsets = [1, 0, 0], sizes = [1, 2048, 1], strides = [1, 1, 1]} : vector<2x2048x16xf32> to vector<1x2048x1xf32>
    %squeeze3A_4 = vector.shape_cast %slice3A_3 : vector<1x2048x1xf32> to vector<2048x1xf32>
    %add3A = arith.addf %squeeze3A, %squeeze3A_4 : vector<2048x1xf32>
    %gt3A = arith.constant 0.000000e+00 : f32
    %gt3A_5 = vector.broadcast %gt3A : f32 to vector<2048x1xf32>
    %gt3A_6 = arith.cmpf ogt, %add3A, %gt3A_5 : vector<2048x1xf32>
    %max3A = arith.constant 1.000000e+00 : f32
    %max3A_7 = vector.broadcast %max3A : f32 to vector<2048x1xf32>
    %max3A_8 = arith.maximumf %add3A, %max3A_7 : vector<2048x1xf32>
    %rsqrt3A = math.rsqrt %max3A_8 : vector<2048x1xf32>
    %jit3A = arith.constant 0.000000e+00 : f32
    %broadcast_in_dim3A = vector.broadcast %jit3A : f32 to vector<2048x1xf32>
    %select_n3A = arith.select %gt3A_6, %rsqrt3A, %broadcast_in_dim3A : vector<2048x1xi1>, vector<2048x1xf32>
    %get3A_9 = arith.constant 0 : index
    %get3A_10 = arith.constant 0 : index
    %get3A_11 = arith.constant 0 : index
    %get3A_12 = vector.load %arg3[%get3A_9, %get3A_10, %get3A_11] : memref<2x2048x32xf32, #tpu.memory_space<vmem>>, vector<1x2048x32xf32>
    %get3A_13 = vector.shape_cast %get3A_12 : vector<1x2048x32xf32> to vector<2048x32xf32>
    %get3A_14 = arith.constant 1 : index
    %get3A_15 = arith.constant 0 : index
    %get3A_16 = arith.constant 0 : index
    %get3A_17 = vector.load %arg3[%get3A_14, %get3A_15, %get3A_16] : memref<2x2048x32xf32, #tpu.memory_space<vmem>>, vector<1x2048x32xf32>
    %get3A_18 = vector.shape_cast %get3A_17 : vector<1x2048x32xf32> to vector<2048x32xf32>
    %add3A_19 = arith.addf %get3A_13, %get3A_18 : vector<2048x32xf32>
    %get3A_20 = arith.constant 0 : index
    %get3A_21 = arith.constant 0 : index
    %get3A_22 = vector.load %arg2[%get3A_20, %get3A_21] : memref<2048x32xf32, #tpu.memory_space<vmem>>, vector<2048x32xf32>
    %mul3A = vector.broadcast %select_n3A : vector<2048x1xf32> to vector<2048x32xf32>
    %mul3A_23 = arith.mulf %mul3A, %add3A_19 : vector<2048x32xf32>
    %sub3A = arith.subf %get3A_22, %mul3A_23 : vector<2048x32xf32>
    %get3A_24 = arith.constant 0 : index
    %get3A_25 = arith.constant 0 : index
    %get3A_26 = vector.load %arg6[%get3A_24, %get3A_25] : memref<8x32xf32, #tpu.memory_space<vmem>>, vector<1x32xf32>
    %add3A_27 = vector.broadcast %get3A_26 : vector<1x32xf32> to vector<2048x32xf32>
    %add3A_28 = arith.addf %sub3A, %add3A_27 : vector<2048x32xf32>
    %max3A_29 = arith.constant 0.000000e+00 : f32
    %max3A_30 = vector.broadcast %max3A_29 : f32 to vector<2048x32xf32>
    %max3A_31 = arith.maximumf %add3A_28, %max3A_30 : vector<2048x32xf32>
    %get3A_32 = arith.constant 0 : index
    %get3A_33 = arith.constant 0 : index
    %get3A_34 = vector.load %arg4[%get3A_32, %get3A_33] : memref<32x16xf32, #tpu.memory_space<vmem>>, vector<32x16xf32>
    %dot_general3A = arith.constant dense<0.000000e+00> : vector<2048x16xf32>
    %dot_general3A_35 = tpu.matmul %max3A_31, %get3A_34, %dot_general3A {dimension_numbers = #tpu.dot_dimension_numbers<[1], [0], [0], [1], [0, 0, 1, 1], [], []>, transpose_lhs_hint = false} : vector<2048x32xf32>, vector<32x16xf32>, vector<2048x16xf32> -> vector<2048x16xf32>
    %mul3A_36 = vector.broadcast %select_n3A : vector<2048x1xf32> to vector<2048x16xf32>
    %mul3A_37 = arith.mulf %mul3A_36, %dot_general3A_35 : vector<2048x16xf32>
    %swap3A = arith.constant 0 : index
    %swap3A_38 = arith.constant 0 : index
    %swap3A_39 = vector.load %arg8[%swap3A, %swap3A_38] : memref<2048x16xf32, #tpu.memory_space<vmem>>, vector<2048x16xf32>
    tpu.vector_store %arg8[%swap3A, %swap3A_38], %mul3A_37 {strides = array<i32>} : memref<2048x16xf32, #tpu.memory_space<vmem>>, vector<2048x16xf32>,
    %get3A_40 = arith.constant 0 : index
    %get3A_41 = arith.constant 0 : index
    %get3A_42 = vector.load %arg5[%get3A_40, %get3A_41] : memref<32x16xf32, #tpu.memory_space<vmem>>, vector<32x16xf32>
    %dot_general3A_43 = arith.constant dense<0.000000e+00> : vector<2048x16xf32>
    %dot_general3A_44 = tpu.matmul %max3A_31, %get3A_42, %dot_general3A_43 {dimension_numbers = #tpu.dot_dimension_numbers<[1], [0], [0], [1], [0, 0, 1, 1], [], []>, transpose_lhs_hint = false} : vector<2048x32xf32>, vector<32x16xf32>, vector<2048x16xf32> -> vector<2048x16xf32>
    %get3A_45 = arith.constant 0 : index
    %get3A_46 = arith.constant 0 : index
    %get3A_47 = vector.load %arg7[%get3A_45, %get3A_46] : memref<8x16xf32, #tpu.memory_space<vmem>>, vector<1x16xf32>
    %add3A_48 = vector.broadcast %get3A_47 : vector<1x16xf32> to vector<2048x16xf32>
    %add3A_49 = arith.addf %dot_general3A_44, %add3A_48 : vector<2048x16xf32>
    %swap3A_50 = arith.constant 0 : index
    %swap3A_51 = arith.constant 0 : index
    %swap3A_52 = vector.load %arg9[%swap3A_50, %swap3A_51] : memref<2048x16xf32, #tpu.memory_space<vmem>>, vector<2048x16xf32>
    tpu.vector_store %arg9[%swap3A_50, %swap3A_51], %add3A_49 {strides = array<i32>} : memref<2048x16xf32, #tpu.memory_space<vmem>>, vector<2048x16xf32>,
    return
  }
  func.func @transform_0(%arg0: i32) -> (i32, i32, i32) {
    %c0_i32 = arith.constant 0 : i32
    %c0_i32_0 = arith.constant 0 : i32
    %c0_i32_1 = arith.constant 0 : i32
    return %c0_i32, %arg0, %c0_i32_0 : i32, i32, i32
  }
  func.func @transform_1(%arg0: i32) -> (i32, i32) {
    %c0_i32 = arith.constant 0 : i32
    %c0_i32_0 = arith.constant 0 : i32
    return %arg0, %c0_i32 : i32, i32
  }
  func.func @transform_2(%arg0: i32) -> (i32, i32, i32) {
    %c0_i32 = arith.constant 0 : i32
    %c0_i32_0 = arith.constant 0 : i32
    %c0_i32_1 = arith.constant 0 : i32
    return %c0_i32, %arg0, %c0_i32_0 : i32, i32, i32
  }
  func.func @transform_3(%arg0: i32) -> (i32, i32) {
    %c0_i32 = arith.constant 0 : i32
    %c0_i32_0 = arith.constant 0 : i32
    %c0_i32_1 = arith.constant 0 : i32
    return %c0_i32, %c0_i32_0 : i32, i32
  }
  func.func @transform_4(%arg0: i32) -> (i32, i32) {
    %c0_i32 = arith.constant 0 : i32
    %c0_i32_0 = arith.constant 0 : i32
    %c0_i32_1 = arith.constant 0 : i32
    return %c0_i32, %c0_i32_0 : i32, i32
  }
  func.func @transform_5(%arg0: i32) -> (i32, i32) {
    %c0_i32 = arith.constant 0 : i32
    %c0_i32_0 = arith.constant 0 : i32
    %c0_i32_1 = arith.constant 0 : i32
    return %c0_i32, %c0_i32_0 : i32, i32
  }
  func.func @transform_6(%arg0: i32) -> (i32, i32) {
    %c0_i32 = arith.constant 0 : i32
    %c0_i32_0 = arith.constant 0 : i32
    %c0_i32_1 = arith.constant 0 : i32
    return %c0_i32, %c0_i32_0 : i32, i32
  }
  func.func @transform_7(%arg0: i32) -> (i32, i32) {
    %c0_i32 = arith.constant 0 : i32
    %c0_i32_0 = arith.constant 0 : i32
    return %arg0, %c0_i32 : i32, i32
  }
  func.func @transform_8(%arg0: i32) -> (i32, i32) {
    %c0_i32 = arith.constant 0 : i32
    %c0_i32_0 = arith.constant 0 : i32
    return %arg0, %c0_i32 : i32, i32
  }
}

module attributes {stable_mosaic.version = 14 : i64} {
  func.func @_out_body(%arg0: i32, %arg1: memref<2x2048x16xf32, #tpu.memory_space<vmem>>, %arg2: memref<2048x16xf32, #tpu.memory_space<vmem>>, %arg3: memref<2x2048x16xf32, #tpu.memory_space<vmem>>, %arg4: memref<2048x16xf32, #tpu.memory_space<vmem>>) attributes {dimension_semantics = [#tpu.dimension_semantics<arbitrary>], iteration_bounds = array<i64: 5>, scalar_prefetch = 0 : i64, scratch_operands = 0 : i64, tpu.core_type = #tpu.core_type<tc>, window_params = [{transform_indices = @transform_0, window_bounds = array<i64: 2, 2048, 16>}, {transform_indices = @transform_1, window_bounds = array<i64: 2048, 16>}, {transform_indices = @transform_2, window_bounds = array<i64: 2, 2048, 16>}, {transform_indices = @transform_3, window_bounds = array<i64: 2048, 16>}]} {
    %get3A = arith.constant 0 : index
    %get3A_0 = arith.constant 0 : index
    %get3A_1 = vector.load %arg2[%get3A, %get3A_0] : memref<2048x16xf32, #tpu.memory_space<vmem>>, vector<2048x16xf32>
    %get3A_2 = arith.constant 0 : index
    %get3A_3 = arith.constant 0 : index
    %get3A_4 = arith.constant 0 : index
    %get3A_5 = vector.load %arg1[%get3A_2, %get3A_3, %get3A_4] : memref<2x2048x16xf32, #tpu.memory_space<vmem>>, vector<2x2048x16xf32>
    %slice3A = vector.extract_strided_slice %get3A_5 {offsets = [0, 0, 0], sizes = [1, 2048, 1], strides = [1, 1, 1]} : vector<2x2048x16xf32> to vector<1x2048x1xf32>
    %squeeze3A = vector.shape_cast %slice3A : vector<1x2048x1xf32> to vector<2048x1xf32>
    %slice3A_6 = vector.extract_strided_slice %get3A_5 {offsets = [1, 0, 0], sizes = [1, 2048, 1], strides = [1, 1, 1]} : vector<2x2048x16xf32> to vector<1x2048x1xf32>
    %squeeze3A_7 = vector.shape_cast %slice3A_6 : vector<1x2048x1xf32> to vector<2048x1xf32>
    %add3A = arith.addf %squeeze3A, %squeeze3A_7 : vector<2048x1xf32>
    %gt3A = arith.constant 0.000000e+00 : f32
    %gt3A_8 = vector.broadcast %gt3A : f32 to vector<2048x1xf32>
    %gt3A_9 = arith.cmpf ogt, %add3A, %gt3A_8 : vector<2048x1xf32>
    %max3A = arith.constant 1.000000e+00 : f32
    %max3A_10 = vector.broadcast %max3A : f32 to vector<2048x1xf32>
    %max3A_11 = arith.maximumf %add3A, %max3A_10 : vector<2048x1xf32>
    %rsqrt3A = math.rsqrt %max3A_11 : vector<2048x1xf32>
    %jit3A = arith.constant 0.000000e+00 : f32
    %broadcast_in_dim3A = vector.broadcast %jit3A : f32 to vector<2048x1xf32>
    %select_n3A = arith.select %gt3A_9, %rsqrt3A, %broadcast_in_dim3A : vector<2048x1xi1>, vector<2048x1xf32>
    %get3A_12 = arith.constant 0 : index
    %get3A_13 = arith.constant 0 : index
    %get3A_14 = arith.constant 0 : index
    %get3A_15 = vector.load %arg3[%get3A_12, %get3A_13, %get3A_14] : memref<2x2048x16xf32, #tpu.memory_space<vmem>>, vector<1x2048x16xf32>
    %get3A_16 = vector.shape_cast %get3A_15 : vector<1x2048x16xf32> to vector<2048x16xf32>
    %get3A_17 = arith.constant 1 : index
    %get3A_18 = arith.constant 0 : index
    %get3A_19 = arith.constant 0 : index
    %get3A_20 = vector.load %arg3[%get3A_17, %get3A_18, %get3A_19] : memref<2x2048x16xf32, #tpu.memory_space<vmem>>, vector<1x2048x16xf32>
    %get3A_21 = vector.shape_cast %get3A_20 : vector<1x2048x16xf32> to vector<2048x16xf32>
    %add3A_22 = arith.addf %get3A_16, %get3A_21 : vector<2048x16xf32>
    %mul3A = vector.broadcast %select_n3A : vector<2048x1xf32> to vector<2048x16xf32>
    %mul3A_23 = arith.mulf %mul3A, %add3A_22 : vector<2048x16xf32>
    %sub3A = arith.subf %get3A_1, %mul3A_23 : vector<2048x16xf32>
    %reduce_max3A = arith.constant dense<0xFF800000> : vector<2048xf32>
    %reduce_max3A_24 = vector.multi_reduction <maximumf>, %sub3A, %reduce_max3A [1] : vector<2048x16xf32> to vector<2048xf32>
    %broadcast_in_dim3A_25 = vector.shape_cast %reduce_max3A_24 : vector<2048xf32> to vector<2048x1xf32>
    %sub3A_26 = vector.broadcast %broadcast_in_dim3A_25 : vector<2048x1xf32> to vector<2048x16xf32>
    %sub3A_27 = arith.subf %sub3A, %sub3A_26 : vector<2048x16xf32>
    %exp3A = math.exp %sub3A_27 : vector<2048x16xf32>
    %reduce_sum3A = arith.constant dense<0.000000e+00> : vector<2048xf32>
    %reduce_sum3A_28 = vector.multi_reduction <add>, %exp3A, %reduce_sum3A [1] : vector<2048x16xf32> to vector<2048xf32>
    %broadcast_in_dim3A_29 = vector.shape_cast %reduce_sum3A_28 : vector<2048xf32> to vector<2048x1xf32>
    %log3A = math.log %broadcast_in_dim3A_29 : vector<2048x1xf32>
    %sub3A_30 = vector.broadcast %log3A : vector<2048x1xf32> to vector<2048x16xf32>
    %sub3A_31 = arith.subf %sub3A_27, %sub3A_30 : vector<2048x16xf32>
    %swap3A = arith.constant 0 : index
    %swap3A_32 = arith.constant 0 : index
    %swap3A_33 = vector.load %arg4[%swap3A, %swap3A_32] : memref<2048x16xf32, #tpu.memory_space<vmem>>, vector<2048x16xf32>
    tpu.vector_store %arg4[%swap3A, %swap3A_32], %sub3A_31 {strides = array<i32>} : memref<2048x16xf32, #tpu.memory_space<vmem>>, vector<2048x16xf32>,
    return
  }
  func.func @transform_0(%arg0: i32) -> (i32, i32, i32) {
    %c0_i32 = arith.constant 0 : i32
    %c0_i32_0 = arith.constant 0 : i32
    %c0_i32_1 = arith.constant 0 : i32
    return %c0_i32, %arg0, %c0_i32_0 : i32, i32, i32
  }
  func.func @transform_1(%arg0: i32) -> (i32, i32) {
    %c0_i32 = arith.constant 0 : i32
    %c0_i32_0 = arith.constant 0 : i32
    return %arg0, %c0_i32 : i32, i32
  }
  func.func @transform_2(%arg0: i32) -> (i32, i32, i32) {
    %c0_i32 = arith.constant 0 : i32
    %c0_i32_0 = arith.constant 0 : i32
    %c0_i32_1 = arith.constant 0 : i32
    return %c0_i32, %arg0, %c0_i32_0 : i32, i32, i32
  }
  func.func @transform_3(%arg0: i32) -> (i32, i32) {
    %c0_i32 = arith.constant 0 : i32
    %c0_i32_0 = arith.constant 0 : i32
    return %arg0, %c0_i32 : i32, i32
  }
}

</mosaic_0001>

<sc_bundles>
// kernel: kernel.12.cloned.1.call-start
scs
__scs_entry_jumppad:
0x0: {  	(pc) =	sbr.rel $0x88, $3  }
0x1: {  	(tag) =	ssettag $0x0;
	lr =	simm.s32 $0x1  }
0x2: {  	[smem:$0x3F9B] =	sst lr;
	_ =	strace $0xD0000000  }
0x3: {  	_ = 	snop  }
0x4: {  	_ = 	snop  }
0x5: {  	_ = 	snop  }
0x6: {  	_ = 	snop  }
0x7: {  	_ = 	snop  }
__scs_overlays_trampoline_lowered:
0x8: {  	[smem:$0x3FAA] =	sst s0  }
0x9: {  	[smem:$0x3FAB] =	sst s1  }
0xa: {  	[smem:$0x3FAC] =	sst s2  }
0xb: {  	[smem:$0x3FAD] =	sst s3  }
0xc: {  	[smem:$0x3FAE] =	sst s4  }
0xd: {  	[smem:$0x3FAF] =	sst s5  }
0xe: {  	[smem:$0x3FB0] =	sst s6  }
0xf: {  	[smem:$0x3FB1] =	sst s7  }
0x10: {  	[smem:$0x3FB2] =	sst s8  }
0x11: {  	[smem:$0x3FB3] =	sst s9;
	s0 =	simm.s32 @!p0 $0x0  }
0x12: {  	s1 =	sld [smem:$0x3F99];
	s0 =	simm.s32 @p0 $0x1  }
0x13: {  	[smem:$0x3FB4] =	sst s0;
	s0 =	simm.s32 @!p1 $0x0  }
0x14: {  	s2 =	sld [smem:$0x3F98];
	s0 =	simm.s32 @p1 $0x1  }
0x15: {  	[smem:$0x3FB5] =	sst s0;
	s0 =	simm.s32 @!p2 $0x0  }
0x16: {  	s3 =	sld [smem:$0x3FDB];
	s0 =	simm.s32 @p2 $0x1  }
0x17: {  	s4 =	simm.s32 $0x1BF5;
	[smem:$0x3FB7] =	sst s0  }
0x18: {  	s0 =	sld [smem:$0x3F9A];
	_ =	swait.ge [sflag:s4], $0x0  }
0x19: {  	s7 =	sld [smem:$0x3F9B]  }
0x1a: {  	s8 =	sadd.s32 $0xFFFFE003, lr  }
0x1b: {  	s9 =	sadd.s32 $0xFFFFFEF7, lr;
	s5 =	simm.s32 $0xFFFFFFFF;
	p2 =	slt.u32 s8, $0xFFFFF086  }
0x1c: {  	p1 =	slt.u32 s9, $0xF7A;
	s5 =	simm.s32 @!p2 $0x0  }
0x1d: {  	s5 =	simm.s32 @p1 $0x1;
	p0 =	seq.s32 s7, s2  }
0x1e: {  	s7 =	smul.u32 @!p0 $0xF7A, s2;
	p2 =	seq.s32 @!p0 s5, $0x0  }
0x1f: {  	s9 =	smul.u32 $0xF7A, s1;
	s8 =	simm.s32 @!p0 $0x1BF5;
	p2 =	por !p2, p0  }
0x20: {  	[sflag:s8] =	ssyncset.s32 @!p0 $0xFFFFF086;
	s6 =	sadd.s32 @!p0 s3, s7;
	s7 =	simm.s32 @!p0 $0x108  }
0x21: {  	s3 =	sadd.s32 s3, s9;
	s6 =	sadd.s32 @!p0 $0x88, s6;
	s7 =	simm.s32 @p2 $0x1082  }
0x22: {  	[simem:s7], [sflag:s8] =	dma.local @!p0 [hbm:s6], $0xF7A  }
0x23: {  	s9 =	sor.u32 $0xD0000000, s2;
	s6 =	simm.s32 $0x108;
	_ =	swait.ge @!p0 [sflag:s8], $0x0  }
0x24: {  	s3 =	sadd.s32 $0x88, s3;
	s6 =	simm.s32 @!p1 $0x1082;
	[sflag:s4] =	ssyncset.s32 $0xFFFFF086  }
0x25: {  	[simem:s6], [sflag:s4] =	dma.local [hbm:s3], $0xF7A  }
0x26: {  	[smem:$0x3F9B] =	sst s1;
	(tag) =	ssettag s2;
	_ =	strace s9  }
0x27: {  	s1 =	sld [smem:$0x3FAB]  }
0x28: {  	s2 =	sld [smem:$0x3FAC]  }
0x29: {  	s4 =	sld [smem:$0x3FAE]  }
0x2a: {  	p0 =	seq.s32 s5, $0x0;
	s5 =	sld [smem:$0x3FAF]  }
0x2b: {  	s6 =	sld [smem:$0x3FB0]  }
0x2c: {  	s7 =	sld [smem:$0x3FB1]  }
0x2d: {  	s3 =	simm.s32 $0x108;
	s8 =	sld [smem:$0x3FB2]  }
0x2e: {  	s3 =	simm.s32 @!p0 $0x1082;
	s9 =	sld [smem:$0x3FB3]  }
0x2f: {  	lr =	sadd.s32 s0, s3;
	s0 =	sld [smem:$0x3FAA]  }
0x30: {  	s3 =	sld [smem:$0x3FAD]  }
0x31: {  	[smem:$0x3FB6] =	sst s10  }
0x32: {  	s10 =	sld [smem:$0x3FB4];
	_ =	sdelay $0x3  }
0x33: {  	p0 =	seq.s32 s10, $0x1;
	s10 =	sld [smem:$0x3FB6];
	_ =	sdelay $0x3  }
0x34: {  	[smem:$0x3FB6] =	sst s10  }
0x35: {  	s10 =	sld [smem:$0x3FB5];
	_ =	sdelay $0x3  }
0x36: {  	p1 =	seq.s32 s10, $0x1;
	s10 =	sld [smem:$0x3FB6];
	_ =	sdelay $0x3  }
0x37: {  	[smem:$0x3FB6] =	sst s10  }
0x38: {  	s10 =	sld [smem:$0x3FB7]  }
0x39: {  	_ = 	snop;
	(pc) =	sbr.ind lr, $3  }
0x3a: {  	_ = 	snop  }
0x3b: {  	_ = 	snop  }
0x3c: {  	p2 =	seq.s32 s10, $0x1;
	s10 =	sld [smem:$0x3FB6]  }
0x3d: {  	_ =	shalt  }
0x3e: {  	_ =	shalt  }
0x3f: {  	_ =	shalt  }
0x40: {  	_ =	shalt  }
0x41: {  	_ =	shalt  }
0x42: {  	_ =	shalt  }
0x43: {  	_ =	shalt  }
0x44: {  	_ =	shalt  }
0x45: {  	_ =	shalt  }
0x46: {  	_ =	shalt  }
0x47: {  	_ =	shalt  }
0x48: {  	_ =	shalt  }
0x49: {  	_ =	shalt  }
0x4a: {  	_ =	shalt  }
0x4b: {  	_ =	shalt  }
0x4c: {  	_ =	shalt  }
0x4d: {  	_ =	shalt  }
0x4e: {  	_ =	shalt  }
0x4f: {  	_ =	shalt  }
0x50: {  	_ =	shalt  }
0x51: {  	_ =	shalt  }
0x52: {  	_ =	shalt  }
0x53: {  	_ =	shalt  }
0x54: {  	_ =	shalt  }
0x55: {  	_ =	shalt  }
0x56: {  	_ =	shalt  }
0x57: {  	_ =	shalt  }
0x58: {  	_ =	shalt  }
0x59: {  	_ =	shalt  }
0x5a: {  	_ =	shalt  }
0x5b: {  	_ =	shalt  }
0x5c: {  	_ =	shalt  }
0x5d: {  	_ =	shalt  }
0x5e: {  	_ =	shalt  }
0x5f: {  	_ =	shalt  }
0x60: {  	_ =	shalt  }
0x61: {  	_ =	shalt  }
0x62: {  	_ =	shalt  }
0x63: {  	_ =	shalt  }
0x64: {  	_ =	shalt  }
0x65: {  	_ =	shalt  }
0x66: {  	_ =	shalt  }
0x67: {  	_ =	shalt  }
0x68: {  	_ =	shalt  }
0x69: {  	_ =	shalt  }
0x6a: {  	_ =	shalt  }
0x6b: {  	_ =	shalt  }
0x6c: {  	_ =	shalt  }
0x6d: {  	_ =	shalt  }
0x6e: {  	_ =	shalt  }
0x6f: {  	_ =	shalt  }
0x70: {  	_ =	shalt  }
0x71: {  	_ =	shalt  }
0x72: {  	_ =	shalt  }
0x73: {  	_ =	shalt  }
0x74: {  	_ =	shalt  }
0x75: {  	_ =	shalt  }
0x76: {  	_ =	shalt  }
0x77: {  	_ =	shalt  }
0x78: {  	_ =	shalt  }
0x79: {  	_ =	shalt  }
0x7a: {  	_ =	shalt  }
0x7b: {  	_ =	shalt  }
0x7c: {  	_ =	shalt  }
0x7d: {  	_ =	shalt  }
0x7e: {  	_ =	shalt  }
0x7f: {  	_ =	shalt  }
0x80: {  	_ =	shalt  }
0x81: {  	_ =	shalt  }
0x82: {  	_ =	shalt  }
0x83: {  	_ =	shalt  }
0x84: {  	_ =	shalt  }
0x85: {  	_ =	shalt  }
0x86: {  	_ =	shalt  }
0x87: {  	_ =	shalt  }
.Lfunc_end0:
.L_simem_size_0:
called_computation.1_lowered:
.L_overlay_start_0:
0x88: {  	s2 =	sld [smem:$0x3FD9]  }
0x89: {  	s3 =	sld [smem:$0x3FFE];
	_ =	sdelay $0x1  }
0x8a: {  	s1 =	srdreg.scid  }
0x8b: {  	s0 =	sand.u32 $0x1, s1  }
0x8c: {  	s16 =	sshll.u32 s0, $0xA;
	s2 =	sadd.s32 s3, s2  }
0x8d: {  	s2 =	sadd.s32 s2, s16  }
0x8e: {  	[smem:$0x3FC2] =	sst s2  }
0x8f: {  	_ = 	snop  }
0x90: {  	(tm) =	ssettm $0x1  }
0x91: {  	s17 =	sld [smem:$0x3FFB];
	_ =	sdelay $0x3  }
0x92: {  	_ =	strace s17  }
0x93: {  	s2 =	sld [smem:$0x3FFC];
	_ =	sdelay $0x3  }
0x94: {  	_ =	strace s2  }
0x95: {  	s2 =	sld [smem:$0x3FFD];
	_ =	sdelay $0x3  }
0x96: {  	_ =	strace s2  }
0x97: {  	_ =	strace $0x8FFFFFFF  }
0x98: {  	s18 =	sld [smem:$0x3FDB];
	_ =	sdelay $0x1  }
0x99: {  	s19 =	simm.s32 $_scs_section_size  }
0x9a: {  	s4 =	simm.s32 $_size__tile_overlayer_lowered;
	s5 =	simm.s32 $_tile_overlayer_lowered  }
0x9b: {  	s22 =	simm.s32 $0x1BFF;
	s21 =	sshll.u32 s5, $0x1;
	s2 =	sadd.s32 s19, s18  }
0x9c: {  	s6 =	simm.s32 $0x0;
	s20 =	sshll.u32 s4, $0x1;
	s4 =	sadd.s32 s21, s2  }
0x9d: {  	[timem:s6], [sflag:s22] =	dma.local [hbm:s4], s20  }
0x9e: {  	_ =	swait.ge [sflag:s22], s20  }
0x9f: {  	s3 =	ssub.s32 $0x0, s20;
	[sflag:s22] =	ssyncset.done $0x0  }
0xa0: {  	[sflag:s22] =	ssyncadd.s32 s3;
	_ =	sdelay $0x1  }
0xa1: {  	s23 =	simm.s32 $0x1B8B  }
0xa2: {  	_ =	swait.ge [sflag:s23], $0x1  }
0xa3: {  	[sflag:s23] =	ssyncset.done $0x0  }
0xa4: {  	s25 =	simm.s32 $0x1B8E;
	s24 =	sld [smem:$0x3FFE];
	[sflag:s23] =	ssyncadd.s32 $0xFFFFFFFF  }
0xa5: {  	s26 =	simm.s32 $execute0_lowered;
	[smem:$0x3FD2] =	sst s25  }
0xa6: {  	s4 =	sshll.u32 s26, $0x1;
	_ =	strace $0x80000049;
	[dreg:$0x1] =	wrdreg $0xFFFFFFFF  }
0xa7: {  	s28 =	simm.s32 $_size_execute0_lowered;
	s2 =	sadd.s32 s2, s4;
	[dreg:$0x0] =	wrdreg $0x0  }
0xa8: {  	s4 =	sshll.u32 s28, $0x1;
	[dreg:$0x2] =	wrdreg s2  }
0xa9: {  	[dreg:$0x3] =	wrdreg s4  }
0xaa: {  	[dreg:$0x4] =	wrdreg $0xC0  }
0xab: {  	_ =	task [dreg:s6], $0x5FFFF  }
0xac: {  	[dreg:$0x1] =	wrdreg $0xFFFFFFFF  }
0xad: {  	[dreg:$0x0] =	wrdreg $0x60  }
0xae: {  	[dreg:$0x2] =	wrdreg s24  }
0xaf: {  	[dreg:$0x3] =	wrdreg $0x150000  }
0xb0: {  	[dreg:$0x4] =	wrdreg $0x9  }
0xb1: {  	_ =	task.clear_ibuf [dreg:s6], $0x5FFFF;
	_ =	strace $0x90000049  }
0xb2: {  	s29 =	simm.s32 $0x9;
	_ =	strace $0x8000004B  }
0xb3: {  	_ =	swait.ge [sflag:s29], $0x1  }
0xb4: {  	[sflag:s29] =	ssyncadd.s32 $0xFFFFFFFF  }
0xb5: {  	_ =	strace $0x9000004B  }
0xb6: {  	_ =	sfence  }
0xb7: {  	s30 =	sld [smem:$0x0];
	_ =	sdelay $0x2  }
0xb8: {  	s31 =	sshll.u32 s1, $0xD;
	s1 =	sshrl.u32 s1, $0x2  }
0xb9: {  	s3 =	sand.u32 $0x4000, s31;
	s1 =	sadd.s32 s1, s30  }
0xba: {  	s0 =	sor.u32 s3, s0;
	s1 =	sshll.u32 s1, $0x11  }
0xbb: {  	s0 =	sor.u32 s1, s0  }
0xbc: {  	s0 =	sadd.s32 $0x8F2B, s0  }
0xbd: {  	[sflag:s0] =	ssyncadd.remote.s32 $0x1  }
0xbe: {  	_ =	sfence.sel $0xFFFF  }
0xbf: {  	[dreg:$0x0] =	wrdreg $0xFFFFFFFF;
	(pc) =	sbr.abs _section_cstart, $3  }
0xc0: {  	[dreg:$0x1] =	wrdreg $0xFFFFFFFF  }
0xc1: {  	_ =	task.clear_ibuf [dreg:s6], $0x2FFFF;
	_ =	strace $0x9FFFFFFF  }
0xc2: {  	(tm) =	ssettm $0x7FFFFFFF  }
0xc3: {  	_ =	shalt  }
tec
execute0_lowered:
.L_overlay_start_1:
0x0: {  	(tag) =	ssettag $0x1  }
0x1: {  	s0 =	srdreg.scid  }
0x2: {  	s7 =	stileid.u32;
	s3 =	rddreg [dreg:$0x0]  }
0x3: {  	s2 =	rddreg [dreg:$0x1];
	s6 =	simm.s32 $0x0;
	s13 =	simm.s32 $0x5  }
0x4: {  	s16 =	simm.s32 $0x5000;
	s17 =	simm.s32 $0x80;
	s14 =	simm.s32 $0x6000  }
0x5: {  	s29 =	simm.s32 $0xB000;
	s31 =	simm.s32 $0xC000;
	s15 =	simm.s32 $0xD000  }
0x6: {  	s28 =	simm.s32 $0x12000;
	s30 =	simm.s32 $0x13000;
	s8 =	simm.s32 $0x0  }
0x7: {  	s0 =	sand.u32 $0x1, s0;
	s1 =	sshll.u32 s7, $0x1;
	s5 =	smul.u32 $0x5000, s7  }
0x8: {  	[smem:$0x7FF] =	sst s6;
	s7 =	smul.u32 $0x14000, s7;
	s6 =	simm.s32 $0x4  }
0x9: {  	s1 =	sor.u32 s0, s1;
	s4 =	smul.u32 $0x50000, s0;
	s0 =	ssub.s32 $0x2, s0  }
0xa: {  	_ =	strace $0x8000004A;
	s1 =	smul.u32 $0x2800, s1;
	s19 =	sshrl.u32 s0, $0x1  }
0xb: {  	s21 =	sshrl.u32 s7, $0x2;
	s12 =	sadd.s32 s5, s2;
	s4 =	sadd.s32 s5, s4  }
0xc: {  	s0 =	ssub.s32 s0, s19;
	s22 =	sadd.s32 s21, s2;
	s19 =	simm.s32 $0xE000  }
0xd: {  	s21 =	simm.s32 $0xF000;
	s5 =	simm.s32 $0x2;
	[dreg:$0x5] =	wrdreg s12  }
0xe: {  	s1 =	sshrl.u32 s1, $0x3;
	s18 =	sshrl.u32 s4, $0x3;
	s23 =	sadd.s32 $0x1000, s22  }
0xf: {  	s4 =	sadd.s32 $0x15E00, s3;
	s24 =	sadd.s32 $0x2000, s22;
	[dreg:$0x6] =	wrdreg s23  }
0x10: {  	s25 =	sadd.s32 $0x3000, s22;
	s0 =	smax.u32 s0, $0x1;
	[dreg:$0x7] =	wrdreg s24  }
0x11: {  	s1 =	sadd.s32 s1, s3;
	s3 =	sadd.s32 s18, s3;
	[dreg:$0x8] =	wrdreg s25  }
0x12: {  	[dreg:$0xb] =	wrdreg s0;
	s24 =	simm.s32 $0x9000;
	s23 =	simm.s32 $0x10000  }
0x13: {  	s25 =	simm.s32 $0x11000;
	s0 =	simm.s32 $0x14000;
	s20 =	sadd.s32 $0xBE00, s1  }
0x14: {  	s1 =	sadd.s32 $0x1E00, s1;
	s26 =	sadd.s32 $0x1FE00, s3;
	[dreg:$0x3] =	wrdreg s20  }
0x15: {  	s3 =	simm.s32 $0x3;
	[dreg:$0x4] =	wrdreg s1;
	s1 =	sadd.s32 $0x4000, s22  }
0x16: {  	[dreg:$0xa] =	wrdreg s26;
	s20 =	simm.s32 $0x7000;
	s22 =	simm.s32 $0x8000  }
0x17: {  	v0 =	vimm.f32 $0.0e+00;
	s26 =	simm.s32 $0xA000;
	[dreg:$0x9] =	wrdreg s1;
	s1 =	simm.s32 $0x1  }
.LBB2_1:
0x18: {  	[dreg:$0xc] =	wrdreg s8  }
0x19: {  	s7 =	simm.s32 $0x0;
	s11 =	rddreg [dreg:$0x3]  }
0x1a: {  	[tilespmem:s7], [sflag:$0x5] =	stream.linear.gather [hbm4b:s11+s7], $0x2800, $0x38;
	[tilespmem:$0x1A000] =	vst v63  }
0x1b: {  	_ =	swait.ge [sflag:s13], $0x2800  }
0x1c: {  	[sflag:s13] =	ssyncset.done $0x0  }
0x1d: {  	s9 =	simm.s32 $0x2800;
	s18 =	rddreg [dreg:$0x4];
	[sflag:s13] =	ssyncadd.s32 $0xFFFFD800  }
0x1e: {  	[tilespmem:s9], [sflag:$0x5] =	stream.linear.gather [hbm4b:s18+s7], $0x2800, $0x38;
	[tilespmem:$0x1A000] =	vst v63  }
0x1f: {  	_ =	swait.ge [sflag:s13], $0x2800  }
0x20: {  	[sflag:s13] =	ssyncset.done $0x0  }
0x21: {  	s10 =	simm.s32 $0x0;
	s9 =	simm.s32 $0x80;
	[sflag:s13] =	ssyncadd.s32 $0xFFFFD800  }
.LBB2_2:
0x22: {  	p0 =	sne.s32 s9, $0x3F80;
	[tilespmem:s10+$0x5000] =	vst v0;
	s11 =	smov.u32 s9;
	s9 =	sadd.s32 $0x80, s9  }
.Ltmp0:
0x23: {  	[tilespmem:s10+$0x5010] =	vst v0;
	(pc) =	sbr.rel @p0 .LBB2_2-.Ltmp0, $2  }
0x24: {  	_ =	sdelay $0x2  }
0x25: {  	s10 =	sshra.s32 s11, $0x2  }
0x26: {  	[tilespmem:s10+$0x5000] =	vst v0  }
0x27: {  	[tilespmem:s10+$0x5010] =	vst v0  }
0x28: {  	[spmem:s12] =	stream.linear.scatter [tilespmem:s16], [sflag:$0x5], $0x1000, $0x38;
	[tilespmem:$0x1A000] =	vst v63  }
0x29: {  	_ =	swait.ge [sflag:s13], $0x1000  }
0x2a: {  	[sflag:s13] =	ssyncset.done $0x0  }
0x2b: {  	s7 =	rddreg [dreg:$0x6];
	[sflag:s13] =	ssyncadd.s32 $0xFFFFF000  }
0x2c: {  	[spmem:s7] =	stream.linear.scatter [tilespmem:s16], [sflag:$0x5], $0x1000, $0x38;
	[tilespmem:$0x1A000] =	vst v63  }
0x2d: {  	_ =	swait.ge [sflag:s13], $0x1000  }
0x2e: {  	[sflag:s13] =	ssyncset.done $0x0  }
0x2f: {  	s10 =	rddreg [dreg:$0x7];
	[sflag:s13] =	ssyncadd.s32 $0xFFFFF000  }
0x30: {  	[spmem:s10] =	stream.linear.scatter [tilespmem:s16], [sflag:$0x5], $0x1000, $0x38;
	[tilespmem:$0x1A000] =	vst v63  }
0x31: {  	_ =	swait.ge [sflag:s13], $0x1000  }
0x32: {  	[sflag:s13] =	ssyncset.done $0x0  }
0x33: {  	s11 =	rddreg [dreg:$0x8];
	[sflag:s13] =	ssyncadd.s32 $0xFFFFF000  }
0x34: {  	[spmem:s11] =	stream.linear.scatter [tilespmem:s16], [sflag:$0x5], $0x1000, $0x38;
	[tilespmem:$0x1A000] =	vst v63  }
0x35: {  	_ =	swait.ge [sflag:s13], $0x1000  }
0x36: {  	[sflag:s13] =	ssyncset.done $0x0  }
0x37: {  	s12 =	rddreg [dreg:$0x9];
	[sflag:s13] =	ssyncadd.s32 $0xFFFFF000  }
0x38: {  	[spmem:s12] =	stream.linear.scatter [tilespmem:s16], [sflag:$0x5], $0x1000, $0x38;
	[tilespmem:$0x1A000] =	vst v63  }
0x39: {  	_ =	swait.ge [sflag:s13], $0x1000  }
0x3a: {  	[sflag:s13] =	ssyncset.done $0x0  }
0x3b: {  	[sflag:s13] =	ssyncadd.s32 $0xFFFFF000  }
0x3c: {  	s9 =	simm.s32 $0x0;
	[bflag:$0x0] =	sbarrier.arrive $0xFFFF  }
0x3d: {  	[tilespmem:s16], [sflag:$0x1] =	stream.indirect.gather [hbm4b:s4+s17], $0x20, s9, s17, $0xb8;
	[tilespmem:$0x1A000] =	vst v63  }
0x3e: {  	_ = 	snop  }
0x3f: {  	[tilespmem:s14], [sflag:$0x1] =	stream.indirect.gather [hbm4b:s4+s17], $0x20, s17, s17, $0xb8;
	[tilespmem:$0x1A000] =	vst v63  }
0x40: {  	s13 =	simm.s32 $0x100  }
0x41: {  	[tilespmem:s20], [sflag:$0x1] =	stream.indirect.gather [hbm4b:s4+s17], $0x20, s13, s17, $0xb8;
	[tilespmem:$0x1A000] =	vst v63  }
0x42: {  	s18 =	simm.s32 $0x180  }
0x43: {  	[tilespmem:s22], [sflag:$0x1] =	stream.indirect.gather [hbm4b:s4+s17], $0x20, s18, s17, $0xb8;
	[tilespmem:$0x1A000] =	vst v63  }
0x44: {  	s8 =	simm.s32 $0x200  }
0x45: {  	[tilespmem:s24], [sflag:$0x1] =	stream.indirect.gather [hbm4b:s4+s17], $0x20, s8, s17, $0xb8;
	[tilespmem:$0x1A000] =	vst v63  }
0x46: {  	s9 =	simm.s32 $0x280  }
0x47: {  	[tilespmem:s26], [sflag:$0x1] =	stream.indirect.gather [hbm4b:s4+s17], $0x20, s9, s17, $0xb8;
	[tilespmem:$0x1A000] =	vst v63  }
0x48: {  	s10 =	simm.s32 $0x300  }
0x49: {  	[tilespmem:s29], [sflag:$0x1] =	stream.indirect.gather [hbm4b:s4+s17], $0x20, s10, s17, $0xb8;
	[tilespmem:$0x1A000] =	vst v63  }
0x4a: {  	s11 =	simm.s32 $0x380  }
0x4b: {  	[tilespmem:s31], [sflag:$0x1] =	stream.indirect.gather [hbm4b:s4+s17], $0x20, s11, s17, $0xb8;
	[tilespmem:$0x1A000] =	vst v63  }
0x4c: {  	_ =	swait.ge [sflag:s1], $0x1000  }
0x4d: {  	[sflag:s1] =	ssyncset.done $0x0  }
0x4e: {  	[sflag:s1] =	ssyncadd.s32 $0xFFFFF000  }
0x4f: {  	_ =	swait.ge [sflag:s1], $0x1000  }
0x50: {  	[sflag:s1] =	ssyncset.done $0x0  }
0x51: {  	[sflag:s1] =	ssyncadd.s32 $0xFFFFF000  }
0x52: {  	_ =	swait.ge [sflag:s1], $0x1000  }
0x53: {  	[sflag:s1] =	ssyncset.done $0x0  }
0x54: {  	[sflag:s1] =	ssyncadd.s32 $0xFFFFF000  }
0x55: {  	_ =	swait.ge [sflag:s1], $0x1000  }
0x56: {  	[sflag:s1] =	ssyncset.done $0x0  }
0x57: {  	[sflag:s1] =	ssyncadd.s32 $0xFFFFF000  }
0x58: {  	_ =	swait.ge [sflag:s1], $0x1000  }
0x59: {  	[sflag:s1] =	ssyncset.done $0x0  }
0x5a: {  	[sflag:s1] =	ssyncadd.s32 $0xFFFFF000  }
0x5b: {  	_ =	swait.ge [sflag:s1], $0x1000  }
0x5c: {  	[sflag:s1] =	ssyncset.done $0x0  }
0x5d: {  	[sflag:s1] =	ssyncadd.s32 $0xFFFFF000  }
0x5e: {  	_ =	swait.ge [sflag:s1], $0x1000  }
0x5f: {  	[sflag:s1] =	ssyncset.done $0x0  }
0x60: {  	[sflag:s1] =	ssyncadd.s32 $0xFFFFF000  }
0x61: {  	_ =	swait.ge [sflag:s1], $0x1000  }
0x62: {  	[sflag:s1] =	ssyncset.done $0x0  }
0x63: {  	s12 =	simm.s32 $0x400;
	[sflag:s1] =	ssyncadd.s32 $0xFFFFF000  }
0x64: {  	[tilespmem:s15], [sflag:$0x2] =	stream.indirect.gather [hbm4b:s4+s17], $0x20, s12, s17, $0xb8;
	[tilespmem:$0x1A000] =	vst v63  }
0x65: {  	s13 =	simm.s32 $0x480  }
0x66: {  	[tilespmem:s19], [sflag:$0x2] =	stream.indirect.gather [hbm4b:s4+s17], $0x20, s13, s17, $0xb8;
	[tilespmem:$0x1A000] =	vst v63  }
0x67: {  	s18 =	simm.s32 $0x500  }
0x68: {  	[tilespmem:s21], [sflag:$0x2] =	stream.indirect.gather [hbm4b:s4+s17], $0x20, s18, s17, $0xb8;
	[tilespmem:$0x1A000] =	vst v63  }
0x69: {  	s7 =	simm.s32 $0x580  }
0x6a: {  	[tilespmem:s23], [sflag:$0x2] =	stream.indirect.gather [hbm4b:s4+s17], $0x20, s7, s17, $0xb8;
	[tilespmem:$0x1A000] =	vst v63  }
0x6b: {  	s8 =	simm.s32 $0x600  }
0x6c: {  	[tilespmem:s25], [sflag:$0x2] =	stream.indirect.gather [hbm4b:s4+s17], $0x20, s8, s17, $0xb8;
	[tilespmem:$0x1A000] =	vst v63  }
0x6d: {  	s10 =	simm.s32 $0x680  }
0x6e: {  	[tilespmem:s28], [sflag:$0x2] =	stream.indirect.gather [hbm4b:s4+s17], $0x20, s10, s17, $0xb8;
	[tilespmem:$0x1A000] =	vst v63  }
0x6f: {  	s11 =	simm.s32 $0x700  }
0x70: {  	[tilespmem:s30], [sflag:$0x2] =	stream.indirect.gather [hbm4b:s4+s17], $0x20, s11, s17, $0xb8;
	[tilespmem:$0x1A000] =	vst v63  }
0x71: {  	s12 =	simm.s32 $0x780  }
0x72: {  	[tilespmem:s0], [sflag:$0x2] =	stream.indirect.gather [hbm4b:s4+s17], $0x20, s12, s17, $0xb8;
	[tilespmem:$0x1A000] =	vst v63  }
0x73: {  	s13 =	simm.s32 $0x2800  }
0x74: {  	[spmem:s2] =	stream.indirect.scatter.add.f32 [tilespmem:s16], [sflag:$0x3], $0x20, s13, s17, $0xb8;
	[tilespmem:$0x1A000] =	vst v63  }
0x75: {  	s18 =	simm.s32 $0x2880  }
0x76: {  	[spmem:s2] =	stream.indirect.scatter.add.f32 [tilespmem:s14], [sflag:$0x3], $0x20, s18, s17, $0xb8;
	[tilespmem:$0x1A000] =	vst v63  }
0x77: {  	s7 =	simm.s32 $0x2900  }
0x78: {  	[spmem:s2] =	stream.indirect.scatter.add.f32 [tilespmem:s20], [sflag:$0x3], $0x20, s7, s17, $0xb8;
	[tilespmem:$0x1A000] =	vst v63  }
0x79: {  	s8 =	simm.s32 $0x2980  }
0x7a: {  	[spmem:s2] =	stream.indirect.scatter.add.f32 [tilespmem:s22], [sflag:$0x3], $0x20, s8, s17, $0xb8;
	[tilespmem:$0x1A000] =	vst v63  }
0x7b: {  	s10 =	simm.s32 $0x2A00  }
0x7c: {  	[spmem:s2] =	stream.indirect.scatter.add.f32 [tilespmem:s24], [sflag:$0x3], $0x20, s10, s17, $0xb8;
	[tilespmem:$0x1A000] =	vst v63  }
0x7d: {  	s11 =	simm.s32 $0x2A80  }
0x7e: {  	[spmem:s2] =	stream.indirect.scatter.add.f32 [tilespmem:s26], [sflag:$0x3], $0x20, s11, s17, $0xb8;
	[tilespmem:$0x1A000] =	vst v63  }
0x7f: {  	s12 =	simm.s32 $0x2B00  }
0x80: {  	[spmem:s2] =	stream.indirect.scatter.add.f32 [tilespmem:s29], [sflag:$0x3], $0x20, s12, s17, $0xb8;
	[tilespmem:$0x1A000] =	vst v63  }
0x81: {  	s13 =	simm.s32 $0x2B80  }
0x82: {  	[spmem:s2] =	stream.indirect.scatter.add.f32 [tilespmem:s31], [sflag:$0x3], $0x20, s13, s17, $0xb8;
	[tilespmem:$0x1A000] =	vst v63  }
0x83: {  	_ =	swait.ge [sflag:s3], $0x1000  }
0x84: {  	[sflag:s3] =	ssyncset.done $0x0  }
0x85: {  	[sflag:s3] =	ssyncadd.s32 $0xFFFFF000  }
0x86: {  	_ =	swait.ge [sflag:s3], $0x1000  }
0x87: {  	[sflag:s3] =	ssyncset.done $0x0  }
0x88: {  	[sflag:s3] =	ssyncadd.s32 $0xFFFFF000  }
0x89: {  	_ =	swait.ge [sflag:s3], $0x1000  }
0x8a: {  	[sflag:s3] =	ssyncset.done $0x0  }
0x8b: {  	[sflag:s3] =	ssyncadd.s32 $0xFFFFF000  }
0x8c: {  	_ =	swait.ge [sflag:s3], $0x1000  }
0x8d: {  	[sflag:s3] =	ssyncset.done $0x0  }
0x8e: {  	[sflag:s3] =	ssyncadd.s32 $0xFFFFF000  }
0x8f: {  	_ =	swait.ge [sflag:s3], $0x1000  }
0x90: {  	[sflag:s3] =	ssyncset.done $0x0  }
0x91: {  	[sflag:s3] =	ssyncadd.s32 $0xFFFFF000  }
0x92: {  	_ =	swait.ge [sflag:s3], $0x1000  }
0x93: {  	[sflag:s3] =	ssyncset.done $0x0  }
0x94: {  	[sflag:s3] =	ssyncadd.s32 $0xFFFFF000  }
0x95: {  	_ =	swait.ge [sflag:s3], $0x1000  }
0x96: {  	[sflag:s3] =	ssyncset.done $0x0  }
0x97: {  	[sflag:s3] =	ssyncadd.s32 $0xFFFFF000  }
0x98: {  	p0 =	por $0x0, $0x0;
	_ =	swait.ge [sflag:s3], $0x1000  }
0x99: {  	s9 =	simm.s32 @!p0 $0x5000;
	[sflag:s3] =	ssyncset.done $0x0  }
0x9a: {  	s10 =	simm.s32 @!p0 $0x800;
	s11 =	simm.s32 @!p0 $0x80;
	[sflag:s3] =	ssyncadd.s32 $0xFFFFF000  }
0x9b: {  	[tilespmem:s9], [sflag:$0x1] =	stream.indirect.gather @!p0 [hbm4b:s4+s11], $0x20, s10, s11, $0xb8;
	[tilespmem:$0x1A000] =	vst v63  }
0x9c: {  	s9 =	simm.s32 @!p0 $0x880;
	s10 =	simm.s32 @!p0 $0x6000  }
0x9d: {  	[tilespmem:s10], [sflag:$0x1] =	stream.indirect.gather @!p0 [hbm4b:s4+s11], $0x20, s9, s11, $0xb8;
	[tilespmem:$0x1A000] =	vst v63  }
0x9e: {  	s9 =	simm.s32 @!p0 $0x900;
	s10 =	simm.s32 @!p0 $0x7000  }
0x9f: {  	[tilespmem:s10], [sflag:$0x1] =	stream.indirect.gather @!p0 [hbm4b:s4+s11], $0x20, s9, s11, $0xb8;
	[tilespmem:$0x1A000] =	vst v63  }
0xa0: {  	s9 =	simm.s32 @!p0 $0x980;
	s10 =	simm.s32 @!p0 $0x8000  }
0xa1: {  	[tilespmem:s10], [sflag:$0x1] =	stream.indirect.gather @!p0 [hbm4b:s4+s11], $0x20, s9, s11, $0xb8;
	[tilespmem:$0x1A000] =	vst v63  }
0xa2: {  	s9 =	simm.s32 @!p0 $0xA00;
	s10 =	simm.s32 @!p0 $0x9000  }
0xa3: {  	[tilespmem:s10], [sflag:$0x1] =	stream.indirect.gather @!p0 [hbm4b:s4+s11], $0x20, s9, s11, $0xb8;
	[tilespmem:$0x1A000] =	vst v63  }
0xa4: {  	s9 =	simm.s32 @!p0 $0xA80;
	s10 =	simm.s32 @!p0 $0xA000  }
0xa5: {  	[tilespmem:s10], [sflag:$0x1] =	stream.indirect.gather @!p0 [hbm4b:s4+s11], $0x20, s9, s11, $0xb8;
	[tilespmem:$0x1A000] =	vst v63  }
0xa6: {  	s9 =	simm.s32 @!p0 $0xB00;
	s10 =	simm.s32 @!p0 $0xB000  }
0xa7: {  	[tilespmem:s10], [sflag:$0x1] =	stream.indirect.gather @!p0 [hbm4b:s4+s11], $0x20, s9, s11, $0xb8;
	[tilespmem:$0x1A000] =	vst v63  }
0xa8: {  	s9 =	simm.s32 @!p0 $0xB80;
	s10 =	simm.s32 @!p0 $0xC000  }
0xa9: {  	[tilespmem:s10], [sflag:$0x1] =	stream.indirect.gather @!p0 [hbm4b:s4+s11], $0x20, s9, s11, $0xb8;
	[tilespmem:$0x1A000] =	vst v63  }
0xaa: {  	_ =	swait.ge [sflag:s5], $0x1000  }
0xab: {  	[sflag:s5] =	ssyncset.done $0x0  }
0xac: {  	[sflag:s5] =	ssyncadd.s32 $0xFFFFF000  }
0xad: {  	_ =	swait.ge [sflag:s5], $0x1000  }
0xae: {  	[sflag:s5] =	ssyncset.done $0x0  }
0xaf: {  	[sflag:s5] =	ssyncadd.s32 $0xFFFFF000  }
0xb0: {  	_ =	swait.ge [sflag:s5], $0x1000  }
0xb1: {  	[sflag:s5] =	ssyncset.done $0x0  }
0xb2: {  	[sflag:s5] =	ssyncadd.s32 $0xFFFFF000  }
0xb3: {  	_ =	swait.ge [sflag:s5], $0x1000  }
0xb4: {  	[sflag:s5] =	ssyncset.done $0x0  }
0xb5: {  	[sflag:s5] =	ssyncadd.s32 $0xFFFFF000  }
0xb6: {  	_ =	swait.ge [sflag:s5], $0x1000  }
0xb7: {  	[sflag:s5] =	ssyncset.done $0x0  }
0xb8: {  	[sflag:s5] =	ssyncadd.s32 $0xFFFFF000  }
0xb9: {  	_ =	swait.ge [sflag:s5], $0x1000  }
0xba: {  	[sflag:s5] =	ssyncset.done $0x0  }
0xbb: {  	[sflag:s5] =	ssyncadd.s32 $0xFFFFF000  }
0xbc: {  	_ =	swait.ge [sflag:s5], $0x1000  }
0xbd: {  	[sflag:s5] =	ssyncset.done $0x0  }
0xbe: {  	[sflag:s5] =	ssyncadd.s32 $0xFFFFF000  }
0xbf: {  	_ =	swait.ge [sflag:s5], $0x1000  }
0xc0: {  	[sflag:s5] =	ssyncset.done $0x0  }
0xc1: {  	s18 =	simm.s32 $0x2C00;
	[sflag:s5] =	ssyncadd.s32 $0xFFFFF000  }
0xc2: {  	[spmem:s2] =	stream.indirect.scatter.add.f32 [tilespmem:s15], [sflag:$0x4], $0x20, s18, s17, $0xb8;
	[tilespmem:$0x1A000] =	vst v63  }
0xc3: {  	s7 =	simm.s32 $0x2C80  }
0xc4: {  	[spmem:s2] =	stream.indirect.scatter.add.f32 [tilespmem:s19], [sflag:$0x4], $0x20, s7, s17, $0xb8;
	[tilespmem:$0x1A000] =	vst v63  }
0xc5: {  	s8 =	simm.s32 $0x2D00  }
0xc6: {  	[spmem:s2] =	stream.indirect.scatter.add.f32 [tilespmem:s21], [sflag:$0x4], $0x20, s8, s17, $0xb8;
	[tilespmem:$0x1A000] =	vst v63  }
0xc7: {  	s10 =	simm.s32 $0x2D80  }
0xc8: {  	[spmem:s2] =	stream.indirect.scatter.add.f32 [tilespmem:s23], [sflag:$0x4], $0x20, s10, s17, $0xb8;
	[tilespmem:$0x1A000] =	vst v63  }
0xc9: {  	s11 =	simm.s32 $0x2E00  }
0xca: {  	[spmem:s2] =	stream.indirect.scatter.add.f32 [tilespmem:s25], [sflag:$0x4], $0x20, s11, s17, $0xb8;
	[tilespmem:$0x1A000] =	vst v63  }
0xcb: {  	s12 =	simm.s32 $0x2E80  }
0xcc: {  	[spmem:s2] =	stream.indirect.scatter.add.f32 [tilespmem:s28], [sflag:$0x4], $0x20, s12, s17, $0xb8;
	[tilespmem:$0x1A000] =	vst v63  }
0xcd: {  	s13 =	simm.s32 $0x2F00  }
0xce: {  	[spmem:s2] =	stream.indirect.scatter.add.f32 [tilespmem:s30], [sflag:$0x4], $0x20, s13, s17, $0xb8;
	[tilespmem:$0x1A000] =	vst v63  }
0xcf: {  	s18 =	simm.s32 $0x2F80  }
0xd0: {  	[spmem:s2] =	stream.indirect.scatter.add.f32 [tilespmem:s0], [sflag:$0x4], $0x20, s18, s17, $0xb8;
	[tilespmem:$0x1A000] =	vst v63  }
0xd1: {  	_ =	swait.ge [sflag:s6], $0x1000  }
0xd2: {  	[sflag:s6] =	ssyncset.done $0x0  }
0xd3: {  	[sflag:s6] =	ssyncadd.s32 $0xFFFFF000  }
0xd4: {  	_ =	swait.ge [sflag:s6], $0x1000  }
0xd5: {  	[sflag:s6] =	ssyncset.done $0x0  }
0xd6: {  	[sflag:s6] =	ssyncadd.s32 $0xFFFFF000  }
0xd7: {  	_ =	swait.ge [sflag:s6], $0x1000  }
0xd8: {  	[sflag:s6] =	ssyncset.done $0x0  }
0xd9: {  	[sflag:s6] =	ssyncadd.s32 $0xFFFFF000  }
0xda: {  	_ =	swait.ge [sflag:s6], $0x1000  }
0xdb: {  	[sflag:s6] =	ssyncset.done $0x0  }
0xdc: {  	[sflag:s6] =	ssyncadd.s32 $0xFFFFF000  }
0xdd: {  	_ =	swait.ge [sflag:s6], $0x1000  }
0xde: {  	[sflag:s6] =	ssyncset.done $0x0  }
0xdf: {  	[sflag:s6] =	ssyncadd.s32 $0xFFFFF000  }
0xe0: {  	_ =	swait.ge [sflag:s6], $0x1000  }
0xe1: {  	[sflag:s6] =	ssyncset.done $0x0  }
0xe2: {  	[sflag:s6] =	ssyncadd.s32 $0xFFFFF000  }
0xe3: {  	_ =	swait.ge [sflag:s6], $0x1000  }
0xe4: {  	[sflag:s6] =	ssyncset.done $0x0  }
0xe5: {  	[sflag:s6] =	ssyncadd.s32 $0xFFFFF000  }
0xe6: {  	_ =	swait.ge [sflag:s6], $0x1000  }
0xe7: {  	s9 =	simm.s32 $0x2000;
	[sflag:s6] =	ssyncset.done $0x0  }
.LBB2_4:
0xe8: {  	[sflag:s6] =	ssyncadd.s32 $0xFFFFF000;
	s11 =	smov.u32 s9;
	s9 =	sadd.s32 $0x2000, s9  }
0xe9: {  	_ =	swait.ge [sflag:s1], $0x1000;
	p0 =	sne.s32 s9, $0xA000  }
0xea: {  	[sflag:s1] =	ssyncset.done $0x0  }
0xeb: {  	[sflag:s1] =	ssyncadd.s32 $0xFFFFF000  }
0xec: {  	_ =	swait.ge [sflag:s1], $0x1000  }
0xed: {  	[sflag:s1] =	ssyncset.done $0x0  }
0xee: {  	[sflag:s1] =	ssyncadd.s32 $0xFFFFF000  }
0xef: {  	_ =	swait.ge [sflag:s1], $0x1000  }
0xf0: {  	[sflag:s1] =	ssyncset.done $0x0  }
0xf1: {  	[sflag:s1] =	ssyncadd.s32 $0xFFFFF000  }
0xf2: {  	_ =	swait.ge [sflag:s1], $0x1000  }
0xf3: {  	[sflag:s1] =	ssyncset.done $0x0  }
0xf4: {  	[sflag:s1] =	ssyncadd.s32 $0xFFFFF000  }
0xf5: {  	_ =	swait.ge [sflag:s1], $0x1000  }
0xf6: {  	[sflag:s1] =	ssyncset.done $0x0  }
0xf7: {  	[sflag:s1] =	ssyncadd.s32 $0xFFFFF000  }
0xf8: {  	_ =	swait.ge [sflag:s1], $0x1000  }
0xf9: {  	[sflag:s1] =	ssyncset.done $0x0  }
0xfa: {  	[sflag:s1] =	ssyncadd.s32 $0xFFFFF000  }
0xfb: {  	_ =	swait.ge [sflag:s1], $0x1000  }
0xfc: {  	[sflag:s1] =	ssyncset.done $0x0  }
0xfd: {  	[sflag:s1] =	ssyncadd.s32 $0xFFFFF000  }
0xfe: {  	_ =	swait.ge [sflag:s1], $0x1000  }
0xff: {  	s10 =	sshra.s32 s11, $0x2;
	[sflag:s1] =	ssyncset.done $0x0  }
0x100: {  	s12 =	sadd.s32 $0x400, s10;
	[sflag:s1] =	ssyncadd.s32 $0xFFFFF000  }
0x101: {  	[tilespmem:s15], [sflag:$0x2] =	stream.indirect.gather [hbm4b:s4+s17], $0x20, s12, s17, $0xb8;
	[tilespmem:$0x1A000] =	vst v63  }
0x102: {  	s12 =	sadd.s32 $0x480, s10  }
0x103: {  	[tilespmem:s19], [sflag:$0x2] =	stream.indirect.gather [hbm4b:s4+s17], $0x20, s12, s17, $0xb8;
	[tilespmem:$0x1A000] =	vst v63  }
0x104: {  	s12 =	sadd.s32 $0x500, s10  }
0x105: {  	[tilespmem:s21], [sflag:$0x2] =	stream.indirect.gather [hbm4b:s4+s17], $0x20, s12, s17, $0xb8;
	[tilespmem:$0x1A000] =	vst v63  }
0x106: {  	s12 =	sadd.s32 $0x580, s10  }
0x107: {  	[tilespmem:s23], [sflag:$0x2] =	stream.indirect.gather [hbm4b:s4+s17], $0x20, s12, s17, $0xb8;
	[tilespmem:$0x1A000] =	vst v63  }
0x108: {  	s12 =	sadd.s32 $0x600, s10  }
0x109: {  	[tilespmem:s25], [sflag:$0x2] =	stream.indirect.gather [hbm4b:s4+s17], $0x20, s12, s17, $0xb8;
	[tilespmem:$0x1A000] =	vst v63  }
0x10a: {  	s12 =	sadd.s32 $0x680, s10  }
0x10b: {  	[tilespmem:s28], [sflag:$0x2] =	stream.indirect.gather [hbm4b:s4+s17], $0x20, s12, s17, $0xb8;
	[tilespmem:$0x1A000] =	vst v63  }
0x10c: {  	s12 =	sadd.s32 $0x700, s10  }
0x10d: {  	[tilespmem:s30], [sflag:$0x2] =	stream.indirect.gather [hbm4b:s4+s17], $0x20, s12, s17, $0xb8;
	[tilespmem:$0x1A000] =	vst v63  }
0x10e: {  	s12 =	sadd.s32 $0x780, s10  }
0x10f: {  	[tilespmem:s0], [sflag:$0x2] =	stream.indirect.gather [hbm4b:s4+s17], $0x20, s12, s17, $0xb8;
	[tilespmem:$0x1A000] =	vst v63  }
0x110: {  	s12 =	sadd.s32 $0x2800, s10  }
0x111: {  	[spmem:s2] =	stream.indirect.scatter.add.f32 [tilespmem:s16], [sflag:$0x3], $0x20, s12, s17, $0xb8;
	[tilespmem:$0x1A000] =	vst v63  }
0x112: {  	s12 =	sadd.s32 $0x2880, s10  }
0x113: {  	[spmem:s2] =	stream.indirect.scatter.add.f32 [tilespmem:s14], [sflag:$0x3], $0x20, s12, s17, $0xb8;
	[tilespmem:$0x1A000] =	vst v63  }
0x114: {  	s12 =	sadd.s32 $0x2900, s10  }
0x115: {  	[spmem:s2] =	stream.indirect.scatter.add.f32 [tilespmem:s20], [sflag:$0x3], $0x20, s12, s17, $0xb8;
	[tilespmem:$0x1A000] =	vst v63  }
0x116: {  	s12 =	sadd.s32 $0x2980, s10  }
0x117: {  	[spmem:s2] =	stream.indirect.scatter.add.f32 [tilespmem:s22], [sflag:$0x3], $0x20, s12, s17, $0xb8;
	[tilespmem:$0x1A000] =	vst v63  }
0x118: {  	s12 =	sadd.s32 $0x2A00, s10  }
0x119: {  	[spmem:s2] =	stream.indirect.scatter.add.f32 [tilespmem:s24], [sflag:$0x3], $0x20, s12, s17, $0xb8;
	[tilespmem:$0x1A000] =	vst v63  }
0x11a: {  	s12 =	sadd.s32 $0x2A80, s10  }
0x11b: {  	[spmem:s2] =	stream.indirect.scatter.add.f32 [tilespmem:s26], [sflag:$0x3], $0x20, s12, s17, $0xb8;
	[tilespmem:$0x1A000] =	vst v63  }
0x11c: {  	s12 =	sadd.s32 $0x2B00, s10  }
0x11d: {  	[spmem:s2] =	stream.indirect.scatter.add.f32 [tilespmem:s29], [sflag:$0x3], $0x20, s12, s17, $0xb8;
	[tilespmem:$0x1A000] =	vst v63  }
0x11e: {  	s12 =	sadd.s32 $0x2B80, s10  }
0x11f: {  	[spmem:s2] =	stream.indirect.scatter.add.f32 [tilespmem:s31], [sflag:$0x3], $0x20, s12, s17, $0xb8;
	[tilespmem:$0x1A000] =	vst v63  }
0x120: {  	_ =	swait.ge [sflag:s3], $0x1000  }
0x121: {  	[sflag:s3] =	ssyncset.done $0x0  }
0x122: {  	[sflag:s3] =	ssyncadd.s32 $0xFFFFF000  }
0x123: {  	_ =	swait.ge [sflag:s3], $0x1000  }
0x124: {  	[sflag:s3] =	ssyncset.done $0x0  }
0x125: {  	[sflag:s3] =	ssyncadd.s32 $0xFFFFF000  }
0x126: {  	_ =	swait.ge [sflag:s3], $0x1000  }
0x127: {  	[sflag:s3] =	ssyncset.done $0x0  }
0x128: {  	[sflag:s3] =	ssyncadd.s32 $0xFFFFF000  }
0x129: {  	_ =	swait.ge [sflag:s3], $0x1000  }
0x12a: {  	[sflag:s3] =	ssyncset.done $0x0  }
0x12b: {  	[sflag:s3] =	ssyncadd.s32 $0xFFFFF000  }
0x12c: {  	_ =	swait.ge [sflag:s3], $0x1000  }
0x12d: {  	[sflag:s3] =	ssyncset.done $0x0  }
0x12e: {  	[sflag:s3] =	ssyncadd.s32 $0xFFFFF000  }
0x12f: {  	_ =	swait.ge [sflag:s3], $0x1000  }
0x130: {  	[sflag:s3] =	ssyncset.done $0x0  }
0x131: {  	[sflag:s3] =	ssyncadd.s32 $0xFFFFF000  }
0x132: {  	_ =	swait.ge [sflag:s3], $0x1000  }
0x133: {  	[sflag:s3] =	ssyncset.done $0x0  }
0x134: {  	[sflag:s3] =	ssyncadd.s32 $0xFFFFF000  }
0x135: {  	p1 =	seq.s32 s11, $0x8000;
	_ =	swait.ge [sflag:s3], $0x1000  }
0x136: {  	s11 =	sshra.s32 @!p1 s11, $0x2;
	s12 =	simm.s32 @!p1 $0x5000;
	[sflag:s3] =	ssyncset.done $0x0  }
0x137: {  	s7 =	simm.s32 @!p1 $0x80;
	s13 =	sadd.s32 @!p1 $0x800, s11;
	[sflag:s3] =	ssyncadd.s32 $0xFFFFF000  }
0x138: {  	[tilespmem:s12], [sflag:$0x1] =	stream.indirect.gather @!p1 [hbm4b:s4+s7], $0x20, s13, s7, $0xb8;
	[tilespmem:$0x1A000] =	vst v63  }
0x139: {  	s8 =	sadd.s32 @!p1 $0x900, s11;
	s12 =	sadd.s32 @!p1 $0x880, s11;
	s13 =	simm.s32 @!p1 $0x6000  }
0x13a: {  	[tilespmem:s13], [sflag:$0x1] =	stream.indirect.gather @!p1 [hbm4b:s4+s7], $0x20, s12, s7, $0xb8;
	[tilespmem:$0x1A000] =	vst v63  }
0x13b: {  	s14 =	sadd.s32 @!p1 $0xA00, s11;
	s12 =	simm.s32 @!p1 $0x7000;
	s13 =	sadd.s32 @!p1 $0x980, s11  }
0x13c: {  	[tilespmem:s12], [sflag:$0x1] =	stream.indirect.gather @!p1 [hbm4b:s4+s7], $0x20, s8, s7, $0xb8;
	[tilespmem:$0x1A000] =	vst v63  }
0x13d: {  	s18 =	sadd.s32 @!p1 $0xB00, s11;
	s8 =	simm.s32 @!p1 $0x8000;
	s12 =	sadd.s32 @!p1 $0xA80, s11  }
0x13e: {  	[tilespmem:s8], [sflag:$0x1] =	stream.indirect.gather @!p1 [hbm4b:s4+s7], $0x20, s13, s7, $0xb8;
	[tilespmem:$0x1A000] =	vst v63  }
0x13f: {  	s11 =	sadd.s32 @!p1 $0xB80, s11;
	s8 =	simm.s32 @!p1 $0x9000  }
0x140: {  	[tilespmem:s8], [sflag:$0x1] =	stream.indirect.gather @!p1 [hbm4b:s4+s7], $0x20, s14, s7, $0xb8;
	[tilespmem:$0x1A000] =	vst v63  }
0x141: {  	s14 =	simm.s32 $0x6000  }
0x142: {  	s8 =	simm.s32 @!p1 $0xA000  }
0x143: {  	[tilespmem:s8], [sflag:$0x1] =	stream.indirect.gather @!p1 [hbm4b:s4+s7], $0x20, s12, s7, $0xb8;
	[tilespmem:$0x1A000] =	vst v63  }
0x144: {  	s8 =	simm.s32 @!p1 $0xB000  }
0x145: {  	[tilespmem:s8], [sflag:$0x1] =	stream.indirect.gather @!p1 [hbm4b:s4+s7], $0x20, s18, s7, $0xb8;
	[tilespmem:$0x1A000] =	vst v63  }
0x146: {  	s8 =	simm.s32 @!p1 $0xC000  }
0x147: {  	[tilespmem:s8], [sflag:$0x1] =	stream.indirect.gather @!p1 [hbm4b:s4+s7], $0x20, s11, s7, $0xb8;
	[tilespmem:$0x1A000] =	vst v63  }
0x148: {  	_ =	swait.ge [sflag:s5], $0x1000  }
0x149: {  	[sflag:s5] =	ssyncset.done $0x0  }
0x14a: {  	[sflag:s5] =	ssyncadd.s32 $0xFFFFF000  }
0x14b: {  	_ =	swait.ge [sflag:s5], $0x1000  }
0x14c: {  	[sflag:s5] =	ssyncset.done $0x0  }
0x14d: {  	[sflag:s5] =	ssyncadd.s32 $0xFFFFF000  }
0x14e: {  	_ =	swait.ge [sflag:s5], $0x1000  }
0x14f: {  	[sflag:s5] =	ssyncset.done $0x0  }
0x150: {  	[sflag:s5] =	ssyncadd.s32 $0xFFFFF000  }
0x151: {  	_ =	swait.ge [sflag:s5], $0x1000  }
0x152: {  	[sflag:s5] =	ssyncset.done $0x0  }
0x153: {  	[sflag:s5] =	ssyncadd.s32 $0xFFFFF000  }
0x154: {  	_ =	swait.ge [sflag:s5], $0x1000  }
0x155: {  	[sflag:s5] =	ssyncset.done $0x0  }
0x156: {  	[sflag:s5] =	ssyncadd.s32 $0xFFFFF000  }
0x157: {  	_ =	swait.ge [sflag:s5], $0x1000  }
0x158: {  	[sflag:s5] =	ssyncset.done $0x0  }
0x159: {  	[sflag:s5] =	ssyncadd.s32 $0xFFFFF000  }
0x15a: {  	_ =	swait.ge [sflag:s5], $0x1000  }
0x15b: {  	[sflag:s5] =	ssyncset.done $0x0  }
0x15c: {  	[sflag:s5] =	ssyncadd.s32 $0xFFFFF000  }
0x15d: {  	_ =	swait.ge [sflag:s5], $0x1000  }
0x15e: {  	[sflag:s5] =	ssyncset.done $0x0  }
0x15f: {  	s7 =	sadd.s32 $0x2C00, s10;
	[sflag:s5] =	ssyncadd.s32 $0xFFFFF000  }
0x160: {  	[spmem:s2] =	stream.indirect.scatter.add.f32 [tilespmem:s15], [sflag:$0x4], $0x20, s7, s17, $0xb8;
	[tilespmem:$0x1A000] =	vst v63  }
0x161: {  	s7 =	sadd.s32 $0x2C80, s10  }
0x162: {  	[spmem:s2] =	stream.indirect.scatter.add.f32 [tilespmem:s19], [sflag:$0x4], $0x20, s7, s17, $0xb8;
	[tilespmem:$0x1A000] =	vst v63  }
0x163: {  	s7 =	sadd.s32 $0x2D00, s10  }
0x164: {  	[spmem:s2] =	stream.indirect.scatter.add.f32 [tilespmem:s21], [sflag:$0x4], $0x20, s7, s17, $0xb8;
	[tilespmem:$0x1A000] =	vst v63  }
0x165: {  	s7 =	sadd.s32 $0x2D80, s10  }
0x166: {  	[spmem:s2] =	stream.indirect.scatter.add.f32 [tilespmem:s23], [sflag:$0x4], $0x20, s7, s17, $0xb8;
	[tilespmem:$0x1A000] =	vst v63  }
0x167: {  	s7 =	sadd.s32 $0x2E00, s10  }
0x168: {  	[spmem:s2] =	stream.indirect.scatter.add.f32 [tilespmem:s25], [sflag:$0x4], $0x20, s7, s17, $0xb8;
	[tilespmem:$0x1A000] =	vst v63  }
0x169: {  	s7 =	sadd.s32 $0x2E80, s10  }
0x16a: {  	[spmem:s2] =	stream.indirect.scatter.add.f32 [tilespmem:s28], [sflag:$0x4], $0x20, s7, s17, $0xb8;
	[tilespmem:$0x1A000] =	vst v63  }
0x16b: {  	s7 =	sadd.s32 $0x2F00, s10  }
0x16c: {  	[spmem:s2] =	stream.indirect.scatter.add.f32 [tilespmem:s30], [sflag:$0x4], $0x20, s7, s17, $0xb8;
	[tilespmem:$0x1A000] =	vst v63  }
0x16d: {  	s7 =	sadd.s32 $0x2F80, s10  }
0x16e: {  	[spmem:s2] =	stream.indirect.scatter.add.f32 [tilespmem:s0], [sflag:$0x4], $0x20, s7, s17, $0xb8;
	[tilespmem:$0x1A000] =	vst v63  }
0x16f: {  	_ =	swait.ge [sflag:s6], $0x1000  }
0x170: {  	[sflag:s6] =	ssyncset.done $0x0  }
0x171: {  	[sflag:s6] =	ssyncadd.s32 $0xFFFFF000  }
0x172: {  	_ =	swait.ge [sflag:s6], $0x1000  }
0x173: {  	[sflag:s6] =	ssyncset.done $0x0  }
0x174: {  	[sflag:s6] =	ssyncadd.s32 $0xFFFFF000  }
0x175: {  	_ =	swait.ge [sflag:s6], $0x1000  }
0x176: {  	[sflag:s6] =	ssyncset.done $0x0  }
0x177: {  	[sflag:s6] =	ssyncadd.s32 $0xFFFFF000  }
0x178: {  	_ =	swait.ge [sflag:s6], $0x1000  }
0x179: {  	[sflag:s6] =	ssyncset.done $0x0  }
0x17a: {  	[sflag:s6] =	ssyncadd.s32 $0xFFFFF000  }
0x17b: {  	_ =	swait.ge [sflag:s6], $0x1000  }
0x17c: {  	[sflag:s6] =	ssyncset.done $0x0  }
0x17d: {  	[sflag:s6] =	ssyncadd.s32 $0xFFFFF000  }
0x17e: {  	_ =	swait.ge [sflag:s6], $0x1000  }
0x17f: {  	[sflag:s6] =	ssyncset.done $0x0  }
0x180: {  	[sflag:s6] =	ssyncadd.s32 $0xFFFFF000  }
.Ltmp1:
0x181: {  	_ =	swait.ge [sflag:s6], $0x1000;
	(pc) =	sbr.rel @p0 .LBB2_4-.Ltmp1, $4  }
0x182: {  	[sflag:s6] =	ssyncset.done $0x0  }
0x183: {  	[sflag:s6] =	ssyncadd.s32 $0xFFFFF000  }
0x184: {  	_ =	swait.ge [sflag:s6], $0x1000  }
0x185: {  	[sflag:s6] =	ssyncset.done $0x0  }
0x186: {  	[sflag:s6] =	ssyncadd.s32 $0xFFFFF000  }
0x187: {  	s7 =	stileid.u32;
	[bflag:$0x0] =	sbarrier.arrive $0xFFFF  }
0x188: {  	s13 =	simm.s32 $0x5;
	s7 =	sshll.u32 s7, $0x6;
	s12 =	rddreg [dreg:$0x5]  }
0x189: {  	s7 =	sor.u32 $0x1C05, s7;
	s9 =	rddreg [dreg:$0xa];
	s8 =	sshrl.u32 s12, $0x3  }
0x18a: {  	[hbm:s9], [sflag:s7] =	dma.local [spmem:s8], $0xA00  }
0x18b: {  	_ =	swait.ge [sflag:s13], $0xA00  }
0x18c: {  	s11 =	rddreg [dreg:$0xc]  }
0x18d: {  	s18 =	rddreg [dreg:$0xb];
	s8 =	sadd.s32 $0x1, s11  }
0x18e: {  	p0 =	sne.s32 s8, s18  }
.Ltmp2:
0x18f: {  	_ = 	snop;
	(pc) =	sbr.rel @p0 .LBB2_1-.Ltmp2, $3  }
0x190: {  	_ =	sdelay $0x1  }
0x191: {  	[sflag:s13] =	ssyncset.done $0x0  }
0x192: {  	[sflag:s13] =	ssyncadd.s32 $0xFFFFF600  }
0x193: {  	_ =	sfence.sel $0x180000  }
0x194: {  	[bflag:$0x0] =	sbarrier.arrive $0xFFFF  }
0x195: {  	_ =	strace $0x9000004A  }
0x196: {  	s0 =	stileid.u32;
	[bflag:$0x2] =	sbarrier.arrive $0xFFFF  }
0x197: {  	p0 =	sne.s32 s0, $0x0;
	s0 =	rddreg [dreg:$0x2]  }
0x198: {  	s0 =	sadd.s32 @!p0 $0x100000, s0  }
0x199: {  	[sflag:s0] =	ssyncadd.tile.s32 @!p0 $0x1;
	_ =	shalt  }
.Lfunc_end2:
_tile_overlayer_lowered:
.L_overlay_start_2:
0x19a: {  	(tag) =	ssettag $0x2  }
0x19b: {  	s0 =	rddreg [dreg:$0x0];
	s2 =	stileid.u32  }
0x19c: {  	s1 =	rddreg [dreg:$0x1];
	p0 =	sne.s32 s2, $0x0  }
0x19d: {  	s3 =	rddreg [dreg:$0x2];
	[bflag:$0x3] =	sbarrier.arrive $0xFFFF;
	s2 =	simm.s32 @!p0 $0x1C05  }
0x19e: {  	[timem:s3], [sflag:s2] =	dma.local @!p0 [hbm:s0], s1  }
0x19f: {  	s0 =	simm.s32 @!p0 $0x5  }
0x1a0: {  	_ =	swait.ge @!p0 [sflag:s0], s1  }
0x1a1: {  	s1 =	ssub.s32 @!p0 $0x0, s1;
	[sflag:s0] =	ssyncset.done @!p0 $0x0  }
0x1a2: {  	[sflag:s0] =	ssyncadd.s32 @!p0 s1  }
0x1a3: {  	[bflag:$0x3] =	sbarrier.arrive $0xFFFF  }
0x1a4: {  	_ =	shalt  }

// kernel: kernel.15.cloned.1.call-start
scs
__scs_entry_jumppad:
0x0: {  	(pc) =	sbr.rel $0x88, $3  }
0x1: {  	(tag) =	ssettag $0x0;
	lr =	simm.s32 $0x1  }
0x2: {  	[smem:$0x3F9B] =	sst lr;
	_ =	strace $0xD0000000  }
0x3: {  	_ = 	snop  }
0x4: {  	_ = 	snop  }
0x5: {  	_ = 	snop  }
0x6: {  	_ = 	snop  }
0x7: {  	_ = 	snop  }
__scs_overlays_trampoline_lowered:
0x8: {  	[smem:$0x3FAA] =	sst s0  }
0x9: {  	[smem:$0x3FAB] =	sst s1  }
0xa: {  	[smem:$0x3FAC] =	sst s2  }
0xb: {  	[smem:$0x3FAD] =	sst s3  }
0xc: {  	[smem:$0x3FAE] =	sst s4  }
0xd: {  	[smem:$0x3FAF] =	sst s5  }
0xe: {  	[smem:$0x3FB0] =	sst s6  }
0xf: {  	[smem:$0x3FB1] =	sst s7  }
0x10: {  	[smem:$0x3FB2] =	sst s8  }
0x11: {  	[smem:$0x3FB3] =	sst s9;
	s0 =	simm.s32 @!p0 $0x0  }
0x12: {  	s1 =	sld [smem:$0x3F99];
	s0 =	simm.s32 @p0 $0x1  }
0x13: {  	[smem:$0x3FB4] =	sst s0;
	s0 =	simm.s32 @!p1 $0x0  }
0x14: {  	s2 =	sld [smem:$0x3F98];
	s0 =	simm.s32 @p1 $0x1  }
0x15: {  	[smem:$0x3FB5] =	sst s0;
	s0 =	simm.s32 @!p2 $0x0  }
0x16: {  	s3 =	sld [smem:$0x3FDB];
	s0 =	simm.s32 @p2 $0x1  }
0x17: {  	s4 =	simm.s32 $0x1BF5;
	[smem:$0x3FB7] =	sst s0  }
0x18: {  	s0 =	sld [smem:$0x3F9A];
	_ =	swait.ge [sflag:s4], $0x0  }
0x19: {  	s7 =	sld [smem:$0x3F9B]  }
0x1a: {  	s8 =	sadd.s32 $0xFFFFE003, lr  }
0x1b: {  	s9 =	sadd.s32 $0xFFFFFEF7, lr;
	s5 =	simm.s32 $0xFFFFFFFF;
	p2 =	slt.u32 s8, $0xFFFFF086  }
0x1c: {  	p1 =	slt.u32 s9, $0xF7A;
	s5 =	simm.s32 @!p2 $0x0  }
0x1d: {  	s5 =	simm.s32 @p1 $0x1;
	p0 =	seq.s32 s7, s2  }
0x1e: {  	s7 =	smul.u32 @!p0 $0xF7A, s2;
	p2 =	seq.s32 @!p0 s5, $0x0  }
0x1f: {  	s9 =	smul.u32 $0xF7A, s1;
	s8 =	simm.s32 @!p0 $0x1BF5;
	p2 =	por !p2, p0  }
0x20: {  	[sflag:s8] =	ssyncset.s32 @!p0 $0xFFFFF086;
	s6 =	sadd.s32 @!p0 s3, s7;
	s7 =	simm.s32 @!p0 $0x108  }
0x21: {  	s3 =	sadd.s32 s3, s9;
	s6 =	sadd.s32 @!p0 $0x88, s6;
	s7 =	simm.s32 @p2 $0x1082  }
0x22: {  	[simem:s7], [sflag:s8] =	dma.local @!p0 [hbm:s6], $0xF7A  }
0x23: {  	s9 =	sor.u32 $0xD0000000, s2;
	s6 =	simm.s32 $0x108;
	_ =	swait.ge @!p0 [sflag:s8], $0x0  }
0x24: {  	s3 =	sadd.s32 $0x88, s3;
	s6 =	simm.s32 @!p1 $0x1082;
	[sflag:s4] =	ssyncset.s32 $0xFFFFF086  }
0x25: {  	[simem:s6], [sflag:s4] =	dma.local [hbm:s3], $0xF7A  }
0x26: {  	[smem:$0x3F9B] =	sst s1;
	(tag) =	ssettag s2;
	_ =	strace s9  }
0x27: {  	s1 =	sld [smem:$0x3FAB]  }
0x28: {  	s2 =	sld [smem:$0x3FAC]  }
0x29: {  	s4 =	sld [smem:$0x3FAE]  }
0x2a: {  	p0 =	seq.s32 s5, $0x0;
	s5 =	sld [smem:$0x3FAF]  }
0x2b: {  	s6 =	sld [smem:$0x3FB0]  }
0x2c: {  	s7 =	sld [smem:$0x3FB1]  }
0x2d: {  	s3 =	simm.s32 $0x108;
	s8 =	sld [smem:$0x3FB2]  }
0x2e: {  	s3 =	simm.s32 @!p0 $0x1082;
	s9 =	sld [smem:$0x3FB3]  }
0x2f: {  	lr =	sadd.s32 s0, s3;
	s0 =	sld [smem:$0x3FAA]  }
0x30: {  	s3 =	sld [smem:$0x3FAD]  }
0x31: {  	[smem:$0x3FB6] =	sst s10  }
0x32: {  	s10 =	sld [smem:$0x3FB4];
	_ =	sdelay $0x3  }
0x33: {  	p0 =	seq.s32 s10, $0x1;
	s10 =	sld [smem:$0x3FB6];
	_ =	sdelay $0x3  }
0x34: {  	[smem:$0x3FB6] =	sst s10  }
0x35: {  	s10 =	sld [smem:$0x3FB5];
	_ =	sdelay $0x3  }
0x36: {  	p1 =	seq.s32 s10, $0x1;
	s10 =	sld [smem:$0x3FB6];
	_ =	sdelay $0x3  }
0x37: {  	[smem:$0x3FB6] =	sst s10  }
0x38: {  	s10 =	sld [smem:$0x3FB7]  }
0x39: {  	_ = 	snop;
	(pc) =	sbr.ind lr, $3  }
0x3a: {  	_ = 	snop  }
0x3b: {  	_ = 	snop  }
0x3c: {  	p2 =	seq.s32 s10, $0x1;
	s10 =	sld [smem:$0x3FB6]  }
0x3d: {  	_ =	shalt  }
0x3e: {  	_ =	shalt  }
0x3f: {  	_ =	shalt  }
0x40: {  	_ =	shalt  }
0x41: {  	_ =	shalt  }
0x42: {  	_ =	shalt  }
0x43: {  	_ =	shalt  }
0x44: {  	_ =	shalt  }
0x45: {  	_ =	shalt  }
0x46: {  	_ =	shalt  }
0x47: {  	_ =	shalt  }
0x48: {  	_ =	shalt  }
0x49: {  	_ =	shalt  }
0x4a: {  	_ =	shalt  }
0x4b: {  	_ =	shalt  }
0x4c: {  	_ =	shalt  }
0x4d: {  	_ =	shalt  }
0x4e: {  	_ =	shalt  }
0x4f: {  	_ =	shalt  }
0x50: {  	_ =	shalt  }
0x51: {  	_ =	shalt  }
0x52: {  	_ =	shalt  }
0x53: {  	_ =	shalt  }
0x54: {  	_ =	shalt  }
0x55: {  	_ =	shalt  }
0x56: {  	_ =	shalt  }
0x57: {  	_ =	shalt  }
0x58: {  	_ =	shalt  }
0x59: {  	_ =	shalt  }
0x5a: {  	_ =	shalt  }
0x5b: {  	_ =	shalt  }
0x5c: {  	_ =	shalt  }
0x5d: {  	_ =	shalt  }
0x5e: {  	_ =	shalt  }
0x5f: {  	_ =	shalt  }
0x60: {  	_ =	shalt  }
0x61: {  	_ =	shalt  }
0x62: {  	_ =	shalt  }
0x63: {  	_ =	shalt  }
0x64: {  	_ =	shalt  }
0x65: {  	_ =	shalt  }
0x66: {  	_ =	shalt  }
0x67: {  	_ =	shalt  }
0x68: {  	_ =	shalt  }
0x69: {  	_ =	shalt  }
0x6a: {  	_ =	shalt  }
0x6b: {  	_ =	shalt  }
0x6c: {  	_ =	shalt  }
0x6d: {  	_ =	shalt  }
0x6e: {  	_ =	shalt  }
0x6f: {  	_ =	shalt  }
0x70: {  	_ =	shalt  }
0x71: {  	_ =	shalt  }
0x72: {  	_ =	shalt  }
0x73: {  	_ =	shalt  }
0x74: {  	_ =	shalt  }
0x75: {  	_ =	shalt  }
0x76: {  	_ =	shalt  }
0x77: {  	_ =	shalt  }
0x78: {  	_ =	shalt  }
0x79: {  	_ =	shalt  }
0x7a: {  	_ =	shalt  }
0x7b: {  	_ =	shalt  }
0x7c: {  	_ =	shalt  }
0x7d: {  	_ =	shalt  }
0x7e: {  	_ =	shalt  }
0x7f: {  	_ =	shalt  }
0x80: {  	_ =	shalt  }
0x81: {  	_ =	shalt  }
0x82: {  	_ =	shalt  }
0x83: {  	_ =	shalt  }
0x84: {  	_ =	shalt  }
0x85: {  	_ =	shalt  }
0x86: {  	_ =	shalt  }
0x87: {  	_ =	shalt  }
.Lfunc_end0:
.L_simem_size_0:
called_computation.2_lowered:
.L_overlay_start_0:
0x88: {  	s2 =	sld [smem:$0x3FD9]  }
0x89: {  	s3 =	sld [smem:$0x3FFE];
	_ =	sdelay $0x1  }
0x8a: {  	s1 =	srdreg.scid  }
0x8b: {  	s0 =	sand.u32 $0x1, s1  }
0x8c: {  	s16 =	sshll.u32 s0, $0xA;
	s2 =	sadd.s32 s3, s2  }
0x8d: {  	s2 =	sadd.s32 s2, s16  }
0x8e: {  	[smem:$0x3FC2] =	sst s2  }
0x8f: {  	_ = 	snop  }
0x90: {  	(tm) =	ssettm $0x1  }
0x91: {  	s17 =	sld [smem:$0x3FFB];
	_ =	sdelay $0x3  }
0x92: {  	_ =	strace s17  }
0x93: {  	s2 =	sld [smem:$0x3FFC];
	_ =	sdelay $0x3  }
0x94: {  	_ =	strace s2  }
0x95: {  	s2 =	sld [smem:$0x3FFD];
	_ =	sdelay $0x3  }
0x96: {  	_ =	strace s2  }
0x97: {  	_ =	strace $0x8FFFFFFF  }
0x98: {  	s18 =	sld [smem:$0x3FDB];
	_ =	sdelay $0x1  }
0x99: {  	s19 =	simm.s32 $_scs_section_size  }
0x9a: {  	s4 =	simm.s32 $_size__tile_overlayer_lowered;
	s5 =	simm.s32 $_tile_overlayer_lowered  }
0x9b: {  	s22 =	simm.s32 $0x1BFF;
	s21 =	sshll.u32 s5, $0x1;
	s2 =	sadd.s32 s19, s18  }
0x9c: {  	s6 =	simm.s32 $0x0;
	s20 =	sshll.u32 s4, $0x1;
	s4 =	sadd.s32 s21, s2  }
0x9d: {  	[timem:s6], [sflag:s22] =	dma.local [hbm:s4], s20  }
0x9e: {  	_ =	swait.ge [sflag:s22], s20  }
0x9f: {  	s3 =	ssub.s32 $0x0, s20;
	[sflag:s22] =	ssyncset.done $0x0  }
0xa0: {  	[sflag:s22] =	ssyncadd.s32 s3;
	_ =	sdelay $0x1  }
0xa1: {  	s23 =	simm.s32 $0x1B8B  }
0xa2: {  	_ =	swait.ge [sflag:s23], $0x1  }
0xa3: {  	[sflag:s23] =	ssyncset.done $0x0  }
0xa4: {  	s25 =	simm.s32 $0x1B8E;
	s24 =	sld [smem:$0x3FFE];
	[sflag:s23] =	ssyncadd.s32 $0xFFFFFFFF  }
0xa5: {  	s26 =	simm.s32 $execute0_lowered;
	[smem:$0x3FD2] =	sst s25  }
0xa6: {  	s4 =	sshll.u32 s26, $0x1;
	_ =	strace $0x8000004C;
	[dreg:$0x1] =	wrdreg $0xFFFFFFFF  }
0xa7: {  	s28 =	simm.s32 $_size_execute0_lowered;
	s2 =	sadd.s32 s2, s4;
	[dreg:$0x0] =	wrdreg $0x0  }
0xa8: {  	s4 =	sshll.u32 s28, $0x1;
	[dreg:$0x2] =	wrdreg s2  }
0xa9: {  	[dreg:$0x3] =	wrdreg s4  }
0xaa: {  	[dreg:$0x4] =	wrdreg $0xC0  }
0xab: {  	_ =	task [dreg:s6], $0x5FFFF  }
0xac: {  	[dreg:$0x1] =	wrdreg $0xFFFFFFFF  }
0xad: {  	[dreg:$0x0] =	wrdreg $0x60  }
0xae: {  	[dreg:$0x2] =	wrdreg s24  }
0xaf: {  	[dreg:$0x3] =	wrdreg $0xD0000  }
0xb0: {  	[dreg:$0x4] =	wrdreg $0x9  }
0xb1: {  	_ =	task.clear_ibuf [dreg:s6], $0x5FFFF;
	_ =	strace $0x9000004C  }
0xb2: {  	s29 =	simm.s32 $0x9;
	_ =	strace $0x8000004E  }
0xb3: {  	_ =	swait.ge [sflag:s29], $0x1  }
0xb4: {  	[sflag:s29] =	ssyncadd.s32 $0xFFFFFFFF  }
0xb5: {  	_ =	strace $0x9000004E  }
0xb6: {  	_ =	sfence  }
0xb7: {  	s30 =	sld [smem:$0x0];
	_ =	sdelay $0x2  }
0xb8: {  	s31 =	sshll.u32 s1, $0xD;
	s1 =	sshrl.u32 s1, $0x2  }
0xb9: {  	s3 =	sand.u32 $0x4000, s31;
	s1 =	sadd.s32 s1, s30  }
0xba: {  	s0 =	sor.u32 s3, s0;
	s1 =	sshll.u32 s1, $0x11  }
0xbb: {  	s0 =	sor.u32 s1, s0  }
0xbc: {  	s0 =	sadd.s32 $0x8F2B, s0  }
0xbd: {  	[sflag:s0] =	ssyncadd.remote.s32 $0x1  }
0xbe: {  	_ =	sfence.sel $0xFFFF  }
0xbf: {  	[dreg:$0x0] =	wrdreg $0xFFFFFFFF;
	(pc) =	sbr.abs _section_cstart, $3  }
0xc0: {  	[dreg:$0x1] =	wrdreg $0xFFFFFFFF  }
0xc1: {  	_ =	task.clear_ibuf [dreg:s6], $0x2FFFF;
	_ =	strace $0x9FFFFFFF  }
0xc2: {  	(tm) =	ssettm $0x7FFFFFFF  }
0xc3: {  	_ =	shalt  }
tec
execute0_lowered:
.L_overlay_start_1:
0x0: {  	(tag) =	ssettag $0x1  }
0x1: {  	s0 =	srdreg.scid  }
0x2: {  	s7 =	stileid.u32;
	s3 =	rddreg [dreg:$0x0]  }
0x3: {  	s2 =	rddreg [dreg:$0x1];
	s6 =	simm.s32 $0x0;
	s12 =	simm.s32 $0x5  }
0x4: {  	s16 =	simm.s32 $0x5000;
	s17 =	simm.s32 $0x80;
	s13 =	simm.s32 $0x5800  }
0x5: {  	s29 =	simm.s32 $0x8000;
	s31 =	simm.s32 $0x8800;
	s15 =	simm.s32 $0x9000  }
0x6: {  	s28 =	simm.s32 $0xB800;
	s30 =	simm.s32 $0xC000;
	s8 =	simm.s32 $0x0  }
0x7: {  	s0 =	sand.u32 $0x1, s0;
	s1 =	sshll.u32 s7, $0x1;
	s5 =	smul.u32 $0x2800, s7  }
0x8: {  	[smem:$0x7FF] =	sst s6;
	s7 =	smul.u32 $0xA000, s7;
	s6 =	simm.s32 $0x4  }
0x9: {  	s1 =	sor.u32 s0, s1;
	s4 =	smul.u32 $0x28000, s0;
	s0 =	ssub.s32 $0x2, s0  }
0xa: {  	_ =	strace $0x8000004D;
	s1 =	smul.u32 $0x2800, s1;
	s19 =	sshrl.u32 s0, $0x1  }
0xb: {  	s21 =	sshrl.u32 s7, $0x2;
	s11 =	sadd.s32 s5, s2;
	s4 =	sadd.s32 s5, s4  }
0xc: {  	s0 =	ssub.s32 s0, s19;
	s22 =	sadd.s32 s21, s2;
	s19 =	simm.s32 $0x9800  }
0xd: {  	s21 =	simm.s32 $0xA000;
	s5 =	simm.s32 $0x2;
	[dreg:$0x5] =	wrdreg s11  }
0xe: {  	s1 =	sshrl.u32 s1, $0x3;
	s18 =	sshrl.u32 s4, $0x3;
	s23 =	sadd.s32 $0x800, s22  }
0xf: {  	s4 =	sadd.s32 $0x15E00, s3;
	s24 =	sadd.s32 $0x1000, s22;
	[dreg:$0x6] =	wrdreg s23  }
0x10: {  	s25 =	sadd.s32 $0x1800, s22;
	s0 =	smax.u32 s0, $0x1;
	[dreg:$0x7] =	wrdreg s24  }
0x11: {  	s1 =	sadd.s32 s1, s3;
	s3 =	sadd.s32 s18, s3;
	[dreg:$0x8] =	wrdreg s25  }
0x12: {  	[dreg:$0xb] =	wrdreg s0;
	s24 =	simm.s32 $0x7000;
	s23 =	simm.s32 $0xA800  }
0x13: {  	s25 =	simm.s32 $0xB000;
	s0 =	simm.s32 $0xC800;
	s20 =	sadd.s32 $0xBE00, s1  }
0x14: {  	s1 =	sadd.s32 $0x1E00, s1;
	s26 =	sadd.s32 $0x1AE00, s3;
	[dreg:$0x3] =	wrdreg s20  }
0x15: {  	s3 =	simm.s32 $0x3;
	[dreg:$0x4] =	wrdreg s1;
	s1 =	sadd.s32 $0x2000, s22  }
0x16: {  	[dreg:$0xa] =	wrdreg s26;
	s20 =	simm.s32 $0x6000;
	s22 =	simm.s32 $0x6800  }
0x17: {  	v0 =	vimm.f32 $0.0e+00;
	s26 =	simm.s32 $0x7800;
	[dreg:$0x9] =	wrdreg s1;
	s1 =	simm.s32 $0x1  }
.LBB2_1:
0x18: {  	[dreg:$0xc] =	wrdreg s8  }
0x19: {  	s7 =	simm.s32 $0x0;
	s14 =	rddreg [dreg:$0x3]  }
0x1a: {  	[tilespmem:s7], [sflag:$0x5] =	stream.linear.gather [hbm4b:s14+s7], $0x2800, $0x38;
	[tilespmem:$0xF800] =	vst v63  }
0x1b: {  	_ =	swait.ge [sflag:s12], $0x2800  }
0x1c: {  	[sflag:s12] =	ssyncset.done $0x0  }
0x1d: {  	s9 =	simm.s32 $0x2800;
	s18 =	rddreg [dreg:$0x4];
	[sflag:s12] =	ssyncadd.s32 $0xFFFFD800  }
0x1e: {  	[tilespmem:s9], [sflag:$0x5] =	stream.linear.gather [hbm4b:s18+s7], $0x2800, $0x38;
	[tilespmem:$0xF800] =	vst v63  }
0x1f: {  	_ =	swait.ge [sflag:s12], $0x2800  }
0x20: {  	[sflag:s12] =	ssyncset.done $0x0  }
0x21: {  	s10 =	simm.s32 $0x0;
	s9 =	simm.s32 $0x40;
	[sflag:s12] =	ssyncadd.s32 $0xFFFFD800  }
.LBB2_2:
0x22: {  	p0 =	sne.s32 s9, $0x1FC0;
	[tilespmem:s10+$0x5000] =	vst v0;
	s10 =	smov.u32 s9;
	s9 =	sadd.s32 $0x40, s9  }
.Ltmp0:
0x23: {  	(pc) =	sbr.rel @p0 .LBB2_2-.Ltmp0, $2  }
0x24: {  	_ =	sdelay $0x2  }
0x25: {  	s10 =	sshra.s32 s10, $0x2  }
0x26: {  	[tilespmem:s10+$0x5000] =	vst v0  }
0x27: {  	[spmem:s11] =	stream.linear.scatter [tilespmem:s16], [sflag:$0x5], $0x800, $0x38;
	[tilespmem:$0xF800] =	vst v63  }
0x28: {  	_ =	swait.ge [sflag:s12], $0x800  }
0x29: {  	[sflag:s12] =	ssyncset.done $0x0  }
0x2a: {  	s7 =	rddreg [dreg:$0x6];
	[sflag:s12] =	ssyncadd.s32 $0xFFFFF800  }
0x2b: {  	[spmem:s7] =	stream.linear.scatter [tilespmem:s16], [sflag:$0x5], $0x800, $0x38;
	[tilespmem:$0xF800] =	vst v63  }
0x2c: {  	_ =	swait.ge [sflag:s12], $0x800  }
0x2d: {  	[sflag:s12] =	ssyncset.done $0x0  }
0x2e: {  	s9 =	rddreg [dreg:$0x7];
	[sflag:s12] =	ssyncadd.s32 $0xFFFFF800  }
0x2f: {  	[spmem:s9] =	stream.linear.scatter [tilespmem:s16], [sflag:$0x5], $0x800, $0x38;
	[tilespmem:$0xF800] =	vst v63  }
0x30: {  	_ =	swait.ge [sflag:s12], $0x800  }
0x31: {  	[sflag:s12] =	ssyncset.done $0x0  }
0x32: {  	s10 =	rddreg [dreg:$0x8];
	[sflag:s12] =	ssyncadd.s32 $0xFFFFF800  }
0x33: {  	[spmem:s10] =	stream.linear.scatter [tilespmem:s16], [sflag:$0x5], $0x800, $0x38;
	[tilespmem:$0xF800] =	vst v63  }
0x34: {  	_ =	swait.ge [sflag:s12], $0x800  }
0x35: {  	[sflag:s12] =	ssyncset.done $0x0  }
0x36: {  	s11 =	rddreg [dreg:$0x9];
	[sflag:s12] =	ssyncadd.s32 $0xFFFFF800  }
0x37: {  	[spmem:s11] =	stream.linear.scatter [tilespmem:s16], [sflag:$0x5], $0x800, $0x38;
	[tilespmem:$0xF800] =	vst v63  }
0x38: {  	_ =	swait.ge [sflag:s12], $0x800  }
0x39: {  	[sflag:s12] =	ssyncset.done $0x0  }
0x3a: {  	[sflag:s12] =	ssyncadd.s32 $0xFFFFF800  }
0x3b: {  	s9 =	simm.s32 $0x0;
	[bflag:$0x0] =	sbarrier.arrive $0xFFFF  }
0x3c: {  	[tilespmem:s16], [sflag:$0x1] =	stream.indirect.gather [hbm4b:s4+s17], $0x10, s9, s17, $0xb8;
	[tilespmem:$0xF800] =	vst v63  }
0x3d: {  	_ = 	snop  }
0x3e: {  	[tilespmem:s13], [sflag:$0x1] =	stream.indirect.gather [hbm4b:s4+s17], $0x10, s17, s17, $0xb8;
	[tilespmem:$0xF800] =	vst v63  }
0x3f: {  	s14 =	simm.s32 $0x100  }
0x40: {  	[tilespmem:s20], [sflag:$0x1] =	stream.indirect.gather [hbm4b:s4+s17], $0x10, s14, s17, $0xb8;
	[tilespmem:$0xF800] =	vst v63  }
0x41: {  	s18 =	simm.s32 $0x180  }
0x42: {  	[tilespmem:s22], [sflag:$0x1] =	stream.indirect.gather [hbm4b:s4+s17], $0x10, s18, s17, $0xb8;
	[tilespmem:$0xF800] =	vst v63  }
0x43: {  	s8 =	simm.s32 $0x200  }
0x44: {  	[tilespmem:s24], [sflag:$0x1] =	stream.indirect.gather [hbm4b:s4+s17], $0x10, s8, s17, $0xb8;
	[tilespmem:$0xF800] =	vst v63  }
0x45: {  	s9 =	simm.s32 $0x280  }
0x46: {  	[tilespmem:s26], [sflag:$0x1] =	stream.indirect.gather [hbm4b:s4+s17], $0x10, s9, s17, $0xb8;
	[tilespmem:$0xF800] =	vst v63  }
0x47: {  	s10 =	simm.s32 $0x300  }
0x48: {  	[tilespmem:s29], [sflag:$0x1] =	stream.indirect.gather [hbm4b:s4+s17], $0x10, s10, s17, $0xb8;
	[tilespmem:$0xF800] =	vst v63  }
0x49: {  	s11 =	simm.s32 $0x380  }
0x4a: {  	[tilespmem:s31], [sflag:$0x1] =	stream.indirect.gather [hbm4b:s4+s17], $0x10, s11, s17, $0xb8;
	[tilespmem:$0xF800] =	vst v63  }
0x4b: {  	_ =	swait.ge [sflag:s1], $0x800  }
0x4c: {  	[sflag:s1] =	ssyncset.done $0x0  }
0x4d: {  	[sflag:s1] =	ssyncadd.s32 $0xFFFFF800  }
0x4e: {  	_ =	swait.ge [sflag:s1], $0x800  }
0x4f: {  	[sflag:s1] =	ssyncset.done $0x0  }
0x50: {  	[sflag:s1] =	ssyncadd.s32 $0xFFFFF800  }
0x51: {  	_ =	swait.ge [sflag:s1], $0x800  }
0x52: {  	[sflag:s1] =	ssyncset.done $0x0  }
0x53: {  	[sflag:s1] =	ssyncadd.s32 $0xFFFFF800  }
0x54: {  	_ =	swait.ge [sflag:s1], $0x800  }
0x55: {  	[sflag:s1] =	ssyncset.done $0x0  }
0x56: {  	[sflag:s1] =	ssyncadd.s32 $0xFFFFF800  }
0x57: {  	_ =	swait.ge [sflag:s1], $0x800  }
0x58: {  	[sflag:s1] =	ssyncset.done $0x0  }
0x59: {  	[sflag:s1] =	ssyncadd.s32 $0xFFFFF800  }
0x5a: {  	_ =	swait.ge [sflag:s1], $0x800  }
0x5b: {  	[sflag:s1] =	ssyncset.done $0x0  }
0x5c: {  	[sflag:s1] =	ssyncadd.s32 $0xFFFFF800  }
0x5d: {  	_ =	swait.ge [sflag:s1], $0x800  }
0x5e: {  	[sflag:s1] =	ssyncset.done $0x0  }
0x5f: {  	[sflag:s1] =	ssyncadd.s32 $0xFFFFF800  }
0x60: {  	_ =	swait.ge [sflag:s1], $0x800  }
0x61: {  	[sflag:s1] =	ssyncset.done $0x0  }
0x62: {  	s12 =	simm.s32 $0x400;
	[sflag:s1] =	ssyncadd.s32 $0xFFFFF800  }
0x63: {  	[tilespmem:s15], [sflag:$0x2] =	stream.indirect.gather [hbm4b:s4+s17], $0x10, s12, s17, $0xb8;
	[tilespmem:$0xF800] =	vst v63  }
0x64: {  	s14 =	simm.s32 $0x480  }
0x65: {  	[tilespmem:s19], [sflag:$0x2] =	stream.indirect.gather [hbm4b:s4+s17], $0x10, s14, s17, $0xb8;
	[tilespmem:$0xF800] =	vst v63  }
0x66: {  	s18 =	simm.s32 $0x500  }
0x67: {  	[tilespmem:s21], [sflag:$0x2] =	stream.indirect.gather [hbm4b:s4+s17], $0x10, s18, s17, $0xb8;
	[tilespmem:$0xF800] =	vst v63  }
0x68: {  	s7 =	simm.s32 $0x580  }
0x69: {  	[tilespmem:s23], [sflag:$0x2] =	stream.indirect.gather [hbm4b:s4+s17], $0x10, s7, s17, $0xb8;
	[tilespmem:$0xF800] =	vst v63  }
0x6a: {  	s8 =	simm.s32 $0x600  }
0x6b: {  	[tilespmem:s25], [sflag:$0x2] =	stream.indirect.gather [hbm4b:s4+s17], $0x10, s8, s17, $0xb8;
	[tilespmem:$0xF800] =	vst v63  }
0x6c: {  	s10 =	simm.s32 $0x680  }
0x6d: {  	[tilespmem:s28], [sflag:$0x2] =	stream.indirect.gather [hbm4b:s4+s17], $0x10, s10, s17, $0xb8;
	[tilespmem:$0xF800] =	vst v63  }
0x6e: {  	s11 =	simm.s32 $0x700  }
0x6f: {  	[tilespmem:s30], [sflag:$0x2] =	stream.indirect.gather [hbm4b:s4+s17], $0x10, s11, s17, $0xb8;
	[tilespmem:$0xF800] =	vst v63  }
0x70: {  	s12 =	simm.s32 $0x780  }
0x71: {  	[tilespmem:s0], [sflag:$0x2] =	stream.indirect.gather [hbm4b:s4+s17], $0x10, s12, s17, $0xb8;
	[tilespmem:$0xF800] =	vst v63  }
0x72: {  	s14 =	simm.s32 $0x2800  }
0x73: {  	[spmem:s2] =	stream.indirect.scatter.add.f32 [tilespmem:s16], [sflag:$0x3], $0x10, s14, s17, $0xb8;
	[tilespmem:$0xF800] =	vst v63  }
0x74: {  	s18 =	simm.s32 $0x2880  }
0x75: {  	[spmem:s2] =	stream.indirect.scatter.add.f32 [tilespmem:s13], [sflag:$0x3], $0x10, s18, s17, $0xb8;
	[tilespmem:$0xF800] =	vst v63  }
0x76: {  	s7 =	simm.s32 $0x2900  }
0x77: {  	[spmem:s2] =	stream.indirect.scatter.add.f32 [tilespmem:s20], [sflag:$0x3], $0x10, s7, s17, $0xb8;
	[tilespmem:$0xF800] =	vst v63  }
0x78: {  	s8 =	simm.s32 $0x2980  }
0x79: {  	[spmem:s2] =	stream.indirect.scatter.add.f32 [tilespmem:s22], [sflag:$0x3], $0x10, s8, s17, $0xb8;
	[tilespmem:$0xF800] =	vst v63  }
0x7a: {  	s10 =	simm.s32 $0x2A00  }
0x7b: {  	[spmem:s2] =	stream.indirect.scatter.add.f32 [tilespmem:s24], [sflag:$0x3], $0x10, s10, s17, $0xb8;
	[tilespmem:$0xF800] =	vst v63  }
0x7c: {  	s11 =	simm.s32 $0x2A80  }
0x7d: {  	[spmem:s2] =	stream.indirect.scatter.add.f32 [tilespmem:s26], [sflag:$0x3], $0x10, s11, s17, $0xb8;
	[tilespmem:$0xF800] =	vst v63  }
0x7e: {  	s12 =	simm.s32 $0x2B00  }
0x7f: {  	[spmem:s2] =	stream.indirect.scatter.add.f32 [tilespmem:s29], [sflag:$0x3], $0x10, s12, s17, $0xb8;
	[tilespmem:$0xF800] =	vst v63  }
0x80: {  	s14 =	simm.s32 $0x2B80  }
0x81: {  	[spmem:s2] =	stream.indirect.scatter.add.f32 [tilespmem:s31], [sflag:$0x3], $0x10, s14, s17, $0xb8;
	[tilespmem:$0xF800] =	vst v63  }
0x82: {  	_ =	swait.ge [sflag:s3], $0x800  }
0x83: {  	[sflag:s3] =	ssyncset.done $0x0  }
0x84: {  	[sflag:s3] =	ssyncadd.s32 $0xFFFFF800  }
0x85: {  	_ =	swait.ge [sflag:s3], $0x800  }
0x86: {  	[sflag:s3] =	ssyncset.done $0x0  }
0x87: {  	[sflag:s3] =	ssyncadd.s32 $0xFFFFF800  }
0x88: {  	_ =	swait.ge [sflag:s3], $0x800  }
0x89: {  	[sflag:s3] =	ssyncset.done $0x0  }
0x8a: {  	[sflag:s3] =	ssyncadd.s32 $0xFFFFF800  }
0x8b: {  	_ =	swait.ge [sflag:s3], $0x800  }
0x8c: {  	[sflag:s3] =	ssyncset.done $0x0  }
0x8d: {  	[sflag:s3] =	ssyncadd.s32 $0xFFFFF800  }
0x8e: {  	_ =	swait.ge [sflag:s3], $0x800  }
0x8f: {  	[sflag:s3] =	ssyncset.done $0x0  }
0x90: {  	[sflag:s3] =	ssyncadd.s32 $0xFFFFF800  }
0x91: {  	_ =	swait.ge [sflag:s3], $0x800  }
0x92: {  	[sflag:s3] =	ssyncset.done $0x0  }
0x93: {  	[sflag:s3] =	ssyncadd.s32 $0xFFFFF800  }
0x94: {  	_ =	swait.ge [sflag:s3], $0x800  }
0x95: {  	[sflag:s3] =	ssyncset.done $0x0  }
0x96: {  	[sflag:s3] =	ssyncadd.s32 $0xFFFFF800  }
0x97: {  	p0 =	por $0x0, $0x0;
	_ =	swait.ge [sflag:s3], $0x800  }
0x98: {  	s9 =	simm.s32 @!p0 $0x5000;
	[sflag:s3] =	ssyncset.done $0x0  }
0x99: {  	s10 =	simm.s32 @!p0 $0x800;
	s11 =	simm.s32 @!p0 $0x80;
	[sflag:s3] =	ssyncadd.s32 $0xFFFFF800  }
0x9a: {  	[tilespmem:s9], [sflag:$0x1] =	stream.indirect.gather @!p0 [hbm4b:s4+s11], $0x10, s10, s11, $0xb8;
	[tilespmem:$0xF800] =	vst v63  }
0x9b: {  	s9 =	simm.s32 @!p0 $0x880;
	s10 =	simm.s32 @!p0 $0x5800  }
0x9c: {  	[tilespmem:s10], [sflag:$0x1] =	stream.indirect.gather @!p0 [hbm4b:s4+s11], $0x10, s9, s11, $0xb8;
	[tilespmem:$0xF800] =	vst v63  }
0x9d: {  	s9 =	simm.s32 @!p0 $0x900;
	s10 =	simm.s32 @!p0 $0x6000  }
0x9e: {  	[tilespmem:s10], [sflag:$0x1] =	stream.indirect.gather @!p0 [hbm4b:s4+s11], $0x10, s9, s11, $0xb8;
	[tilespmem:$0xF800] =	vst v63  }
0x9f: {  	s9 =	simm.s32 @!p0 $0x980;
	s10 =	simm.s32 @!p0 $0x6800  }
0xa0: {  	[tilespmem:s10], [sflag:$0x1] =	stream.indirect.gather @!p0 [hbm4b:s4+s11], $0x10, s9, s11, $0xb8;
	[tilespmem:$0xF800] =	vst v63  }
0xa1: {  	s9 =	simm.s32 @!p0 $0xA00;
	s10 =	simm.s32 @!p0 $0x7000  }
0xa2: {  	[tilespmem:s10], [sflag:$0x1] =	stream.indirect.gather @!p0 [hbm4b:s4+s11], $0x10, s9, s11, $0xb8;
	[tilespmem:$0xF800] =	vst v63  }
0xa3: {  	s9 =	simm.s32 @!p0 $0xA80;
	s10 =	simm.s32 @!p0 $0x7800  }
0xa4: {  	[tilespmem:s10], [sflag:$0x1] =	stream.indirect.gather @!p0 [hbm4b:s4+s11], $0x10, s9, s11, $0xb8;
	[tilespmem:$0xF800] =	vst v63  }
0xa5: {  	s9 =	simm.s32 @!p0 $0xB00;
	s10 =	simm.s32 @!p0 $0x8000  }
0xa6: {  	[tilespmem:s10], [sflag:$0x1] =	stream.indirect.gather @!p0 [hbm4b:s4+s11], $0x10, s9, s11, $0xb8;
	[tilespmem:$0xF800] =	vst v63  }
0xa7: {  	s9 =	simm.s32 @!p0 $0xB80;
	s10 =	simm.s32 @!p0 $0x8800  }
0xa8: {  	[tilespmem:s10], [sflag:$0x1] =	stream.indirect.gather @!p0 [hbm4b:s4+s11], $0x10, s9, s11, $0xb8;
	[tilespmem:$0xF800] =	vst v63  }
0xa9: {  	_ =	swait.ge [sflag:s5], $0x800  }
0xaa: {  	[sflag:s5] =	ssyncset.done $0x0  }
0xab: {  	[sflag:s5] =	ssyncadd.s32 $0xFFFFF800  }
0xac: {  	_ =	swait.ge [sflag:s5], $0x800  }
0xad: {  	[sflag:s5] =	ssyncset.done $0x0  }
0xae: {  	[sflag:s5] =	ssyncadd.s32 $0xFFFFF800  }
0xaf: {  	_ =	swait.ge [sflag:s5], $0x800  }
0xb0: {  	[sflag:s5] =	ssyncset.done $0x0  }
0xb1: {  	[sflag:s5] =	ssyncadd.s32 $0xFFFFF800  }
0xb2: {  	_ =	swait.ge [sflag:s5], $0x800  }
0xb3: {  	[sflag:s5] =	ssyncset.done $0x0  }
0xb4: {  	[sflag:s5] =	ssyncadd.s32 $0xFFFFF800  }
0xb5: {  	_ =	swait.ge [sflag:s5], $0x800  }
0xb6: {  	[sflag:s5] =	ssyncset.done $0x0  }
0xb7: {  	[sflag:s5] =	ssyncadd.s32 $0xFFFFF800  }
0xb8: {  	_ =	swait.ge [sflag:s5], $0x800  }
0xb9: {  	[sflag:s5] =	ssyncset.done $0x0  }
0xba: {  	[sflag:s5] =	ssyncadd.s32 $0xFFFFF800  }
0xbb: {  	_ =	swait.ge [sflag:s5], $0x800  }
0xbc: {  	[sflag:s5] =	ssyncset.done $0x0  }
0xbd: {  	[sflag:s5] =	ssyncadd.s32 $0xFFFFF800  }
0xbe: {  	_ =	swait.ge [sflag:s5], $0x800  }
0xbf: {  	[sflag:s5] =	ssyncset.done $0x0  }
0xc0: {  	s18 =	simm.s32 $0x2C00;
	[sflag:s5] =	ssyncadd.s32 $0xFFFFF800  }
0xc1: {  	[spmem:s2] =	stream.indirect.scatter.add.f32 [tilespmem:s15], [sflag:$0x4], $0x10, s18, s17, $0xb8;
	[tilespmem:$0xF800] =	vst v63  }
0xc2: {  	s7 =	simm.s32 $0x2C80  }
0xc3: {  	[spmem:s2] =	stream.indirect.scatter.add.f32 [tilespmem:s19], [sflag:$0x4], $0x10, s7, s17, $0xb8;
	[tilespmem:$0xF800] =	vst v63  }
0xc4: {  	s8 =	simm.s32 $0x2D00  }
0xc5: {  	[spmem:s2] =	stream.indirect.scatter.add.f32 [tilespmem:s21], [sflag:$0x4], $0x10, s8, s17, $0xb8;
	[tilespmem:$0xF800] =	vst v63  }
0xc6: {  	s10 =	simm.s32 $0x2D80  }
0xc7: {  	[spmem:s2] =	stream.indirect.scatter.add.f32 [tilespmem:s23], [sflag:$0x4], $0x10, s10, s17, $0xb8;
	[tilespmem:$0xF800] =	vst v63  }
0xc8: {  	s11 =	simm.s32 $0x2E00  }
0xc9: {  	[spmem:s2] =	stream.indirect.scatter.add.f32 [tilespmem:s25], [sflag:$0x4], $0x10, s11, s17, $0xb8;
	[tilespmem:$0xF800] =	vst v63  }
0xca: {  	s12 =	simm.s32 $0x2E80  }
0xcb: {  	[spmem:s2] =	stream.indirect.scatter.add.f32 [tilespmem:s28], [sflag:$0x4], $0x10, s12, s17, $0xb8;
	[tilespmem:$0xF800] =	vst v63  }
0xcc: {  	s14 =	simm.s32 $0x2F00  }
0xcd: {  	[spmem:s2] =	stream.indirect.scatter.add.f32 [tilespmem:s30], [sflag:$0x4], $0x10, s14, s17, $0xb8;
	[tilespmem:$0xF800] =	vst v63  }
0xce: {  	s18 =	simm.s32 $0x2F80  }
0xcf: {  	[spmem:s2] =	stream.indirect.scatter.add.f32 [tilespmem:s0], [sflag:$0x4], $0x10, s18, s17, $0xb8;
	[tilespmem:$0xF800] =	vst v63  }
0xd0: {  	_ =	swait.ge [sflag:s6], $0x800  }
0xd1: {  	[sflag:s6] =	ssyncset.done $0x0  }
0xd2: {  	[sflag:s6] =	ssyncadd.s32 $0xFFFFF800  }
0xd3: {  	_ =	swait.ge [sflag:s6], $0x800  }
0xd4: {  	[sflag:s6] =	ssyncset.done $0x0  }
0xd5: {  	[sflag:s6] =	ssyncadd.s32 $0xFFFFF800  }
0xd6: {  	_ =	swait.ge [sflag:s6], $0x800  }
0xd7: {  	[sflag:s6] =	ssyncset.done $0x0  }
0xd8: {  	[sflag:s6] =	ssyncadd.s32 $0xFFFFF800  }
0xd9: {  	_ =	swait.ge [sflag:s6], $0x800  }
0xda: {  	[sflag:s6] =	ssyncset.done $0x0  }
0xdb: {  	[sflag:s6] =	ssyncadd.s32 $0xFFFFF800  }
0xdc: {  	_ =	swait.ge [sflag:s6], $0x800  }
0xdd: {  	[sflag:s6] =	ssyncset.done $0x0  }
0xde: {  	[sflag:s6] =	ssyncadd.s32 $0xFFFFF800  }
0xdf: {  	_ =	swait.ge [sflag:s6], $0x800  }
0xe0: {  	[sflag:s6] =	ssyncset.done $0x0  }
0xe1: {  	[sflag:s6] =	ssyncadd.s32 $0xFFFFF800  }
0xe2: {  	_ =	swait.ge [sflag:s6], $0x800  }
0xe3: {  	[sflag:s6] =	ssyncset.done $0x0  }
0xe4: {  	[sflag:s6] =	ssyncadd.s32 $0xFFFFF800  }
0xe5: {  	_ =	swait.ge [sflag:s6], $0x800  }
0xe6: {  	s9 =	simm.s32 $0x2000;
	[sflag:s6] =	ssyncset.done $0x0  }
.LBB2_4:
0xe7: {  	[sflag:s6] =	ssyncadd.s32 $0xFFFFF800;
	s11 =	smov.u32 s9;
	s9 =	sadd.s32 $0x2000, s9  }
0xe8: {  	_ =	swait.ge [sflag:s1], $0x800;
	p0 =	sne.s32 s9, $0xA000  }
0xe9: {  	[sflag:s1] =	ssyncset.done $0x0  }
0xea: {  	[sflag:s1] =	ssyncadd.s32 $0xFFFFF800  }
0xeb: {  	_ =	swait.ge [sflag:s1], $0x800  }
0xec: {  	[sflag:s1] =	ssyncset.done $0x0  }
0xed: {  	[sflag:s1] =	ssyncadd.s32 $0xFFFFF800  }
0xee: {  	_ =	swait.ge [sflag:s1], $0x800  }
0xef: {  	[sflag:s1] =	ssyncset.done $0x0  }
0xf0: {  	[sflag:s1] =	ssyncadd.s32 $0xFFFFF800  }
0xf1: {  	_ =	swait.ge [sflag:s1], $0x800  }
0xf2: {  	[sflag:s1] =	ssyncset.done $0x0  }
0xf3: {  	[sflag:s1] =	ssyncadd.s32 $0xFFFFF800  }
0xf4: {  	_ =	swait.ge [sflag:s1], $0x800  }
0xf5: {  	[sflag:s1] =	ssyncset.done $0x0  }
0xf6: {  	[sflag:s1] =	ssyncadd.s32 $0xFFFFF800  }
0xf7: {  	_ =	swait.ge [sflag:s1], $0x800  }
0xf8: {  	[sflag:s1] =	ssyncset.done $0x0  }
0xf9: {  	[sflag:s1] =	ssyncadd.s32 $0xFFFFF800  }
0xfa: {  	_ =	swait.ge [sflag:s1], $0x800  }
0xfb: {  	[sflag:s1] =	ssyncset.done $0x0  }
0xfc: {  	[sflag:s1] =	ssyncadd.s32 $0xFFFFF800  }
0xfd: {  	_ =	swait.ge [sflag:s1], $0x800  }
0xfe: {  	s10 =	sshra.s32 s11, $0x2;
	[sflag:s1] =	ssyncset.done $0x0  }
0xff: {  	s12 =	sadd.s32 $0x400, s10;
	[sflag:s1] =	ssyncadd.s32 $0xFFFFF800  }
0x100: {  	[tilespmem:s15], [sflag:$0x2] =	stream.indirect.gather [hbm4b:s4+s17], $0x10, s12, s17, $0xb8;
	[tilespmem:$0xF800] =	vst v63  }
0x101: {  	s12 =	sadd.s32 $0x480, s10  }
0x102: {  	[tilespmem:s19], [sflag:$0x2] =	stream.indirect.gather [hbm4b:s4+s17], $0x10, s12, s17, $0xb8;
	[tilespmem:$0xF800] =	vst v63  }
0x103: {  	s12 =	sadd.s32 $0x500, s10  }
0x104: {  	[tilespmem:s21], [sflag:$0x2] =	stream.indirect.gather [hbm4b:s4+s17], $0x10, s12, s17, $0xb8;
	[tilespmem:$0xF800] =	vst v63  }
0x105: {  	s12 =	sadd.s32 $0x580, s10  }
0x106: {  	[tilespmem:s23], [sflag:$0x2] =	stream.indirect.gather [hbm4b:s4+s17], $0x10, s12, s17, $0xb8;
	[tilespmem:$0xF800] =	vst v63  }
0x107: {  	s12 =	sadd.s32 $0x600, s10  }
0x108: {  	[tilespmem:s25], [sflag:$0x2] =	stream.indirect.gather [hbm4b:s4+s17], $0x10, s12, s17, $0xb8;
	[tilespmem:$0xF800] =	vst v63  }
0x109: {  	s12 =	sadd.s32 $0x680, s10  }
0x10a: {  	[tilespmem:s28], [sflag:$0x2] =	stream.indirect.gather [hbm4b:s4+s17], $0x10, s12, s17, $0xb8;
	[tilespmem:$0xF800] =	vst v63  }
0x10b: {  	s12 =	sadd.s32 $0x700, s10  }
0x10c: {  	[tilespmem:s30], [sflag:$0x2] =	stream.indirect.gather [hbm4b:s4+s17], $0x10, s12, s17, $0xb8;
	[tilespmem:$0xF800] =	vst v63  }
0x10d: {  	s12 =	sadd.s32 $0x780, s10  }
0x10e: {  	[tilespmem:s0], [sflag:$0x2] =	stream.indirect.gather [hbm4b:s4+s17], $0x10, s12, s17, $0xb8;
	[tilespmem:$0xF800] =	vst v63  }
0x10f: {  	s12 =	sadd.s32 $0x2800, s10  }
0x110: {  	[spmem:s2] =	stream.indirect.scatter.add.f32 [tilespmem:s16], [sflag:$0x3], $0x10, s12, s17, $0xb8;
	[tilespmem:$0xF800] =	vst v63  }
0x111: {  	s12 =	sadd.s32 $0x2880, s10  }
0x112: {  	[spmem:s2] =	stream.indirect.scatter.add.f32 [tilespmem:s13], [sflag:$0x3], $0x10, s12, s17, $0xb8;
	[tilespmem:$0xF800] =	vst v63  }
0x113: {  	s12 =	sadd.s32 $0x2900, s10  }
0x114: {  	[spmem:s2] =	stream.indirect.scatter.add.f32 [tilespmem:s20], [sflag:$0x3], $0x10, s12, s17, $0xb8;
	[tilespmem:$0xF800] =	vst v63  }
0x115: {  	s12 =	sadd.s32 $0x2980, s10  }
0x116: {  	[spmem:s2] =	stream.indirect.scatter.add.f32 [tilespmem:s22], [sflag:$0x3], $0x10, s12, s17, $0xb8;
	[tilespmem:$0xF800] =	vst v63  }
0x117: {  	s12 =	sadd.s32 $0x2A00, s10  }
0x118: {  	[spmem:s2] =	stream.indirect.scatter.add.f32 [tilespmem:s24], [sflag:$0x3], $0x10, s12, s17, $0xb8;
	[tilespmem:$0xF800] =	vst v63  }
0x119: {  	s12 =	sadd.s32 $0x2A80, s10  }
0x11a: {  	[spmem:s2] =	stream.indirect.scatter.add.f32 [tilespmem:s26], [sflag:$0x3], $0x10, s12, s17, $0xb8;
	[tilespmem:$0xF800] =	vst v63  }
0x11b: {  	s12 =	sadd.s32 $0x2B00, s10  }
0x11c: {  	[spmem:s2] =	stream.indirect.scatter.add.f32 [tilespmem:s29], [sflag:$0x3], $0x10, s12, s17, $0xb8;
	[tilespmem:$0xF800] =	vst v63  }
0x11d: {  	s12 =	sadd.s32 $0x2B80, s10  }
0x11e: {  	[spmem:s2] =	stream.indirect.scatter.add.f32 [tilespmem:s31], [sflag:$0x3], $0x10, s12, s17, $0xb8;
	[tilespmem:$0xF800] =	vst v63  }
0x11f: {  	_ =	swait.ge [sflag:s3], $0x800  }
0x120: {  	[sflag:s3] =	ssyncset.done $0x0  }
0x121: {  	[sflag:s3] =	ssyncadd.s32 $0xFFFFF800  }
0x122: {  	_ =	swait.ge [sflag:s3], $0x800  }
0x123: {  	[sflag:s3] =	ssyncset.done $0x0  }
0x124: {  	[sflag:s3] =	ssyncadd.s32 $0xFFFFF800  }
0x125: {  	_ =	swait.ge [sflag:s3], $0x800  }
0x126: {  	[sflag:s3] =	ssyncset.done $0x0  }
0x127: {  	[sflag:s3] =	ssyncadd.s32 $0xFFFFF800  }
0x128: {  	_ =	swait.ge [sflag:s3], $0x800  }
0x129: {  	[sflag:s3] =	ssyncset.done $0x0  }
0x12a: {  	[sflag:s3] =	ssyncadd.s32 $0xFFFFF800  }
0x12b: {  	_ =	swait.ge [sflag:s3], $0x800  }
0x12c: {  	[sflag:s3] =	ssyncset.done $0x0  }
0x12d: {  	[sflag:s3] =	ssyncadd.s32 $0xFFFFF800  }
0x12e: {  	_ =	swait.ge [sflag:s3], $0x800  }
0x12f: {  	[sflag:s3] =	ssyncset.done $0x0  }
0x130: {  	[sflag:s3] =	ssyncadd.s32 $0xFFFFF800  }
0x131: {  	_ =	swait.ge [sflag:s3], $0x800  }
0x132: {  	[sflag:s3] =	ssyncset.done $0x0  }
0x133: {  	[sflag:s3] =	ssyncadd.s32 $0xFFFFF800  }
0x134: {  	p1 =	seq.s32 s11, $0x8000;
	_ =	swait.ge [sflag:s3], $0x800  }
0x135: {  	s11 =	sshra.s32 @!p1 s11, $0x2;
	s12 =	simm.s32 @!p1 $0x5000;
	[sflag:s3] =	ssyncset.done $0x0  }
0x136: {  	s7 =	simm.s32 @!p1 $0x80;
	s13 =	sadd.s32 @!p1 $0x800, s11;
	[sflag:s3] =	ssyncadd.s32 $0xFFFFF800  }
0x137: {  	[tilespmem:s12], [sflag:$0x1] =	stream.indirect.gather @!p1 [hbm4b:s4+s7], $0x10, s13, s7, $0xb8;
	[tilespmem:$0xF800] =	vst v63  }
0x138: {  	s8 =	sadd.s32 @!p1 $0x900, s11;
	s12 =	sadd.s32 @!p1 $0x880, s11;
	s13 =	simm.s32 @!p1 $0x5800  }
0x139: {  	[tilespmem:s13], [sflag:$0x1] =	stream.indirect.gather @!p1 [hbm4b:s4+s7], $0x10, s12, s7, $0xb8;
	[tilespmem:$0xF800] =	vst v63  }
0x13a: {  	s14 =	sadd.s32 @!p1 $0xA00, s11;
	s12 =	simm.s32 @!p1 $0x6000;
	s13 =	sadd.s32 @!p1 $0x980, s11  }
0x13b: {  	[tilespmem:s12], [sflag:$0x1] =	stream.indirect.gather @!p1 [hbm4b:s4+s7], $0x10, s8, s7, $0xb8;
	[tilespmem:$0xF800] =	vst v63  }
0x13c: {  	s18 =	sadd.s32 @!p1 $0xB00, s11;
	s8 =	simm.s32 @!p1 $0x6800;
	s12 =	sadd.s32 @!p1 $0xA80, s11  }
0x13d: {  	[tilespmem:s8], [sflag:$0x1] =	stream.indirect.gather @!p1 [hbm4b:s4+s7], $0x10, s13, s7, $0xb8;
	[tilespmem:$0xF800] =	vst v63  }
0x13e: {  	s13 =	simm.s32 $0x5800  }
0x13f: {  	s11 =	sadd.s32 @!p1 $0xB80, s11;
	s8 =	simm.s32 @!p1 $0x7000  }
0x140: {  	[tilespmem:s8], [sflag:$0x1] =	stream.indirect.gather @!p1 [hbm4b:s4+s7], $0x10, s14, s7, $0xb8;
	[tilespmem:$0xF800] =	vst v63  }
0x141: {  	s8 =	simm.s32 @!p1 $0x7800  }
0x142: {  	[tilespmem:s8], [sflag:$0x1] =	stream.indirect.gather @!p1 [hbm4b:s4+s7], $0x10, s12, s7, $0xb8;
	[tilespmem:$0xF800] =	vst v63  }
0x143: {  	s8 =	simm.s32 @!p1 $0x8000  }
0x144: {  	[tilespmem:s8], [sflag:$0x1] =	stream.indirect.gather @!p1 [hbm4b:s4+s7], $0x10, s18, s7, $0xb8;
	[tilespmem:$0xF800] =	vst v63  }
0x145: {  	s8 =	simm.s32 @!p1 $0x8800  }
0x146: {  	[tilespmem:s8], [sflag:$0x1] =	stream.indirect.gather @!p1 [hbm4b:s4+s7], $0x10, s11, s7, $0xb8;
	[tilespmem:$0xF800] =	vst v63  }
0x147: {  	_ =	swait.ge [sflag:s5], $0x800  }
0x148: {  	[sflag:s5] =	ssyncset.done $0x0  }
0x149: {  	[sflag:s5] =	ssyncadd.s32 $0xFFFFF800  }
0x14a: {  	_ =	swait.ge [sflag:s5], $0x800  }
0x14b: {  	[sflag:s5] =	ssyncset.done $0x0  }
0x14c: {  	[sflag:s5] =	ssyncadd.s32 $0xFFFFF800  }
0x14d: {  	_ =	swait.ge [sflag:s5], $0x800  }
0x14e: {  	[sflag:s5] =	ssyncset.done $0x0  }
0x14f: {  	[sflag:s5] =	ssyncadd.s32 $0xFFFFF800  }
0x150: {  	_ =	swait.ge [sflag:s5], $0x800  }
0x151: {  	[sflag:s5] =	ssyncset.done $0x0  }
0x152: {  	[sflag:s5] =	ssyncadd.s32 $0xFFFFF800  }
0x153: {  	_ =	swait.ge [sflag:s5], $0x800  }
0x154: {  	[sflag:s5] =	ssyncset.done $0x0  }
0x155: {  	[sflag:s5] =	ssyncadd.s32 $0xFFFFF800  }
0x156: {  	_ =	swait.ge [sflag:s5], $0x800  }
0x157: {  	[sflag:s5] =	ssyncset.done $0x0  }
0x158: {  	[sflag:s5] =	ssyncadd.s32 $0xFFFFF800  }
0x159: {  	_ =	swait.ge [sflag:s5], $0x800  }
0x15a: {  	[sflag:s5] =	ssyncset.done $0x0  }
0x15b: {  	[sflag:s5] =	ssyncadd.s32 $0xFFFFF800  }
0x15c: {  	_ =	swait.ge [sflag:s5], $0x800  }
0x15d: {  	[sflag:s5] =	ssyncset.done $0x0  }
0x15e: {  	s7 =	sadd.s32 $0x2C00, s10;
	[sflag:s5] =	ssyncadd.s32 $0xFFFFF800  }
0x15f: {  	[spmem:s2] =	stream.indirect.scatter.add.f32 [tilespmem:s15], [sflag:$0x4], $0x10, s7, s17, $0xb8;
	[tilespmem:$0xF800] =	vst v63  }
0x160: {  	s7 =	sadd.s32 $0x2C80, s10  }
0x161: {  	[spmem:s2] =	stream.indirect.scatter.add.f32 [tilespmem:s19], [sflag:$0x4], $0x10, s7, s17, $0xb8;
	[tilespmem:$0xF800] =	vst v63  }
0x162: {  	s7 =	sadd.s32 $0x2D00, s10  }
0x163: {  	[spmem:s2] =	stream.indirect.scatter.add.f32 [tilespmem:s21], [sflag:$0x4], $0x10, s7, s17, $0xb8;
	[tilespmem:$0xF800] =	vst v63  }
0x164: {  	s7 =	sadd.s32 $0x2D80, s10  }
0x165: {  	[spmem:s2] =	stream.indirect.scatter.add.f32 [tilespmem:s23], [sflag:$0x4], $0x10, s7, s17, $0xb8;
	[tilespmem:$0xF800] =	vst v63  }
0x166: {  	s7 =	sadd.s32 $0x2E00, s10  }
0x167: {  	[spmem:s2] =	stream.indirect.scatter.add.f32 [tilespmem:s25], [sflag:$0x4], $0x10, s7, s17, $0xb8;
	[tilespmem:$0xF800] =	vst v63  }
0x168: {  	s7 =	sadd.s32 $0x2E80, s10  }
0x169: {  	[spmem:s2] =	stream.indirect.scatter.add.f32 [tilespmem:s28], [sflag:$0x4], $0x10, s7, s17, $0xb8;
	[tilespmem:$0xF800] =	vst v63  }
0x16a: {  	s7 =	sadd.s32 $0x2F00, s10  }
0x16b: {  	[spmem:s2] =	stream.indirect.scatter.add.f32 [tilespmem:s30], [sflag:$0x4], $0x10, s7, s17, $0xb8;
	[tilespmem:$0xF800] =	vst v63  }
0x16c: {  	s7 =	sadd.s32 $0x2F80, s10  }
0x16d: {  	[spmem:s2] =	stream.indirect.scatter.add.f32 [tilespmem:s0], [sflag:$0x4], $0x10, s7, s17, $0xb8;
	[tilespmem:$0xF800] =	vst v63  }
0x16e: {  	_ =	swait.ge [sflag:s6], $0x800  }
0x16f: {  	[sflag:s6] =	ssyncset.done $0x0  }
0x170: {  	[sflag:s6] =	ssyncadd.s32 $0xFFFFF800  }
0x171: {  	_ =	swait.ge [sflag:s6], $0x800  }
0x172: {  	[sflag:s6] =	ssyncset.done $0x0  }
0x173: {  	[sflag:s6] =	ssyncadd.s32 $0xFFFFF800  }
0x174: {  	_ =	swait.ge [sflag:s6], $0x800  }
0x175: {  	[sflag:s6] =	ssyncset.done $0x0  }
0x176: {  	[sflag:s6] =	ssyncadd.s32 $0xFFFFF800  }
0x177: {  	_ =	swait.ge [sflag:s6], $0x800  }
0x178: {  	[sflag:s6] =	ssyncset.done $0x0  }
0x179: {  	[sflag:s6] =	ssyncadd.s32 $0xFFFFF800  }
0x17a: {  	_ =	swait.ge [sflag:s6], $0x800  }
0x17b: {  	[sflag:s6] =	ssyncset.done $0x0  }
0x17c: {  	[sflag:s6] =	ssyncadd.s32 $0xFFFFF800  }
0x17d: {  	_ =	swait.ge [sflag:s6], $0x800  }
0x17e: {  	[sflag:s6] =	ssyncset.done $0x0  }
0x17f: {  	[sflag:s6] =	ssyncadd.s32 $0xFFFFF800  }
.Ltmp1:
0x180: {  	_ =	swait.ge [sflag:s6], $0x800;
	(pc) =	sbr.rel @p0 .LBB2_4-.Ltmp1, $4  }
0x181: {  	[sflag:s6] =	ssyncset.done $0x0  }
0x182: {  	[sflag:s6] =	ssyncadd.s32 $0xFFFFF800  }
0x183: {  	_ =	swait.ge [sflag:s6], $0x800  }
0x184: {  	[sflag:s6] =	ssyncset.done $0x0  }
0x185: {  	[sflag:s6] =	ssyncadd.s32 $0xFFFFF800  }
0x186: {  	s7 =	stileid.u32;
	[bflag:$0x0] =	sbarrier.arrive $0xFFFF  }
0x187: {  	s12 =	simm.s32 $0x5;
	s7 =	sshll.u32 s7, $0x6;
	s11 =	rddreg [dreg:$0x5]  }
0x188: {  	s7 =	sor.u32 $0x1C05, s7;
	s9 =	rddreg [dreg:$0xa];
	s8 =	sshrl.u32 s11, $0x3  }
0x189: {  	[hbm:s9], [sflag:s7] =	dma.local [spmem:s8], $0x500  }
0x18a: {  	_ =	swait.ge [sflag:s12], $0x500  }
0x18b: {  	s14 =	rddreg [dreg:$0xc]  }
0x18c: {  	s18 =	rddreg [dreg:$0xb];
	s8 =	sadd.s32 $0x1, s14  }
0x18d: {  	p0 =	sne.s32 s8, s18  }
.Ltmp2:
0x18e: {  	_ = 	snop;
	(pc) =	sbr.rel @p0 .LBB2_1-.Ltmp2, $3  }
0x18f: {  	_ =	sdelay $0x1  }
0x190: {  	[sflag:s12] =	ssyncset.done $0x0  }
0x191: {  	[sflag:s12] =	ssyncadd.s32 $0xFFFFFB00  }
0x192: {  	_ =	sfence.sel $0x180000  }
0x193: {  	[bflag:$0x0] =	sbarrier.arrive $0xFFFF  }
0x194: {  	_ =	strace $0x9000004D  }
0x195: {  	s0 =	stileid.u32;
	[bflag:$0x2] =	sbarrier.arrive $0xFFFF  }
0x196: {  	p0 =	sne.s32 s0, $0x0;
	s0 =	rddreg [dreg:$0x2]  }
0x197: {  	s0 =	sadd.s32 @!p0 $0x100000, s0  }
0x198: {  	[sflag:s0] =	ssyncadd.tile.s32 @!p0 $0x1;
	_ =	shalt  }
.Lfunc_end2:
_tile_overlayer_lowered:
.L_overlay_start_2:
0x199: {  	(tag) =	ssettag $0x2  }
0x19a: {  	s0 =	rddreg [dreg:$0x0];
	s2 =	stileid.u32  }
0x19b: {  	s1 =	rddreg [dreg:$0x1];
	p0 =	sne.s32 s2, $0x0  }
0x19c: {  	s3 =	rddreg [dreg:$0x2];
	[bflag:$0x3] =	sbarrier.arrive $0xFFFF;
	s2 =	simm.s32 @!p0 $0x1C05  }
0x19d: {  	[timem:s3], [sflag:s2] =	dma.local @!p0 [hbm:s0], s1  }
0x19e: {  	s0 =	simm.s32 @!p0 $0x5  }
0x19f: {  	_ =	swait.ge @!p0 [sflag:s0], s1  }
0x1a0: {  	s1 =	ssub.s32 @!p0 $0x0, s1;
	[sflag:s0] =	ssyncset.done @!p0 $0x0  }
0x1a1: {  	[sflag:s0] =	ssyncadd.s32 @!p0 s1  }
0x1a2: {  	[bflag:$0x3] =	sbarrier.arrive $0xFFFF  }
0x1a3: {  	_ =	shalt  }

// kernel: kernel.9.cloned.1.call-start
scs
__scs_entry_jumppad:
0x0: {  	(pc) =	sbr.rel $0x88, $3  }
0x1: {  	(tag) =	ssettag $0x0;
	lr =	simm.s32 $0x1  }
0x2: {  	[smem:$0x3F9B] =	sst lr;
	_ =	strace $0xD0000000  }
0x3: {  	_ = 	snop  }
0x4: {  	_ = 	snop  }
0x5: {  	_ = 	snop  }
0x6: {  	_ = 	snop  }
0x7: {  	_ = 	snop  }
__scs_overlays_trampoline_lowered:
0x8: {  	[smem:$0x3FAA] =	sst s0  }
0x9: {  	[smem:$0x3FAB] =	sst s1  }
0xa: {  	[smem:$0x3FAC] =	sst s2  }
0xb: {  	[smem:$0x3FAD] =	sst s3  }
0xc: {  	[smem:$0x3FAE] =	sst s4  }
0xd: {  	[smem:$0x3FAF] =	sst s5  }
0xe: {  	[smem:$0x3FB0] =	sst s6  }
0xf: {  	[smem:$0x3FB1] =	sst s7  }
0x10: {  	[smem:$0x3FB2] =	sst s8  }
0x11: {  	[smem:$0x3FB3] =	sst s9;
	s0 =	simm.s32 @!p0 $0x0  }
0x12: {  	s1 =	sld [smem:$0x3F99];
	s0 =	simm.s32 @p0 $0x1  }
0x13: {  	[smem:$0x3FB4] =	sst s0;
	s0 =	simm.s32 @!p1 $0x0  }
0x14: {  	s2 =	sld [smem:$0x3F98];
	s0 =	simm.s32 @p1 $0x1  }
0x15: {  	[smem:$0x3FB5] =	sst s0;
	s0 =	simm.s32 @!p2 $0x0  }
0x16: {  	s3 =	sld [smem:$0x3FDB];
	s0 =	simm.s32 @p2 $0x1  }
0x17: {  	s4 =	simm.s32 $0x1BF5;
	[smem:$0x3FB7] =	sst s0  }
0x18: {  	s0 =	sld [smem:$0x3F9A];
	_ =	swait.ge [sflag:s4], $0x0  }
0x19: {  	s7 =	sld [smem:$0x3F9B]  }
0x1a: {  	s8 =	sadd.s32 $0xFFFFE003, lr  }
0x1b: {  	s9 =	sadd.s32 $0xFFFFFEF7, lr;
	s5 =	simm.s32 $0xFFFFFFFF;
	p2 =	slt.u32 s8, $0xFFFFF086  }
0x1c: {  	p1 =	slt.u32 s9, $0xF7A;
	s5 =	simm.s32 @!p2 $0x0  }
0x1d: {  	s5 =	simm.s32 @p1 $0x1;
	p0 =	seq.s32 s7, s2  }
0x1e: {  	s7 =	smul.u32 @!p0 $0xF7A, s2;
	p2 =	seq.s32 @!p0 s5, $0x0  }
0x1f: {  	s9 =	smul.u32 $0xF7A, s1;
	s8 =	simm.s32 @!p0 $0x1BF5;
	p2 =	por !p2, p0  }
0x20: {  	[sflag:s8] =	ssyncset.s32 @!p0 $0xFFFFF086;
	s6 =	sadd.s32 @!p0 s3, s7;
	s7 =	simm.s32 @!p0 $0x108  }
0x21: {  	s3 =	sadd.s32 s3, s9;
	s6 =	sadd.s32 @!p0 $0x88, s6;
	s7 =	simm.s32 @p2 $0x1082  }
0x22: {  	[simem:s7], [sflag:s8] =	dma.local @!p0 [hbm:s6], $0xF7A  }
0x23: {  	s9 =	sor.u32 $0xD0000000, s2;
	s6 =	simm.s32 $0x108;
	_ =	swait.ge @!p0 [sflag:s8], $0x0  }
0x24: {  	s3 =	sadd.s32 $0x88, s3;
	s6 =	simm.s32 @!p1 $0x1082;
	[sflag:s4] =	ssyncset.s32 $0xFFFFF086  }
0x25: {  	[simem:s6], [sflag:s4] =	dma.local [hbm:s3], $0xF7A  }
0x26: {  	[smem:$0x3F9B] =	sst s1;
	(tag) =	ssettag s2;
	_ =	strace s9  }
0x27: {  	s1 =	sld [smem:$0x3FAB]  }
0x28: {  	s2 =	sld [smem:$0x3FAC]  }
0x29: {  	s4 =	sld [smem:$0x3FAE]  }
0x2a: {  	p0 =	seq.s32 s5, $0x0;
	s5 =	sld [smem:$0x3FAF]  }
0x2b: {  	s6 =	sld [smem:$0x3FB0]  }
0x2c: {  	s7 =	sld [smem:$0x3FB1]  }
0x2d: {  	s3 =	simm.s32 $0x108;
	s8 =	sld [smem:$0x3FB2]  }
0x2e: {  	s3 =	simm.s32 @!p0 $0x1082;
	s9 =	sld [smem:$0x3FB3]  }
0x2f: {  	lr =	sadd.s32 s0, s3;
	s0 =	sld [smem:$0x3FAA]  }
0x30: {  	s3 =	sld [smem:$0x3FAD]  }
0x31: {  	[smem:$0x3FB6] =	sst s10  }
0x32: {  	s10 =	sld [smem:$0x3FB4];
	_ =	sdelay $0x3  }
0x33: {  	p0 =	seq.s32 s10, $0x1;
	s10 =	sld [smem:$0x3FB6];
	_ =	sdelay $0x3  }
0x34: {  	[smem:$0x3FB6] =	sst s10  }
0x35: {  	s10 =	sld [smem:$0x3FB5];
	_ =	sdelay $0x3  }
0x36: {  	p1 =	seq.s32 s10, $0x1;
	s10 =	sld [smem:$0x3FB6];
	_ =	sdelay $0x3  }
0x37: {  	[smem:$0x3FB6] =	sst s10  }
0x38: {  	s10 =	sld [smem:$0x3FB7]  }
0x39: {  	_ = 	snop;
	(pc) =	sbr.ind lr, $3  }
0x3a: {  	_ = 	snop  }
0x3b: {  	_ = 	snop  }
0x3c: {  	p2 =	seq.s32 s10, $0x1;
	s10 =	sld [smem:$0x3FB6]  }
0x3d: {  	_ =	shalt  }
0x3e: {  	_ =	shalt  }
0x3f: {  	_ =	shalt  }
0x40: {  	_ =	shalt  }
0x41: {  	_ =	shalt  }
0x42: {  	_ =	shalt  }
0x43: {  	_ =	shalt  }
0x44: {  	_ =	shalt  }
0x45: {  	_ =	shalt  }
0x46: {  	_ =	shalt  }
0x47: {  	_ =	shalt  }
0x48: {  	_ =	shalt  }
0x49: {  	_ =	shalt  }
0x4a: {  	_ =	shalt  }
0x4b: {  	_ =	shalt  }
0x4c: {  	_ =	shalt  }
0x4d: {  	_ =	shalt  }
0x4e: {  	_ =	shalt  }
0x4f: {  	_ =	shalt  }
0x50: {  	_ =	shalt  }
0x51: {  	_ =	shalt  }
0x52: {  	_ =	shalt  }
0x53: {  	_ =	shalt  }
0x54: {  	_ =	shalt  }
0x55: {  	_ =	shalt  }
0x56: {  	_ =	shalt  }
0x57: {  	_ =	shalt  }
0x58: {  	_ =	shalt  }
0x59: {  	_ =	shalt  }
0x5a: {  	_ =	shalt  }
0x5b: {  	_ =	shalt  }
0x5c: {  	_ =	shalt  }
0x5d: {  	_ =	shalt  }
0x5e: {  	_ =	shalt  }
0x5f: {  	_ =	shalt  }
0x60: {  	_ =	shalt  }
0x61: {  	_ =	shalt  }
0x62: {  	_ =	shalt  }
0x63: {  	_ =	shalt  }
0x64: {  	_ =	shalt  }
0x65: {  	_ =	shalt  }
0x66: {  	_ =	shalt  }
0x67: {  	_ =	shalt  }
0x68: {  	_ =	shalt  }
0x69: {  	_ =	shalt  }
0x6a: {  	_ =	shalt  }
0x6b: {  	_ =	shalt  }
0x6c: {  	_ =	shalt  }
0x6d: {  	_ =	shalt  }
0x6e: {  	_ =	shalt  }
0x6f: {  	_ =	shalt  }
0x70: {  	_ =	shalt  }
0x71: {  	_ =	shalt  }
0x72: {  	_ =	shalt  }
0x73: {  	_ =	shalt  }
0x74: {  	_ =	shalt  }
0x75: {  	_ =	shalt  }
0x76: {  	_ =	shalt  }
0x77: {  	_ =	shalt  }
0x78: {  	_ =	shalt  }
0x79: {  	_ =	shalt  }
0x7a: {  	_ =	shalt  }
0x7b: {  	_ =	shalt  }
0x7c: {  	_ =	shalt  }
0x7d: {  	_ =	shalt  }
0x7e: {  	_ =	shalt  }
0x7f: {  	_ =	shalt  }
0x80: {  	_ =	shalt  }
0x81: {  	_ =	shalt  }
0x82: {  	_ =	shalt  }
0x83: {  	_ =	shalt  }
0x84: {  	_ =	shalt  }
0x85: {  	_ =	shalt  }
0x86: {  	_ =	shalt  }
0x87: {  	_ =	shalt  }
.Lfunc_end0:
.L_simem_size_0:
called_computation_lowered:
.L_overlay_start_0:
0x88: {  	s2 =	sld [smem:$0x3FD9]  }
0x89: {  	s3 =	sld [smem:$0x3FFE];
	_ =	sdelay $0x1  }
0x8a: {  	s1 =	srdreg.scid  }
0x8b: {  	s0 =	sand.u32 $0x1, s1  }
0x8c: {  	s16 =	sshll.u32 s0, $0xA;
	s2 =	sadd.s32 s3, s2  }
0x8d: {  	s2 =	sadd.s32 s2, s16  }
0x8e: {  	[smem:$0x3FC2] =	sst s2  }
0x8f: {  	_ = 	snop  }
0x90: {  	(tm) =	ssettm $0x1  }
0x91: {  	s17 =	sld [smem:$0x3FFB];
	_ =	sdelay $0x3  }
0x92: {  	_ =	strace s17  }
0x93: {  	s2 =	sld [smem:$0x3FFC];
	_ =	sdelay $0x3  }
0x94: {  	_ =	strace s2  }
0x95: {  	s2 =	sld [smem:$0x3FFD];
	_ =	sdelay $0x3  }
0x96: {  	_ =	strace s2  }
0x97: {  	_ =	strace $0x8FFFFFFF  }
0x98: {  	s18 =	sld [smem:$0x3FDB];
	_ =	sdelay $0x1  }
0x99: {  	s19 =	simm.s32 $_scs_section_size  }
0x9a: {  	s4 =	simm.s32 $_size__tile_overlayer_lowered;
	s5 =	simm.s32 $_tile_overlayer_lowered  }
0x9b: {  	s22 =	simm.s32 $0x1BFF;
	s21 =	sshll.u32 s5, $0x1;
	s2 =	sadd.s32 s19, s18  }
0x9c: {  	s6 =	simm.s32 $0x0;
	s20 =	sshll.u32 s4, $0x1;
	s4 =	sadd.s32 s21, s2  }
0x9d: {  	[timem:s6], [sflag:s22] =	dma.local [hbm:s4], s20  }
0x9e: {  	_ =	swait.ge [sflag:s22], s20  }
0x9f: {  	s3 =	ssub.s32 $0x0, s20;
	[sflag:s22] =	ssyncset.done $0x0  }
0xa0: {  	[sflag:s22] =	ssyncadd.s32 s3;
	_ =	sdelay $0x1  }
0xa1: {  	s23 =	simm.s32 $0x1B8B  }
0xa2: {  	_ =	swait.ge [sflag:s23], $0x1  }
0xa3: {  	[sflag:s23] =	ssyncset.done $0x0  }
0xa4: {  	s25 =	simm.s32 $0x1B8E;
	s24 =	sld [smem:$0x3FFE];
	[sflag:s23] =	ssyncadd.s32 $0xFFFFFFFF  }
0xa5: {  	s26 =	simm.s32 $execute0_lowered;
	[smem:$0x3FD2] =	sst s25  }
0xa6: {  	s4 =	sshll.u32 s26, $0x1;
	_ =	strace $0x80000046;
	[dreg:$0x1] =	wrdreg $0xFFFFFFFF  }
0xa7: {  	s28 =	simm.s32 $_size_execute0_lowered;
	s2 =	sadd.s32 s2, s4;
	[dreg:$0x0] =	wrdreg $0x0  }
0xa8: {  	s4 =	sshll.u32 s28, $0x1;
	[dreg:$0x2] =	wrdreg s2  }
0xa9: {  	[dreg:$0x3] =	wrdreg s4  }
0xaa: {  	[dreg:$0x4] =	wrdreg $0xC0  }
0xab: {  	_ =	task [dreg:s6], $0x5FFFF  }
0xac: {  	[dreg:$0x1] =	wrdreg $0xFFFFFFFF  }
0xad: {  	[dreg:$0x0] =	wrdreg $0x60  }
0xae: {  	[dreg:$0x2] =	wrdreg s24  }
0xaf: {  	[dreg:$0x3] =	wrdreg $0x30000  }
0xb0: {  	[dreg:$0x4] =	wrdreg $0x9  }
0xb1: {  	_ =	task.clear_ibuf [dreg:s6], $0x5FFFF;
	_ =	strace $0x90000046  }
0xb2: {  	s29 =	simm.s32 $0x9;
	_ =	strace $0x80000048  }
0xb3: {  	_ =	swait.ge [sflag:s29], $0x1  }
0xb4: {  	[sflag:s29] =	ssyncadd.s32 $0xFFFFFFFF  }
0xb5: {  	_ =	strace $0x90000048  }
0xb6: {  	_ =	sfence  }
0xb7: {  	s30 =	sld [smem:$0x0];
	_ =	sdelay $0x2  }
0xb8: {  	s31 =	sshll.u32 s1, $0xD;
	s1 =	sshrl.u32 s1, $0x2  }
0xb9: {  	s3 =	sand.u32 $0x4000, s31;
	s1 =	sadd.s32 s1, s30  }
0xba: {  	s0 =	sor.u32 s3, s0;
	s1 =	sshll.u32 s1, $0x11  }
0xbb: {  	s0 =	sor.u32 s1, s0  }
0xbc: {  	s0 =	sadd.s32 $0x8F2B, s0  }
0xbd: {  	[sflag:s0] =	ssyncadd.remote.s32 $0x1  }
0xbe: {  	_ =	sfence.sel $0xFFFF  }
0xbf: {  	[dreg:$0x0] =	wrdreg $0xFFFFFFFF;
	(pc) =	sbr.abs _section_cstart, $3  }
0xc0: {  	[dreg:$0x1] =	wrdreg $0xFFFFFFFF  }
0xc1: {  	_ =	task.clear_ibuf [dreg:s6], $0x2FFFF;
	_ =	strace $0x9FFFFFFF  }
0xc2: {  	(tm) =	ssettm $0x7FFFFFFF  }
0xc3: {  	_ =	shalt  }
tec
execute0_lowered:
.L_overlay_start_1:
0x0: {  	(tag) =	ssettag $0x1  }
0x1: {  	s4 =	rddreg [dreg:$0x0]  }
0x2: {  	s2 =	rddreg [dreg:$0x1]  }
0x3: {  	s0 =	rddreg [dreg:$0x2];
	s3 =	srdreg.scid  }
0x4: {  	s1 =	stileid.u32;
	s12 =	simm.s32 $0x2;
	s13 =	simm.s32 $0x2800  }
0x5: {  	s14 =	simm.s32 $0x80;
	s15 =	simm.s32 $0x1;
	s18 =	simm.s32 $0x0  }
0x6: {  	s5 =	sand.u32 $0x1, s3;
	s6 =	sshll.u32 s1, $0x1;
	s7 =	smul.u32 $0x2800, s1  }
0x7: {  	s3 =	simm.s32 $0x0;
	s9 =	smul.u32 $0xA000, s1;
	s16 =	sshll.u32 s1, $0x6  }
0x8: {  	s6 =	sor.u32 s5, s6;
	s8 =	smul.u32 $0x28000, s5;
	[smem:$0x7FF] =	sst s3  }
0x9: {  	s5 =	ssub.s32 $0x2, s5;
	s16 =	sor.u32 $0x1C02, s16;
	s6 =	smul.u32 $0x500, s6  }
0xa: {  	_ =	strace $0x80000047;
	s30 =	sshrl.u32 s5, $0x1;
	s31 =	sshrl.u32 s9, $0x2  }
0xb: {  	s8 =	sadd.s32 s7, s8;
	s11 =	ssub.s32 s5, s30;
	s9 =	sadd.s32 s31, s2  }
0xc: {  	s5 =	sadd.s32 s7, s2;
	s6 =	sadd.s32 s6, s4;
	s8 =	sshrl.u32 s8, $0x3  }
0xd: {  	s7 =	sadd.s32 $0x1000, s9;
	s11 =	smax.u32 s11, $0x1;
	s17 =	sshrl.u32 s5, $0x3  }
0xe: {  	s10 =	sadd.s32 s8, s4;
	s4 =	sadd.s32 $0x1E00, s6;
	s6 =	sadd.s32 $0x800, s9  }
0xf: {  	v0 =	vimm.f32 $0.0e+00;
	v1 =	vimm.f32 $1.000000000e+00;
	s8 =	sadd.s32 $0x1800, s9;
	s9 =	sadd.s32 $0x2000, s9;
	s10 =	sadd.s32 $0x15E00, s10  }
.LBB2_1:
0x10: {  	[tilespmem:s3], [sflag:$0x2] =	stream.linear.gather [hbm4b:s4+s3], $0x2800, $0x38;
	[tilespmem:$0x5800] =	vst v63  }
0x11: {  	_ =	swait.ge [sflag:s12], $0x2800  }
0x12: {  	[sflag:s12] =	ssyncset.done $0x0  }
0x13: {  	s19 =	simm.s32 $0x40;
	s20 =	simm.s32 $0x0;
	[sflag:s12] =	ssyncadd.s32 $0xFFFFD800  }
.LBB2_2:
0x14: {  	p0 =	sne.s32 s19, $0x1FC0;
	[tilespmem:s20+$0x2800] =	vst v0;
	s20 =	smov.u32 s19;
	s19 =	sadd.s32 $0x40, s19  }
.Ltmp0:
0x15: {  	(pc) =	sbr.rel @p0 .LBB2_2-.Ltmp0, $2  }
0x16: {  	_ =	sdelay $0x2  }
0x17: {  	s20 =	sshra.s32 s20, $0x2  }
0x18: {  	[tilespmem:s20+$0x2800] =	vst v0  }
0x19: {  	[spmem:s5] =	stream.linear.scatter [tilespmem:s13], [sflag:$0x2], $0x800, $0x38;
	[tilespmem:$0x5800] =	vst v63  }
0x1a: {  	_ =	swait.ge [sflag:s12], $0x800  }
0x1b: {  	[sflag:s12] =	ssyncset.done $0x0  }
0x1c: {  	[sflag:s12] =	ssyncadd.s32 $0xFFFFF800  }
0x1d: {  	[spmem:s6] =	stream.linear.scatter [tilespmem:s13], [sflag:$0x2], $0x800, $0x38;
	[tilespmem:$0x5800] =	vst v63  }
0x1e: {  	_ =	swait.ge [sflag:s12], $0x800  }
0x1f: {  	[sflag:s12] =	ssyncset.done $0x0  }
0x20: {  	[sflag:s12] =	ssyncadd.s32 $0xFFFFF800  }
0x21: {  	[spmem:s7] =	stream.linear.scatter [tilespmem:s13], [sflag:$0x2], $0x800, $0x38;
	[tilespmem:$0x5800] =	vst v63  }
0x22: {  	_ =	swait.ge [sflag:s12], $0x800  }
0x23: {  	[sflag:s12] =	ssyncset.done $0x0  }
0x24: {  	[sflag:s12] =	ssyncadd.s32 $0xFFFFF800  }
0x25: {  	[spmem:s8] =	stream.linear.scatter [tilespmem:s13], [sflag:$0x2], $0x800, $0x38;
	[tilespmem:$0x5800] =	vst v63  }
0x26: {  	_ =	swait.ge [sflag:s12], $0x800  }
0x27: {  	[sflag:s12] =	ssyncset.done $0x0  }
0x28: {  	[sflag:s12] =	ssyncadd.s32 $0xFFFFF800  }
0x29: {  	[spmem:s9] =	stream.linear.scatter [tilespmem:s13], [sflag:$0x2], $0x800, $0x38;
	[tilespmem:$0x5800] =	vst v63  }
0x2a: {  	_ =	swait.ge [sflag:s12], $0x800  }
0x2b: {  	[sflag:s12] =	ssyncset.done $0x0  }
0x2c: {  	s19 =	simm.s32 $0x40;
	s20 =	simm.s32 $0x0;
	[sflag:s12] =	ssyncadd.s32 $0xFFFFF800  }
.LBB2_4:
0x2d: {  	p0 =	sne.s32 s19, $0x1FC0;
	[tilespmem:s20+$0x2800] =	vst v1;
	s20 =	smov.u32 s19;
	s19 =	sadd.s32 $0x40, s19  }
.Ltmp1:
0x2e: {  	(pc) =	sbr.rel @p0 .LBB2_4-.Ltmp1, $2  }
0x2f: {  	_ =	sdelay $0x2  }
0x30: {  	s20 =	sshra.s32 s20, $0x2  }
0x31: {  	[tilespmem:s20+$0x2800] =	vst v1  }
0x32: {  	s19 =	simm.s32 $0x0;
	[bflag:$0x0] =	sbarrier.arrive $0xFFFF  }
.LBB2_6:
0x33: {  	p0 =	sne.s32 s19, $0x9E00  }
.Ltmp2:
0x34: {  	_ = 	snop;
	(pc) =	sbr.rel @p0 .LBB2_6-.Ltmp2, $3  }
0x35: {  	_ =	sdelay $0x1  }
0x36: {  	s20 =	sshra.s32 s19, $0x2;
	s19 =	sadd.s32 $0x200, s19  }
0x37: {  	[spmem:s2] =	stream.indirect.scatter.add.f32 [tilespmem:s13], [sflag:$0x1], $0x10, s20, s14, $0xb8;
	[tilespmem:$0x5800] =	vst v63  }
0x38: {  	_ =	swait.ge [sflag:s15], $0x800  }
0x39: {  	s19 =	simm.s32 $0x4F;
	[sflag:s15] =	ssyncset.done $0x0  }
.LBB2_8:
0x3a: {  	p0 =	sne.s32 s19, $0x1;
	s19 =	sadd.s32 $0xFFFFFFFF, s19;
	[sflag:s15] =	ssyncadd.s32 $0xFFFFF800  }
.Ltmp3:
0x3b: {  	(pc) =	sbr.rel @p0 .LBB2_8-.Ltmp3, $3  }
0x3c: {  	_ =	sdelay $0x1  }
0x3d: {  	_ =	swait.ge [sflag:s15], $0x800  }
0x3e: {  	[sflag:s15] =	ssyncset.done $0x0  }
0x3f: {  	s18 =	sadd.s32 $0x1, s18  }
0x40: {  	[sflag:s15] =	ssyncadd.s32 $0xFFFFF800;
	p0 =	sne.s32 s18, s11  }
.Ltmp4:
0x41: {  	[bflag:$0x0] =	sbarrier.arrive $0xFFFF;
	(pc) =	sbr.rel @p0 .LBB2_1-.Ltmp4, $4  }
0x42: {  	[hbm:s10], [sflag:s16] =	dma.local [spmem:s17], $0x500  }
0x43: {  	_ =	swait.ge [sflag:s12], $0x500  }
0x44: {  	[sflag:s12] =	ssyncset.done $0x0  }
0x45: {  	[sflag:s12] =	ssyncadd.s32 $0xFFFFFB00  }
0x46: {  	_ =	sfence.sel $0x180000  }
0x47: {  	[bflag:$0x0] =	sbarrier.arrive $0xFFFF  }
0x48: {  	p0 =	sne.s32 s1, $0x0;
	_ =	strace $0x90000047  }
0x49: {  	s0 =	sadd.s32 @!p0 $0x100000, s0;
	[bflag:$0x2] =	sbarrier.arrive $0xFFFF  }
0x4a: {  	[sflag:s0] =	ssyncadd.tile.s32 @!p0 $0x1;
	_ =	shalt  }
.Lfunc_end2:
_tile_overlayer_lowered:
.L_overlay_start_2:
0x4b: {  	(tag) =	ssettag $0x2  }
0x4c: {  	s0 =	rddreg [dreg:$0x0];
	s2 =	stileid.u32  }
0x4d: {  	s1 =	rddreg [dreg:$0x1];
	p0 =	sne.s32 s2, $0x0  }
0x4e: {  	s3 =	rddreg [dreg:$0x2];
	[bflag:$0x3] =	sbarrier.arrive $0xFFFF;
	s2 =	simm.s32 @!p0 $0x1C02  }
0x4f: {  	[timem:s3], [sflag:s2] =	dma.local @!p0 [hbm:s0], s1  }
0x50: {  	s0 =	simm.s32 @!p0 $0x2  }
0x51: {  	_ =	swait.ge @!p0 [sflag:s0], s1  }
0x52: {  	s1 =	ssub.s32 @!p0 $0x0, s1;
	[sflag:s0] =	ssyncset.done @!p0 $0x0  }
0x53: {  	[sflag:s0] =	ssyncadd.s32 @!p0 s1  }
0x54: {  	[bflag:$0x3] =	sbarrier.arrive $0xFFFF  }
0x55: {  	_ =	shalt  }

</sc_bundles>
